<compile_context>
chip_gen: v7x
topology: tpu7x:2x2x1
jax: 0.10.2.dev20260603
libtpu: 0.0.44.dev20260713+nightly
codegen_flags: <defaults>
</compile_context>

<pallas_src>
import functools

import jax
import jax.numpy as jnp
from jax import lax
from jax.experimental import pallas as pl
from jax.experimental.pallas import tpu as pltpu
from jax.experimental.pallas import tpu_sc as plsc

NC = 2
NS = 16
NW = NC * NS
LANES = 16
K = 128
RP = 624


def _spmm_sc(n, d, nblk):
    tail = n - NS * RP
    mesh = plsc.VectorSubcoreMesh(core_axis_name="c", subcore_axis_name="s")

    @functools.partial(
        pl.kernel,
        out_type=jax.ShapeDtypeStruct((NC, n, d), jnp.float32),
        mesh=mesh,
        scratch_types=[
            pltpu.VMEM_SHARED((n, d), jnp.float32),
            pltpu.VMEM((nblk, K), jnp.int32),
            pltpu.VMEM((nblk, K), jnp.int32),
            pltpu.VMEM((nblk, K), jnp.float32),
            pltpu.VMEM((K, d), jnp.float32),
        ],
    )
    def spmm(x_hbm, src_hbm, dst_hbm, w_hbm, out_hbm, acc, srcv, dstv, wv,
             rows):
        cid = lax.axis_index("c")
        sid = lax.axis_index("s")
        wid = cid * NS + sid

        pltpu.sync_copy(src_hbm.at[wid], srcv)
        pltpu.sync_copy(dst_hbm.at[wid], dstv)
        pltpu.sync_copy(w_hbm.at[wid], wv)

        @pl.loop(0, K)
        def _(r):
            for c in range(d // LANES):
                rows[r, pl.ds(c * LANES, LANES)] = jnp.zeros((LANES,), jnp.float32)

        @pl.loop(0, RP // K)
        def _(z):
            pltpu.sync_copy(rows, acc.at[pl.ds(sid * RP + z * K, K)])

        rem = RP - (RP // K) * K
        if rem:
            pltpu.sync_copy(rows.at[pl.ds(0, rem)],
                            acc.at[pl.ds(sid * RP + RP - rem, rem)])

        @pl.when(sid == 0)
        def _():
            pltpu.sync_copy(rows.at[pl.ds(0, tail)], acc.at[pl.ds(NS * RP, tail)])

        plsc.subcore_barrier()

        @pl.loop(0, nblk)
        def _(b):
            pltpu.sync_copy(x_hbm.at[srcv.at[b]], rows)

            @pl.loop(0, K, step=LANES)
            def _(i0):
                w16 = wv[b, pl.ds(i0, LANES)]
                for j in range(LANES):
                    wj = w16[j]
                    for c in range(d // LANES):
                        sl = (i0 + j, pl.ds(c * LANES, LANES))
                        rows[sl] = rows[sl] * wj

            pltpu.sync_copy(rows, acc.at[dstv.at[b]], add=True)

        plsc.subcore_barrier()
        pltpu.sync_copy(acc.at[pl.ds(sid * RP, RP)],
                        out_hbm.at[cid, pl.ds(sid * RP, RP)])

        @pl.when(sid == 0)
        def _():
            pltpu.sync_copy(acc.at[pl.ds(NS * RP, tail)],
                            out_hbm.at[cid, pl.ds(NS * RP, tail)])

    return spmm


def _gate_tc(x, W1, b1, W2, b2):
    n, d = x.shape
    h = W1.shape[1]
    bn = 1000

    def body(x_ref, w1_ref, b1_ref, w2_ref, b2_ref, o_ref):
        hid = jnp.maximum(
            jnp.dot(x_ref[...], w1_ref[...],
                    preferred_element_type=jnp.float32) + b1_ref[...], 0.0)
        a = jnp.dot(hid, w2_ref[...],
                    preferred_element_type=jnp.float32) + b2_ref[...]
        o_ref[...] = jax.nn.sigmoid(a)

    return pl.pallas_call(
        body,
        grid=(n // bn,),
        in_specs=[
            pl.BlockSpec((bn, d), lambda i: (i, 0)),
            pl.BlockSpec((d, h), lambda i: (0, 0)),
            pl.BlockSpec((1, h), lambda i: (0, 0)),
            pl.BlockSpec((h, 1), lambda i: (0, 0)),
            pl.BlockSpec((1, 1), lambda i: (0, 0)),
        ],
        out_specs=pl.BlockSpec((bn, 1), lambda i: (i, 0)),
        out_shape=jax.ShapeDtypeStruct((n, 1), jnp.float32),
    )(x, W1.reshape(d, h), b1.reshape(1, h), W2.reshape(h, 1),
      b2.reshape(1, 1))


def _merge_tc(p):
    _, n, d = p.shape
    bn = 1000

    def body(p_ref, o_ref):
        o_ref[...] = p_ref[0] + p_ref[1]

    return pl.pallas_call(
        body,
        grid=(n // bn,),
        in_specs=[pl.BlockSpec((2, bn, d), lambda i: (0, i, 0))],
        out_specs=pl.BlockSpec((bn, d), lambda i: (i, 0)),
        out_shape=jax.ShapeDtypeStruct((n, d), jnp.float32),
    )(p)


def _final_tc(q, x, alph):
    _, n, d = q.shape
    bn = 1000

    def body(q_ref, x_ref, a_ref, o_ref):
        ax = (q_ref[0] + q_ref[1]) * a_ref[...]
        o_ref[...] = jnp.clip(ax - x_ref[...], -10.0, 10.0)

    return pl.pallas_call(
        body,
        grid=(n // bn,),
        in_specs=[
            pl.BlockSpec((2, bn, d), lambda i: (0, i, 0)),
            pl.BlockSpec((bn, d), lambda i: (i, 0)),
            pl.BlockSpec((bn, 1), lambda i: (i, 0)),
        ],
        out_specs=pl.BlockSpec((bn, d), lambda i: (i, 0)),
        out_shape=jax.ShapeDtypeStruct((n, d), jnp.float32),
    )(q, x, alph)


def kernel(t, x, edge_index, edge_weight, W1, b1, W2, b2):
    n, d = x.shape
    e = edge_index.shape[1]
    nblk = -(-e // (NW * K))
    pad = NW * nblk * K - e

    zi = jnp.zeros((pad,), jnp.int32)
    src = jnp.concatenate([edge_index[0], zi]).reshape(NW, nblk, K)
    dst = jnp.concatenate([edge_index[1], zi]).reshape(NW, nblk, K)
    w = jnp.concatenate([edge_weight,
                         jnp.zeros((pad,), jnp.float32)]).reshape(NW, nblk, K)

    spmm = _spmm_sc(n, d, nblk)
    alph = _gate_tc(x, W1, b1, W2, b2)
    p = spmm(x, src, dst, w)
    ax = _merge_tc(p)
    q = spmm(ax, src, dst, w)
    return _final_tc(q, x, alph)

# --- scband reference (transcript-rebuilt; emitter-appended) ---
"""Pipeline reference for scband-odefunc-45423574122738 (READ-ONLY COPY).

The authoritative reference and input builder live on the scoring server;
editing this copy changes nothing except your own understanding.
"""

import jax, jax.numpy as jnp
import numpy as np

N = 10000
E = 320000
LATENT = 128
HIDDEN = 64  # max(latent_dim // 2, 1)


def _spmm(edge_index, edge_weight, x, n):
    # adj @ x where adj is sparse COO: adj[dst, src] = w  => out[dst] += w * x[src]
    src = edge_index[0]
    dst = edge_index[1]
    msgs = x[src] * edge_weight[:, None]
    return jax.ops.segment_sum(msgs, dst, num_segments=n)


def setup_inputs(seed: int = 0):
    key = jax.random.key(seed)
    ks = jax.random.split(key, 8)
    t = jnp.zeros((), dtype=jnp.float32)
    x = jax.random.normal(ks[0], (N, LATENT), dtype=jnp.float32)
    edge_index = jax.random.randint(ks[1], (2, E), 0, N, dtype=jnp.int32)
    # row-stochastic-ish weights for numerical stability (like a normalized adjacency)
    edge_weight = jax.random.uniform(ks[2], (E,), dtype=jnp.float32) / 32.0
    # nn.Linear params (stored as [in, out] for y = x @ W + b), xavier-ish init with gain 0.5
    W1 = jax.random.normal(ks[3], (LATENT, HIDDEN), dtype=jnp.float32) * (0.5 * np.sqrt(2.0 / (LATENT + HIDDEN)))
    b1 = jnp.full((HIDDEN,), 0.01, dtype=jnp.float32)
    W2 = jax.random.normal(ks[4], (HIDDEN, 1), dtype=jnp.float32) * (0.5 * np.sqrt(2.0 / (HIDDEN + 1)))
    b2 = jnp.full((1,), 0.01, dtype=jnp.float32)
    return {"t": t, "x": x, "edge_index": edge_index, "edge_weight": edge_weight,
            "W1": W1, "b1": b1, "W2": W2, "b2": b2}


def reference(t, x, edge_index, edge_weight, W1, b1, W2, b2):
    # numerical correction (no-op for finite inputs, kept for faithfulness)
    x = jnp.nan_to_num(x, nan=0.0, posinf=1000000.0, neginf=-1000000.0)
    # non-'Cell_Phones_and_Accessories' branch: two-layer gate
    hidden = jax.nn.relu(x @ W1 + b1)
    alph = jax.nn.sigmoid(hidden @ W2 + b2)  # [N, 1]
    ax = _spmm(edge_index, edge_weight, x, N)
    ax = alph * _spmm(edge_index, edge_weight, ax, N)
    f = ax - x
    f = jnp.clip(f, -10.0, 10.0)
    return f

if __name__ == "__main__":
    import jax
    _d = setup_inputs()
    print(jax.jit(kernel)(*tuple(_d.values())))

</pallas_src>

<mosaic_0001>
#map = affine_map<(d0, d1) -> (0, 0)>
#map1 = affine_map<(d0, d1) -> (0, 0, 0)>
module attributes {stable_mosaic.version = 14 : i64} {
  func.func @spmm(%arg0: i32, %arg1: i32, %arg2: memref<10000x128xf32, #tpu.memory_space<hbm>>, %arg3: memref<32x79x128xi32, #tpu.memory_space<hbm>>, %arg4: memref<32x79x128xi32, #tpu.memory_space<hbm>>, %arg5: memref<32x79x128xf32, #tpu.memory_space<hbm>>, %arg6: memref<2x10000x128xf32, #tpu.memory_space<hbm>>, %arg7: memref<10000x128xf32, #tpu.memory_space<vmem_shared>>, %arg8: memref<79x128xi32, #tpu.memory_space<vmem>>, %arg9: memref<79x128xi32, #tpu.memory_space<vmem>>, %arg10: memref<79x128xf32, #tpu.memory_space<vmem>>, %arg11: memref<128x128xf32, #tpu.memory_space<vmem>>) attributes {dimension_semantics = [#tpu.dimension_semantics<core_parallel>, #tpu.dimension_semantics<subcore_parallel>], iteration_bounds = array<i64: 2, 16>, scalar_prefetch = 0 : i64, scratch_operands = 5 : i64, tpu.core_type = #tpu.core_type<sc_vector_subcore>, window_params = [{transform_indices = #map}, {transform_indices = #map1}, {transform_indices = #map1}, {transform_indices = #map1}, {transform_indices = #map1}]} {
    %mul3A = arith.constant 16 : i32
    %mul3A_0 = arith.muli %arg0, %mul3A : i32
    %add3A = arith.addi %mul3A_0, %arg1 : i32
    "tpu.region"() ({
      %run_scoped3A = tpu.sem_alloc : memref<!tpu.dma_semaphore, #tpu.memory_space<semaphore_mem>>
      %dma_start3A = arith.constant 0 : i32
      %dma_start3A_32 = arith.constant 0 : i32
      %dma_start3A_33 = tpu.memref_slice %arg3[%add3A, %dma_start3A, %dma_start3A_32] : memref<32x79x128xi32, #tpu.memory_space<hbm>> -> memref<1x79x128xi32, #tpu.memory_space<hbm>>
      %dma_start3A_34 = tpu.memref_squeeze %dma_start3A_33 : memref<1x79x128xi32, #tpu.memory_space<hbm>> -> memref<79x128xi32, #tpu.memory_space<hbm>>
      %dma_start3A_35 = arith.constant 0 : i32
      %dma_start3A_36 = arith.constant 0 : i32
      %dma_start3A_37 = tpu.memref_slice %arg3[%add3A, %dma_start3A_35, %dma_start3A_36] : memref<32x79x128xi32, #tpu.memory_space<hbm>> -> memref<1x79x128xi32, #tpu.memory_space<hbm>>
      %dma_start3A_38 = tpu.memref_squeeze %dma_start3A_37 : memref<1x79x128xi32, #tpu.memory_space<hbm>> -> memref<79x128xi32, #tpu.memory_space<hbm>>
      tpu.enqueue_dma source(%dma_start3A_38 : memref<79x128xi32, #tpu.memory_space<hbm>>) target(%arg8 : memref<79x128xi32, #tpu.memory_space<vmem>>) target_semaphore(%run_scoped3A : memref<!tpu.dma_semaphore, #tpu.memory_space<semaphore_mem>>)
      %dma_wait3A = arith.constant 0 : i32
      %dma_wait3A_39 = arith.constant 0 : i32
      %dma_wait3A_40 = tpu.memref_slice %arg3[%add3A, %dma_wait3A, %dma_wait3A_39] : memref<32x79x128xi32, #tpu.memory_space<hbm>> -> memref<1x79x128xi32, #tpu.memory_space<hbm>>
      %dma_wait3A_41 = tpu.memref_squeeze %dma_wait3A_40 : memref<1x79x128xi32, #tpu.memory_space<hbm>> -> memref<79x128xi32, #tpu.memory_space<hbm>>
      %dma_wait3A_42 = arith.constant 0 : i32
      %dma_wait3A_43 = arith.constant 0 : i32
      %dma_wait3A_44 = tpu.memref_slice %arg3[%add3A, %dma_wait3A_42, %dma_wait3A_43] : memref<32x79x128xi32, #tpu.memory_space<hbm>> -> memref<1x79x128xi32, #tpu.memory_space<hbm>>
      %dma_wait3A_45 = tpu.memref_squeeze %dma_wait3A_44 : memref<1x79x128xi32, #tpu.memory_space<hbm>> -> memref<79x128xi32, #tpu.memory_space<hbm>>
      tpu.wait_dma2 semaphore(%run_scoped3A : memref<!tpu.dma_semaphore, #tpu.memory_space<semaphore_mem>>) src(%dma_wait3A_45 : memref<79x128xi32, #tpu.memory_space<hbm>>) dst(%arg8 : memref<79x128xi32, #tpu.memory_space<vmem>>)
      tpu.yield
    }) : () -> ()
    "tpu.region"() ({
      %run_scoped3A = tpu.sem_alloc : memref<!tpu.dma_semaphore, #tpu.memory_space<semaphore_mem>>
      %dma_start3A = arith.constant 0 : i32
      %dma_start3A_32 = arith.constant 0 : i32
      %dma_start3A_33 = tpu.memref_slice %arg4[%add3A, %dma_start3A, %dma_start3A_32] : memref<32x79x128xi32, #tpu.memory_space<hbm>> -> memref<1x79x128xi32, #tpu.memory_space<hbm>>
      %dma_start3A_34 = tpu.memref_squeeze %dma_start3A_33 : memref<1x79x128xi32, #tpu.memory_space<hbm>> -> memref<79x128xi32, #tpu.memory_space<hbm>>
      %dma_start3A_35 = arith.constant 0 : i32
      %dma_start3A_36 = arith.constant 0 : i32
      %dma_start3A_37 = tpu.memref_slice %arg4[%add3A, %dma_start3A_35, %dma_start3A_36] : memref<32x79x128xi32, #tpu.memory_space<hbm>> -> memref<1x79x128xi32, #tpu.memory_space<hbm>>
      %dma_start3A_38 = tpu.memref_squeeze %dma_start3A_37 : memref<1x79x128xi32, #tpu.memory_space<hbm>> -> memref<79x128xi32, #tpu.memory_space<hbm>>
      tpu.enqueue_dma source(%dma_start3A_38 : memref<79x128xi32, #tpu.memory_space<hbm>>) target(%arg9 : memref<79x128xi32, #tpu.memory_space<vmem>>) target_semaphore(%run_scoped3A : memref<!tpu.dma_semaphore, #tpu.memory_space<semaphore_mem>>)
      %dma_wait3A = arith.constant 0 : i32
      %dma_wait3A_39 = arith.constant 0 : i32
      %dma_wait3A_40 = tpu.memref_slice %arg4[%add3A, %dma_wait3A, %dma_wait3A_39] : memref<32x79x128xi32, #tpu.memory_space<hbm>> -> memref<1x79x128xi32, #tpu.memory_space<hbm>>
      %dma_wait3A_41 = tpu.memref_squeeze %dma_wait3A_40 : memref<1x79x128xi32, #tpu.memory_space<hbm>> -> memref<79x128xi32, #tpu.memory_space<hbm>>
      %dma_wait3A_42 = arith.constant 0 : i32
      %dma_wait3A_43 = arith.constant 0 : i32
      %dma_wait3A_44 = tpu.memref_slice %arg4[%add3A, %dma_wait3A_42, %dma_wait3A_43] : memref<32x79x128xi32, #tpu.memory_space<hbm>> -> memref<1x79x128xi32, #tpu.memory_space<hbm>>
      %dma_wait3A_45 = tpu.memref_squeeze %dma_wait3A_44 : memref<1x79x128xi32, #tpu.memory_space<hbm>> -> memref<79x128xi32, #tpu.memory_space<hbm>>
      tpu.wait_dma2 semaphore(%run_scoped3A : memref<!tpu.dma_semaphore, #tpu.memory_space<semaphore_mem>>) src(%dma_wait3A_45 : memref<79x128xi32, #tpu.memory_space<hbm>>) dst(%arg9 : memref<79x128xi32, #tpu.memory_space<vmem>>)
      tpu.yield
    }) : () -> ()
    "tpu.region"() ({
      %run_scoped3A = tpu.sem_alloc : memref<!tpu.dma_semaphore, #tpu.memory_space<semaphore_mem>>
      %dma_start3A = arith.constant 0 : i32
      %dma_start3A_32 = arith.constant 0 : i32
      %dma_start3A_33 = tpu.memref_slice %arg5[%add3A, %dma_start3A, %dma_start3A_32] : memref<32x79x128xf32, #tpu.memory_space<hbm>> -> memref<1x79x128xf32, #tpu.memory_space<hbm>>
      %dma_start3A_34 = tpu.memref_squeeze %dma_start3A_33 : memref<1x79x128xf32, #tpu.memory_space<hbm>> -> memref<79x128xf32, #tpu.memory_space<hbm>>
      %dma_start3A_35 = arith.constant 0 : i32
      %dma_start3A_36 = arith.constant 0 : i32
      %dma_start3A_37 = tpu.memref_slice %arg5[%add3A, %dma_start3A_35, %dma_start3A_36] : memref<32x79x128xf32, #tpu.memory_space<hbm>> -> memref<1x79x128xf32, #tpu.memory_space<hbm>>
      %dma_start3A_38 = tpu.memref_squeeze %dma_start3A_37 : memref<1x79x128xf32, #tpu.memory_space<hbm>> -> memref<79x128xf32, #tpu.memory_space<hbm>>
      tpu.enqueue_dma source(%dma_start3A_38 : memref<79x128xf32, #tpu.memory_space<hbm>>) target(%arg10 : memref<79x128xf32, #tpu.memory_space<vmem>>) target_semaphore(%run_scoped3A : memref<!tpu.dma_semaphore, #tpu.memory_space<semaphore_mem>>)
      %dma_wait3A = arith.constant 0 : i32
      %dma_wait3A_39 = arith.constant 0 : i32
      %dma_wait3A_40 = tpu.memref_slice %arg5[%add3A, %dma_wait3A, %dma_wait3A_39] : memref<32x79x128xf32, #tpu.memory_space<hbm>> -> memref<1x79x128xf32, #tpu.memory_space<hbm>>
      %dma_wait3A_41 = tpu.memref_squeeze %dma_wait3A_40 : memref<1x79x128xf32, #tpu.memory_space<hbm>> -> memref<79x128xf32, #tpu.memory_space<hbm>>
      %dma_wait3A_42 = arith.constant 0 : i32
      %dma_wait3A_43 = arith.constant 0 : i32
      %dma_wait3A_44 = tpu.memref_slice %arg5[%add3A, %dma_wait3A_42, %dma_wait3A_43] : memref<32x79x128xf32, #tpu.memory_space<hbm>> -> memref<1x79x128xf32, #tpu.memory_space<hbm>>
      %dma_wait3A_45 = tpu.memref_squeeze %dma_wait3A_44 : memref<1x79x128xf32, #tpu.memory_space<hbm>> -> memref<79x128xf32, #tpu.memory_space<hbm>>
      tpu.wait_dma2 semaphore(%run_scoped3A : memref<!tpu.dma_semaphore, #tpu.memory_space<semaphore_mem>>) src(%dma_wait3A_45 : memref<79x128xf32, #tpu.memory_space<hbm>>) dst(%arg10 : memref<79x128xf32, #tpu.memory_space<vmem>>)
      tpu.yield
    }) : () -> ()
    %scan3A = arith.constant 0 : i32
    %scan3A_1 = arith.constant 128 : i32
    %scan3A_2 = arith.addi %scan3A, %scan3A_1 : i32
    %scan3A_3 = arith.constant 1 : i32
    scf.for %scan3A_32 = %scan3A to %scan3A_2 step %scan3A_3  : i32 {
      %mul3A_33 = arith.constant 1 : i32
      %mul3A_34 = arith.muli %scan3A_32, %mul3A_33 : i32
      %add3A_35 = arith.constant 0 : i32
      %add3A_36 = arith.addi %add3A_35, %mul3A_34 : i32
      %broadcast_in_dim3A = arith.constant 0.000000e+00 : f32
      %broadcast_in_dim3A_37 = vector.broadcast %broadcast_in_dim3A : f32 to vector<16xf32>
      %swap3A = arith.index_cast %add3A_36 : i32 to index
      %swap3A_38 = arith.constant 0 : index
      %swap3A_39 = tpu.vector_load %arg11[%swap3A, %swap3A_38] {strides = array<i32>} : memref<128x128xf32, #tpu.memory_space<vmem>>, vector<1x16xf32>,
      %swap3A_40 = vector.shape_cast %swap3A_39 : vector<1x16xf32> to vector<16xf32>
      %swap3A_41 = vector.shape_cast %broadcast_in_dim3A_37 : vector<16xf32> to vector<1x16xf32>
      tpu.vector_store %arg11[%swap3A, %swap3A_38], %swap3A_41 {strides = array<i32>} : memref<128x128xf32, #tpu.memory_space<vmem>>, vector<1x16xf32>,
      %broadcast_in_dim3A_42 = arith.constant 0.000000e+00 : f32
      %broadcast_in_dim3A_43 = vector.broadcast %broadcast_in_dim3A_42 : f32 to vector<16xf32>
      %swap3A_44 = arith.index_cast %add3A_36 : i32 to index
      %swap3A_45 = arith.constant 16 : index
      %swap3A_46 = tpu.vector_load %arg11[%swap3A_44, %swap3A_45] {strides = array<i32>} : memref<128x128xf32, #tpu.memory_space<vmem>>, vector<1x16xf32>,
      %swap3A_47 = vector.shape_cast %swap3A_46 : vector<1x16xf32> to vector<16xf32>
      %swap3A_48 = vector.shape_cast %broadcast_in_dim3A_43 : vector<16xf32> to vector<1x16xf32>
      tpu.vector_store %arg11[%swap3A_44, %swap3A_45], %swap3A_48 {strides = array<i32>} : memref<128x128xf32, #tpu.memory_space<vmem>>, vector<1x16xf32>,
      %broadcast_in_dim3A_49 = arith.constant 0.000000e+00 : f32
      %broadcast_in_dim3A_50 = vector.broadcast %broadcast_in_dim3A_49 : f32 to vector<16xf32>
      %swap3A_51 = arith.index_cast %add3A_36 : i32 to index
      %swap3A_52 = arith.constant 32 : index
      %swap3A_53 = tpu.vector_load %arg11[%swap3A_51, %swap3A_52] {strides = array<i32>} : memref<128x128xf32, #tpu.memory_space<vmem>>, vector<1x16xf32>,
      %swap3A_54 = vector.shape_cast %swap3A_53 : vector<1x16xf32> to vector<16xf32>
      %swap3A_55 = vector.shape_cast %broadcast_in_dim3A_50 : vector<16xf32> to vector<1x16xf32>
      tpu.vector_store %arg11[%swap3A_51, %swap3A_52], %swap3A_55 {strides = array<i32>} : memref<128x128xf32, #tpu.memory_space<vmem>>, vector<1x16xf32>,
      %broadcast_in_dim3A_56 = arith.constant 0.000000e+00 : f32
      %broadcast_in_dim3A_57 = vector.broadcast %broadcast_in_dim3A_56 : f32 to vector<16xf32>
      %swap3A_58 = arith.index_cast %add3A_36 : i32 to index
      %swap3A_59 = arith.constant 48 : index
      %swap3A_60 = tpu.vector_load %arg11[%swap3A_58, %swap3A_59] {strides = array<i32>} : memref<128x128xf32, #tpu.memory_space<vmem>>, vector<1x16xf32>,
      %swap3A_61 = vector.shape_cast %swap3A_60 : vector<1x16xf32> to vector<16xf32>
      %swap3A_62 = vector.shape_cast %broadcast_in_dim3A_57 : vector<16xf32> to vector<1x16xf32>
      tpu.vector_store %arg11[%swap3A_58, %swap3A_59], %swap3A_62 {strides = array<i32>} : memref<128x128xf32, #tpu.memory_space<vmem>>, vector<1x16xf32>,
      %broadcast_in_dim3A_63 = arith.constant 0.000000e+00 : f32
      %broadcast_in_dim3A_64 = vector.broadcast %broadcast_in_dim3A_63 : f32 to vector<16xf32>
      %swap3A_65 = arith.index_cast %add3A_36 : i32 to index
      %swap3A_66 = arith.constant 64 : index
      %swap3A_67 = tpu.vector_load %arg11[%swap3A_65, %swap3A_66] {strides = array<i32>} : memref<128x128xf32, #tpu.memory_space<vmem>>, vector<1x16xf32>,
      %swap3A_68 = vector.shape_cast %swap3A_67 : vector<1x16xf32> to vector<16xf32>
      %swap3A_69 = vector.shape_cast %broadcast_in_dim3A_64 : vector<16xf32> to vector<1x16xf32>
      tpu.vector_store %arg11[%swap3A_65, %swap3A_66], %swap3A_69 {strides = array<i32>} : memref<128x128xf32, #tpu.memory_space<vmem>>, vector<1x16xf32>,
      %broadcast_in_dim3A_70 = arith.constant 0.000000e+00 : f32
      %broadcast_in_dim3A_71 = vector.broadcast %broadcast_in_dim3A_70 : f32 to vector<16xf32>
      %swap3A_72 = arith.index_cast %add3A_36 : i32 to index
      %swap3A_73 = arith.constant 80 : index
      %swap3A_74 = tpu.vector_load %arg11[%swap3A_72, %swap3A_73] {strides = array<i32>} : memref<128x128xf32, #tpu.memory_space<vmem>>, vector<1x16xf32>,
      %swap3A_75 = vector.shape_cast %swap3A_74 : vector<1x16xf32> to vector<16xf32>
      %swap3A_76 = vector.shape_cast %broadcast_in_dim3A_71 : vector<16xf32> to vector<1x16xf32>
      tpu.vector_store %arg11[%swap3A_72, %swap3A_73], %swap3A_76 {strides = array<i32>} : memref<128x128xf32, #tpu.memory_space<vmem>>, vector<1x16xf32>,
      %broadcast_in_dim3A_77 = arith.constant 0.000000e+00 : f32
      %broadcast_in_dim3A_78 = vector.broadcast %broadcast_in_dim3A_77 : f32 to vector<16xf32>
      %swap3A_79 = arith.index_cast %add3A_36 : i32 to index
      %swap3A_80 = arith.constant 96 : index
      %swap3A_81 = tpu.vector_load %arg11[%swap3A_79, %swap3A_80] {strides = array<i32>} : memref<128x128xf32, #tpu.memory_space<vmem>>, vector<1x16xf32>,
      %swap3A_82 = vector.shape_cast %swap3A_81 : vector<1x16xf32> to vector<16xf32>
      %swap3A_83 = vector.shape_cast %broadcast_in_dim3A_78 : vector<16xf32> to vector<1x16xf32>
      tpu.vector_store %arg11[%swap3A_79, %swap3A_80], %swap3A_83 {strides = array<i32>} : memref<128x128xf32, #tpu.memory_space<vmem>>, vector<1x16xf32>,
      %broadcast_in_dim3A_84 = arith.constant 0.000000e+00 : f32
      %broadcast_in_dim3A_85 = vector.broadcast %broadcast_in_dim3A_84 : f32 to vector<16xf32>
      %swap3A_86 = arith.index_cast %add3A_36 : i32 to index
      %swap3A_87 = arith.constant 112 : index
      %swap3A_88 = tpu.vector_load %arg11[%swap3A_86, %swap3A_87] {strides = array<i32>} : memref<128x128xf32, #tpu.memory_space<vmem>>, vector<1x16xf32>,
      %swap3A_89 = vector.shape_cast %swap3A_88 : vector<1x16xf32> to vector<16xf32>
      %swap3A_90 = vector.shape_cast %broadcast_in_dim3A_85 : vector<16xf32> to vector<1x16xf32>
      tpu.vector_store %arg11[%swap3A_86, %swap3A_87], %swap3A_90 {strides = array<i32>} : memref<128x128xf32, #tpu.memory_space<vmem>>, vector<1x16xf32>,
    }
    %scan3A_4 = arith.constant 128 : i32
    %scan3A_5 = arith.constant 0 : i32
    %scan3A_6 = arith.constant 4 : i32
    %scan3A_7 = arith.addi %scan3A_5, %scan3A_6 : i32
    %scan3A_8 = arith.constant 1 : i32
    scf.for %scan3A_32 = %scan3A_5 to %scan3A_7 step %scan3A_8  : i32 {
      %mul3A_33 = arith.constant 1 : i32
      %mul3A_34 = arith.muli %scan3A_32, %mul3A_33 : i32
      %add3A_35 = arith.constant 0 : i32
      %add3A_36 = arith.addi %add3A_35, %mul3A_34 : i32
      %mul3A_37 = arith.constant 624 : i32
      %mul3A_38 = arith.muli %arg1, %mul3A_37 : i32
      %mul3A_39 = arith.constant 128 : i32
      %mul3A_40 = arith.muli %add3A_36, %mul3A_39 : i32
      %add3A_41 = arith.addi %mul3A_38, %mul3A_40 : i32
      "tpu.region"() ({
        %run_scoped3A = tpu.sem_alloc : memref<!tpu.dma_semaphore, #tpu.memory_space<semaphore_mem>>
        %dma_start3A = arith.constant 0 : i32
        %dma_start3A_42 = tpu.memref_slice %arg7[%add3A_41, %dma_start3A] : memref<10000x128xf32, #tpu.memory_space<vmem_shared>> -> memref<128x128xf32, #tpu.memory_space<vmem_shared>>
        %dma_start3A_43 = arith.constant 0 : i32
        %dma_start3A_44 = tpu.memref_slice %arg7[%add3A_41, %dma_start3A_43] : memref<10000x128xf32, #tpu.memory_space<vmem_shared>> -> memref<128x128xf32, #tpu.memory_space<vmem_shared>>
        tpu.enqueue_dma source(%arg11 : memref<128x128xf32, #tpu.memory_space<vmem>>) target(%dma_start3A_44 : memref<128x128xf32, #tpu.memory_space<vmem_shared>>) target_semaphore(%run_scoped3A : memref<!tpu.dma_semaphore, #tpu.memory_space<semaphore_mem>>)
        %dma_wait3A = arith.constant 0 : i32
        %dma_wait3A_45 = tpu.memref_slice %arg7[%add3A_41, %dma_wait3A] : memref<10000x128xf32, #tpu.memory_space<vmem_shared>> -> memref<128x128xf32, #tpu.memory_space<vmem_shared>>
        %dma_wait3A_46 = arith.constant 0 : i32
        %dma_wait3A_47 = tpu.memref_slice %arg7[%add3A_41, %dma_wait3A_46] : memref<10000x128xf32, #tpu.memory_space<vmem_shared>> -> memref<128x128xf32, #tpu.memory_space<vmem_shared>>
        tpu.wait_dma2 semaphore(%run_scoped3A : memref<!tpu.dma_semaphore, #tpu.memory_space<semaphore_mem>>) src(%arg11 : memref<128x128xf32, #tpu.memory_space<vmem>>) dst(%dma_wait3A_47 : memref<128x128xf32, #tpu.memory_space<vmem_shared>>)
        tpu.yield
      }) : () -> ()
    }
    %scan3A_9 = arith.constant 4 : i32
    %mul3A_10 = arith.constant 624 : i32
    %mul3A_11 = arith.muli %arg1, %mul3A_10 : i32
    %add3A_12 = arith.constant 624 : i32
    %add3A_13 = arith.addi %mul3A_11, %add3A_12 : i32
    %sub3A = arith.constant 112 : i32
    %sub3A_14 = arith.subi %add3A_13, %sub3A : i32
    "tpu.region"() ({
      %run_scoped3A = tpu.sem_alloc : memref<!tpu.dma_semaphore, #tpu.memory_space<semaphore_mem>>
      %dma_start3A = arith.constant 0 : i32
      %dma_start3A_32 = arith.constant 0 : i32
      %dma_start3A_33 = tpu.memref_slice %arg11[%dma_start3A, %dma_start3A_32] : memref<128x128xf32, #tpu.memory_space<vmem>> -> memref<112x128xf32, #tpu.memory_space<vmem>>
      %dma_start3A_34 = arith.constant 0 : i32
      %dma_start3A_35 = tpu.memref_slice %arg7[%sub3A_14, %dma_start3A_34] : memref<10000x128xf32, #tpu.memory_space<vmem_shared>> -> memref<112x128xf32, #tpu.memory_space<vmem_shared>>
      %dma_start3A_36 = arith.constant 0 : i32
      %dma_start3A_37 = tpu.memref_slice %arg7[%sub3A_14, %dma_start3A_36] : memref<10000x128xf32, #tpu.memory_space<vmem_shared>> -> memref<112x128xf32, #tpu.memory_space<vmem_shared>>
      %dma_start3A_38 = arith.constant 0 : i32
      %dma_start3A_39 = arith.constant 0 : i32
      %dma_start3A_40 = tpu.memref_slice %arg11[%dma_start3A_38, %dma_start3A_39] : memref<128x128xf32, #tpu.memory_space<vmem>> -> memref<112x128xf32, #tpu.memory_space<vmem>>
      tpu.enqueue_dma source(%dma_start3A_40 : memref<112x128xf32, #tpu.memory_space<vmem>>) target(%dma_start3A_37 : memref<112x128xf32, #tpu.memory_space<vmem_shared>>) target_semaphore(%run_scoped3A : memref<!tpu.dma_semaphore, #tpu.memory_space<semaphore_mem>>)
      %dma_wait3A = arith.constant 0 : i32
      %dma_wait3A_41 = arith.constant 0 : i32
      %dma_wait3A_42 = tpu.memref_slice %arg11[%dma_wait3A, %dma_wait3A_41] : memref<128x128xf32, #tpu.memory_space<vmem>> -> memref<112x128xf32, #tpu.memory_space<vmem>>
      %dma_wait3A_43 = arith.constant 0 : i32
      %dma_wait3A_44 = tpu.memref_slice %arg7[%sub3A_14, %dma_wait3A_43] : memref<10000x128xf32, #tpu.memory_space<vmem_shared>> -> memref<112x128xf32, #tpu.memory_space<vmem_shared>>
      %dma_wait3A_45 = arith.constant 0 : i32
      %dma_wait3A_46 = tpu.memref_slice %arg7[%sub3A_14, %dma_wait3A_45] : memref<10000x128xf32, #tpu.memory_space<vmem_shared>> -> memref<112x128xf32, #tpu.memory_space<vmem_shared>>
      %dma_wait3A_47 = arith.constant 0 : i32
      %dma_wait3A_48 = arith.constant 0 : i32
      %dma_wait3A_49 = tpu.memref_slice %arg11[%dma_wait3A_47, %dma_wait3A_48] : memref<128x128xf32, #tpu.memory_space<vmem>> -> memref<112x128xf32, #tpu.memory_space<vmem>>
      tpu.wait_dma2 semaphore(%run_scoped3A : memref<!tpu.dma_semaphore, #tpu.memory_space<semaphore_mem>>) src(%dma_wait3A_49 : memref<112x128xf32, #tpu.memory_space<vmem>>) dst(%dma_wait3A_46 : memref<112x128xf32, #tpu.memory_space<vmem_shared>>)
      tpu.yield
    }) : () -> ()
    %eq3A = arith.constant 0 : i32
    %eq3A_15 = arith.cmpi eq, %arg1, %eq3A : i32
    %convert_element_type3A = arith.extui %eq3A_15 : i1 to i32
    %cond3A = arith.constant 0 : i32
    %cond3A_16 = arith.cmpi ne, %convert_element_type3A, %cond3A : i32
    scf.if %cond3A_16 {
      "tpu.region"() ({
        %run_scoped3A = tpu.sem_alloc : memref<!tpu.dma_semaphore, #tpu.memory_space<semaphore_mem>>
        %dma_start3A = arith.constant 0 : i32
        %dma_start3A_32 = arith.constant 0 : i32
        %dma_start3A_33 = tpu.memref_slice %arg11[%dma_start3A, %dma_start3A_32] : memref<128x128xf32, #tpu.memory_space<vmem>> -> memref<16x128xf32, #tpu.memory_space<vmem>>
        %dma_start3A_34 = arith.constant 9984 : i32
        %dma_start3A_35 = arith.constant 0 : i32
        %dma_start3A_36 = tpu.memref_slice %arg7[%dma_start3A_34, %dma_start3A_35] : memref<10000x128xf32, #tpu.memory_space<vmem_shared>> -> memref<16x128xf32, #tpu.memory_space<vmem_shared>>
        %dma_start3A_37 = arith.constant 9984 : i32
        %dma_start3A_38 = arith.constant 0 : i32
        %dma_start3A_39 = tpu.memref_slice %arg7[%dma_start3A_37, %dma_start3A_38] : memref<10000x128xf32, #tpu.memory_space<vmem_shared>> -> memref<16x128xf32, #tpu.memory_space<vmem_shared>>
        %dma_start3A_40 = arith.constant 0 : i32
        %dma_start3A_41 = arith.constant 0 : i32
        %dma_start3A_42 = tpu.memref_slice %arg11[%dma_start3A_40, %dma_start3A_41] : memref<128x128xf32, #tpu.memory_space<vmem>> -> memref<16x128xf32, #tpu.memory_space<vmem>>
        tpu.enqueue_dma source(%dma_start3A_42 : memref<16x128xf32, #tpu.memory_space<vmem>>) target(%dma_start3A_39 : memref<16x128xf32, #tpu.memory_space<vmem_shared>>) target_semaphore(%run_scoped3A : memref<!tpu.dma_semaphore, #tpu.memory_space<semaphore_mem>>)
        %dma_wait3A = arith.constant 0 : i32
        %dma_wait3A_43 = arith.constant 0 : i32
        %dma_wait3A_44 = tpu.memref_slice %arg11[%dma_wait3A, %dma_wait3A_43] : memref<128x128xf32, #tpu.memory_space<vmem>> -> memref<16x128xf32, #tpu.memory_space<vmem>>
        %dma_wait3A_45 = arith.constant 9984 : i32
        %dma_wait3A_46 = arith.constant 0 : i32
        %dma_wait3A_47 = tpu.memref_slice %arg7[%dma_wait3A_45, %dma_wait3A_46] : memref<10000x128xf32, #tpu.memory_space<vmem_shared>> -> memref<16x128xf32, #tpu.memory_space<vmem_shared>>
        %dma_wait3A_48 = arith.constant 9984 : i32
        %dma_wait3A_49 = arith.constant 0 : i32
        %dma_wait3A_50 = tpu.memref_slice %arg7[%dma_wait3A_48, %dma_wait3A_49] : memref<10000x128xf32, #tpu.memory_space<vmem_shared>> -> memref<16x128xf32, #tpu.memory_space<vmem_shared>>
        %dma_wait3A_51 = arith.constant 0 : i32
        %dma_wait3A_52 = arith.constant 0 : i32
        %dma_wait3A_53 = tpu.memref_slice %arg11[%dma_wait3A_51, %dma_wait3A_52] : memref<128x128xf32, #tpu.memory_space<vmem>> -> memref<16x128xf32, #tpu.memory_space<vmem>>
        tpu.wait_dma2 semaphore(%run_scoped3A : memref<!tpu.dma_semaphore, #tpu.memory_space<semaphore_mem>>) src(%dma_wait3A_53 : memref<16x128xf32, #tpu.memory_space<vmem>>) dst(%dma_wait3A_50 : memref<16x128xf32, #tpu.memory_space<vmem_shared>>)
        tpu.yield
      }) : () -> ()
    } else {
    }
    %barrier3A = arith.constant 0 : index
    tpu.barrier barrier_id(%barrier3A)
    %scan3A_17 = arith.constant 0 : i32
    %scan3A_18 = arith.constant 79 : i32
    %scan3A_19 = arith.addi %scan3A_17, %scan3A_18 : i32
    %scan3A_20 = arith.constant 1 : i32
    scf.for %scan3A_32 = %scan3A_17 to %scan3A_19 step %scan3A_20  : i32 {
      %mul3A_33 = arith.constant 1 : i32
      %mul3A_34 = arith.muli %scan3A_32, %mul3A_33 : i32
      %add3A_35 = arith.constant 0 : i32
      %add3A_36 = arith.addi %add3A_35, %mul3A_34 : i32
      "tpu.region"() ({
        %run_scoped3A = tpu.sem_alloc : memref<!tpu.dma_semaphore, #tpu.memory_space<semaphore_mem>>
        %dma_start3A = arith.constant 0 : i32
        %dma_start3A_42 = tpu.memref_slice %arg8[%add3A_36, %dma_start3A] : memref<79x128xi32, #tpu.memory_space<vmem>> -> memref<1x128xi32, #tpu.memory_space<vmem>>
        %dma_start3A_43 = tpu.memref_squeeze %dma_start3A_42 : memref<1x128xi32, #tpu.memory_space<vmem>> -> memref<128xi32, #tpu.memory_space<vmem>>
        %dma_start3A_44 = arith.constant 0 : i32
        %dma_start3A_45 = arith.constant 0 : i32
        %dma_start3A_46 = tpu.memref_slice %arg2[%dma_start3A_44, %dma_start3A_45] : memref<10000x128xf32, #tpu.memory_space<hbm>> -> memref<10000x128xf32, #tpu.memory_space<hbm>>
        tpu.enqueue_indirect_dma source(%dma_start3A_46 : memref<10000x128xf32, #tpu.memory_space<hbm>>) target(%arg11 : memref<128x128xf32, #tpu.memory_space<vmem>>) offsets(%dma_start3A_43 : memref<128xi32, #tpu.memory_space<vmem>>) semaphore(%run_scoped3A : memref<!tpu.dma_semaphore, #tpu.memory_space<semaphore_mem>>)
        %dma_wait3A = arith.constant 0 : i32
        %dma_wait3A_47 = tpu.memref_slice %arg8[%add3A_36, %dma_wait3A] : memref<79x128xi32, #tpu.memory_space<vmem>> -> memref<1x128xi32, #tpu.memory_space<vmem>>
        %dma_wait3A_48 = tpu.memref_squeeze %dma_wait3A_47 : memref<1x128xi32, #tpu.memory_space<vmem>> -> memref<128xi32, #tpu.memory_space<vmem>>
        %dma_wait3A_49 = arith.constant 0 : i32
        %dma_wait3A_50 = arith.constant 0 : i32
        %dma_wait3A_51 = tpu.memref_slice %arg2[%dma_wait3A_49, %dma_wait3A_50] : memref<10000x128xf32, #tpu.memory_space<hbm>> -> memref<10000x128xf32, #tpu.memory_space<hbm>>
        tpu.wait_indirect_dma semaphore(%run_scoped3A : memref<!tpu.dma_semaphore, #tpu.memory_space<semaphore_mem>>) src(%dma_wait3A_51 : memref<10000x128xf32, #tpu.memory_space<hbm>>) dst(%arg11 : memref<128x128xf32, #tpu.memory_space<vmem>>)
        tpu.yield
      }) : () -> ()
      %scan3A_37 = arith.constant 0 : i32
      %scan3A_38 = arith.constant 8 : i32
      %scan3A_39 = arith.addi %scan3A_37, %scan3A_38 : i32
      %scan3A_40 = arith.constant 1 : i32
      scf.for %scan3A_42 = %scan3A_37 to %scan3A_39 step %scan3A_40  : i32 {
        %mul3A_43 = arith.constant 16 : i32
        %mul3A_44 = arith.muli %scan3A_42, %mul3A_43 : i32
        %add3A_45 = arith.constant 0 : i32
        %add3A_46 = arith.addi %add3A_45, %mul3A_44 : i32
        %get3A = arith.index_cast %add3A_36 : i32 to index
        %get3A_47 = arith.index_cast %add3A_46 : i32 to index
        %get3A_48 = tpu.vector_load %arg10[%get3A, %get3A_47] {strides = array<i32>} : memref<79x128xf32, #tpu.memory_space<vmem>>, vector<1x16xf32>,
        %get3A_49 = vector.shape_cast %get3A_48 : vector<1x16xf32> to vector<16xf32>
        %slice3A = vector.extract_strided_slice %get3A_49 {offsets = [0], sizes = [1], strides = [1]} : vector<16xf32> to vector<1xf32>
        %squeeze3A = vector.extract %slice3A[0] : f32 from vector<1xf32>
        %add3A_50 = arith.constant 0 : i32
        %add3A_51 = arith.addi %add3A_46, %add3A_50 : i32
        %get3A_52 = arith.index_cast %add3A_51 : i32 to index
        %get3A_53 = arith.constant 0 : index
        %get3A_54 = tpu.vector_load %arg11[%get3A_52, %get3A_53] {strides = array<i32>} : memref<128x128xf32, #tpu.memory_space<vmem>>, vector<1x16xf32>,
        %get3A_55 = vector.shape_cast %get3A_54 : vector<1x16xf32> to vector<16xf32>
        %mul3A_56 = vector.broadcast %squeeze3A : f32 to vector<16xf32>
        %mul3A_57 = arith.mulf %get3A_55, %mul3A_56 : vector<16xf32>
        %swap3A = arith.index_cast %add3A_51 : i32 to index
        %swap3A_58 = arith.constant 0 : index
        %swap3A_59 = tpu.vector_load %arg11[%swap3A, %swap3A_58] {strides = array<i32>} : memref<128x128xf32, #tpu.memory_space<vmem>>, vector<1x16xf32>,
        %swap3A_60 = vector.shape_cast %swap3A_59 : vector<1x16xf32> to vector<16xf32>
        %swap3A_61 = vector.shape_cast %mul3A_57 : vector<16xf32> to vector<1x16xf32>
        tpu.vector_store %arg11[%swap3A, %swap3A_58], %swap3A_61 {strides = array<i32>} : memref<128x128xf32, #tpu.memory_space<vmem>>, vector<1x16xf32>,
        %add3A_62 = arith.constant 0 : i32
        %add3A_63 = arith.addi %add3A_46, %add3A_62 : i32
        %get3A_64 = arith.index_cast %add3A_63 : i32 to index
        %get3A_65 = arith.constant 16 : index
        %get3A_66 = tpu.vector_load %arg11[%get3A_64, %get3A_65] {strides = array<i32>} : memref<128x128xf32, #tpu.memory_space<vmem>>, vector<1x16xf32>,
        %get3A_67 = vector.shape_cast %get3A_66 : vector<1x16xf32> to vector<16xf32>
        %mul3A_68 = vector.broadcast %squeeze3A : f32 to vector<16xf32>
        %mul3A_69 = arith.mulf %get3A_67, %mul3A_68 : vector<16xf32>
        %swap3A_70 = arith.index_cast %add3A_63 : i32 to index
        %swap3A_71 = arith.constant 16 : index
        %swap3A_72 = tpu.vector_load %arg11[%swap3A_70, %swap3A_71] {strides = array<i32>} : memref<128x128xf32, #tpu.memory_space<vmem>>, vector<1x16xf32>,
        %swap3A_73 = vector.shape_cast %swap3A_72 : vector<1x16xf32> to vector<16xf32>
        %swap3A_74 = vector.shape_cast %mul3A_69 : vector<16xf32> to vector<1x16xf32>
        tpu.vector_store %arg11[%swap3A_70, %swap3A_71], %swap3A_74 {strides = array<i32>} : memref<128x128xf32, #tpu.memory_space<vmem>>, vector<1x16xf32>,
        %add3A_75 = arith.constant 0 : i32
        %add3A_76 = arith.addi %add3A_46, %add3A_75 : i32
        %get3A_77 = arith.index_cast %add3A_76 : i32 to index
        %get3A_78 = arith.constant 32 : index
        %get3A_79 = tpu.vector_load %arg11[%get3A_77, %get3A_78] {strides = array<i32>} : memref<128x128xf32, #tpu.memory_space<vmem>>, vector<1x16xf32>,
        %get3A_80 = vector.shape_cast %get3A_79 : vector<1x16xf32> to vector<16xf32>
        %mul3A_81 = vector.broadcast %squeeze3A : f32 to vector<16xf32>
        %mul3A_82 = arith.mulf %get3A_80, %mul3A_81 : vector<16xf32>
        %swap3A_83 = arith.index_cast %add3A_76 : i32 to index
        %swap3A_84 = arith.constant 32 : index
        %swap3A_85 = tpu.vector_load %arg11[%swap3A_83, %swap3A_84] {strides = array<i32>} : memref<128x128xf32, #tpu.memory_space<vmem>>, vector<1x16xf32>,
        %swap3A_86 = vector.shape_cast %swap3A_85 : vector<1x16xf32> to vector<16xf32>
        %swap3A_87 = vector.shape_cast %mul3A_82 : vector<16xf32> to vector<1x16xf32>
        tpu.vector_store %arg11[%swap3A_83, %swap3A_84], %swap3A_87 {strides = array<i32>} : memref<128x128xf32, #tpu.memory_space<vmem>>, vector<1x16xf32>,
        %add3A_88 = arith.constant 0 : i32
        %add3A_89 = arith.addi %add3A_46, %add3A_88 : i32
        %get3A_90 = arith.index_cast %add3A_89 : i32 to index
        %get3A_91 = arith.constant 48 : index
        %get3A_92 = tpu.vector_load %arg11[%get3A_90, %get3A_91] {strides = array<i32>} : memref<128x128xf32, #tpu.memory_space<vmem>>, vector<1x16xf32>,
        %get3A_93 = vector.shape_cast %get3A_92 : vector<1x16xf32> to vector<16xf32>
        %mul3A_94 = vector.broadcast %squeeze3A : f32 to vector<16xf32>
        %mul3A_95 = arith.mulf %get3A_93, %mul3A_94 : vector<16xf32>
        %swap3A_96 = arith.index_cast %add3A_89 : i32 to index
        %swap3A_97 = arith.constant 48 : index
        %swap3A_98 = tpu.vector_load %arg11[%swap3A_96, %swap3A_97] {strides = array<i32>} : memref<128x128xf32, #tpu.memory_space<vmem>>, vector<1x16xf32>,
        %swap3A_99 = vector.shape_cast %swap3A_98 : vector<1x16xf32> to vector<16xf32>
        %swap3A_100 = vector.shape_cast %mul3A_95 : vector<16xf32> to vector<1x16xf32>
        tpu.vector_store %arg11[%swap3A_96, %swap3A_97], %swap3A_100 {strides = array<i32>} : memref<128x128xf32, #tpu.memory_space<vmem>>, vector<1x16xf32>,
        %add3A_101 = arith.constant 0 : i32
        %add3A_102 = arith.addi %add3A_46, %add3A_101 : i32
        %get3A_103 = arith.index_cast %add3A_102 : i32 to index
        %get3A_104 = arith.constant 64 : index
        %get3A_105 = tpu.vector_load %arg11[%get3A_103, %get3A_104] {strides = array<i32>} : memref<128x128xf32, #tpu.memory_space<vmem>>, vector<1x16xf32>,
        %get3A_106 = vector.shape_cast %get3A_105 : vector<1x16xf32> to vector<16xf32>
        %mul3A_107 = vector.broadcast %squeeze3A : f32 to vector<16xf32>
        %mul3A_108 = arith.mulf %get3A_106, %mul3A_107 : vector<16xf32>
        %swap3A_109 = arith.index_cast %add3A_102 : i32 to index
        %swap3A_110 = arith.constant 64 : index
        %swap3A_111 = tpu.vector_load %arg11[%swap3A_109, %swap3A_110] {strides = array<i32>} : memref<128x128xf32, #tpu.memory_space<vmem>>, vector<1x16xf32>,
        %swap3A_112 = vector.shape_cast %swap3A_111 : vector<1x16xf32> to vector<16xf32>
        %swap3A_113 = vector.shape_cast %mul3A_108 : vector<16xf32> to vector<1x16xf32>
        tpu.vector_store %arg11[%swap3A_109, %swap3A_110], %swap3A_113 {strides = array<i32>} : memref<128x128xf32, #tpu.memory_space<vmem>>, vector<1x16xf32>,
        %add3A_114 = arith.constant 0 : i32
        %add3A_115 = arith.addi %add3A_46, %add3A_114 : i32
        %get3A_116 = arith.index_cast %add3A_115 : i32 to index
        %get3A_117 = arith.constant 80 : index
        %get3A_118 = tpu.vector_load %arg11[%get3A_116, %get3A_117] {strides = array<i32>} : memref<128x128xf32, #tpu.memory_space<vmem>>, vector<1x16xf32>,
        %get3A_119 = vector.shape_cast %get3A_118 : vector<1x16xf32> to vector<16xf32>
        %mul3A_120 = vector.broadcast %squeeze3A : f32 to vector<16xf32>
        %mul3A_121 = arith.mulf %get3A_119, %mul3A_120 : vector<16xf32>
        %swap3A_122 = arith.index_cast %add3A_115 : i32 to index
        %swap3A_123 = arith.constant 80 : index
        %swap3A_124 = tpu.vector_load %arg11[%swap3A_122, %swap3A_123] {strides = array<i32>} : memref<128x128xf32, #tpu.memory_space<vmem>>, vector<1x16xf32>,
        %swap3A_125 = vector.shape_cast %swap3A_124 : vector<1x16xf32> to vector<16xf32>
        %swap3A_126 = vector.shape_cast %mul3A_121 : vector<16xf32> to vector<1x16xf32>
        tpu.vector_store %arg11[%swap3A_122, %swap3A_123], %swap3A_126 {strides = array<i32>} : memref<128x128xf32, #tpu.memory_space<vmem>>, vector<1x16xf32>,
        %add3A_127 = arith.constant 0 : i32
        %add3A_128 = arith.addi %add3A_46, %add3A_127 : i32
        %get3A_129 = arith.index_cast %add3A_128 : i32 to index
        %get3A_130 = arith.constant 96 : index
        %get3A_131 = tpu.vector_load %arg11[%get3A_129, %get3A_130] {strides = array<i32>} : memref<128x128xf32, #tpu.memory_space<vmem>>, vector<1x16xf32>,
        %get3A_132 = vector.shape_cast %get3A_131 : vector<1x16xf32> to vector<16xf32>
        %mul3A_133 = vector.broadcast %squeeze3A : f32 to vector<16xf32>
        %mul3A_134 = arith.mulf %get3A_132, %mul3A_133 : vector<16xf32>
        %swap3A_135 = arith.index_cast %add3A_128 : i32 to index
        %swap3A_136 = arith.constant 96 : index
        %swap3A_137 = tpu.vector_load %arg11[%swap3A_135, %swap3A_136] {strides = array<i32>} : memref<128x128xf32, #tpu.memory_space<vmem>>, vector<1x16xf32>,
        %swap3A_138 = vector.shape_cast %swap3A_137 : vector<1x16xf32> to vector<16xf32>
        %swap3A_139 = vector.shape_cast %mul3A_134 : vector<16xf32> to vector<1x16xf32>
        tpu.vector_store %arg11[%swap3A_135, %swap3A_136], %swap3A_139 {strides = array<i32>} : memref<128x128xf32, #tpu.memory_space<vmem>>, vector<1x16xf32>,
        %add3A_140 = arith.constant 0 : i32
        %add3A_141 = arith.addi %add3A_46, %add3A_140 : i32
        %get3A_142 = arith.index_cast %add3A_141 : i32 to index
        %get3A_143 = arith.constant 112 : index
        %get3A_144 = tpu.vector_load %arg11[%get3A_142, %get3A_143] {strides = array<i32>} : memref<128x128xf32, #tpu.memory_space<vmem>>, vector<1x16xf32>,
        %get3A_145 = vector.shape_cast %get3A_144 : vector<1x16xf32> to vector<16xf32>
        %mul3A_146 = vector.broadcast %squeeze3A : f32 to vector<16xf32>
        %mul3A_147 = arith.mulf %get3A_145, %mul3A_146 : vector<16xf32>
        %swap3A_148 = arith.index_cast %add3A_141 : i32 to index
        %swap3A_149 = arith.constant 112 : index
        %swap3A_150 = tpu.vector_load %arg11[%swap3A_148, %swap3A_149] {strides = array<i32>} : memref<128x128xf32, #tpu.memory_space<vmem>>, vector<1x16xf32>,
        %swap3A_151 = vector.shape_cast %swap3A_150 : vector<1x16xf32> to vector<16xf32>
        %swap3A_152 = vector.shape_cast %mul3A_147 : vector<16xf32> to vector<1x16xf32>
        tpu.vector_store %arg11[%swap3A_148, %swap3A_149], %swap3A_152 {strides = array<i32>} : memref<128x128xf32, #tpu.memory_space<vmem>>, vector<1x16xf32>,
        %slice3A_153 = vector.extract_strided_slice %get3A_49 {offsets = [1], sizes = [1], strides = [1]} : vector<16xf32> to vector<1xf32>
        %squeeze3A_154 = vector.extract %slice3A_153[0] : f32 from vector<1xf32>
        %add3A_155 = arith.constant 1 : i32
        %add3A_156 = arith.addi %add3A_46, %add3A_155 : i32
        %get3A_157 = arith.index_cast %add3A_156 : i32 to index
        %get3A_158 = arith.constant 0 : index
        %get3A_159 = tpu.vector_load %arg11[%get3A_157, %get3A_158] {strides = array<i32>} : memref<128x128xf32, #tpu.memory_space<vmem>>, vector<1x16xf32>,
        %get3A_160 = vector.shape_cast %get3A_159 : vector<1x16xf32> to vector<16xf32>
        %mul3A_161 = vector.broadcast %squeeze3A_154 : f32 to vector<16xf32>
        %mul3A_162 = arith.mulf %get3A_160, %mul3A_161 : vector<16xf32>
        %swap3A_163 = arith.index_cast %add3A_156 : i32 to index
        %swap3A_164 = arith.constant 0 : index
        %swap3A_165 = tpu.vector_load %arg11[%swap3A_163, %swap3A_164] {strides = array<i32>} : memref<128x128xf32, #tpu.memory_space<vmem>>, vector<1x16xf32>,
        %swap3A_166 = vector.shape_cast %swap3A_165 : vector<1x16xf32> to vector<16xf32>
        %swap3A_167 = vector.shape_cast %mul3A_162 : vector<16xf32> to vector<1x16xf32>
        tpu.vector_store %arg11[%swap3A_163, %swap3A_164], %swap3A_167 {strides = array<i32>} : memref<128x128xf32, #tpu.memory_space<vmem>>, vector<1x16xf32>,
        %add3A_168 = arith.constant 1 : i32
        %add3A_169 = arith.addi %add3A_46, %add3A_168 : i32
        %get3A_170 = arith.index_cast %add3A_169 : i32 to index
        %get3A_171 = arith.constant 16 : index
        %get3A_172 = tpu.vector_load %arg11[%get3A_170, %get3A_171] {strides = array<i32>} : memref<128x128xf32, #tpu.memory_space<vmem>>, vector<1x16xf32>,
        %get3A_173 = vector.shape_cast %get3A_172 : vector<1x16xf32> to vector<16xf32>
        %mul3A_174 = vector.broadcast %squeeze3A_154 : f32 to vector<16xf32>
        %mul3A_175 = arith.mulf %get3A_173, %mul3A_174 : vector<16xf32>
        %swap3A_176 = arith.index_cast %add3A_169 : i32 to index
        %swap3A_177 = arith.constant 16 : index
        %swap3A_178 = tpu.vector_load %arg11[%swap3A_176, %swap3A_177] {strides = array<i32>} : memref<128x128xf32, #tpu.memory_space<vmem>>, vector<1x16xf32>,
        %swap3A_179 = vector.shape_cast %swap3A_178 : vector<1x16xf32> to vector<16xf32>
        %swap3A_180 = vector.shape_cast %mul3A_175 : vector<16xf32> to vector<1x16xf32>
        tpu.vector_store %arg11[%swap3A_176, %swap3A_177], %swap3A_180 {strides = array<i32>} : memref<128x128xf32, #tpu.memory_space<vmem>>, vector<1x16xf32>,
        %add3A_181 = arith.constant 1 : i32
        %add3A_182 = arith.addi %add3A_46, %add3A_181 : i32
        %get3A_183 = arith.index_cast %add3A_182 : i32 to index
        %get3A_184 = arith.constant 32 : index
        %get3A_185 = tpu.vector_load %arg11[%get3A_183, %get3A_184] {strides = array<i32>} : memref<128x128xf32, #tpu.memory_space<vmem>>, vector<1x16xf32>,
        %get3A_186 = vector.shape_cast %get3A_185 : vector<1x16xf32> to vector<16xf32>
        %mul3A_187 = vector.broadcast %squeeze3A_154 : f32 to vector<16xf32>
        %mul3A_188 = arith.mulf %get3A_186, %mul3A_187 : vector<16xf32>
        %swap3A_189 = arith.index_cast %add3A_182 : i32 to index
        %swap3A_190 = arith.constant 32 : index
        %swap3A_191 = tpu.vector_load %arg11[%swap3A_189, %swap3A_190] {strides = array<i32>} : memref<128x128xf32, #tpu.memory_space<vmem>>, vector<1x16xf32>,
        %swap3A_192 = vector.shape_cast %swap3A_191 : vector<1x16xf32> to vector<16xf32>
        %swap3A_193 = vector.shape_cast %mul3A_188 : vector<16xf32> to vector<1x16xf32>
        tpu.vector_store %arg11[%swap3A_189, %swap3A_190], %swap3A_193 {strides = array<i32>} : memref<128x128xf32, #tpu.memory_space<vmem>>, vector<1x16xf32>,
        %add3A_194 = arith.constant 1 : i32
        %add3A_195 = arith.addi %add3A_46, %add3A_194 : i32
        %get3A_196 = arith.index_cast %add3A_195 : i32 to index
        %get3A_197 = arith.constant 48 : index
        %get3A_198 = tpu.vector_load %arg11[%get3A_196, %get3A_197] {strides = array<i32>} : memref<128x128xf32, #tpu.memory_space<vmem>>, vector<1x16xf32>,
        %get3A_199 = vector.shape_cast %get3A_198 : vector<1x16xf32> to vector<16xf32>
        %mul3A_200 = vector.broadcast %squeeze3A_154 : f32 to vector<16xf32>
        %mul3A_201 = arith.mulf %get3A_199, %mul3A_200 : vector<16xf32>
        %swap3A_202 = arith.index_cast %add3A_195 : i32 to index
        %swap3A_203 = arith.constant 48 : index
        %swap3A_204 = tpu.vector_load %arg11[%swap3A_202, %swap3A_203] {strides = array<i32>} : memref<128x128xf32, #tpu.memory_space<vmem>>, vector<1x16xf32>,
        %swap3A_205 = vector.shape_cast %swap3A_204 : vector<1x16xf32> to vector<16xf32>
        %swap3A_206 = vector.shape_cast %mul3A_201 : vector<16xf32> to vector<1x16xf32>
        tpu.vector_store %arg11[%swap3A_202, %swap3A_203], %swap3A_206 {strides = array<i32>} : memref<128x128xf32, #tpu.memory_space<vmem>>, vector<1x16xf32>,
        %add3A_207 = arith.constant 1 : i32
        %add3A_208 = arith.addi %add3A_46, %add3A_207 : i32
        %get3A_209 = arith.index_cast %add3A_208 : i32 to index
        %get3A_210 = arith.constant 64 : index
        %get3A_211 = tpu.vector_load %arg11[%get3A_209, %get3A_210] {strides = array<i32>} : memref<128x128xf32, #tpu.memory_space<vmem>>, vector<1x16xf32>,
        %get3A_212 = vector.shape_cast %get3A_211 : vector<1x16xf32> to vector<16xf32>
        %mul3A_213 = vector.broadcast %squeeze3A_154 : f32 to vector<16xf32>
        %mul3A_214 = arith.mulf %get3A_212, %mul3A_213 : vector<16xf32>
        %swap3A_215 = arith.index_cast %add3A_208 : i32 to index
        %swap3A_216 = arith.constant 64 : index
        %swap3A_217 = tpu.vector_load %arg11[%swap3A_215, %swap3A_216] {strides = array<i32>} : memref<128x128xf32, #tpu.memory_space<vmem>>, vector<1x16xf32>,
        %swap3A_218 = vector.shape_cast %swap3A_217 : vector<1x16xf32> to vector<16xf32>
        %swap3A_219 = vector.shape_cast %mul3A_214 : vector<16xf32> to vector<1x16xf32>
        tpu.vector_store %arg11[%swap3A_215, %swap3A_216], %swap3A_219 {strides = array<i32>} : memref<128x128xf32, #tpu.memory_space<vmem>>, vector<1x16xf32>,
        %add3A_220 = arith.constant 1 : i32
        %add3A_221 = arith.addi %add3A_46, %add3A_220 : i32
        %get3A_222 = arith.index_cast %add3A_221 : i32 to index
        %get3A_223 = arith.constant 80 : index
        %get3A_224 = tpu.vector_load %arg11[%get3A_222, %get3A_223] {strides = array<i32>} : memref<128x128xf32, #tpu.memory_space<vmem>>, vector<1x16xf32>,
        %get3A_225 = vector.shape_cast %get3A_224 : vector<1x16xf32> to vector<16xf32>
        %mul3A_226 = vector.broadcast %squeeze3A_154 : f32 to vector<16xf32>
        %mul3A_227 = arith.mulf %get3A_225, %mul3A_226 : vector<16xf32>
        %swap3A_228 = arith.index_cast %add3A_221 : i32 to index
        %swap3A_229 = arith.constant 80 : index
        %swap3A_230 = tpu.vector_load %arg11[%swap3A_228, %swap3A_229] {strides = array<i32>} : memref<128x128xf32, #tpu.memory_space<vmem>>, vector<1x16xf32>,
        %swap3A_231 = vector.shape_cast %swap3A_230 : vector<1x16xf32> to vector<16xf32>
        %swap3A_232 = vector.shape_cast %mul3A_227 : vector<16xf32> to vector<1x16xf32>
        tpu.vector_store %arg11[%swap3A_228, %swap3A_229], %swap3A_232 {strides = array<i32>} : memref<128x128xf32, #tpu.memory_space<vmem>>, vector<1x16xf32>,
        %add3A_233 = arith.constant 1 : i32
        %add3A_234 = arith.addi %add3A_46, %add3A_233 : i32
        %get3A_235 = arith.index_cast %add3A_234 : i32 to index
        %get3A_236 = arith.constant 96 : index
        %get3A_237 = tpu.vector_load %arg11[%get3A_235, %get3A_236] {strides = array<i32>} : memref<128x128xf32, #tpu.memory_space<vmem>>, vector<1x16xf32>,
        %get3A_238 = vector.shape_cast %get3A_237 : vector<1x16xf32> to vector<16xf32>
        %mul3A_239 = vector.broadcast %squeeze3A_154 : f32 to vector<16xf32>
        %mul3A_240 = arith.mulf %get3A_238, %mul3A_239 : vector<16xf32>
        %swap3A_241 = arith.index_cast %add3A_234 : i32 to index
        %swap3A_242 = arith.constant 96 : index
        %swap3A_243 = tpu.vector_load %arg11[%swap3A_241, %swap3A_242] {strides = array<i32>} : memref<128x128xf32, #tpu.memory_space<vmem>>, vector<1x16xf32>,
        %swap3A_244 = vector.shape_cast %swap3A_243 : vector<1x16xf32> to vector<16xf32>
        %swap3A_245 = vector.shape_cast %mul3A_240 : vector<16xf32> to vector<1x16xf32>
        tpu.vector_store %arg11[%swap3A_241, %swap3A_242], %swap3A_245 {strides = array<i32>} : memref<128x128xf32, #tpu.memory_space<vmem>>, vector<1x16xf32>,
        %add3A_246 = arith.constant 1 : i32
        %add3A_247 = arith.addi %add3A_46, %add3A_246 : i32
        %get3A_248 = arith.index_cast %add3A_247 : i32 to index
        %get3A_249 = arith.constant 112 : index
        %get3A_250 = tpu.vector_load %arg11[%get3A_248, %get3A_249] {strides = array<i32>} : memref<128x128xf32, #tpu.memory_space<vmem>>, vector<1x16xf32>,
        %get3A_251 = vector.shape_cast %get3A_250 : vector<1x16xf32> to vector<16xf32>
        %mul3A_252 = vector.broadcast %squeeze3A_154 : f32 to vector<16xf32>
        %mul3A_253 = arith.mulf %get3A_251, %mul3A_252 : vector<16xf32>
        %swap3A_254 = arith.index_cast %add3A_247 : i32 to index
        %swap3A_255 = arith.constant 112 : index
        %swap3A_256 = tpu.vector_load %arg11[%swap3A_254, %swap3A_255] {strides = array<i32>} : memref<128x128xf32, #tpu.memory_space<vmem>>, vector<1x16xf32>,
        %swap3A_257 = vector.shape_cast %swap3A_256 : vector<1x16xf32> to vector<16xf32>
        %swap3A_258 = vector.shape_cast %mul3A_253 : vector<16xf32> to vector<1x16xf32>
        tpu.vector_store %arg11[%swap3A_254, %swap3A_255], %swap3A_258 {strides = array<i32>} : memref<128x128xf32, #tpu.memory_space<vmem>>, vector<1x16xf32>,
        %slice3A_259 = vector.extract_strided_slice %get3A_49 {offsets = [2], sizes = [1], strides = [1]} : vector<16xf32> to vector<1xf32>
        %squeeze3A_260 = vector.extract %slice3A_259[0] : f32 from vector<1xf32>
        %add3A_261 = arith.constant 2 : i32
        %add3A_262 = arith.addi %add3A_46, %add3A_261 : i32
        %get3A_263 = arith.index_cast %add3A_262 : i32 to index
        %get3A_264 = arith.constant 0 : index
        %get3A_265 = tpu.vector_load %arg11[%get3A_263, %get3A_264] {strides = array<i32>} : memref<128x128xf32, #tpu.memory_space<vmem>>, vector<1x16xf32>,
        %get3A_266 = vector.shape_cast %get3A_265 : vector<1x16xf32> to vector<16xf32>
        %mul3A_267 = vector.broadcast %squeeze3A_260 : f32 to vector<16xf32>
        %mul3A_268 = arith.mulf %get3A_266, %mul3A_267 : vector<16xf32>
        %swap3A_269 = arith.index_cast %add3A_262 : i32 to index
        %swap3A_270 = arith.constant 0 : index
        %swap3A_271 = tpu.vector_load %arg11[%swap3A_269, %swap3A_270] {strides = array<i32>} : memref<128x128xf32, #tpu.memory_space<vmem>>, vector<1x16xf32>,
        %swap3A_272 = vector.shape_cast %swap3A_271 : vector<1x16xf32> to vector<16xf32>
        %swap3A_273 = vector.shape_cast %mul3A_268 : vector<16xf32> to vector<1x16xf32>
        tpu.vector_store %arg11[%swap3A_269, %swap3A_270], %swap3A_273 {strides = array<i32>} : memref<128x128xf32, #tpu.memory_space<vmem>>, vector<1x16xf32>,
        %add3A_274 = arith.constant 2 : i32
        %add3A_275 = arith.addi %add3A_46, %add3A_274 : i32
        %get3A_276 = arith.index_cast %add3A_275 : i32 to index
        %get3A_277 = arith.constant 16 : index
        %get3A_278 = tpu.vector_load %arg11[%get3A_276, %get3A_277] {strides = array<i32>} : memref<128x128xf32, #tpu.memory_space<vmem>>, vector<1x16xf32>,
        %get3A_279 = vector.shape_cast %get3A_278 : vector<1x16xf32> to vector<16xf32>
        %mul3A_280 = vector.broadcast %squeeze3A_260 : f32 to vector<16xf32>
        %mul3A_281 = arith.mulf %get3A_279, %mul3A_280 : vector<16xf32>
        %swap3A_282 = arith.index_cast %add3A_275 : i32 to index
        %swap3A_283 = arith.constant 16 : index
        %swap3A_284 = tpu.vector_load %arg11[%swap3A_282, %swap3A_283] {strides = array<i32>} : memref<128x128xf32, #tpu.memory_space<vmem>>, vector<1x16xf32>,
        %swap3A_285 = vector.shape_cast %swap3A_284 : vector<1x16xf32> to vector<16xf32>
        %swap3A_286 = vector.shape_cast %mul3A_281 : vector<16xf32> to vector<1x16xf32>
        tpu.vector_store %arg11[%swap3A_282, %swap3A_283], %swap3A_286 {strides = array<i32>} : memref<128x128xf32, #tpu.memory_space<vmem>>, vector<1x16xf32>,
        %add3A_287 = arith.constant 2 : i32
        %add3A_288 = arith.addi %add3A_46, %add3A_287 : i32
        %get3A_289 = arith.index_cast %add3A_288 : i32 to index
        %get3A_290 = arith.constant 32 : index
        %get3A_291 = tpu.vector_load %arg11[%get3A_289, %get3A_290] {strides = array<i32>} : memref<128x128xf32, #tpu.memory_space<vmem>>, vector<1x16xf32>,
        %get3A_292 = vector.shape_cast %get3A_291 : vector<1x16xf32> to vector<16xf32>
        %mul3A_293 = vector.broadcast %squeeze3A_260 : f32 to vector<16xf32>
        %mul3A_294 = arith.mulf %get3A_292, %mul3A_293 : vector<16xf32>
        %swap3A_295 = arith.index_cast %add3A_288 : i32 to index
        %swap3A_296 = arith.constant 32 : index
        %swap3A_297 = tpu.vector_load %arg11[%swap3A_295, %swap3A_296] {strides = array<i32>} : memref<128x128xf32, #tpu.memory_space<vmem>>, vector<1x16xf32>,
        %swap3A_298 = vector.shape_cast %swap3A_297 : vector<1x16xf32> to vector<16xf32>
        %swap3A_299 = vector.shape_cast %mul3A_294 : vector<16xf32> to vector<1x16xf32>
        tpu.vector_store %arg11[%swap3A_295, %swap3A_296], %swap3A_299 {strides = array<i32>} : memref<128x128xf32, #tpu.memory_space<vmem>>, vector<1x16xf32>,
        %add3A_300 = arith.constant 2 : i32
        %add3A_301 = arith.addi %add3A_46, %add3A_300 : i32
        %get3A_302 = arith.index_cast %add3A_301 : i32 to index
        %get3A_303 = arith.constant 48 : index
        %get3A_304 = tpu.vector_load %arg11[%get3A_302, %get3A_303] {strides = array<i32>} : memref<128x128xf32, #tpu.memory_space<vmem>>, vector<1x16xf32>,
        %get3A_305 = vector.shape_cast %get3A_304 : vector<1x16xf32> to vector<16xf32>
        %mul3A_306 = vector.broadcast %squeeze3A_260 : f32 to vector<16xf32>
        %mul3A_307 = arith.mulf %get3A_305, %mul3A_306 : vector<16xf32>
        %swap3A_308 = arith.index_cast %add3A_301 : i32 to index
        %swap3A_309 = arith.constant 48 : index
        %swap3A_310 = tpu.vector_load %arg11[%swap3A_308, %swap3A_309] {strides = array<i32>} : memref<128x128xf32, #tpu.memory_space<vmem>>, vector<1x16xf32>,
        %swap3A_311 = vector.shape_cast %swap3A_310 : vector<1x16xf32> to vector<16xf32>
        %swap3A_312 = vector.shape_cast %mul3A_307 : vector<16xf32> to vector<1x16xf32>
        tpu.vector_store %arg11[%swap3A_308, %swap3A_309], %swap3A_312 {strides = array<i32>} : memref<128x128xf32, #tpu.memory_space<vmem>>, vector<1x16xf32>,
        %add3A_313 = arith.constant 2 : i32
        %add3A_314 = arith.addi %add3A_46, %add3A_313 : i32
        %get3A_315 = arith.index_cast %add3A_314 : i32 to index
        %get3A_316 = arith.constant 64 : index
        %get3A_317 = tpu.vector_load %arg11[%get3A_315, %get3A_316] {strides = array<i32>} : memref<128x128xf32, #tpu.memory_space<vmem>>, vector<1x16xf32>,
        %get3A_318 = vector.shape_cast %get3A_317 : vector<1x16xf32> to vector<16xf32>
        %mul3A_319 = vector.broadcast %squeeze3A_260 : f32 to vector<16xf32>
        %mul3A_320 = arith.mulf %get3A_318, %mul3A_319 : vector<16xf32>
        %swap3A_321 = arith.index_cast %add3A_314 : i32 to index
        %swap3A_322 = arith.constant 64 : index
        %swap3A_323 = tpu.vector_load %arg11[%swap3A_321, %swap3A_322] {strides = array<i32>} : memref<128x128xf32, #tpu.memory_space<vmem>>, vector<1x16xf32>,
        %swap3A_324 = vector.shape_cast %swap3A_323 : vector<1x16xf32> to vector<16xf32>
        %swap3A_325 = vector.shape_cast %mul3A_320 : vector<16xf32> to vector<1x16xf32>
        tpu.vector_store %arg11[%swap3A_321, %swap3A_322], %swap3A_325 {strides = array<i32>} : memref<128x128xf32, #tpu.memory_space<vmem>>, vector<1x16xf32>,
        %add3A_326 = arith.constant 2 : i32
        %add3A_327 = arith.addi %add3A_46, %add3A_326 : i32
        %get3A_328 = arith.index_cast %add3A_327 : i32 to index
        %get3A_329 = arith.constant 80 : index
        %get3A_330 = tpu.vector_load %arg11[%get3A_328, %get3A_329] {strides = array<i32>} : memref<128x128xf32, #tpu.memory_space<vmem>>, vector<1x16xf32>,
        %get3A_331 = vector.shape_cast %get3A_330 : vector<1x16xf32> to vector<16xf32>
        %mul3A_332 = vector.broadcast %squeeze3A_260 : f32 to vector<16xf32>
        %mul3A_333 = arith.mulf %get3A_331, %mul3A_332 : vector<16xf32>
        %swap3A_334 = arith.index_cast %add3A_327 : i32 to index
        %swap3A_335 = arith.constant 80 : index
        %swap3A_336 = tpu.vector_load %arg11[%swap3A_334, %swap3A_335] {strides = array<i32>} : memref<128x128xf32, #tpu.memory_space<vmem>>, vector<1x16xf32>,
        %swap3A_337 = vector.shape_cast %swap3A_336 : vector<1x16xf32> to vector<16xf32>
        %swap3A_338 = vector.shape_cast %mul3A_333 : vector<16xf32> to vector<1x16xf32>
        tpu.vector_store %arg11[%swap3A_334, %swap3A_335], %swap3A_338 {strides = array<i32>} : memref<128x128xf32, #tpu.memory_space<vmem>>, vector<1x16xf32>,
        %add3A_339 = arith.constant 2 : i32
        %add3A_340 = arith.addi %add3A_46, %add3A_339 : i32
        %get3A_341 = arith.index_cast %add3A_340 : i32 to index
        %get3A_342 = arith.constant 96 : index
        %get3A_343 = tpu.vector_load %arg11[%get3A_341, %get3A_342] {strides = array<i32>} : memref<128x128xf32, #tpu.memory_space<vmem>>, vector<1x16xf32>,
        %get3A_344 = vector.shape_cast %get3A_343 : vector<1x16xf32> to vector<16xf32>
        %mul3A_345 = vector.broadcast %squeeze3A_260 : f32 to vector<16xf32>
        %mul3A_346 = arith.mulf %get3A_344, %mul3A_345 : vector<16xf32>
        %swap3A_347 = arith.index_cast %add3A_340 : i32 to index
        %swap3A_348 = arith.constant 96 : index
        %swap3A_349 = tpu.vector_load %arg11[%swap3A_347, %swap3A_348] {strides = array<i32>} : memref<128x128xf32, #tpu.memory_space<vmem>>, vector<1x16xf32>,
        %swap3A_350 = vector.shape_cast %swap3A_349 : vector<1x16xf32> to vector<16xf32>
        %swap3A_351 = vector.shape_cast %mul3A_346 : vector<16xf32> to vector<1x16xf32>
        tpu.vector_store %arg11[%swap3A_347, %swap3A_348], %swap3A_351 {strides = array<i32>} : memref<128x128xf32, #tpu.memory_space<vmem>>, vector<1x16xf32>,
        %add3A_352 = arith.constant 2 : i32
        %add3A_353 = arith.addi %add3A_46, %add3A_352 : i32
        %get3A_354 = arith.index_cast %add3A_353 : i32 to index
        %get3A_355 = arith.constant 112 : index
        %get3A_356 = tpu.vector_load %arg11[%get3A_354, %get3A_355] {strides = array<i32>} : memref<128x128xf32, #tpu.memory_space<vmem>>, vector<1x16xf32>,
        %get3A_357 = vector.shape_cast %get3A_356 : vector<1x16xf32> to vector<16xf32>
        %mul3A_358 = vector.broadcast %squeeze3A_260 : f32 to vector<16xf32>
        %mul3A_359 = arith.mulf %get3A_357, %mul3A_358 : vector<16xf32>
        %swap3A_360 = arith.index_cast %add3A_353 : i32 to index
        %swap3A_361 = arith.constant 112 : index
        %swap3A_362 = tpu.vector_load %arg11[%swap3A_360, %swap3A_361] {strides = array<i32>} : memref<128x128xf32, #tpu.memory_space<vmem>>, vector<1x16xf32>,
        %swap3A_363 = vector.shape_cast %swap3A_362 : vector<1x16xf32> to vector<16xf32>
        %swap3A_364 = vector.shape_cast %mul3A_359 : vector<16xf32> to vector<1x16xf32>
        tpu.vector_store %arg11[%swap3A_360, %swap3A_361], %swap3A_364 {strides = array<i32>} : memref<128x128xf32, #tpu.memory_space<vmem>>, vector<1x16xf32>,
        %slice3A_365 = vector.extract_strided_slice %get3A_49 {offsets = [3], sizes = [1], strides = [1]} : vector<16xf32> to vector<1xf32>
        %squeeze3A_366 = vector.extract %slice3A_365[0] : f32 from vector<1xf32>
        %add3A_367 = arith.constant 3 : i32
        %add3A_368 = arith.addi %add3A_46, %add3A_367 : i32
        %get3A_369 = arith.index_cast %add3A_368 : i32 to index
        %get3A_370 = arith.constant 0 : index
        %get3A_371 = tpu.vector_load %arg11[%get3A_369, %get3A_370] {strides = array<i32>} : memref<128x128xf32, #tpu.memory_space<vmem>>, vector<1x16xf32>,
        %get3A_372 = vector.shape_cast %get3A_371 : vector<1x16xf32> to vector<16xf32>
        %mul3A_373 = vector.broadcast %squeeze3A_366 : f32 to vector<16xf32>
        %mul3A_374 = arith.mulf %get3A_372, %mul3A_373 : vector<16xf32>
        %swap3A_375 = arith.index_cast %add3A_368 : i32 to index
        %swap3A_376 = arith.constant 0 : index
        %swap3A_377 = tpu.vector_load %arg11[%swap3A_375, %swap3A_376] {strides = array<i32>} : memref<128x128xf32, #tpu.memory_space<vmem>>, vector<1x16xf32>,
        %swap3A_378 = vector.shape_cast %swap3A_377 : vector<1x16xf32> to vector<16xf32>
        %swap3A_379 = vector.shape_cast %mul3A_374 : vector<16xf32> to vector<1x16xf32>
        tpu.vector_store %arg11[%swap3A_375, %swap3A_376], %swap3A_379 {strides = array<i32>} : memref<128x128xf32, #tpu.memory_space<vmem>>, vector<1x16xf32>,
        %add3A_380 = arith.constant 3 : i32
        %add3A_381 = arith.addi %add3A_46, %add3A_380 : i32
        %get3A_382 = arith.index_cast %add3A_381 : i32 to index
        %get3A_383 = arith.constant 16 : index
        %get3A_384 = tpu.vector_load %arg11[%get3A_382, %get3A_383] {strides = array<i32>} : memref<128x128xf32, #tpu.memory_space<vmem>>, vector<1x16xf32>,
        %get3A_385 = vector.shape_cast %get3A_384 : vector<1x16xf32> to vector<16xf32>
        %mul3A_386 = vector.broadcast %squeeze3A_366 : f32 to vector<16xf32>
        %mul3A_387 = arith.mulf %get3A_385, %mul3A_386 : vector<16xf32>
        %swap3A_388 = arith.index_cast %add3A_381 : i32 to index
        %swap3A_389 = arith.constant 16 : index
        %swap3A_390 = tpu.vector_load %arg11[%swap3A_388, %swap3A_389] {strides = array<i32>} : memref<128x128xf32, #tpu.memory_space<vmem>>, vector<1x16xf32>,
        %swap3A_391 = vector.shape_cast %swap3A_390 : vector<1x16xf32> to vector<16xf32>
        %swap3A_392 = vector.shape_cast %mul3A_387 : vector<16xf32> to vector<1x16xf32>
        tpu.vector_store %arg11[%swap3A_388, %swap3A_389], %swap3A_392 {strides = array<i32>} : memref<128x128xf32, #tpu.memory_space<vmem>>, vector<1x16xf32>,
        %add3A_393 = arith.constant 3 : i32
        %add3A_394 = arith.addi %add3A_46, %add3A_393 : i32
        %get3A_395 = arith.index_cast %add3A_394 : i32 to index
        %get3A_396 = arith.constant 32 : index
        %get3A_397 = tpu.vector_load %arg11[%get3A_395, %get3A_396] {strides = array<i32>} : memref<128x128xf32, #tpu.memory_space<vmem>>, vector<1x16xf32>,
        %get3A_398 = vector.shape_cast %get3A_397 : vector<1x16xf32> to vector<16xf32>
        %mul3A_399 = vector.broadcast %squeeze3A_366 : f32 to vector<16xf32>
        %mul3A_400 = arith.mulf %get3A_398, %mul3A_399 : vector<16xf32>
        %swap3A_401 = arith.index_cast %add3A_394 : i32 to index
        %swap3A_402 = arith.constant 32 : index
        %swap3A_403 = tpu.vector_load %arg11[%swap3A_401, %swap3A_402] {strides = array<i32>} : memref<128x128xf32, #tpu.memory_space<vmem>>, vector<1x16xf32>,
        %swap3A_404 = vector.shape_cast %swap3A_403 : vector<1x16xf32> to vector<16xf32>
        %swap3A_405 = vector.shape_cast %mul3A_400 : vector<16xf32> to vector<1x16xf32>
        tpu.vector_store %arg11[%swap3A_401, %swap3A_402], %swap3A_405 {strides = array<i32>} : memref<128x128xf32, #tpu.memory_space<vmem>>, vector<1x16xf32>,
        %add3A_406 = arith.constant 3 : i32
        %add3A_407 = arith.addi %add3A_46, %add3A_406 : i32
        %get3A_408 = arith.index_cast %add3A_407 : i32 to index
        %get3A_409 = arith.constant 48 : index
        %get3A_410 = tpu.vector_load %arg11[%get3A_408, %get3A_409] {strides = array<i32>} : memref<128x128xf32, #tpu.memory_space<vmem>>, vector<1x16xf32>,
        %get3A_411 = vector.shape_cast %get3A_410 : vector<1x16xf32> to vector<16xf32>
        %mul3A_412 = vector.broadcast %squeeze3A_366 : f32 to vector<16xf32>
        %mul3A_413 = arith.mulf %get3A_411, %mul3A_412 : vector<16xf32>
        %swap3A_414 = arith.index_cast %add3A_407 : i32 to index
        %swap3A_415 = arith.constant 48 : index
        %swap3A_416 = tpu.vector_load %arg11[%swap3A_414, %swap3A_415] {strides = array<i32>} : memref<128x128xf32, #tpu.memory_space<vmem>>, vector<1x16xf32>,
        %swap3A_417 = vector.shape_cast %swap3A_416 : vector<1x16xf32> to vector<16xf32>
        %swap3A_418 = vector.shape_cast %mul3A_413 : vector<16xf32> to vector<1x16xf32>
        tpu.vector_store %arg11[%swap3A_414, %swap3A_415], %swap3A_418 {strides = array<i32>} : memref<128x128xf32, #tpu.memory_space<vmem>>, vector<1x16xf32>,
        %add3A_419 = arith.constant 3 : i32
        %add3A_420 = arith.addi %add3A_46, %add3A_419 : i32
        %get3A_421 = arith.index_cast %add3A_420 : i32 to index
        %get3A_422 = arith.constant 64 : index
        %get3A_423 = tpu.vector_load %arg11[%get3A_421, %get3A_422] {strides = array<i32>} : memref<128x128xf32, #tpu.memory_space<vmem>>, vector<1x16xf32>,
        %get3A_424 = vector.shape_cast %get3A_423 : vector<1x16xf32> to vector<16xf32>
        %mul3A_425 = vector.broadcast %squeeze3A_366 : f32 to vector<16xf32>
        %mul3A_426 = arith.mulf %get3A_424, %mul3A_425 : vector<16xf32>
        %swap3A_427 = arith.index_cast %add3A_420 : i32 to index
        %swap3A_428 = arith.constant 64 : index
        %swap3A_429 = tpu.vector_load %arg11[%swap3A_427, %swap3A_428] {strides = array<i32>} : memref<128x128xf32, #tpu.memory_space<vmem>>, vector<1x16xf32>,
        %swap3A_430 = vector.shape_cast %swap3A_429 : vector<1x16xf32> to vector<16xf32>
        %swap3A_431 = vector.shape_cast %mul3A_426 : vector<16xf32> to vector<1x16xf32>
        tpu.vector_store %arg11[%swap3A_427, %swap3A_428], %swap3A_431 {strides = array<i32>} : memref<128x128xf32, #tpu.memory_space<vmem>>, vector<1x16xf32>,
        %add3A_432 = arith.constant 3 : i32
        %add3A_433 = arith.addi %add3A_46, %add3A_432 : i32
        %get3A_434 = arith.index_cast %add3A_433 : i32 to index
        %get3A_435 = arith.constant 80 : index
        %get3A_436 = tpu.vector_load %arg11[%get3A_434, %get3A_435] {strides = array<i32>} : memref<128x128xf32, #tpu.memory_space<vmem>>, vector<1x16xf32>,
        %get3A_437 = vector.shape_cast %get3A_436 : vector<1x16xf32> to vector<16xf32>
        %mul3A_438 = vector.broadcast %squeeze3A_366 : f32 to vector<16xf32>
        %mul3A_439 = arith.mulf %get3A_437, %mul3A_438 : vector<16xf32>
        %swap3A_440 = arith.index_cast %add3A_433 : i32 to index
        %swap3A_441 = arith.constant 80 : index
        %swap3A_442 = tpu.vector_load %arg11[%swap3A_440, %swap3A_441] {strides = array<i32>} : memref<128x128xf32, #tpu.memory_space<vmem>>, vector<1x16xf32>,
        %swap3A_443 = vector.shape_cast %swap3A_442 : vector<1x16xf32> to vector<16xf32>
        %swap3A_444 = vector.shape_cast %mul3A_439 : vector<16xf32> to vector<1x16xf32>
        tpu.vector_store %arg11[%swap3A_440, %swap3A_441], %swap3A_444 {strides = array<i32>} : memref<128x128xf32, #tpu.memory_space<vmem>>, vector<1x16xf32>,
        %add3A_445 = arith.constant 3 : i32
        %add3A_446 = arith.addi %add3A_46, %add3A_445 : i32
        %get3A_447 = arith.index_cast %add3A_446 : i32 to index
        %get3A_448 = arith.constant 96 : index
        %get3A_449 = tpu.vector_load %arg11[%get3A_447, %get3A_448] {strides = array<i32>} : memref<128x128xf32, #tpu.memory_space<vmem>>, vector<1x16xf32>,
        %get3A_450 = vector.shape_cast %get3A_449 : vector<1x16xf32> to vector<16xf32>
        %mul3A_451 = vector.broadcast %squeeze3A_366 : f32 to vector<16xf32>
        %mul3A_452 = arith.mulf %get3A_450, %mul3A_451 : vector<16xf32>
        %swap3A_453 = arith.index_cast %add3A_446 : i32 to index
        %swap3A_454 = arith.constant 96 : index
        %swap3A_455 = tpu.vector_load %arg11[%swap3A_453, %swap3A_454] {strides = array<i32>} : memref<128x128xf32, #tpu.memory_space<vmem>>, vector<1x16xf32>,
        %swap3A_456 = vector.shape_cast %swap3A_455 : vector<1x16xf32> to vector<16xf32>
        %swap3A_457 = vector.shape_cast %mul3A_452 : vector<16xf32> to vector<1x16xf32>
        tpu.vector_store %arg11[%swap3A_453, %swap3A_454], %swap3A_457 {strides = array<i32>} : memref<128x128xf32, #tpu.memory_space<vmem>>, vector<1x16xf32>,
        %add3A_458 = arith.constant 3 : i32
        %add3A_459 = arith.addi %add3A_46, %add3A_458 : i32
        %get3A_460 = arith.index_cast %add3A_459 : i32 to index
        %get3A_461 = arith.constant 112 : index
        %get3A_462 = tpu.vector_load %arg11[%get3A_460, %get3A_461] {strides = array<i32>} : memref<128x128xf32, #tpu.memory_space<vmem>>, vector<1x16xf32>,
        %get3A_463 = vector.shape_cast %get3A_462 : vector<1x16xf32> to vector<16xf32>
        %mul3A_464 = vector.broadcast %squeeze3A_366 : f32 to vector<16xf32>
        %mul3A_465 = arith.mulf %get3A_463, %mul3A_464 : vector<16xf32>
        %swap3A_466 = arith.index_cast %add3A_459 : i32 to index
        %swap3A_467 = arith.constant 112 : index
        %swap3A_468 = tpu.vector_load %arg11[%swap3A_466, %swap3A_467] {strides = array<i32>} : memref<128x128xf32, #tpu.memory_space<vmem>>, vector<1x16xf32>,
        %swap3A_469 = vector.shape_cast %swap3A_468 : vector<1x16xf32> to vector<16xf32>
        %swap3A_470 = vector.shape_cast %mul3A_465 : vector<16xf32> to vector<1x16xf32>
        tpu.vector_store %arg11[%swap3A_466, %swap3A_467], %swap3A_470 {strides = array<i32>} : memref<128x128xf32, #tpu.memory_space<vmem>>, vector<1x16xf32>,
        %slice3A_471 = vector.extract_strided_slice %get3A_49 {offsets = [4], sizes = [1], strides = [1]} : vector<16xf32> to vector<1xf32>
        %squeeze3A_472 = vector.extract %slice3A_471[0] : f32 from vector<1xf32>
        %add3A_473 = arith.constant 4 : i32
        %add3A_474 = arith.addi %add3A_46, %add3A_473 : i32
        %get3A_475 = arith.index_cast %add3A_474 : i32 to index
        %get3A_476 = arith.constant 0 : index
        %get3A_477 = tpu.vector_load %arg11[%get3A_475, %get3A_476] {strides = array<i32>} : memref<128x128xf32, #tpu.memory_space<vmem>>, vector<1x16xf32>,
        %get3A_478 = vector.shape_cast %get3A_477 : vector<1x16xf32> to vector<16xf32>
        %mul3A_479 = vector.broadcast %squeeze3A_472 : f32 to vector<16xf32>
        %mul3A_480 = arith.mulf %get3A_478, %mul3A_479 : vector<16xf32>
        %swap3A_481 = arith.index_cast %add3A_474 : i32 to index
        %swap3A_482 = arith.constant 0 : index
        %swap3A_483 = tpu.vector_load %arg11[%swap3A_481, %swap3A_482] {strides = array<i32>} : memref<128x128xf32, #tpu.memory_space<vmem>>, vector<1x16xf32>,
        %swap3A_484 = vector.shape_cast %swap3A_483 : vector<1x16xf32> to vector<16xf32>
        %swap3A_485 = vector.shape_cast %mul3A_480 : vector<16xf32> to vector<1x16xf32>
        tpu.vector_store %arg11[%swap3A_481, %swap3A_482], %swap3A_485 {strides = array<i32>} : memref<128x128xf32, #tpu.memory_space<vmem>>, vector<1x16xf32>,
        %add3A_486 = arith.constant 4 : i32
        %add3A_487 = arith.addi %add3A_46, %add3A_486 : i32
        %get3A_488 = arith.index_cast %add3A_487 : i32 to index
        %get3A_489 = arith.constant 16 : index
        %get3A_490 = tpu.vector_load %arg11[%get3A_488, %get3A_489] {strides = array<i32>} : memref<128x128xf32, #tpu.memory_space<vmem>>, vector<1x16xf32>,
        %get3A_491 = vector.shape_cast %get3A_490 : vector<1x16xf32> to vector<16xf32>
        %mul3A_492 = vector.broadcast %squeeze3A_472 : f32 to vector<16xf32>
        %mul3A_493 = arith.mulf %get3A_491, %mul3A_492 : vector<16xf32>
        %swap3A_494 = arith.index_cast %add3A_487 : i32 to index
        %swap3A_495 = arith.constant 16 : index
        %swap3A_496 = tpu.vector_load %arg11[%swap3A_494, %swap3A_495] {strides = array<i32>} : memref<128x128xf32, #tpu.memory_space<vmem>>, vector<1x16xf32>,
        %swap3A_497 = vector.shape_cast %swap3A_496 : vector<1x16xf32> to vector<16xf32>
        %swap3A_498 = vector.shape_cast %mul3A_493 : vector<16xf32> to vector<1x16xf32>
        tpu.vector_store %arg11[%swap3A_494, %swap3A_495], %swap3A_498 {strides = array<i32>} : memref<128x128xf32, #tpu.memory_space<vmem>>, vector<1x16xf32>,
        %add3A_499 = arith.constant 4 : i32
        %add3A_500 = arith.addi %add3A_46, %add3A_499 : i32
        %get3A_501 = arith.index_cast %add3A_500 : i32 to index
        %get3A_502 = arith.constant 32 : index
        %get3A_503 = tpu.vector_load %arg11[%get3A_501, %get3A_502] {strides = array<i32>} : memref<128x128xf32, #tpu.memory_space<vmem>>, vector<1x16xf32>,
        %get3A_504 = vector.shape_cast %get3A_503 : vector<1x16xf32> to vector<16xf32>
        %mul3A_505 = vector.broadcast %squeeze3A_472 : f32 to vector<16xf32>
        %mul3A_506 = arith.mulf %get3A_504, %mul3A_505 : vector<16xf32>
        %swap3A_507 = arith.index_cast %add3A_500 : i32 to index
        %swap3A_508 = arith.constant 32 : index
        %swap3A_509 = tpu.vector_load %arg11[%swap3A_507, %swap3A_508] {strides = array<i32>} : memref<128x128xf32, #tpu.memory_space<vmem>>, vector<1x16xf32>,
        %swap3A_510 = vector.shape_cast %swap3A_509 : vector<1x16xf32> to vector<16xf32>
        %swap3A_511 = vector.shape_cast %mul3A_506 : vector<16xf32> to vector<1x16xf32>
        tpu.vector_store %arg11[%swap3A_507, %swap3A_508], %swap3A_511 {strides = array<i32>} : memref<128x128xf32, #tpu.memory_space<vmem>>, vector<1x16xf32>,
        %add3A_512 = arith.constant 4 : i32
        %add3A_513 = arith.addi %add3A_46, %add3A_512 : i32
        %get3A_514 = arith.index_cast %add3A_513 : i32 to index
        %get3A_515 = arith.constant 48 : index
        %get3A_516 = tpu.vector_load %arg11[%get3A_514, %get3A_515] {strides = array<i32>} : memref<128x128xf32, #tpu.memory_space<vmem>>, vector<1x16xf32>,
        %get3A_517 = vector.shape_cast %get3A_516 : vector<1x16xf32> to vector<16xf32>
        %mul3A_518 = vector.broadcast %squeeze3A_472 : f32 to vector<16xf32>
        %mul3A_519 = arith.mulf %get3A_517, %mul3A_518 : vector<16xf32>
        %swap3A_520 = arith.index_cast %add3A_513 : i32 to index
        %swap3A_521 = arith.constant 48 : index
        %swap3A_522 = tpu.vector_load %arg11[%swap3A_520, %swap3A_521] {strides = array<i32>} : memref<128x128xf32, #tpu.memory_space<vmem>>, vector<1x16xf32>,
        %swap3A_523 = vector.shape_cast %swap3A_522 : vector<1x16xf32> to vector<16xf32>
        %swap3A_524 = vector.shape_cast %mul3A_519 : vector<16xf32> to vector<1x16xf32>
        tpu.vector_store %arg11[%swap3A_520, %swap3A_521], %swap3A_524 {strides = array<i32>} : memref<128x128xf32, #tpu.memory_space<vmem>>, vector<1x16xf32>,
        %add3A_525 = arith.constant 4 : i32
        %add3A_526 = arith.addi %add3A_46, %add3A_525 : i32
        %get3A_527 = arith.index_cast %add3A_526 : i32 to index
        %get3A_528 = arith.constant 64 : index
        %get3A_529 = tpu.vector_load %arg11[%get3A_527, %get3A_528] {strides = array<i32>} : memref<128x128xf32, #tpu.memory_space<vmem>>, vector<1x16xf32>,
        %get3A_530 = vector.shape_cast %get3A_529 : vector<1x16xf32> to vector<16xf32>
        %mul3A_531 = vector.broadcast %squeeze3A_472 : f32 to vector<16xf32>
        %mul3A_532 = arith.mulf %get3A_530, %mul3A_531 : vector<16xf32>
        %swap3A_533 = arith.index_cast %add3A_526 : i32 to index
        %swap3A_534 = arith.constant 64 : index
        %swap3A_535 = tpu.vector_load %arg11[%swap3A_533, %swap3A_534] {strides = array<i32>} : memref<128x128xf32, #tpu.memory_space<vmem>>, vector<1x16xf32>,
        %swap3A_536 = vector.shape_cast %swap3A_535 : vector<1x16xf32> to vector<16xf32>
        %swap3A_537 = vector.shape_cast %mul3A_532 : vector<16xf32> to vector<1x16xf32>
        tpu.vector_store %arg11[%swap3A_533, %swap3A_534], %swap3A_537 {strides = array<i32>} : memref<128x128xf32, #tpu.memory_space<vmem>>, vector<1x16xf32>,
        %add3A_538 = arith.constant 4 : i32
        %add3A_539 = arith.addi %add3A_46, %add3A_538 : i32
        %get3A_540 = arith.index_cast %add3A_539 : i32 to index
        %get3A_541 = arith.constant 80 : index
        %get3A_542 = tpu.vector_load %arg11[%get3A_540, %get3A_541] {strides = array<i32>} : memref<128x128xf32, #tpu.memory_space<vmem>>, vector<1x16xf32>,
        %get3A_543 = vector.shape_cast %get3A_542 : vector<1x16xf32> to vector<16xf32>
        %mul3A_544 = vector.broadcast %squeeze3A_472 : f32 to vector<16xf32>
        %mul3A_545 = arith.mulf %get3A_543, %mul3A_544 : vector<16xf32>
        %swap3A_546 = arith.index_cast %add3A_539 : i32 to index
        %swap3A_547 = arith.constant 80 : index
        %swap3A_548 = tpu.vector_load %arg11[%swap3A_546, %swap3A_547] {strides = array<i32>} : memref<128x128xf32, #tpu.memory_space<vmem>>, vector<1x16xf32>,
        %swap3A_549 = vector.shape_cast %swap3A_548 : vector<1x16xf32> to vector<16xf32>
        %swap3A_550 = vector.shape_cast %mul3A_545 : vector<16xf32> to vector<1x16xf32>
        tpu.vector_store %arg11[%swap3A_546, %swap3A_547], %swap3A_550 {strides = array<i32>} : memref<128x128xf32, #tpu.memory_space<vmem>>, vector<1x16xf32>,
        %add3A_551 = arith.constant 4 : i32
        %add3A_552 = arith.addi %add3A_46, %add3A_551 : i32
        %get3A_553 = arith.index_cast %add3A_552 : i32 to index
        %get3A_554 = arith.constant 96 : index
        %get3A_555 = tpu.vector_load %arg11[%get3A_553, %get3A_554] {strides = array<i32>} : memref<128x128xf32, #tpu.memory_space<vmem>>, vector<1x16xf32>,
        %get3A_556 = vector.shape_cast %get3A_555 : vector<1x16xf32> to vector<16xf32>
        %mul3A_557 = vector.broadcast %squeeze3A_472 : f32 to vector<16xf32>
        %mul3A_558 = arith.mulf %get3A_556, %mul3A_557 : vector<16xf32>
        %swap3A_559 = arith.index_cast %add3A_552 : i32 to index
        %swap3A_560 = arith.constant 96 : index
        %swap3A_561 = tpu.vector_load %arg11[%swap3A_559, %swap3A_560] {strides = array<i32>} : memref<128x128xf32, #tpu.memory_space<vmem>>, vector<1x16xf32>,
        %swap3A_562 = vector.shape_cast %swap3A_561 : vector<1x16xf32> to vector<16xf32>
        %swap3A_563 = vector.shape_cast %mul3A_558 : vector<16xf32> to vector<1x16xf32>
        tpu.vector_store %arg11[%swap3A_559, %swap3A_560], %swap3A_563 {strides = array<i32>} : memref<128x128xf32, #tpu.memory_space<vmem>>, vector<1x16xf32>,
        %add3A_564 = arith.constant 4 : i32
        %add3A_565 = arith.addi %add3A_46, %add3A_564 : i32
        %get3A_566 = arith.index_cast %add3A_565 : i32 to index
        %get3A_567 = arith.constant 112 : index
        %get3A_568 = tpu.vector_load %arg11[%get3A_566, %get3A_567] {strides = array<i32>} : memref<128x128xf32, #tpu.memory_space<vmem>>, vector<1x16xf32>,
        %get3A_569 = vector.shape_cast %get3A_568 : vector<1x16xf32> to vector<16xf32>
        %mul3A_570 = vector.broadcast %squeeze3A_472 : f32 to vector<16xf32>
        %mul3A_571 = arith.mulf %get3A_569, %mul3A_570 : vector<16xf32>
        %swap3A_572 = arith.index_cast %add3A_565 : i32 to index
        %swap3A_573 = arith.constant 112 : index
        %swap3A_574 = tpu.vector_load %arg11[%swap3A_572, %swap3A_573] {strides = array<i32>} : memref<128x128xf32, #tpu.memory_space<vmem>>, vector<1x16xf32>,
        %swap3A_575 = vector.shape_cast %swap3A_574 : vector<1x16xf32> to vector<16xf32>
        %swap3A_576 = vector.shape_cast %mul3A_571 : vector<16xf32> to vector<1x16xf32>
        tpu.vector_store %arg11[%swap3A_572, %swap3A_573], %swap3A_576 {strides = array<i32>} : memref<128x128xf32, #tpu.memory_space<vmem>>, vector<1x16xf32>,
        %slice3A_577 = vector.extract_strided_slice %get3A_49 {offsets = [5], sizes = [1], strides = [1]} : vector<16xf32> to vector<1xf32>
        %squeeze3A_578 = vector.extract %slice3A_577[0] : f32 from vector<1xf32>
        %add3A_579 = arith.constant 5 : i32
        %add3A_580 = arith.addi %add3A_46, %add3A_579 : i32
        %get3A_581 = arith.index_cast %add3A_580 : i32 to index
        %get3A_582 = arith.constant 0 : index
        %get3A_583 = tpu.vector_load %arg11[%get3A_581, %get3A_582] {strides = array<i32>} : memref<128x128xf32, #tpu.memory_space<vmem>>, vector<1x16xf32>,
        %get3A_584 = vector.shape_cast %get3A_583 : vector<1x16xf32> to vector<16xf32>
        %mul3A_585 = vector.broadcast %squeeze3A_578 : f32 to vector<16xf32>
        %mul3A_586 = arith.mulf %get3A_584, %mul3A_585 : vector<16xf32>
        %swap3A_587 = arith.index_cast %add3A_580 : i32 to index
        %swap3A_588 = arith.constant 0 : index
        %swap3A_589 = tpu.vector_load %arg11[%swap3A_587, %swap3A_588] {strides = array<i32>} : memref<128x128xf32, #tpu.memory_space<vmem>>, vector<1x16xf32>,
        %swap3A_590 = vector.shape_cast %swap3A_589 : vector<1x16xf32> to vector<16xf32>
        %swap3A_591 = vector.shape_cast %mul3A_586 : vector<16xf32> to vector<1x16xf32>
        tpu.vector_store %arg11[%swap3A_587, %swap3A_588], %swap3A_591 {strides = array<i32>} : memref<128x128xf32, #tpu.memory_space<vmem>>, vector<1x16xf32>,
        %add3A_592 = arith.constant 5 : i32
        %add3A_593 = arith.addi %add3A_46, %add3A_592 : i32
        %get3A_594 = arith.index_cast %add3A_593 : i32 to index
        %get3A_595 = arith.constant 16 : index
        %get3A_596 = tpu.vector_load %arg11[%get3A_594, %get3A_595] {strides = array<i32>} : memref<128x128xf32, #tpu.memory_space<vmem>>, vector<1x16xf32>,
        %get3A_597 = vector.shape_cast %get3A_596 : vector<1x16xf32> to vector<16xf32>
        %mul3A_598 = vector.broadcast %squeeze3A_578 : f32 to vector<16xf32>
        %mul3A_599 = arith.mulf %get3A_597, %mul3A_598 : vector<16xf32>
        %swap3A_600 = arith.index_cast %add3A_593 : i32 to index
        %swap3A_601 = arith.constant 16 : index
        %swap3A_602 = tpu.vector_load %arg11[%swap3A_600, %swap3A_601] {strides = array<i32>} : memref<128x128xf32, #tpu.memory_space<vmem>>, vector<1x16xf32>,
        %swap3A_603 = vector.shape_cast %swap3A_602 : vector<1x16xf32> to vector<16xf32>
        %swap3A_604 = vector.shape_cast %mul3A_599 : vector<16xf32> to vector<1x16xf32>
        tpu.vector_store %arg11[%swap3A_600, %swap3A_601], %swap3A_604 {strides = array<i32>} : memref<128x128xf32, #tpu.memory_space<vmem>>, vector<1x16xf32>,
        %add3A_605 = arith.constant 5 : i32
        %add3A_606 = arith.addi %add3A_46, %add3A_605 : i32
        %get3A_607 = arith.index_cast %add3A_606 : i32 to index
        %get3A_608 = arith.constant 32 : index
        %get3A_609 = tpu.vector_load %arg11[%get3A_607, %get3A_608] {strides = array<i32>} : memref<128x128xf32, #tpu.memory_space<vmem>>, vector<1x16xf32>,
        %get3A_610 = vector.shape_cast %get3A_609 : vector<1x16xf32> to vector<16xf32>
        %mul3A_611 = vector.broadcast %squeeze3A_578 : f32 to vector<16xf32>
        %mul3A_612 = arith.mulf %get3A_610, %mul3A_611 : vector<16xf32>
        %swap3A_613 = arith.index_cast %add3A_606 : i32 to index
        %swap3A_614 = arith.constant 32 : index
        %swap3A_615 = tpu.vector_load %arg11[%swap3A_613, %swap3A_614] {strides = array<i32>} : memref<128x128xf32, #tpu.memory_space<vmem>>, vector<1x16xf32>,
        %swap3A_616 = vector.shape_cast %swap3A_615 : vector<1x16xf32> to vector<16xf32>
        %swap3A_617 = vector.shape_cast %mul3A_612 : vector<16xf32> to vector<1x16xf32>
        tpu.vector_store %arg11[%swap3A_613, %swap3A_614], %swap3A_617 {strides = array<i32>} : memref<128x128xf32, #tpu.memory_space<vmem>>, vector<1x16xf32>,
        %add3A_618 = arith.constant 5 : i32
        %add3A_619 = arith.addi %add3A_46, %add3A_618 : i32
        %get3A_620 = arith.index_cast %add3A_619 : i32 to index
        %get3A_621 = arith.constant 48 : index
        %get3A_622 = tpu.vector_load %arg11[%get3A_620, %get3A_621] {strides = array<i32>} : memref<128x128xf32, #tpu.memory_space<vmem>>, vector<1x16xf32>,
        %get3A_623 = vector.shape_cast %get3A_622 : vector<1x16xf32> to vector<16xf32>
        %mul3A_624 = vector.broadcast %squeeze3A_578 : f32 to vector<16xf32>
        %mul3A_625 = arith.mulf %get3A_623, %mul3A_624 : vector<16xf32>
        %swap3A_626 = arith.index_cast %add3A_619 : i32 to index
        %swap3A_627 = arith.constant 48 : index
        %swap3A_628 = tpu.vector_load %arg11[%swap3A_626, %swap3A_627] {strides = array<i32>} : memref<128x128xf32, #tpu.memory_space<vmem>>, vector<1x16xf32>,
        %swap3A_629 = vector.shape_cast %swap3A_628 : vector<1x16xf32> to vector<16xf32>
        %swap3A_630 = vector.shape_cast %mul3A_625 : vector<16xf32> to vector<1x16xf32>
        tpu.vector_store %arg11[%swap3A_626, %swap3A_627], %swap3A_630 {strides = array<i32>} : memref<128x128xf32, #tpu.memory_space<vmem>>, vector<1x16xf32>,
        %add3A_631 = arith.constant 5 : i32
        %add3A_632 = arith.addi %add3A_46, %add3A_631 : i32
        %get3A_633 = arith.index_cast %add3A_632 : i32 to index
        %get3A_634 = arith.constant 64 : index
        %get3A_635 = tpu.vector_load %arg11[%get3A_633, %get3A_634] {strides = array<i32>} : memref<128x128xf32, #tpu.memory_space<vmem>>, vector<1x16xf32>,
        %get3A_636 = vector.shape_cast %get3A_635 : vector<1x16xf32> to vector<16xf32>
        %mul3A_637 = vector.broadcast %squeeze3A_578 : f32 to vector<16xf32>
        %mul3A_638 = arith.mulf %get3A_636, %mul3A_637 : vector<16xf32>
        %swap3A_639 = arith.index_cast %add3A_632 : i32 to index
        %swap3A_640 = arith.constant 64 : index
        %swap3A_641 = tpu.vector_load %arg11[%swap3A_639, %swap3A_640] {strides = array<i32>} : memref<128x128xf32, #tpu.memory_space<vmem>>, vector<1x16xf32>,
        %swap3A_642 = vector.shape_cast %swap3A_641 : vector<1x16xf32> to vector<16xf32>
        %swap3A_643 = vector.shape_cast %mul3A_638 : vector<16xf32> to vector<1x16xf32>
        tpu.vector_store %arg11[%swap3A_639, %swap3A_640], %swap3A_643 {strides = array<i32>} : memref<128x128xf32, #tpu.memory_space<vmem>>, vector<1x16xf32>,
        %add3A_644 = arith.constant 5 : i32
        %add3A_645 = arith.addi %add3A_46, %add3A_644 : i32
        %get3A_646 = arith.index_cast %add3A_645 : i32 to index
        %get3A_647 = arith.constant 80 : index
        %get3A_648 = tpu.vector_load %arg11[%get3A_646, %get3A_647] {strides = array<i32>} : memref<128x128xf32, #tpu.memory_space<vmem>>, vector<1x16xf32>,
        %get3A_649 = vector.shape_cast %get3A_648 : vector<1x16xf32> to vector<16xf32>
        %mul3A_650 = vector.broadcast %squeeze3A_578 : f32 to vector<16xf32>
        %mul3A_651 = arith.mulf %get3A_649, %mul3A_650 : vector<16xf32>
        %swap3A_652 = arith.index_cast %add3A_645 : i32 to index
        %swap3A_653 = arith.constant 80 : index
        %swap3A_654 = tpu.vector_load %arg11[%swap3A_652, %swap3A_653] {strides = array<i32>} : memref<128x128xf32, #tpu.memory_space<vmem>>, vector<1x16xf32>,
        %swap3A_655 = vector.shape_cast %swap3A_654 : vector<1x16xf32> to vector<16xf32>
        %swap3A_656 = vector.shape_cast %mul3A_651 : vector<16xf32> to vector<1x16xf32>
        tpu.vector_store %arg11[%swap3A_652, %swap3A_653], %swap3A_656 {strides = array<i32>} : memref<128x128xf32, #tpu.memory_space<vmem>>, vector<1x16xf32>,
        %add3A_657 = arith.constant 5 : i32
        %add3A_658 = arith.addi %add3A_46, %add3A_657 : i32
        %get3A_659 = arith.index_cast %add3A_658 : i32 to index
        %get3A_660 = arith.constant 96 : index
        %get3A_661 = tpu.vector_load %arg11[%get3A_659, %get3A_660] {strides = array<i32>} : memref<128x128xf32, #tpu.memory_space<vmem>>, vector<1x16xf32>,
        %get3A_662 = vector.shape_cast %get3A_661 : vector<1x16xf32> to vector<16xf32>
        %mul3A_663 = vector.broadcast %squeeze3A_578 : f32 to vector<16xf32>
        %mul3A_664 = arith.mulf %get3A_662, %mul3A_663 : vector<16xf32>
        %swap3A_665 = arith.index_cast %add3A_658 : i32 to index
        %swap3A_666 = arith.constant 96 : index
        %swap3A_667 = tpu.vector_load %arg11[%swap3A_665, %swap3A_666] {strides = array<i32>} : memref<128x128xf32, #tpu.memory_space<vmem>>, vector<1x16xf32>,
        %swap3A_668 = vector.shape_cast %swap3A_667 : vector<1x16xf32> to vector<16xf32>
        %swap3A_669 = vector.shape_cast %mul3A_664 : vector<16xf32> to vector<1x16xf32>
        tpu.vector_store %arg11[%swap3A_665, %swap3A_666], %swap3A_669 {strides = array<i32>} : memref<128x128xf32, #tpu.memory_space<vmem>>, vector<1x16xf32>,
        %add3A_670 = arith.constant 5 : i32
        %add3A_671 = arith.addi %add3A_46, %add3A_670 : i32
        %get3A_672 = arith.index_cast %add3A_671 : i32 to index
        %get3A_673 = arith.constant 112 : index
        %get3A_674 = tpu.vector_load %arg11[%get3A_672, %get3A_673] {strides = array<i32>} : memref<128x128xf32, #tpu.memory_space<vmem>>, vector<1x16xf32>,
        %get3A_675 = vector.shape_cast %get3A_674 : vector<1x16xf32> to vector<16xf32>
        %mul3A_676 = vector.broadcast %squeeze3A_578 : f32 to vector<16xf32>
        %mul3A_677 = arith.mulf %get3A_675, %mul3A_676 : vector<16xf32>
        %swap3A_678 = arith.index_cast %add3A_671 : i32 to index
        %swap3A_679 = arith.constant 112 : index
        %swap3A_680 = tpu.vector_load %arg11[%swap3A_678, %swap3A_679] {strides = array<i32>} : memref<128x128xf32, #tpu.memory_space<vmem>>, vector<1x16xf32>,
        %swap3A_681 = vector.shape_cast %swap3A_680 : vector<1x16xf32> to vector<16xf32>
        %swap3A_682 = vector.shape_cast %mul3A_677 : vector<16xf32> to vector<1x16xf32>
        tpu.vector_store %arg11[%swap3A_678, %swap3A_679], %swap3A_682 {strides = array<i32>} : memref<128x128xf32, #tpu.memory_space<vmem>>, vector<1x16xf32>,
        %slice3A_683 = vector.extract_strided_slice %get3A_49 {offsets = [6], sizes = [1], strides = [1]} : vector<16xf32> to vector<1xf32>
        %squeeze3A_684 = vector.extract %slice3A_683[0] : f32 from vector<1xf32>
        %add3A_685 = arith.constant 6 : i32
        %add3A_686 = arith.addi %add3A_46, %add3A_685 : i32
        %get3A_687 = arith.index_cast %add3A_686 : i32 to index
        %get3A_688 = arith.constant 0 : index
        %get3A_689 = tpu.vector_load %arg11[%get3A_687, %get3A_688] {strides = array<i32>} : memref<128x128xf32, #tpu.memory_space<vmem>>, vector<1x16xf32>,
        %get3A_690 = vector.shape_cast %get3A_689 : vector<1x16xf32> to vector<16xf32>
        %mul3A_691 = vector.broadcast %squeeze3A_684 : f32 to vector<16xf32>
        %mul3A_692 = arith.mulf %get3A_690, %mul3A_691 : vector<16xf32>
        %swap3A_693 = arith.index_cast %add3A_686 : i32 to index
        %swap3A_694 = arith.constant 0 : index
        %swap3A_695 = tpu.vector_load %arg11[%swap3A_693, %swap3A_694] {strides = array<i32>} : memref<128x128xf32, #tpu.memory_space<vmem>>, vector<1x16xf32>,
        %swap3A_696 = vector.shape_cast %swap3A_695 : vector<1x16xf32> to vector<16xf32>
        %swap3A_697 = vector.shape_cast %mul3A_692 : vector<16xf32> to vector<1x16xf32>
        tpu.vector_store %arg11[%swap3A_693, %swap3A_694], %swap3A_697 {strides = array<i32>} : memref<128x128xf32, #tpu.memory_space<vmem>>, vector<1x16xf32>,
        %add3A_698 = arith.constant 6 : i32
        %add3A_699 = arith.addi %add3A_46, %add3A_698 : i32
        %get3A_700 = arith.index_cast %add3A_699 : i32 to index
        %get3A_701 = arith.constant 16 : index
        %get3A_702 = tpu.vector_load %arg11[%get3A_700, %get3A_701] {strides = array<i32>} : memref<128x128xf32, #tpu.memory_space<vmem>>, vector<1x16xf32>,
        %get3A_703 = vector.shape_cast %get3A_702 : vector<1x16xf32> to vector<16xf32>
        %mul3A_704 = vector.broadcast %squeeze3A_684 : f32 to vector<16xf32>
        %mul3A_705 = arith.mulf %get3A_703, %mul3A_704 : vector<16xf32>
        %swap3A_706 = arith.index_cast %add3A_699 : i32 to index
        %swap3A_707 = arith.constant 16 : index
        %swap3A_708 = tpu.vector_load %arg11[%swap3A_706, %swap3A_707] {strides = array<i32>} : memref<128x128xf32, #tpu.memory_space<vmem>>, vector<1x16xf32>,
        %swap3A_709 = vector.shape_cast %swap3A_708 : vector<1x16xf32> to vector<16xf32>
        %swap3A_710 = vector.shape_cast %mul3A_705 : vector<16xf32> to vector<1x16xf32>
        tpu.vector_store %arg11[%swap3A_706, %swap3A_707], %swap3A_710 {strides = array<i32>} : memref<128x128xf32, #tpu.memory_space<vmem>>, vector<1x16xf32>,
        %add3A_711 = arith.constant 6 : i32
        %add3A_712 = arith.addi %add3A_46, %add3A_711 : i32
        %get3A_713 = arith.index_cast %add3A_712 : i32 to index
        %get3A_714 = arith.constant 32 : index
        %get3A_715 = tpu.vector_load %arg11[%get3A_713, %get3A_714] {strides = array<i32>} : memref<128x128xf32, #tpu.memory_space<vmem>>, vector<1x16xf32>,
        %get3A_716 = vector.shape_cast %get3A_715 : vector<1x16xf32> to vector<16xf32>
        %mul3A_717 = vector.broadcast %squeeze3A_684 : f32 to vector<16xf32>
        %mul3A_718 = arith.mulf %get3A_716, %mul3A_717 : vector<16xf32>
        %swap3A_719 = arith.index_cast %add3A_712 : i32 to index
        %swap3A_720 = arith.constant 32 : index
        %swap3A_721 = tpu.vector_load %arg11[%swap3A_719, %swap3A_720] {strides = array<i32>} : memref<128x128xf32, #tpu.memory_space<vmem>>, vector<1x16xf32>,
        %swap3A_722 = vector.shape_cast %swap3A_721 : vector<1x16xf32> to vector<16xf32>
        %swap3A_723 = vector.shape_cast %mul3A_718 : vector<16xf32> to vector<1x16xf32>
        tpu.vector_store %arg11[%swap3A_719, %swap3A_720], %swap3A_723 {strides = array<i32>} : memref<128x128xf32, #tpu.memory_space<vmem>>, vector<1x16xf32>,
        %add3A_724 = arith.constant 6 : i32
        %add3A_725 = arith.addi %add3A_46, %add3A_724 : i32
        %get3A_726 = arith.index_cast %add3A_725 : i32 to index
        %get3A_727 = arith.constant 48 : index
        %get3A_728 = tpu.vector_load %arg11[%get3A_726, %get3A_727] {strides = array<i32>} : memref<128x128xf32, #tpu.memory_space<vmem>>, vector<1x16xf32>,
        %get3A_729 = vector.shape_cast %get3A_728 : vector<1x16xf32> to vector<16xf32>
        %mul3A_730 = vector.broadcast %squeeze3A_684 : f32 to vector<16xf32>
        %mul3A_731 = arith.mulf %get3A_729, %mul3A_730 : vector<16xf32>
        %swap3A_732 = arith.index_cast %add3A_725 : i32 to index
        %swap3A_733 = arith.constant 48 : index
        %swap3A_734 = tpu.vector_load %arg11[%swap3A_732, %swap3A_733] {strides = array<i32>} : memref<128x128xf32, #tpu.memory_space<vmem>>, vector<1x16xf32>,
        %swap3A_735 = vector.shape_cast %swap3A_734 : vector<1x16xf32> to vector<16xf32>
        %swap3A_736 = vector.shape_cast %mul3A_731 : vector<16xf32> to vector<1x16xf32>
        tpu.vector_store %arg11[%swap3A_732, %swap3A_733], %swap3A_736 {strides = array<i32>} : memref<128x128xf32, #tpu.memory_space<vmem>>, vector<1x16xf32>,
        %add3A_737 = arith.constant 6 : i32
        %add3A_738 = arith.addi %add3A_46, %add3A_737 : i32
        %get3A_739 = arith.index_cast %add3A_738 : i32 to index
        %get3A_740 = arith.constant 64 : index
        %get3A_741 = tpu.vector_load %arg11[%get3A_739, %get3A_740] {strides = array<i32>} : memref<128x128xf32, #tpu.memory_space<vmem>>, vector<1x16xf32>,
        %get3A_742 = vector.shape_cast %get3A_741 : vector<1x16xf32> to vector<16xf32>
        %mul3A_743 = vector.broadcast %squeeze3A_684 : f32 to vector<16xf32>
        %mul3A_744 = arith.mulf %get3A_742, %mul3A_743 : vector<16xf32>
        %swap3A_745 = arith.index_cast %add3A_738 : i32 to index
        %swap3A_746 = arith.constant 64 : index
        %swap3A_747 = tpu.vector_load %arg11[%swap3A_745, %swap3A_746] {strides = array<i32>} : memref<128x128xf32, #tpu.memory_space<vmem>>, vector<1x16xf32>,
        %swap3A_748 = vector.shape_cast %swap3A_747 : vector<1x16xf32> to vector<16xf32>
        %swap3A_749 = vector.shape_cast %mul3A_744 : vector<16xf32> to vector<1x16xf32>
        tpu.vector_store %arg11[%swap3A_745, %swap3A_746], %swap3A_749 {strides = array<i32>} : memref<128x128xf32, #tpu.memory_space<vmem>>, vector<1x16xf32>,
        %add3A_750 = arith.constant 6 : i32
        %add3A_751 = arith.addi %add3A_46, %add3A_750 : i32
        %get3A_752 = arith.index_cast %add3A_751 : i32 to index
        %get3A_753 = arith.constant 80 : index
        %get3A_754 = tpu.vector_load %arg11[%get3A_752, %get3A_753] {strides = array<i32>} : memref<128x128xf32, #tpu.memory_space<vmem>>, vector<1x16xf32>,
        %get3A_755 = vector.shape_cast %get3A_754 : vector<1x16xf32> to vector<16xf32>
        %mul3A_756 = vector.broadcast %squeeze3A_684 : f32 to vector<16xf32>
        %mul3A_757 = arith.mulf %get3A_755, %mul3A_756 : vector<16xf32>
        %swap3A_758 = arith.index_cast %add3A_751 : i32 to index
        %swap3A_759 = arith.constant 80 : index
        %swap3A_760 = tpu.vector_load %arg11[%swap3A_758, %swap3A_759] {strides = array<i32>} : memref<128x128xf32, #tpu.memory_space<vmem>>, vector<1x16xf32>,
        %swap3A_761 = vector.shape_cast %swap3A_760 : vector<1x16xf32> to vector<16xf32>
        %swap3A_762 = vector.shape_cast %mul3A_757 : vector<16xf32> to vector<1x16xf32>
        tpu.vector_store %arg11[%swap3A_758, %swap3A_759], %swap3A_762 {strides = array<i32>} : memref<128x128xf32, #tpu.memory_space<vmem>>, vector<1x16xf32>,
        %add3A_763 = arith.constant 6 : i32
        %add3A_764 = arith.addi %add3A_46, %add3A_763 : i32
        %get3A_765 = arith.index_cast %add3A_764 : i32 to index
        %get3A_766 = arith.constant 96 : index
        %get3A_767 = tpu.vector_load %arg11[%get3A_765, %get3A_766] {strides = array<i32>} : memref<128x128xf32, #tpu.memory_space<vmem>>, vector<1x16xf32>,
        %get3A_768 = vector.shape_cast %get3A_767 : vector<1x16xf32> to vector<16xf32>
        %mul3A_769 = vector.broadcast %squeeze3A_684 : f32 to vector<16xf32>
        %mul3A_770 = arith.mulf %get3A_768, %mul3A_769 : vector<16xf32>
        %swap3A_771 = arith.index_cast %add3A_764 : i32 to index
        %swap3A_772 = arith.constant 96 : index
        %swap3A_773 = tpu.vector_load %arg11[%swap3A_771, %swap3A_772] {strides = array<i32>} : memref<128x128xf32, #tpu.memory_space<vmem>>, vector<1x16xf32>,
        %swap3A_774 = vector.shape_cast %swap3A_773 : vector<1x16xf32> to vector<16xf32>
        %swap3A_775 = vector.shape_cast %mul3A_770 : vector<16xf32> to vector<1x16xf32>
        tpu.vector_store %arg11[%swap3A_771, %swap3A_772], %swap3A_775 {strides = array<i32>} : memref<128x128xf32, #tpu.memory_space<vmem>>, vector<1x16xf32>,
        %add3A_776 = arith.constant 6 : i32
        %add3A_777 = arith.addi %add3A_46, %add3A_776 : i32
        %get3A_778 = arith.index_cast %add3A_777 : i32 to index
        %get3A_779 = arith.constant 112 : index
        %get3A_780 = tpu.vector_load %arg11[%get3A_778, %get3A_779] {strides = array<i32>} : memref<128x128xf32, #tpu.memory_space<vmem>>, vector<1x16xf32>,
        %get3A_781 = vector.shape_cast %get3A_780 : vector<1x16xf32> to vector<16xf32>
        %mul3A_782 = vector.broadcast %squeeze3A_684 : f32 to vector<16xf32>
        %mul3A_783 = arith.mulf %get3A_781, %mul3A_782 : vector<16xf32>
        %swap3A_784 = arith.index_cast %add3A_777 : i32 to index
        %swap3A_785 = arith.constant 112 : index
        %swap3A_786 = tpu.vector_load %arg11[%swap3A_784, %swap3A_785] {strides = array<i32>} : memref<128x128xf32, #tpu.memory_space<vmem>>, vector<1x16xf32>,
        %swap3A_787 = vector.shape_cast %swap3A_786 : vector<1x16xf32> to vector<16xf32>
        %swap3A_788 = vector.shape_cast %mul3A_783 : vector<16xf32> to vector<1x16xf32>
        tpu.vector_store %arg11[%swap3A_784, %swap3A_785], %swap3A_788 {strides = array<i32>} : memref<128x128xf32, #tpu.memory_space<vmem>>, vector<1x16xf32>,
        %slice3A_789 = vector.extract_strided_slice %get3A_49 {offsets = [7], sizes = [1], strides = [1]} : vector<16xf32> to vector<1xf32>
        %squeeze3A_790 = vector.extract %slice3A_789[0] : f32 from vector<1xf32>
        %add3A_791 = arith.constant 7 : i32
        %add3A_792 = arith.addi %add3A_46, %add3A_791 : i32
        %get3A_793 = arith.index_cast %add3A_792 : i32 to index
        %get3A_794 = arith.constant 0 : index
        %get3A_795 = tpu.vector_load %arg11[%get3A_793, %get3A_794] {strides = array<i32>} : memref<128x128xf32, #tpu.memory_space<vmem>>, vector<1x16xf32>,
        %get3A_796 = vector.shape_cast %get3A_795 : vector<1x16xf32> to vector<16xf32>
        %mul3A_797 = vector.broadcast %squeeze3A_790 : f32 to vector<16xf32>
        %mul3A_798 = arith.mulf %get3A_796, %mul3A_797 : vector<16xf32>
        %swap3A_799 = arith.index_cast %add3A_792 : i32 to index
        %swap3A_800 = arith.constant 0 : index
        %swap3A_801 = tpu.vector_load %arg11[%swap3A_799, %swap3A_800] {strides = array<i32>} : memref<128x128xf32, #tpu.memory_space<vmem>>, vector<1x16xf32>,
        %swap3A_802 = vector.shape_cast %swap3A_801 : vector<1x16xf32> to vector<16xf32>
        %swap3A_803 = vector.shape_cast %mul3A_798 : vector<16xf32> to vector<1x16xf32>
        tpu.vector_store %arg11[%swap3A_799, %swap3A_800], %swap3A_803 {strides = array<i32>} : memref<128x128xf32, #tpu.memory_space<vmem>>, vector<1x16xf32>,
        %add3A_804 = arith.constant 7 : i32
        %add3A_805 = arith.addi %add3A_46, %add3A_804 : i32
        %get3A_806 = arith.index_cast %add3A_805 : i32 to index
        %get3A_807 = arith.constant 16 : index
        %get3A_808 = tpu.vector_load %arg11[%get3A_806, %get3A_807] {strides = array<i32>} : memref<128x128xf32, #tpu.memory_space<vmem>>, vector<1x16xf32>,
        %get3A_809 = vector.shape_cast %get3A_808 : vector<1x16xf32> to vector<16xf32>
        %mul3A_810 = vector.broadcast %squeeze3A_790 : f32 to vector<16xf32>
        %mul3A_811 = arith.mulf %get3A_809, %mul3A_810 : vector<16xf32>
        %swap3A_812 = arith.index_cast %add3A_805 : i32 to index
        %swap3A_813 = arith.constant 16 : index
        %swap3A_814 = tpu.vector_load %arg11[%swap3A_812, %swap3A_813] {strides = array<i32>} : memref<128x128xf32, #tpu.memory_space<vmem>>, vector<1x16xf32>,
        %swap3A_815 = vector.shape_cast %swap3A_814 : vector<1x16xf32> to vector<16xf32>
        %swap3A_816 = vector.shape_cast %mul3A_811 : vector<16xf32> to vector<1x16xf32>
        tpu.vector_store %arg11[%swap3A_812, %swap3A_813], %swap3A_816 {strides = array<i32>} : memref<128x128xf32, #tpu.memory_space<vmem>>, vector<1x16xf32>,
        %add3A_817 = arith.constant 7 : i32
        %add3A_818 = arith.addi %add3A_46, %add3A_817 : i32
        %get3A_819 = arith.index_cast %add3A_818 : i32 to index
        %get3A_820 = arith.constant 32 : index
        %get3A_821 = tpu.vector_load %arg11[%get3A_819, %get3A_820] {strides = array<i32>} : memref<128x128xf32, #tpu.memory_space<vmem>>, vector<1x16xf32>,
        %get3A_822 = vector.shape_cast %get3A_821 : vector<1x16xf32> to vector<16xf32>
        %mul3A_823 = vector.broadcast %squeeze3A_790 : f32 to vector<16xf32>
        %mul3A_824 = arith.mulf %get3A_822, %mul3A_823 : vector<16xf32>
        %swap3A_825 = arith.index_cast %add3A_818 : i32 to index
        %swap3A_826 = arith.constant 32 : index
        %swap3A_827 = tpu.vector_load %arg11[%swap3A_825, %swap3A_826] {strides = array<i32>} : memref<128x128xf32, #tpu.memory_space<vmem>>, vector<1x16xf32>,
        %swap3A_828 = vector.shape_cast %swap3A_827 : vector<1x16xf32> to vector<16xf32>
        %swap3A_829 = vector.shape_cast %mul3A_824 : vector<16xf32> to vector<1x16xf32>
        tpu.vector_store %arg11[%swap3A_825, %swap3A_826], %swap3A_829 {strides = array<i32>} : memref<128x128xf32, #tpu.memory_space<vmem>>, vector<1x16xf32>,
        %add3A_830 = arith.constant 7 : i32
        %add3A_831 = arith.addi %add3A_46, %add3A_830 : i32
        %get3A_832 = arith.index_cast %add3A_831 : i32 to index
        %get3A_833 = arith.constant 48 : index
        %get3A_834 = tpu.vector_load %arg11[%get3A_832, %get3A_833] {strides = array<i32>} : memref<128x128xf32, #tpu.memory_space<vmem>>, vector<1x16xf32>,
        %get3A_835 = vector.shape_cast %get3A_834 : vector<1x16xf32> to vector<16xf32>
        %mul3A_836 = vector.broadcast %squeeze3A_790 : f32 to vector<16xf32>
        %mul3A_837 = arith.mulf %get3A_835, %mul3A_836 : vector<16xf32>
        %swap3A_838 = arith.index_cast %add3A_831 : i32 to index
        %swap3A_839 = arith.constant 48 : index
        %swap3A_840 = tpu.vector_load %arg11[%swap3A_838, %swap3A_839] {strides = array<i32>} : memref<128x128xf32, #tpu.memory_space<vmem>>, vector<1x16xf32>,
        %swap3A_841 = vector.shape_cast %swap3A_840 : vector<1x16xf32> to vector<16xf32>
        %swap3A_842 = vector.shape_cast %mul3A_837 : vector<16xf32> to vector<1x16xf32>
        tpu.vector_store %arg11[%swap3A_838, %swap3A_839], %swap3A_842 {strides = array<i32>} : memref<128x128xf32, #tpu.memory_space<vmem>>, vector<1x16xf32>,
        %add3A_843 = arith.constant 7 : i32
        %add3A_844 = arith.addi %add3A_46, %add3A_843 : i32
        %get3A_845 = arith.index_cast %add3A_844 : i32 to index
        %get3A_846 = arith.constant 64 : index
        %get3A_847 = tpu.vector_load %arg11[%get3A_845, %get3A_846] {strides = array<i32>} : memref<128x128xf32, #tpu.memory_space<vmem>>, vector<1x16xf32>,
        %get3A_848 = vector.shape_cast %get3A_847 : vector<1x16xf32> to vector<16xf32>
        %mul3A_849 = vector.broadcast %squeeze3A_790 : f32 to vector<16xf32>
        %mul3A_850 = arith.mulf %get3A_848, %mul3A_849 : vector<16xf32>
        %swap3A_851 = arith.index_cast %add3A_844 : i32 to index
        %swap3A_852 = arith.constant 64 : index
        %swap3A_853 = tpu.vector_load %arg11[%swap3A_851, %swap3A_852] {strides = array<i32>} : memref<128x128xf32, #tpu.memory_space<vmem>>, vector<1x16xf32>,
        %swap3A_854 = vector.shape_cast %swap3A_853 : vector<1x16xf32> to vector<16xf32>
        %swap3A_855 = vector.shape_cast %mul3A_850 : vector<16xf32> to vector<1x16xf32>
        tpu.vector_store %arg11[%swap3A_851, %swap3A_852], %swap3A_855 {strides = array<i32>} : memref<128x128xf32, #tpu.memory_space<vmem>>, vector<1x16xf32>,
        %add3A_856 = arith.constant 7 : i32
        %add3A_857 = arith.addi %add3A_46, %add3A_856 : i32
        %get3A_858 = arith.index_cast %add3A_857 : i32 to index
        %get3A_859 = arith.constant 80 : index
        %get3A_860 = tpu.vector_load %arg11[%get3A_858, %get3A_859] {strides = array<i32>} : memref<128x128xf32, #tpu.memory_space<vmem>>, vector<1x16xf32>,
        %get3A_861 = vector.shape_cast %get3A_860 : vector<1x16xf32> to vector<16xf32>
        %mul3A_862 = vector.broadcast %squeeze3A_790 : f32 to vector<16xf32>
        %mul3A_863 = arith.mulf %get3A_861, %mul3A_862 : vector<16xf32>
        %swap3A_864 = arith.index_cast %add3A_857 : i32 to index
        %swap3A_865 = arith.constant 80 : index
        %swap3A_866 = tpu.vector_load %arg11[%swap3A_864, %swap3A_865] {strides = array<i32>} : memref<128x128xf32, #tpu.memory_space<vmem>>, vector<1x16xf32>,
        %swap3A_867 = vector.shape_cast %swap3A_866 : vector<1x16xf32> to vector<16xf32>
        %swap3A_868 = vector.shape_cast %mul3A_863 : vector<16xf32> to vector<1x16xf32>
        tpu.vector_store %arg11[%swap3A_864, %swap3A_865], %swap3A_868 {strides = array<i32>} : memref<128x128xf32, #tpu.memory_space<vmem>>, vector<1x16xf32>,
        %add3A_869 = arith.constant 7 : i32
        %add3A_870 = arith.addi %add3A_46, %add3A_869 : i32
        %get3A_871 = arith.index_cast %add3A_870 : i32 to index
        %get3A_872 = arith.constant 96 : index
        %get3A_873 = tpu.vector_load %arg11[%get3A_871, %get3A_872] {strides = array<i32>} : memref<128x128xf32, #tpu.memory_space<vmem>>, vector<1x16xf32>,
        %get3A_874 = vector.shape_cast %get3A_873 : vector<1x16xf32> to vector<16xf32>
        %mul3A_875 = vector.broadcast %squeeze3A_790 : f32 to vector<16xf32>
        %mul3A_876 = arith.mulf %get3A_874, %mul3A_875 : vector<16xf32>
        %swap3A_877 = arith.index_cast %add3A_870 : i32 to index
        %swap3A_878 = arith.constant 96 : index
        %swap3A_879 = tpu.vector_load %arg11[%swap3A_877, %swap3A_878] {strides = array<i32>} : memref<128x128xf32, #tpu.memory_space<vmem>>, vector<1x16xf32>,
        %swap3A_880 = vector.shape_cast %swap3A_879 : vector<1x16xf32> to vector<16xf32>
        %swap3A_881 = vector.shape_cast %mul3A_876 : vector<16xf32> to vector<1x16xf32>
        tpu.vector_store %arg11[%swap3A_877, %swap3A_878], %swap3A_881 {strides = array<i32>} : memref<128x128xf32, #tpu.memory_space<vmem>>, vector<1x16xf32>,
        %add3A_882 = arith.constant 7 : i32
        %add3A_883 = arith.addi %add3A_46, %add3A_882 : i32
        %get3A_884 = arith.index_cast %add3A_883 : i32 to index
        %get3A_885 = arith.constant 112 : index
        %get3A_886 = tpu.vector_load %arg11[%get3A_884, %get3A_885] {strides = array<i32>} : memref<128x128xf32, #tpu.memory_space<vmem>>, vector<1x16xf32>,
        %get3A_887 = vector.shape_cast %get3A_886 : vector<1x16xf32> to vector<16xf32>
        %mul3A_888 = vector.broadcast %squeeze3A_790 : f32 to vector<16xf32>
        %mul3A_889 = arith.mulf %get3A_887, %mul3A_888 : vector<16xf32>
        %swap3A_890 = arith.index_cast %add3A_883 : i32 to index
        %swap3A_891 = arith.constant 112 : index
        %swap3A_892 = tpu.vector_load %arg11[%swap3A_890, %swap3A_891] {strides = array<i32>} : memref<128x128xf32, #tpu.memory_space<vmem>>, vector<1x16xf32>,
        %swap3A_893 = vector.shape_cast %swap3A_892 : vector<1x16xf32> to vector<16xf32>
        %swap3A_894 = vector.shape_cast %mul3A_889 : vector<16xf32> to vector<1x16xf32>
        tpu.vector_store %arg11[%swap3A_890, %swap3A_891], %swap3A_894 {strides = array<i32>} : memref<128x128xf32, #tpu.memory_space<vmem>>, vector<1x16xf32>,
        %slice3A_895 = vector.extract_strided_slice %get3A_49 {offsets = [8], sizes = [1], strides = [1]} : vector<16xf32> to vector<1xf32>
        %squeeze3A_896 = vector.extract %slice3A_895[0] : f32 from vector<1xf32>
        %add3A_897 = arith.constant 8 : i32
        %add3A_898 = arith.addi %add3A_46, %add3A_897 : i32
        %get3A_899 = arith.index_cast %add3A_898 : i32 to index
        %get3A_900 = arith.constant 0 : index
        %get3A_901 = tpu.vector_load %arg11[%get3A_899, %get3A_900] {strides = array<i32>} : memref<128x128xf32, #tpu.memory_space<vmem>>, vector<1x16xf32>,
        %get3A_902 = vector.shape_cast %get3A_901 : vector<1x16xf32> to vector<16xf32>
        %mul3A_903 = vector.broadcast %squeeze3A_896 : f32 to vector<16xf32>
        %mul3A_904 = arith.mulf %get3A_902, %mul3A_903 : vector<16xf32>
        %swap3A_905 = arith.index_cast %add3A_898 : i32 to index
        %swap3A_906 = arith.constant 0 : index
        %swap3A_907 = tpu.vector_load %arg11[%swap3A_905, %swap3A_906] {strides = array<i32>} : memref<128x128xf32, #tpu.memory_space<vmem>>, vector<1x16xf32>,
        %swap3A_908 = vector.shape_cast %swap3A_907 : vector<1x16xf32> to vector<16xf32>
        %swap3A_909 = vector.shape_cast %mul3A_904 : vector<16xf32> to vector<1x16xf32>
        tpu.vector_store %arg11[%swap3A_905, %swap3A_906], %swap3A_909 {strides = array<i32>} : memref<128x128xf32, #tpu.memory_space<vmem>>, vector<1x16xf32>,
        %add3A_910 = arith.constant 8 : i32
        %add3A_911 = arith.addi %add3A_46, %add3A_910 : i32
        %get3A_912 = arith.index_cast %add3A_911 : i32 to index
        %get3A_913 = arith.constant 16 : index
        %get3A_914 = tpu.vector_load %arg11[%get3A_912, %get3A_913] {strides = array<i32>} : memref<128x128xf32, #tpu.memory_space<vmem>>, vector<1x16xf32>,
        %get3A_915 = vector.shape_cast %get3A_914 : vector<1x16xf32> to vector<16xf32>
        %mul3A_916 = vector.broadcast %squeeze3A_896 : f32 to vector<16xf32>
        %mul3A_917 = arith.mulf %get3A_915, %mul3A_916 : vector<16xf32>
        %swap3A_918 = arith.index_cast %add3A_911 : i32 to index
        %swap3A_919 = arith.constant 16 : index
        %swap3A_920 = tpu.vector_load %arg11[%swap3A_918, %swap3A_919] {strides = array<i32>} : memref<128x128xf32, #tpu.memory_space<vmem>>, vector<1x16xf32>,
        %swap3A_921 = vector.shape_cast %swap3A_920 : vector<1x16xf32> to vector<16xf32>
        %swap3A_922 = vector.shape_cast %mul3A_917 : vector<16xf32> to vector<1x16xf32>
        tpu.vector_store %arg11[%swap3A_918, %swap3A_919], %swap3A_922 {strides = array<i32>} : memref<128x128xf32, #tpu.memory_space<vmem>>, vector<1x16xf32>,
        %add3A_923 = arith.constant 8 : i32
        %add3A_924 = arith.addi %add3A_46, %add3A_923 : i32
        %get3A_925 = arith.index_cast %add3A_924 : i32 to index
        %get3A_926 = arith.constant 32 : index
        %get3A_927 = tpu.vector_load %arg11[%get3A_925, %get3A_926] {strides = array<i32>} : memref<128x128xf32, #tpu.memory_space<vmem>>, vector<1x16xf32>,
        %get3A_928 = vector.shape_cast %get3A_927 : vector<1x16xf32> to vector<16xf32>
        %mul3A_929 = vector.broadcast %squeeze3A_896 : f32 to vector<16xf32>
        %mul3A_930 = arith.mulf %get3A_928, %mul3A_929 : vector<16xf32>
        %swap3A_931 = arith.index_cast %add3A_924 : i32 to index
        %swap3A_932 = arith.constant 32 : index
        %swap3A_933 = tpu.vector_load %arg11[%swap3A_931, %swap3A_932] {strides = array<i32>} : memref<128x128xf32, #tpu.memory_space<vmem>>, vector<1x16xf32>,
        %swap3A_934 = vector.shape_cast %swap3A_933 : vector<1x16xf32> to vector<16xf32>
        %swap3A_935 = vector.shape_cast %mul3A_930 : vector<16xf32> to vector<1x16xf32>
        tpu.vector_store %arg11[%swap3A_931, %swap3A_932], %swap3A_935 {strides = array<i32>} : memref<128x128xf32, #tpu.memory_space<vmem>>, vector<1x16xf32>,
        %add3A_936 = arith.constant 8 : i32
        %add3A_937 = arith.addi %add3A_46, %add3A_936 : i32
        %get3A_938 = arith.index_cast %add3A_937 : i32 to index
        %get3A_939 = arith.constant 48 : index
        %get3A_940 = tpu.vector_load %arg11[%get3A_938, %get3A_939] {strides = array<i32>} : memref<128x128xf32, #tpu.memory_space<vmem>>, vector<1x16xf32>,
        %get3A_941 = vector.shape_cast %get3A_940 : vector<1x16xf32> to vector<16xf32>
        %mul3A_942 = vector.broadcast %squeeze3A_896 : f32 to vector<16xf32>
        %mul3A_943 = arith.mulf %get3A_941, %mul3A_942 : vector<16xf32>
        %swap3A_944 = arith.index_cast %add3A_937 : i32 to index
        %swap3A_945 = arith.constant 48 : index
        %swap3A_946 = tpu.vector_load %arg11[%swap3A_944, %swap3A_945] {strides = array<i32>} : memref<128x128xf32, #tpu.memory_space<vmem>>, vector<1x16xf32>,
        %swap3A_947 = vector.shape_cast %swap3A_946 : vector<1x16xf32> to vector<16xf32>
        %swap3A_948 = vector.shape_cast %mul3A_943 : vector<16xf32> to vector<1x16xf32>
        tpu.vector_store %arg11[%swap3A_944, %swap3A_945], %swap3A_948 {strides = array<i32>} : memref<128x128xf32, #tpu.memory_space<vmem>>, vector<1x16xf32>,
        %add3A_949 = arith.constant 8 : i32
        %add3A_950 = arith.addi %add3A_46, %add3A_949 : i32
        %get3A_951 = arith.index_cast %add3A_950 : i32 to index
        %get3A_952 = arith.constant 64 : index
        %get3A_953 = tpu.vector_load %arg11[%get3A_951, %get3A_952] {strides = array<i32>} : memref<128x128xf32, #tpu.memory_space<vmem>>, vector<1x16xf32>,
        %get3A_954 = vector.shape_cast %get3A_953 : vector<1x16xf32> to vector<16xf32>
        %mul3A_955 = vector.broadcast %squeeze3A_896 : f32 to vector<16xf32>
        %mul3A_956 = arith.mulf %get3A_954, %mul3A_955 : vector<16xf32>
        %swap3A_957 = arith.index_cast %add3A_950 : i32 to index
        %swap3A_958 = arith.constant 64 : index
        %swap3A_959 = tpu.vector_load %arg11[%swap3A_957, %swap3A_958] {strides = array<i32>} : memref<128x128xf32, #tpu.memory_space<vmem>>, vector<1x16xf32>,
        %swap3A_960 = vector.shape_cast %swap3A_959 : vector<1x16xf32> to vector<16xf32>
        %swap3A_961 = vector.shape_cast %mul3A_956 : vector<16xf32> to vector<1x16xf32>
        tpu.vector_store %arg11[%swap3A_957, %swap3A_958], %swap3A_961 {strides = array<i32>} : memref<128x128xf32, #tpu.memory_space<vmem>>, vector<1x16xf32>,
        %add3A_962 = arith.constant 8 : i32
        %add3A_963 = arith.addi %add3A_46, %add3A_962 : i32
        %get3A_964 = arith.index_cast %add3A_963 : i32 to index
        %get3A_965 = arith.constant 80 : index
        %get3A_966 = tpu.vector_load %arg11[%get3A_964, %get3A_965] {strides = array<i32>} : memref<128x128xf32, #tpu.memory_space<vmem>>, vector<1x16xf32>,
        %get3A_967 = vector.shape_cast %get3A_966 : vector<1x16xf32> to vector<16xf32>
        %mul3A_968 = vector.broadcast %squeeze3A_896 : f32 to vector<16xf32>
        %mul3A_969 = arith.mulf %get3A_967, %mul3A_968 : vector<16xf32>
        %swap3A_970 = arith.index_cast %add3A_963 : i32 to index
        %swap3A_971 = arith.constant 80 : index
        %swap3A_972 = tpu.vector_load %arg11[%swap3A_970, %swap3A_971] {strides = array<i32>} : memref<128x128xf32, #tpu.memory_space<vmem>>, vector<1x16xf32>,
        %swap3A_973 = vector.shape_cast %swap3A_972 : vector<1x16xf32> to vector<16xf32>
        %swap3A_974 = vector.shape_cast %mul3A_969 : vector<16xf32> to vector<1x16xf32>
        tpu.vector_store %arg11[%swap3A_970, %swap3A_971], %swap3A_974 {strides = array<i32>} : memref<128x128xf32, #tpu.memory_space<vmem>>, vector<1x16xf32>,
        %add3A_975 = arith.constant 8 : i32
        %add3A_976 = arith.addi %add3A_46, %add3A_975 : i32
        %get3A_977 = arith.index_cast %add3A_976 : i32 to index
        %get3A_978 = arith.constant 96 : index
        %get3A_979 = tpu.vector_load %arg11[%get3A_977, %get3A_978] {strides = array<i32>} : memref<128x128xf32, #tpu.memory_space<vmem>>, vector<1x16xf32>,
        %get3A_980 = vector.shape_cast %get3A_979 : vector<1x16xf32> to vector<16xf32>
        %mul3A_981 = vector.broadcast %squeeze3A_896 : f32 to vector<16xf32>
        %mul3A_982 = arith.mulf %get3A_980, %mul3A_981 : vector<16xf32>
        %swap3A_983 = arith.index_cast %add3A_976 : i32 to index
        %swap3A_984 = arith.constant 96 : index
        %swap3A_985 = tpu.vector_load %arg11[%swap3A_983, %swap3A_984] {strides = array<i32>} : memref<128x128xf32, #tpu.memory_space<vmem>>, vector<1x16xf32>,
        %swap3A_986 = vector.shape_cast %swap3A_985 : vector<1x16xf32> to vector<16xf32>
        %swap3A_987 = vector.shape_cast %mul3A_982 : vector<16xf32> to vector<1x16xf32>
        tpu.vector_store %arg11[%swap3A_983, %swap3A_984], %swap3A_987 {strides = array<i32>} : memref<128x128xf32, #tpu.memory_space<vmem>>, vector<1x16xf32>,
        %add3A_988 = arith.constant 8 : i32
        %add3A_989 = arith.addi %add3A_46, %add3A_988 : i32
        %get3A_990 = arith.index_cast %add3A_989 : i32 to index
        %get3A_991 = arith.constant 112 : index
        %get3A_992 = tpu.vector_load %arg11[%get3A_990, %get3A_991] {strides = array<i32>} : memref<128x128xf32, #tpu.memory_space<vmem>>, vector<1x16xf32>,
        %get3A_993 = vector.shape_cast %get3A_992 : vector<1x16xf32> to vector<16xf32>
        %mul3A_994 = vector.broadcast %squeeze3A_896 : f32 to vector<16xf32>
        %mul3A_995 = arith.mulf %get3A_993, %mul3A_994 : vector<16xf32>
        %swap3A_996 = arith.index_cast %add3A_989 : i32 to index
        %swap3A_997 = arith.constant 112 : index
        %swap3A_998 = tpu.vector_load %arg11[%swap3A_996, %swap3A_997] {strides = array<i32>} : memref<128x128xf32, #tpu.memory_space<vmem>>, vector<1x16xf32>,
        %swap3A_999 = vector.shape_cast %swap3A_998 : vector<1x16xf32> to vector<16xf32>
        %swap3A_1000 = vector.shape_cast %mul3A_995 : vector<16xf32> to vector<1x16xf32>
        tpu.vector_store %arg11[%swap3A_996, %swap3A_997], %swap3A_1000 {strides = array<i32>} : memref<128x128xf32, #tpu.memory_space<vmem>>, vector<1x16xf32>,
        %slice3A_1001 = vector.extract_strided_slice %get3A_49 {offsets = [9], sizes = [1], strides = [1]} : vector<16xf32> to vector<1xf32>
        %squeeze3A_1002 = vector.extract %slice3A_1001[0] : f32 from vector<1xf32>
        %add3A_1003 = arith.constant 9 : i32
        %add3A_1004 = arith.addi %add3A_46, %add3A_1003 : i32
        %get3A_1005 = arith.index_cast %add3A_1004 : i32 to index
        %get3A_1006 = arith.constant 0 : index
        %get3A_1007 = tpu.vector_load %arg11[%get3A_1005, %get3A_1006] {strides = array<i32>} : memref<128x128xf32, #tpu.memory_space<vmem>>, vector<1x16xf32>,
        %get3A_1008 = vector.shape_cast %get3A_1007 : vector<1x16xf32> to vector<16xf32>
        %mul3A_1009 = vector.broadcast %squeeze3A_1002 : f32 to vector<16xf32>
        %mul3A_1010 = arith.mulf %get3A_1008, %mul3A_1009 : vector<16xf32>
        %swap3A_1011 = arith.index_cast %add3A_1004 : i32 to index
        %swap3A_1012 = arith.constant 0 : index
        %swap3A_1013 = tpu.vector_load %arg11[%swap3A_1011, %swap3A_1012] {strides = array<i32>} : memref<128x128xf32, #tpu.memory_space<vmem>>, vector<1x16xf32>,
        %swap3A_1014 = vector.shape_cast %swap3A_1013 : vector<1x16xf32> to vector<16xf32>
        %swap3A_1015 = vector.shape_cast %mul3A_1010 : vector<16xf32> to vector<1x16xf32>
        tpu.vector_store %arg11[%swap3A_1011, %swap3A_1012], %swap3A_1015 {strides = array<i32>} : memref<128x128xf32, #tpu.memory_space<vmem>>, vector<1x16xf32>,
        %add3A_1016 = arith.constant 9 : i32
        %add3A_1017 = arith.addi %add3A_46, %add3A_1016 : i32
        %get3A_1018 = arith.index_cast %add3A_1017 : i32 to index
        %get3A_1019 = arith.constant 16 : index
        %get3A_1020 = tpu.vector_load %arg11[%get3A_1018, %get3A_1019] {strides = array<i32>} : memref<128x128xf32, #tpu.memory_space<vmem>>, vector<1x16xf32>,
        %get3A_1021 = vector.shape_cast %get3A_1020 : vector<1x16xf32> to vector<16xf32>
        %mul3A_1022 = vector.broadcast %squeeze3A_1002 : f32 to vector<16xf32>
        %mul3A_1023 = arith.mulf %get3A_1021, %mul3A_1022 : vector<16xf32>
        %swap3A_1024 = arith.index_cast %add3A_1017 : i32 to index
        %swap3A_1025 = arith.constant 16 : index
        %swap3A_1026 = tpu.vector_load %arg11[%swap3A_1024, %swap3A_1025] {strides = array<i32>} : memref<128x128xf32, #tpu.memory_space<vmem>>, vector<1x16xf32>,
        %swap3A_1027 = vector.shape_cast %swap3A_1026 : vector<1x16xf32> to vector<16xf32>
        %swap3A_1028 = vector.shape_cast %mul3A_1023 : vector<16xf32> to vector<1x16xf32>
        tpu.vector_store %arg11[%swap3A_1024, %swap3A_1025], %swap3A_1028 {strides = array<i32>} : memref<128x128xf32, #tpu.memory_space<vmem>>, vector<1x16xf32>,
        %add3A_1029 = arith.constant 9 : i32
        %add3A_1030 = arith.addi %add3A_46, %add3A_1029 : i32
        %get3A_1031 = arith.index_cast %add3A_1030 : i32 to index
        %get3A_1032 = arith.constant 32 : index
        %get3A_1033 = tpu.vector_load %arg11[%get3A_1031, %get3A_1032] {strides = array<i32>} : memref<128x128xf32, #tpu.memory_space<vmem>>, vector<1x16xf32>,
        %get3A_1034 = vector.shape_cast %get3A_1033 : vector<1x16xf32> to vector<16xf32>
        %mul3A_1035 = vector.broadcast %squeeze3A_1002 : f32 to vector<16xf32>
        %mul3A_1036 = arith.mulf %get3A_1034, %mul3A_1035 : vector<16xf32>
        %swap3A_1037 = arith.index_cast %add3A_1030 : i32 to index
        %swap3A_1038 = arith.constant 32 : index
        %swap3A_1039 = tpu.vector_load %arg11[%swap3A_1037, %swap3A_1038] {strides = array<i32>} : memref<128x128xf32, #tpu.memory_space<vmem>>, vector<1x16xf32>,
        %swap3A_1040 = vector.shape_cast %swap3A_1039 : vector<1x16xf32> to vector<16xf32>
        %swap3A_1041 = vector.shape_cast %mul3A_1036 : vector<16xf32> to vector<1x16xf32>
        tpu.vector_store %arg11[%swap3A_1037, %swap3A_1038], %swap3A_1041 {strides = array<i32>} : memref<128x128xf32, #tpu.memory_space<vmem>>, vector<1x16xf32>,
        %add3A_1042 = arith.constant 9 : i32
        %add3A_1043 = arith.addi %add3A_46, %add3A_1042 : i32
        %get3A_1044 = arith.index_cast %add3A_1043 : i32 to index
        %get3A_1045 = arith.constant 48 : index
        %get3A_1046 = tpu.vector_load %arg11[%get3A_1044, %get3A_1045] {strides = array<i32>} : memref<128x128xf32, #tpu.memory_space<vmem>>, vector<1x16xf32>,
        %get3A_1047 = vector.shape_cast %get3A_1046 : vector<1x16xf32> to vector<16xf32>
        %mul3A_1048 = vector.broadcast %squeeze3A_1002 : f32 to vector<16xf32>
        %mul3A_1049 = arith.mulf %get3A_1047, %mul3A_1048 : vector<16xf32>
        %swap3A_1050 = arith.index_cast %add3A_1043 : i32 to index
        %swap3A_1051 = arith.constant 48 : index
        %swap3A_1052 = tpu.vector_load %arg11[%swap3A_1050, %swap3A_1051] {strides = array<i32>} : memref<128x128xf32, #tpu.memory_space<vmem>>, vector<1x16xf32>,
        %swap3A_1053 = vector.shape_cast %swap3A_1052 : vector<1x16xf32> to vector<16xf32>
        %swap3A_1054 = vector.shape_cast %mul3A_1049 : vector<16xf32> to vector<1x16xf32>
        tpu.vector_store %arg11[%swap3A_1050, %swap3A_1051], %swap3A_1054 {strides = array<i32>} : memref<128x128xf32, #tpu.memory_space<vmem>>, vector<1x16xf32>,
        %add3A_1055 = arith.constant 9 : i32
        %add3A_1056 = arith.addi %add3A_46, %add3A_1055 : i32
        %get3A_1057 = arith.index_cast %add3A_1056 : i32 to index
        %get3A_1058 = arith.constant 64 : index
        %get3A_1059 = tpu.vector_load %arg11[%get3A_1057, %get3A_1058] {strides = array<i32>} : memref<128x128xf32, #tpu.memory_space<vmem>>, vector<1x16xf32>,
        %get3A_1060 = vector.shape_cast %get3A_1059 : vector<1x16xf32> to vector<16xf32>
        %mul3A_1061 = vector.broadcast %squeeze3A_1002 : f32 to vector<16xf32>
        %mul3A_1062 = arith.mulf %get3A_1060, %mul3A_1061 : vector<16xf32>
        %swap3A_1063 = arith.index_cast %add3A_1056 : i32 to index
        %swap3A_1064 = arith.constant 64 : index
        %swap3A_1065 = tpu.vector_load %arg11[%swap3A_1063, %swap3A_1064] {strides = array<i32>} : memref<128x128xf32, #tpu.memory_space<vmem>>, vector<1x16xf32>,
        %swap3A_1066 = vector.shape_cast %swap3A_1065 : vector<1x16xf32> to vector<16xf32>
        %swap3A_1067 = vector.shape_cast %mul3A_1062 : vector<16xf32> to vector<1x16xf32>
        tpu.vector_store %arg11[%swap3A_1063, %swap3A_1064], %swap3A_1067 {strides = array<i32>} : memref<128x128xf32, #tpu.memory_space<vmem>>, vector<1x16xf32>,
        %add3A_1068 = arith.constant 9 : i32
        %add3A_1069 = arith.addi %add3A_46, %add3A_1068 : i32
        %get3A_1070 = arith.index_cast %add3A_1069 : i32 to index
        %get3A_1071 = arith.constant 80 : index
        %get3A_1072 = tpu.vector_load %arg11[%get3A_1070, %get3A_1071] {strides = array<i32>} : memref<128x128xf32, #tpu.memory_space<vmem>>, vector<1x16xf32>,
        %get3A_1073 = vector.shape_cast %get3A_1072 : vector<1x16xf32> to vector<16xf32>
        %mul3A_1074 = vector.broadcast %squeeze3A_1002 : f32 to vector<16xf32>
        %mul3A_1075 = arith.mulf %get3A_1073, %mul3A_1074 : vector<16xf32>
        %swap3A_1076 = arith.index_cast %add3A_1069 : i32 to index
        %swap3A_1077 = arith.constant 80 : index
        %swap3A_1078 = tpu.vector_load %arg11[%swap3A_1076, %swap3A_1077] {strides = array<i32>} : memref<128x128xf32, #tpu.memory_space<vmem>>, vector<1x16xf32>,
        %swap3A_1079 = vector.shape_cast %swap3A_1078 : vector<1x16xf32> to vector<16xf32>
        %swap3A_1080 = vector.shape_cast %mul3A_1075 : vector<16xf32> to vector<1x16xf32>
        tpu.vector_store %arg11[%swap3A_1076, %swap3A_1077], %swap3A_1080 {strides = array<i32>} : memref<128x128xf32, #tpu.memory_space<vmem>>, vector<1x16xf32>,
        %add3A_1081 = arith.constant 9 : i32
        %add3A_1082 = arith.addi %add3A_46, %add3A_1081 : i32
        %get3A_1083 = arith.index_cast %add3A_1082 : i32 to index
        %get3A_1084 = arith.constant 96 : index
        %get3A_1085 = tpu.vector_load %arg11[%get3A_1083, %get3A_1084] {strides = array<i32>} : memref<128x128xf32, #tpu.memory_space<vmem>>, vector<1x16xf32>,
        %get3A_1086 = vector.shape_cast %get3A_1085 : vector<1x16xf32> to vector<16xf32>
        %mul3A_1087 = vector.broadcast %squeeze3A_1002 : f32 to vector<16xf32>
        %mul3A_1088 = arith.mulf %get3A_1086, %mul3A_1087 : vector<16xf32>
        %swap3A_1089 = arith.index_cast %add3A_1082 : i32 to index
        %swap3A_1090 = arith.constant 96 : index
        %swap3A_1091 = tpu.vector_load %arg11[%swap3A_1089, %swap3A_1090] {strides = array<i32>} : memref<128x128xf32, #tpu.memory_space<vmem>>, vector<1x16xf32>,
        %swap3A_1092 = vector.shape_cast %swap3A_1091 : vector<1x16xf32> to vector<16xf32>
        %swap3A_1093 = vector.shape_cast %mul3A_1088 : vector<16xf32> to vector<1x16xf32>
        tpu.vector_store %arg11[%swap3A_1089, %swap3A_1090], %swap3A_1093 {strides = array<i32>} : memref<128x128xf32, #tpu.memory_space<vmem>>, vector<1x16xf32>,
        %add3A_1094 = arith.constant 9 : i32
        %add3A_1095 = arith.addi %add3A_46, %add3A_1094 : i32
        %get3A_1096 = arith.index_cast %add3A_1095 : i32 to index
        %get3A_1097 = arith.constant 112 : index
        %get3A_1098 = tpu.vector_load %arg11[%get3A_1096, %get3A_1097] {strides = array<i32>} : memref<128x128xf32, #tpu.memory_space<vmem>>, vector<1x16xf32>,
        %get3A_1099 = vector.shape_cast %get3A_1098 : vector<1x16xf32> to vector<16xf32>
        %mul3A_1100 = vector.broadcast %squeeze3A_1002 : f32 to vector<16xf32>
        %mul3A_1101 = arith.mulf %get3A_1099, %mul3A_1100 : vector<16xf32>
        %swap3A_1102 = arith.index_cast %add3A_1095 : i32 to index
        %swap3A_1103 = arith.constant 112 : index
        %swap3A_1104 = tpu.vector_load %arg11[%swap3A_1102, %swap3A_1103] {strides = array<i32>} : memref<128x128xf32, #tpu.memory_space<vmem>>, vector<1x16xf32>,
        %swap3A_1105 = vector.shape_cast %swap3A_1104 : vector<1x16xf32> to vector<16xf32>
        %swap3A_1106 = vector.shape_cast %mul3A_1101 : vector<16xf32> to vector<1x16xf32>
        tpu.vector_store %arg11[%swap3A_1102, %swap3A_1103], %swap3A_1106 {strides = array<i32>} : memref<128x128xf32, #tpu.memory_space<vmem>>, vector<1x16xf32>,
        %slice3A_1107 = vector.extract_strided_slice %get3A_49 {offsets = [10], sizes = [1], strides = [1]} : vector<16xf32> to vector<1xf32>
        %squeeze3A_1108 = vector.extract %slice3A_1107[0] : f32 from vector<1xf32>
        %add3A_1109 = arith.constant 10 : i32
        %add3A_1110 = arith.addi %add3A_46, %add3A_1109 : i32
        %get3A_1111 = arith.index_cast %add3A_1110 : i32 to index
        %get3A_1112 = arith.constant 0 : index
        %get3A_1113 = tpu.vector_load %arg11[%get3A_1111, %get3A_1112] {strides = array<i32>} : memref<128x128xf32, #tpu.memory_space<vmem>>, vector<1x16xf32>,
        %get3A_1114 = vector.shape_cast %get3A_1113 : vector<1x16xf32> to vector<16xf32>
        %mul3A_1115 = vector.broadcast %squeeze3A_1108 : f32 to vector<16xf32>
        %mul3A_1116 = arith.mulf %get3A_1114, %mul3A_1115 : vector<16xf32>
        %swap3A_1117 = arith.index_cast %add3A_1110 : i32 to index
        %swap3A_1118 = arith.constant 0 : index
        %swap3A_1119 = tpu.vector_load %arg11[%swap3A_1117, %swap3A_1118] {strides = array<i32>} : memref<128x128xf32, #tpu.memory_space<vmem>>, vector<1x16xf32>,
        %swap3A_1120 = vector.shape_cast %swap3A_1119 : vector<1x16xf32> to vector<16xf32>
        %swap3A_1121 = vector.shape_cast %mul3A_1116 : vector<16xf32> to vector<1x16xf32>
        tpu.vector_store %arg11[%swap3A_1117, %swap3A_1118], %swap3A_1121 {strides = array<i32>} : memref<128x128xf32, #tpu.memory_space<vmem>>, vector<1x16xf32>,
        %add3A_1122 = arith.constant 10 : i32
        %add3A_1123 = arith.addi %add3A_46, %add3A_1122 : i32
        %get3A_1124 = arith.index_cast %add3A_1123 : i32 to index
        %get3A_1125 = arith.constant 16 : index
        %get3A_1126 = tpu.vector_load %arg11[%get3A_1124, %get3A_1125] {strides = array<i32>} : memref<128x128xf32, #tpu.memory_space<vmem>>, vector<1x16xf32>,
        %get3A_1127 = vector.shape_cast %get3A_1126 : vector<1x16xf32> to vector<16xf32>
        %mul3A_1128 = vector.broadcast %squeeze3A_1108 : f32 to vector<16xf32>
        %mul3A_1129 = arith.mulf %get3A_1127, %mul3A_1128 : vector<16xf32>
        %swap3A_1130 = arith.index_cast %add3A_1123 : i32 to index
        %swap3A_1131 = arith.constant 16 : index
        %swap3A_1132 = tpu.vector_load %arg11[%swap3A_1130, %swap3A_1131] {strides = array<i32>} : memref<128x128xf32, #tpu.memory_space<vmem>>, vector<1x16xf32>,
        %swap3A_1133 = vector.shape_cast %swap3A_1132 : vector<1x16xf32> to vector<16xf32>
        %swap3A_1134 = vector.shape_cast %mul3A_1129 : vector<16xf32> to vector<1x16xf32>
        tpu.vector_store %arg11[%swap3A_1130, %swap3A_1131], %swap3A_1134 {strides = array<i32>} : memref<128x128xf32, #tpu.memory_space<vmem>>, vector<1x16xf32>,
        %add3A_1135 = arith.constant 10 : i32
        %add3A_1136 = arith.addi %add3A_46, %add3A_1135 : i32
        %get3A_1137 = arith.index_cast %add3A_1136 : i32 to index
        %get3A_1138 = arith.constant 32 : index
        %get3A_1139 = tpu.vector_load %arg11[%get3A_1137, %get3A_1138] {strides = array<i32>} : memref<128x128xf32, #tpu.memory_space<vmem>>, vector<1x16xf32>,
        %get3A_1140 = vector.shape_cast %get3A_1139 : vector<1x16xf32> to vector<16xf32>
        %mul3A_1141 = vector.broadcast %squeeze3A_1108 : f32 to vector<16xf32>
        %mul3A_1142 = arith.mulf %get3A_1140, %mul3A_1141 : vector<16xf32>
        %swap3A_1143 = arith.index_cast %add3A_1136 : i32 to index
        %swap3A_1144 = arith.constant 32 : index
        %swap3A_1145 = tpu.vector_load %arg11[%swap3A_1143, %swap3A_1144] {strides = array<i32>} : memref<128x128xf32, #tpu.memory_space<vmem>>, vector<1x16xf32>,
        %swap3A_1146 = vector.shape_cast %swap3A_1145 : vector<1x16xf32> to vector<16xf32>
        %swap3A_1147 = vector.shape_cast %mul3A_1142 : vector<16xf32> to vector<1x16xf32>
        tpu.vector_store %arg11[%swap3A_1143, %swap3A_1144], %swap3A_1147 {strides = array<i32>} : memref<128x128xf32, #tpu.memory_space<vmem>>, vector<1x16xf32>,
        %add3A_1148 = arith.constant 10 : i32
        %add3A_1149 = arith.addi %add3A_46, %add3A_1148 : i32
        %get3A_1150 = arith.index_cast %add3A_1149 : i32 to index
        %get3A_1151 = arith.constant 48 : index
        %get3A_1152 = tpu.vector_load %arg11[%get3A_1150, %get3A_1151] {strides = array<i32>} : memref<128x128xf32, #tpu.memory_space<vmem>>, vector<1x16xf32>,
        %get3A_1153 = vector.shape_cast %get3A_1152 : vector<1x16xf32> to vector<16xf32>
        %mul3A_1154 = vector.broadcast %squeeze3A_1108 : f32 to vector<16xf32>
        %mul3A_1155 = arith.mulf %get3A_1153, %mul3A_1154 : vector<16xf32>
        %swap3A_1156 = arith.index_cast %add3A_1149 : i32 to index
        %swap3A_1157 = arith.constant 48 : index
        %swap3A_1158 = tpu.vector_load %arg11[%swap3A_1156, %swap3A_1157] {strides = array<i32>} : memref<128x128xf32, #tpu.memory_space<vmem>>, vector<1x16xf32>,
        %swap3A_1159 = vector.shape_cast %swap3A_1158 : vector<1x16xf32> to vector<16xf32>
        %swap3A_1160 = vector.shape_cast %mul3A_1155 : vector<16xf32> to vector<1x16xf32>
        tpu.vector_store %arg11[%swap3A_1156, %swap3A_1157], %swap3A_1160 {strides = array<i32>} : memref<128x128xf32, #tpu.memory_space<vmem>>, vector<1x16xf32>,
        %add3A_1161 = arith.constant 10 : i32
        %add3A_1162 = arith.addi %add3A_46, %add3A_1161 : i32
        %get3A_1163 = arith.index_cast %add3A_1162 : i32 to index
        %get3A_1164 = arith.constant 64 : index
        %get3A_1165 = tpu.vector_load %arg11[%get3A_1163, %get3A_1164] {strides = array<i32>} : memref<128x128xf32, #tpu.memory_space<vmem>>, vector<1x16xf32>,
        %get3A_1166 = vector.shape_cast %get3A_1165 : vector<1x16xf32> to vector<16xf32>
        %mul3A_1167 = vector.broadcast %squeeze3A_1108 : f32 to vector<16xf32>
        %mul3A_1168 = arith.mulf %get3A_1166, %mul3A_1167 : vector<16xf32>
        %swap3A_1169 = arith.index_cast %add3A_1162 : i32 to index
        %swap3A_1170 = arith.constant 64 : index
        %swap3A_1171 = tpu.vector_load %arg11[%swap3A_1169, %swap3A_1170] {strides = array<i32>} : memref<128x128xf32, #tpu.memory_space<vmem>>, vector<1x16xf32>,
        %swap3A_1172 = vector.shape_cast %swap3A_1171 : vector<1x16xf32> to vector<16xf32>
        %swap3A_1173 = vector.shape_cast %mul3A_1168 : vector<16xf32> to vector<1x16xf32>
        tpu.vector_store %arg11[%swap3A_1169, %swap3A_1170], %swap3A_1173 {strides = array<i32>} : memref<128x128xf32, #tpu.memory_space<vmem>>, vector<1x16xf32>,
        %add3A_1174 = arith.constant 10 : i32
        %add3A_1175 = arith.addi %add3A_46, %add3A_1174 : i32
        %get3A_1176 = arith.index_cast %add3A_1175 : i32 to index
        %get3A_1177 = arith.constant 80 : index
        %get3A_1178 = tpu.vector_load %arg11[%get3A_1176, %get3A_1177] {strides = array<i32>} : memref<128x128xf32, #tpu.memory_space<vmem>>, vector<1x16xf32>,
        %get3A_1179 = vector.shape_cast %get3A_1178 : vector<1x16xf32> to vector<16xf32>
        %mul3A_1180 = vector.broadcast %squeeze3A_1108 : f32 to vector<16xf32>
        %mul3A_1181 = arith.mulf %get3A_1179, %mul3A_1180 : vector<16xf32>
        %swap3A_1182 = arith.index_cast %add3A_1175 : i32 to index
        %swap3A_1183 = arith.constant 80 : index
        %swap3A_1184 = tpu.vector_load %arg11[%swap3A_1182, %swap3A_1183] {strides = array<i32>} : memref<128x128xf32, #tpu.memory_space<vmem>>, vector<1x16xf32>,
        %swap3A_1185 = vector.shape_cast %swap3A_1184 : vector<1x16xf32> to vector<16xf32>
        %swap3A_1186 = vector.shape_cast %mul3A_1181 : vector<16xf32> to vector<1x16xf32>
        tpu.vector_store %arg11[%swap3A_1182, %swap3A_1183], %swap3A_1186 {strides = array<i32>} : memref<128x128xf32, #tpu.memory_space<vmem>>, vector<1x16xf32>,
        %add3A_1187 = arith.constant 10 : i32
        %add3A_1188 = arith.addi %add3A_46, %add3A_1187 : i32
        %get3A_1189 = arith.index_cast %add3A_1188 : i32 to index
        %get3A_1190 = arith.constant 96 : index
        %get3A_1191 = tpu.vector_load %arg11[%get3A_1189, %get3A_1190] {strides = array<i32>} : memref<128x128xf32, #tpu.memory_space<vmem>>, vector<1x16xf32>,
        %get3A_1192 = vector.shape_cast %get3A_1191 : vector<1x16xf32> to vector<16xf32>
        %mul3A_1193 = vector.broadcast %squeeze3A_1108 : f32 to vector<16xf32>
        %mul3A_1194 = arith.mulf %get3A_1192, %mul3A_1193 : vector<16xf32>
        %swap3A_1195 = arith.index_cast %add3A_1188 : i32 to index
        %swap3A_1196 = arith.constant 96 : index
        %swap3A_1197 = tpu.vector_load %arg11[%swap3A_1195, %swap3A_1196] {strides = array<i32>} : memref<128x128xf32, #tpu.memory_space<vmem>>, vector<1x16xf32>,
        %swap3A_1198 = vector.shape_cast %swap3A_1197 : vector<1x16xf32> to vector<16xf32>
        %swap3A_1199 = vector.shape_cast %mul3A_1194 : vector<16xf32> to vector<1x16xf32>
        tpu.vector_store %arg11[%swap3A_1195, %swap3A_1196], %swap3A_1199 {strides = array<i32>} : memref<128x128xf32, #tpu.memory_space<vmem>>, vector<1x16xf32>,
        %add3A_1200 = arith.constant 10 : i32
        %add3A_1201 = arith.addi %add3A_46, %add3A_1200 : i32
        %get3A_1202 = arith.index_cast %add3A_1201 : i32 to index
        %get3A_1203 = arith.constant 112 : index
        %get3A_1204 = tpu.vector_load %arg11[%get3A_1202, %get3A_1203] {strides = array<i32>} : memref<128x128xf32, #tpu.memory_space<vmem>>, vector<1x16xf32>,
        %get3A_1205 = vector.shape_cast %get3A_1204 : vector<1x16xf32> to vector<16xf32>
        %mul3A_1206 = vector.broadcast %squeeze3A_1108 : f32 to vector<16xf32>
        %mul3A_1207 = arith.mulf %get3A_1205, %mul3A_1206 : vector<16xf32>
        %swap3A_1208 = arith.index_cast %add3A_1201 : i32 to index
        %swap3A_1209 = arith.constant 112 : index
        %swap3A_1210 = tpu.vector_load %arg11[%swap3A_1208, %swap3A_1209] {strides = array<i32>} : memref<128x128xf32, #tpu.memory_space<vmem>>, vector<1x16xf32>,
        %swap3A_1211 = vector.shape_cast %swap3A_1210 : vector<1x16xf32> to vector<16xf32>
        %swap3A_1212 = vector.shape_cast %mul3A_1207 : vector<16xf32> to vector<1x16xf32>
        tpu.vector_store %arg11[%swap3A_1208, %swap3A_1209], %swap3A_1212 {strides = array<i32>} : memref<128x128xf32, #tpu.memory_space<vmem>>, vector<1x16xf32>,
        %slice3A_1213 = vector.extract_strided_slice %get3A_49 {offsets = [11], sizes = [1], strides = [1]} : vector<16xf32> to vector<1xf32>
        %squeeze3A_1214 = vector.extract %slice3A_1213[0] : f32 from vector<1xf32>
        %add3A_1215 = arith.constant 11 : i32
        %add3A_1216 = arith.addi %add3A_46, %add3A_1215 : i32
        %get3A_1217 = arith.index_cast %add3A_1216 : i32 to index
        %get3A_1218 = arith.constant 0 : index
        %get3A_1219 = tpu.vector_load %arg11[%get3A_1217, %get3A_1218] {strides = array<i32>} : memref<128x128xf32, #tpu.memory_space<vmem>>, vector<1x16xf32>,
        %get3A_1220 = vector.shape_cast %get3A_1219 : vector<1x16xf32> to vector<16xf32>
        %mul3A_1221 = vector.broadcast %squeeze3A_1214 : f32 to vector<16xf32>
        %mul3A_1222 = arith.mulf %get3A_1220, %mul3A_1221 : vector<16xf32>
        %swap3A_1223 = arith.index_cast %add3A_1216 : i32 to index
        %swap3A_1224 = arith.constant 0 : index
        %swap3A_1225 = tpu.vector_load %arg11[%swap3A_1223, %swap3A_1224] {strides = array<i32>} : memref<128x128xf32, #tpu.memory_space<vmem>>, vector<1x16xf32>,
        %swap3A_1226 = vector.shape_cast %swap3A_1225 : vector<1x16xf32> to vector<16xf32>
        %swap3A_1227 = vector.shape_cast %mul3A_1222 : vector<16xf32> to vector<1x16xf32>
        tpu.vector_store %arg11[%swap3A_1223, %swap3A_1224], %swap3A_1227 {strides = array<i32>} : memref<128x128xf32, #tpu.memory_space<vmem>>, vector<1x16xf32>,
        %add3A_1228 = arith.constant 11 : i32
        %add3A_1229 = arith.addi %add3A_46, %add3A_1228 : i32
        %get3A_1230 = arith.index_cast %add3A_1229 : i32 to index
        %get3A_1231 = arith.constant 16 : index
        %get3A_1232 = tpu.vector_load %arg11[%get3A_1230, %get3A_1231] {strides = array<i32>} : memref<128x128xf32, #tpu.memory_space<vmem>>, vector<1x16xf32>,
        %get3A_1233 = vector.shape_cast %get3A_1232 : vector<1x16xf32> to vector<16xf32>
        %mul3A_1234 = vector.broadcast %squeeze3A_1214 : f32 to vector<16xf32>
        %mul3A_1235 = arith.mulf %get3A_1233, %mul3A_1234 : vector<16xf32>
        %swap3A_1236 = arith.index_cast %add3A_1229 : i32 to index
        %swap3A_1237 = arith.constant 16 : index
        %swap3A_1238 = tpu.vector_load %arg11[%swap3A_1236, %swap3A_1237] {strides = array<i32>} : memref<128x128xf32, #tpu.memory_space<vmem>>, vector<1x16xf32>,
        %swap3A_1239 = vector.shape_cast %swap3A_1238 : vector<1x16xf32> to vector<16xf32>
        %swap3A_1240 = vector.shape_cast %mul3A_1235 : vector<16xf32> to vector<1x16xf32>
        tpu.vector_store %arg11[%swap3A_1236, %swap3A_1237], %swap3A_1240 {strides = array<i32>} : memref<128x128xf32, #tpu.memory_space<vmem>>, vector<1x16xf32>,
        %add3A_1241 = arith.constant 11 : i32
        %add3A_1242 = arith.addi %add3A_46, %add3A_1241 : i32
        %get3A_1243 = arith.index_cast %add3A_1242 : i32 to index
        %get3A_1244 = arith.constant 32 : index
        %get3A_1245 = tpu.vector_load %arg11[%get3A_1243, %get3A_1244] {strides = array<i32>} : memref<128x128xf32, #tpu.memory_space<vmem>>, vector<1x16xf32>,
        %get3A_1246 = vector.shape_cast %get3A_1245 : vector<1x16xf32> to vector<16xf32>
        %mul3A_1247 = vector.broadcast %squeeze3A_1214 : f32 to vector<16xf32>
        %mul3A_1248 = arith.mulf %get3A_1246, %mul3A_1247 : vector<16xf32>
        %swap3A_1249 = arith.index_cast %add3A_1242 : i32 to index
        %swap3A_1250 = arith.constant 32 : index
        %swap3A_1251 = tpu.vector_load %arg11[%swap3A_1249, %swap3A_1250] {strides = array<i32>} : memref<128x128xf32, #tpu.memory_space<vmem>>, vector<1x16xf32>,
        %swap3A_1252 = vector.shape_cast %swap3A_1251 : vector<1x16xf32> to vector<16xf32>
        %swap3A_1253 = vector.shape_cast %mul3A_1248 : vector<16xf32> to vector<1x16xf32>
        tpu.vector_store %arg11[%swap3A_1249, %swap3A_1250], %swap3A_1253 {strides = array<i32>} : memref<128x128xf32, #tpu.memory_space<vmem>>, vector<1x16xf32>,
        %add3A_1254 = arith.constant 11 : i32
        %add3A_1255 = arith.addi %add3A_46, %add3A_1254 : i32
        %get3A_1256 = arith.index_cast %add3A_1255 : i32 to index
        %get3A_1257 = arith.constant 48 : index
        %get3A_1258 = tpu.vector_load %arg11[%get3A_1256, %get3A_1257] {strides = array<i32>} : memref<128x128xf32, #tpu.memory_space<vmem>>, vector<1x16xf32>,
        %get3A_1259 = vector.shape_cast %get3A_1258 : vector<1x16xf32> to vector<16xf32>
        %mul3A_1260 = vector.broadcast %squeeze3A_1214 : f32 to vector<16xf32>
        %mul3A_1261 = arith.mulf %get3A_1259, %mul3A_1260 : vector<16xf32>
        %swap3A_1262 = arith.index_cast %add3A_1255 : i32 to index
        %swap3A_1263 = arith.constant 48 : index
        %swap3A_1264 = tpu.vector_load %arg11[%swap3A_1262, %swap3A_1263] {strides = array<i32>} : memref<128x128xf32, #tpu.memory_space<vmem>>, vector<1x16xf32>,
        %swap3A_1265 = vector.shape_cast %swap3A_1264 : vector<1x16xf32> to vector<16xf32>
        %swap3A_1266 = vector.shape_cast %mul3A_1261 : vector<16xf32> to vector<1x16xf32>
        tpu.vector_store %arg11[%swap3A_1262, %swap3A_1263], %swap3A_1266 {strides = array<i32>} : memref<128x128xf32, #tpu.memory_space<vmem>>, vector<1x16xf32>,
        %add3A_1267 = arith.constant 11 : i32
        %add3A_1268 = arith.addi %add3A_46, %add3A_1267 : i32
        %get3A_1269 = arith.index_cast %add3A_1268 : i32 to index
        %get3A_1270 = arith.constant 64 : index
        %get3A_1271 = tpu.vector_load %arg11[%get3A_1269, %get3A_1270] {strides = array<i32>} : memref<128x128xf32, #tpu.memory_space<vmem>>, vector<1x16xf32>,
        %get3A_1272 = vector.shape_cast %get3A_1271 : vector<1x16xf32> to vector<16xf32>
        %mul3A_1273 = vector.broadcast %squeeze3A_1214 : f32 to vector<16xf32>
        %mul3A_1274 = arith.mulf %get3A_1272, %mul3A_1273 : vector<16xf32>
        %swap3A_1275 = arith.index_cast %add3A_1268 : i32 to index
        %swap3A_1276 = arith.constant 64 : index
        %swap3A_1277 = tpu.vector_load %arg11[%swap3A_1275, %swap3A_1276] {strides = array<i32>} : memref<128x128xf32, #tpu.memory_space<vmem>>, vector<1x16xf32>,
        %swap3A_1278 = vector.shape_cast %swap3A_1277 : vector<1x16xf32> to vector<16xf32>
        %swap3A_1279 = vector.shape_cast %mul3A_1274 : vector<16xf32> to vector<1x16xf32>
        tpu.vector_store %arg11[%swap3A_1275, %swap3A_1276], %swap3A_1279 {strides = array<i32>} : memref<128x128xf32, #tpu.memory_space<vmem>>, vector<1x16xf32>,
        %add3A_1280 = arith.constant 11 : i32
        %add3A_1281 = arith.addi %add3A_46, %add3A_1280 : i32
        %get3A_1282 = arith.index_cast %add3A_1281 : i32 to index
        %get3A_1283 = arith.constant 80 : index
        %get3A_1284 = tpu.vector_load %arg11[%get3A_1282, %get3A_1283] {strides = array<i32>} : memref<128x128xf32, #tpu.memory_space<vmem>>, vector<1x16xf32>,
        %get3A_1285 = vector.shape_cast %get3A_1284 : vector<1x16xf32> to vector<16xf32>
        %mul3A_1286 = vector.broadcast %squeeze3A_1214 : f32 to vector<16xf32>
        %mul3A_1287 = arith.mulf %get3A_1285, %mul3A_1286 : vector<16xf32>
        %swap3A_1288 = arith.index_cast %add3A_1281 : i32 to index
        %swap3A_1289 = arith.constant 80 : index
        %swap3A_1290 = tpu.vector_load %arg11[%swap3A_1288, %swap3A_1289] {strides = array<i32>} : memref<128x128xf32, #tpu.memory_space<vmem>>, vector<1x16xf32>,
        %swap3A_1291 = vector.shape_cast %swap3A_1290 : vector<1x16xf32> to vector<16xf32>
        %swap3A_1292 = vector.shape_cast %mul3A_1287 : vector<16xf32> to vector<1x16xf32>
        tpu.vector_store %arg11[%swap3A_1288, %swap3A_1289], %swap3A_1292 {strides = array<i32>} : memref<128x128xf32, #tpu.memory_space<vmem>>, vector<1x16xf32>,
        %add3A_1293 = arith.constant 11 : i32
        %add3A_1294 = arith.addi %add3A_46, %add3A_1293 : i32
        %get3A_1295 = arith.index_cast %add3A_1294 : i32 to index
        %get3A_1296 = arith.constant 96 : index
        %get3A_1297 = tpu.vector_load %arg11[%get3A_1295, %get3A_1296] {strides = array<i32>} : memref<128x128xf32, #tpu.memory_space<vmem>>, vector<1x16xf32>,
        %get3A_1298 = vector.shape_cast %get3A_1297 : vector<1x16xf32> to vector<16xf32>
        %mul3A_1299 = vector.broadcast %squeeze3A_1214 : f32 to vector<16xf32>
        %mul3A_1300 = arith.mulf %get3A_1298, %mul3A_1299 : vector<16xf32>
        %swap3A_1301 = arith.index_cast %add3A_1294 : i32 to index
        %swap3A_1302 = arith.constant 96 : index
        %swap3A_1303 = tpu.vector_load %arg11[%swap3A_1301, %swap3A_1302] {strides = array<i32>} : memref<128x128xf32, #tpu.memory_space<vmem>>, vector<1x16xf32>,
        %swap3A_1304 = vector.shape_cast %swap3A_1303 : vector<1x16xf32> to vector<16xf32>
        %swap3A_1305 = vector.shape_cast %mul3A_1300 : vector<16xf32> to vector<1x16xf32>
        tpu.vector_store %arg11[%swap3A_1301, %swap3A_1302], %swap3A_1305 {strides = array<i32>} : memref<128x128xf32, #tpu.memory_space<vmem>>, vector<1x16xf32>,
        %add3A_1306 = arith.constant 11 : i32
        %add3A_1307 = arith.addi %add3A_46, %add3A_1306 : i32
        %get3A_1308 = arith.index_cast %add3A_1307 : i32 to index
        %get3A_1309 = arith.constant 112 : index
        %get3A_1310 = tpu.vector_load %arg11[%get3A_1308, %get3A_1309] {strides = array<i32>} : memref<128x128xf32, #tpu.memory_space<vmem>>, vector<1x16xf32>,
        %get3A_1311 = vector.shape_cast %get3A_1310 : vector<1x16xf32> to vector<16xf32>
        %mul3A_1312 = vector.broadcast %squeeze3A_1214 : f32 to vector<16xf32>
        %mul3A_1313 = arith.mulf %get3A_1311, %mul3A_1312 : vector<16xf32>
        %swap3A_1314 = arith.index_cast %add3A_1307 : i32 to index
        %swap3A_1315 = arith.constant 112 : index
        %swap3A_1316 = tpu.vector_load %arg11[%swap3A_1314, %swap3A_1315] {strides = array<i32>} : memref<128x128xf32, #tpu.memory_space<vmem>>, vector<1x16xf32>,
        %swap3A_1317 = vector.shape_cast %swap3A_1316 : vector<1x16xf32> to vector<16xf32>
        %swap3A_1318 = vector.shape_cast %mul3A_1313 : vector<16xf32> to vector<1x16xf32>
        tpu.vector_store %arg11[%swap3A_1314, %swap3A_1315], %swap3A_1318 {strides = array<i32>} : memref<128x128xf32, #tpu.memory_space<vmem>>, vector<1x16xf32>,
        %slice3A_1319 = vector.extract_strided_slice %get3A_49 {offsets = [12], sizes = [1], strides = [1]} : vector<16xf32> to vector<1xf32>
        %squeeze3A_1320 = vector.extract %slice3A_1319[0] : f32 from vector<1xf32>
        %add3A_1321 = arith.constant 12 : i32
        %add3A_1322 = arith.addi %add3A_46, %add3A_1321 : i32
        %get3A_1323 = arith.index_cast %add3A_1322 : i32 to index
        %get3A_1324 = arith.constant 0 : index
        %get3A_1325 = tpu.vector_load %arg11[%get3A_1323, %get3A_1324] {strides = array<i32>} : memref<128x128xf32, #tpu.memory_space<vmem>>, vector<1x16xf32>,
        %get3A_1326 = vector.shape_cast %get3A_1325 : vector<1x16xf32> to vector<16xf32>
        %mul3A_1327 = vector.broadcast %squeeze3A_1320 : f32 to vector<16xf32>
        %mul3A_1328 = arith.mulf %get3A_1326, %mul3A_1327 : vector<16xf32>
        %swap3A_1329 = arith.index_cast %add3A_1322 : i32 to index
        %swap3A_1330 = arith.constant 0 : index
        %swap3A_1331 = tpu.vector_load %arg11[%swap3A_1329, %swap3A_1330] {strides = array<i32>} : memref<128x128xf32, #tpu.memory_space<vmem>>, vector<1x16xf32>,
        %swap3A_1332 = vector.shape_cast %swap3A_1331 : vector<1x16xf32> to vector<16xf32>
        %swap3A_1333 = vector.shape_cast %mul3A_1328 : vector<16xf32> to vector<1x16xf32>
        tpu.vector_store %arg11[%swap3A_1329, %swap3A_1330], %swap3A_1333 {strides = array<i32>} : memref<128x128xf32, #tpu.memory_space<vmem>>, vector<1x16xf32>,
        %add3A_1334 = arith.constant 12 : i32
        %add3A_1335 = arith.addi %add3A_46, %add3A_1334 : i32
        %get3A_1336 = arith.index_cast %add3A_1335 : i32 to index
        %get3A_1337 = arith.constant 16 : index
        %get3A_1338 = tpu.vector_load %arg11[%get3A_1336, %get3A_1337] {strides = array<i32>} : memref<128x128xf32, #tpu.memory_space<vmem>>, vector<1x16xf32>,
        %get3A_1339 = vector.shape_cast %get3A_1338 : vector<1x16xf32> to vector<16xf32>
        %mul3A_1340 = vector.broadcast %squeeze3A_1320 : f32 to vector<16xf32>
        %mul3A_1341 = arith.mulf %get3A_1339, %mul3A_1340 : vector<16xf32>
        %swap3A_1342 = arith.index_cast %add3A_1335 : i32 to index
        %swap3A_1343 = arith.constant 16 : index
        %swap3A_1344 = tpu.vector_load %arg11[%swap3A_1342, %swap3A_1343] {strides = array<i32>} : memref<128x128xf32, #tpu.memory_space<vmem>>, vector<1x16xf32>,
        %swap3A_1345 = vector.shape_cast %swap3A_1344 : vector<1x16xf32> to vector<16xf32>
        %swap3A_1346 = vector.shape_cast %mul3A_1341 : vector<16xf32> to vector<1x16xf32>
        tpu.vector_store %arg11[%swap3A_1342, %swap3A_1343], %swap3A_1346 {strides = array<i32>} : memref<128x128xf32, #tpu.memory_space<vmem>>, vector<1x16xf32>,
        %add3A_1347 = arith.constant 12 : i32
        %add3A_1348 = arith.addi %add3A_46, %add3A_1347 : i32
        %get3A_1349 = arith.index_cast %add3A_1348 : i32 to index
        %get3A_1350 = arith.constant 32 : index
        %get3A_1351 = tpu.vector_load %arg11[%get3A_1349, %get3A_1350] {strides = array<i32>} : memref<128x128xf32, #tpu.memory_space<vmem>>, vector<1x16xf32>,
        %get3A_1352 = vector.shape_cast %get3A_1351 : vector<1x16xf32> to vector<16xf32>
        %mul3A_1353 = vector.broadcast %squeeze3A_1320 : f32 to vector<16xf32>
        %mul3A_1354 = arith.mulf %get3A_1352, %mul3A_1353 : vector<16xf32>
        %swap3A_1355 = arith.index_cast %add3A_1348 : i32 to index
        %swap3A_1356 = arith.constant 32 : index
        %swap3A_1357 = tpu.vector_load %arg11[%swap3A_1355, %swap3A_1356] {strides = array<i32>} : memref<128x128xf32, #tpu.memory_space<vmem>>, vector<1x16xf32>,
        %swap3A_1358 = vector.shape_cast %swap3A_1357 : vector<1x16xf32> to vector<16xf32>
        %swap3A_1359 = vector.shape_cast %mul3A_1354 : vector<16xf32> to vector<1x16xf32>
        tpu.vector_store %arg11[%swap3A_1355, %swap3A_1356], %swap3A_1359 {strides = array<i32>} : memref<128x128xf32, #tpu.memory_space<vmem>>, vector<1x16xf32>,
        %add3A_1360 = arith.constant 12 : i32
        %add3A_1361 = arith.addi %add3A_46, %add3A_1360 : i32
        %get3A_1362 = arith.index_cast %add3A_1361 : i32 to index
        %get3A_1363 = arith.constant 48 : index
        %get3A_1364 = tpu.vector_load %arg11[%get3A_1362, %get3A_1363] {strides = array<i32>} : memref<128x128xf32, #tpu.memory_space<vmem>>, vector<1x16xf32>,
        %get3A_1365 = vector.shape_cast %get3A_1364 : vector<1x16xf32> to vector<16xf32>
        %mul3A_1366 = vector.broadcast %squeeze3A_1320 : f32 to vector<16xf32>
        %mul3A_1367 = arith.mulf %get3A_1365, %mul3A_1366 : vector<16xf32>
        %swap3A_1368 = arith.index_cast %add3A_1361 : i32 to index
        %swap3A_1369 = arith.constant 48 : index
        %swap3A_1370 = tpu.vector_load %arg11[%swap3A_1368, %swap3A_1369] {strides = array<i32>} : memref<128x128xf32, #tpu.memory_space<vmem>>, vector<1x16xf32>,
        %swap3A_1371 = vector.shape_cast %swap3A_1370 : vector<1x16xf32> to vector<16xf32>
        %swap3A_1372 = vector.shape_cast %mul3A_1367 : vector<16xf32> to vector<1x16xf32>
        tpu.vector_store %arg11[%swap3A_1368, %swap3A_1369], %swap3A_1372 {strides = array<i32>} : memref<128x128xf32, #tpu.memory_space<vmem>>, vector<1x16xf32>,
        %add3A_1373 = arith.constant 12 : i32
        %add3A_1374 = arith.addi %add3A_46, %add3A_1373 : i32
        %get3A_1375 = arith.index_cast %add3A_1374 : i32 to index
        %get3A_1376 = arith.constant 64 : index
        %get3A_1377 = tpu.vector_load %arg11[%get3A_1375, %get3A_1376] {strides = array<i32>} : memref<128x128xf32, #tpu.memory_space<vmem>>, vector<1x16xf32>,
        %get3A_1378 = vector.shape_cast %get3A_1377 : vector<1x16xf32> to vector<16xf32>
        %mul3A_1379 = vector.broadcast %squeeze3A_1320 : f32 to vector<16xf32>
        %mul3A_1380 = arith.mulf %get3A_1378, %mul3A_1379 : vector<16xf32>
        %swap3A_1381 = arith.index_cast %add3A_1374 : i32 to index
        %swap3A_1382 = arith.constant 64 : index
        %swap3A_1383 = tpu.vector_load %arg11[%swap3A_1381, %swap3A_1382] {strides = array<i32>} : memref<128x128xf32, #tpu.memory_space<vmem>>, vector<1x16xf32>,
        %swap3A_1384 = vector.shape_cast %swap3A_1383 : vector<1x16xf32> to vector<16xf32>
        %swap3A_1385 = vector.shape_cast %mul3A_1380 : vector<16xf32> to vector<1x16xf32>
        tpu.vector_store %arg11[%swap3A_1381, %swap3A_1382], %swap3A_1385 {strides = array<i32>} : memref<128x128xf32, #tpu.memory_space<vmem>>, vector<1x16xf32>,
        %add3A_1386 = arith.constant 12 : i32
        %add3A_1387 = arith.addi %add3A_46, %add3A_1386 : i32
        %get3A_1388 = arith.index_cast %add3A_1387 : i32 to index
        %get3A_1389 = arith.constant 80 : index
        %get3A_1390 = tpu.vector_load %arg11[%get3A_1388, %get3A_1389] {strides = array<i32>} : memref<128x128xf32, #tpu.memory_space<vmem>>, vector<1x16xf32>,
        %get3A_1391 = vector.shape_cast %get3A_1390 : vector<1x16xf32> to vector<16xf32>
        %mul3A_1392 = vector.broadcast %squeeze3A_1320 : f32 to vector<16xf32>
        %mul3A_1393 = arith.mulf %get3A_1391, %mul3A_1392 : vector<16xf32>
        %swap3A_1394 = arith.index_cast %add3A_1387 : i32 to index
        %swap3A_1395 = arith.constant 80 : index
        %swap3A_1396 = tpu.vector_load %arg11[%swap3A_1394, %swap3A_1395] {strides = array<i32>} : memref<128x128xf32, #tpu.memory_space<vmem>>, vector<1x16xf32>,
        %swap3A_1397 = vector.shape_cast %swap3A_1396 : vector<1x16xf32> to vector<16xf32>
        %swap3A_1398 = vector.shape_cast %mul3A_1393 : vector<16xf32> to vector<1x16xf32>
        tpu.vector_store %arg11[%swap3A_1394, %swap3A_1395], %swap3A_1398 {strides = array<i32>} : memref<128x128xf32, #tpu.memory_space<vmem>>, vector<1x16xf32>,
        %add3A_1399 = arith.constant 12 : i32
        %add3A_1400 = arith.addi %add3A_46, %add3A_1399 : i32
        %get3A_1401 = arith.index_cast %add3A_1400 : i32 to index
        %get3A_1402 = arith.constant 96 : index
        %get3A_1403 = tpu.vector_load %arg11[%get3A_1401, %get3A_1402] {strides = array<i32>} : memref<128x128xf32, #tpu.memory_space<vmem>>, vector<1x16xf32>,
        %get3A_1404 = vector.shape_cast %get3A_1403 : vector<1x16xf32> to vector<16xf32>
        %mul3A_1405 = vector.broadcast %squeeze3A_1320 : f32 to vector<16xf32>
        %mul3A_1406 = arith.mulf %get3A_1404, %mul3A_1405 : vector<16xf32>
        %swap3A_1407 = arith.index_cast %add3A_1400 : i32 to index
        %swap3A_1408 = arith.constant 96 : index
        %swap3A_1409 = tpu.vector_load %arg11[%swap3A_1407, %swap3A_1408] {strides = array<i32>} : memref<128x128xf32, #tpu.memory_space<vmem>>, vector<1x16xf32>,
        %swap3A_1410 = vector.shape_cast %swap3A_1409 : vector<1x16xf32> to vector<16xf32>
        %swap3A_1411 = vector.shape_cast %mul3A_1406 : vector<16xf32> to vector<1x16xf32>
        tpu.vector_store %arg11[%swap3A_1407, %swap3A_1408], %swap3A_1411 {strides = array<i32>} : memref<128x128xf32, #tpu.memory_space<vmem>>, vector<1x16xf32>,
        %add3A_1412 = arith.constant 12 : i32
        %add3A_1413 = arith.addi %add3A_46, %add3A_1412 : i32
        %get3A_1414 = arith.index_cast %add3A_1413 : i32 to index
        %get3A_1415 = arith.constant 112 : index
        %get3A_1416 = tpu.vector_load %arg11[%get3A_1414, %get3A_1415] {strides = array<i32>} : memref<128x128xf32, #tpu.memory_space<vmem>>, vector<1x16xf32>,
        %get3A_1417 = vector.shape_cast %get3A_1416 : vector<1x16xf32> to vector<16xf32>
        %mul3A_1418 = vector.broadcast %squeeze3A_1320 : f32 to vector<16xf32>
        %mul3A_1419 = arith.mulf %get3A_1417, %mul3A_1418 : vector<16xf32>
        %swap3A_1420 = arith.index_cast %add3A_1413 : i32 to index
        %swap3A_1421 = arith.constant 112 : index
        %swap3A_1422 = tpu.vector_load %arg11[%swap3A_1420, %swap3A_1421] {strides = array<i32>} : memref<128x128xf32, #tpu.memory_space<vmem>>, vector<1x16xf32>,
        %swap3A_1423 = vector.shape_cast %swap3A_1422 : vector<1x16xf32> to vector<16xf32>
        %swap3A_1424 = vector.shape_cast %mul3A_1419 : vector<16xf32> to vector<1x16xf32>
        tpu.vector_store %arg11[%swap3A_1420, %swap3A_1421], %swap3A_1424 {strides = array<i32>} : memref<128x128xf32, #tpu.memory_space<vmem>>, vector<1x16xf32>,
        %slice3A_1425 = vector.extract_strided_slice %get3A_49 {offsets = [13], sizes = [1], strides = [1]} : vector<16xf32> to vector<1xf32>
        %squeeze3A_1426 = vector.extract %slice3A_1425[0] : f32 from vector<1xf32>
        %add3A_1427 = arith.constant 13 : i32
        %add3A_1428 = arith.addi %add3A_46, %add3A_1427 : i32
        %get3A_1429 = arith.index_cast %add3A_1428 : i32 to index
        %get3A_1430 = arith.constant 0 : index
        %get3A_1431 = tpu.vector_load %arg11[%get3A_1429, %get3A_1430] {strides = array<i32>} : memref<128x128xf32, #tpu.memory_space<vmem>>, vector<1x16xf32>,
        %get3A_1432 = vector.shape_cast %get3A_1431 : vector<1x16xf32> to vector<16xf32>
        %mul3A_1433 = vector.broadcast %squeeze3A_1426 : f32 to vector<16xf32>
        %mul3A_1434 = arith.mulf %get3A_1432, %mul3A_1433 : vector<16xf32>
        %swap3A_1435 = arith.index_cast %add3A_1428 : i32 to index
        %swap3A_1436 = arith.constant 0 : index
        %swap3A_1437 = tpu.vector_load %arg11[%swap3A_1435, %swap3A_1436] {strides = array<i32>} : memref<128x128xf32, #tpu.memory_space<vmem>>, vector<1x16xf32>,
        %swap3A_1438 = vector.shape_cast %swap3A_1437 : vector<1x16xf32> to vector<16xf32>
        %swap3A_1439 = vector.shape_cast %mul3A_1434 : vector<16xf32> to vector<1x16xf32>
        tpu.vector_store %arg11[%swap3A_1435, %swap3A_1436], %swap3A_1439 {strides = array<i32>} : memref<128x128xf32, #tpu.memory_space<vmem>>, vector<1x16xf32>,
        %add3A_1440 = arith.constant 13 : i32
        %add3A_1441 = arith.addi %add3A_46, %add3A_1440 : i32
        %get3A_1442 = arith.index_cast %add3A_1441 : i32 to index
        %get3A_1443 = arith.constant 16 : index
        %get3A_1444 = tpu.vector_load %arg11[%get3A_1442, %get3A_1443] {strides = array<i32>} : memref<128x128xf32, #tpu.memory_space<vmem>>, vector<1x16xf32>,
        %get3A_1445 = vector.shape_cast %get3A_1444 : vector<1x16xf32> to vector<16xf32>
        %mul3A_1446 = vector.broadcast %squeeze3A_1426 : f32 to vector<16xf32>
        %mul3A_1447 = arith.mulf %get3A_1445, %mul3A_1446 : vector<16xf32>
        %swap3A_1448 = arith.index_cast %add3A_1441 : i32 to index
        %swap3A_1449 = arith.constant 16 : index
        %swap3A_1450 = tpu.vector_load %arg11[%swap3A_1448, %swap3A_1449] {strides = array<i32>} : memref<128x128xf32, #tpu.memory_space<vmem>>, vector<1x16xf32>,
        %swap3A_1451 = vector.shape_cast %swap3A_1450 : vector<1x16xf32> to vector<16xf32>
        %swap3A_1452 = vector.shape_cast %mul3A_1447 : vector<16xf32> to vector<1x16xf32>
        tpu.vector_store %arg11[%swap3A_1448, %swap3A_1449], %swap3A_1452 {strides = array<i32>} : memref<128x128xf32, #tpu.memory_space<vmem>>, vector<1x16xf32>,
        %add3A_1453 = arith.constant 13 : i32
        %add3A_1454 = arith.addi %add3A_46, %add3A_1453 : i32
        %get3A_1455 = arith.index_cast %add3A_1454 : i32 to index
        %get3A_1456 = arith.constant 32 : index
        %get3A_1457 = tpu.vector_load %arg11[%get3A_1455, %get3A_1456] {strides = array<i32>} : memref<128x128xf32, #tpu.memory_space<vmem>>, vector<1x16xf32>,
        %get3A_1458 = vector.shape_cast %get3A_1457 : vector<1x16xf32> to vector<16xf32>
        %mul3A_1459 = vector.broadcast %squeeze3A_1426 : f32 to vector<16xf32>
        %mul3A_1460 = arith.mulf %get3A_1458, %mul3A_1459 : vector<16xf32>
        %swap3A_1461 = arith.index_cast %add3A_1454 : i32 to index
        %swap3A_1462 = arith.constant 32 : index
        %swap3A_1463 = tpu.vector_load %arg11[%swap3A_1461, %swap3A_1462] {strides = array<i32>} : memref<128x128xf32, #tpu.memory_space<vmem>>, vector<1x16xf32>,
        %swap3A_1464 = vector.shape_cast %swap3A_1463 : vector<1x16xf32> to vector<16xf32>
        %swap3A_1465 = vector.shape_cast %mul3A_1460 : vector<16xf32> to vector<1x16xf32>
        tpu.vector_store %arg11[%swap3A_1461, %swap3A_1462], %swap3A_1465 {strides = array<i32>} : memref<128x128xf32, #tpu.memory_space<vmem>>, vector<1x16xf32>,
        %add3A_1466 = arith.constant 13 : i32
        %add3A_1467 = arith.addi %add3A_46, %add3A_1466 : i32
        %get3A_1468 = arith.index_cast %add3A_1467 : i32 to index
        %get3A_1469 = arith.constant 48 : index
        %get3A_1470 = tpu.vector_load %arg11[%get3A_1468, %get3A_1469] {strides = array<i32>} : memref<128x128xf32, #tpu.memory_space<vmem>>, vector<1x16xf32>,
        %get3A_1471 = vector.shape_cast %get3A_1470 : vector<1x16xf32> to vector<16xf32>
        %mul3A_1472 = vector.broadcast %squeeze3A_1426 : f32 to vector<16xf32>
        %mul3A_1473 = arith.mulf %get3A_1471, %mul3A_1472 : vector<16xf32>
        %swap3A_1474 = arith.index_cast %add3A_1467 : i32 to index
        %swap3A_1475 = arith.constant 48 : index
        %swap3A_1476 = tpu.vector_load %arg11[%swap3A_1474, %swap3A_1475] {strides = array<i32>} : memref<128x128xf32, #tpu.memory_space<vmem>>, vector<1x16xf32>,
        %swap3A_1477 = vector.shape_cast %swap3A_1476 : vector<1x16xf32> to vector<16xf32>
        %swap3A_1478 = vector.shape_cast %mul3A_1473 : vector<16xf32> to vector<1x16xf32>
        tpu.vector_store %arg11[%swap3A_1474, %swap3A_1475], %swap3A_1478 {strides = array<i32>} : memref<128x128xf32, #tpu.memory_space<vmem>>, vector<1x16xf32>,
        %add3A_1479 = arith.constant 13 : i32
        %add3A_1480 = arith.addi %add3A_46, %add3A_1479 : i32
        %get3A_1481 = arith.index_cast %add3A_1480 : i32 to index
        %get3A_1482 = arith.constant 64 : index
        %get3A_1483 = tpu.vector_load %arg11[%get3A_1481, %get3A_1482] {strides = array<i32>} : memref<128x128xf32, #tpu.memory_space<vmem>>, vector<1x16xf32>,
        %get3A_1484 = vector.shape_cast %get3A_1483 : vector<1x16xf32> to vector<16xf32>
        %mul3A_1485 = vector.broadcast %squeeze3A_1426 : f32 to vector<16xf32>
        %mul3A_1486 = arith.mulf %get3A_1484, %mul3A_1485 : vector<16xf32>
        %swap3A_1487 = arith.index_cast %add3A_1480 : i32 to index
        %swap3A_1488 = arith.constant 64 : index
        %swap3A_1489 = tpu.vector_load %arg11[%swap3A_1487, %swap3A_1488] {strides = array<i32>} : memref<128x128xf32, #tpu.memory_space<vmem>>, vector<1x16xf32>,
        %swap3A_1490 = vector.shape_cast %swap3A_1489 : vector<1x16xf32> to vector<16xf32>
        %swap3A_1491 = vector.shape_cast %mul3A_1486 : vector<16xf32> to vector<1x16xf32>
        tpu.vector_store %arg11[%swap3A_1487, %swap3A_1488], %swap3A_1491 {strides = array<i32>} : memref<128x128xf32, #tpu.memory_space<vmem>>, vector<1x16xf32>,
        %add3A_1492 = arith.constant 13 : i32
        %add3A_1493 = arith.addi %add3A_46, %add3A_1492 : i32
        %get3A_1494 = arith.index_cast %add3A_1493 : i32 to index
        %get3A_1495 = arith.constant 80 : index
        %get3A_1496 = tpu.vector_load %arg11[%get3A_1494, %get3A_1495] {strides = array<i32>} : memref<128x128xf32, #tpu.memory_space<vmem>>, vector<1x16xf32>,
        %get3A_1497 = vector.shape_cast %get3A_1496 : vector<1x16xf32> to vector<16xf32>
        %mul3A_1498 = vector.broadcast %squeeze3A_1426 : f32 to vector<16xf32>
        %mul3A_1499 = arith.mulf %get3A_1497, %mul3A_1498 : vector<16xf32>
        %swap3A_1500 = arith.index_cast %add3A_1493 : i32 to index
        %swap3A_1501 = arith.constant 80 : index
        %swap3A_1502 = tpu.vector_load %arg11[%swap3A_1500, %swap3A_1501] {strides = array<i32>} : memref<128x128xf32, #tpu.memory_space<vmem>>, vector<1x16xf32>,
        %swap3A_1503 = vector.shape_cast %swap3A_1502 : vector<1x16xf32> to vector<16xf32>
        %swap3A_1504 = vector.shape_cast %mul3A_1499 : vector<16xf32> to vector<1x16xf32>
        tpu.vector_store %arg11[%swap3A_1500, %swap3A_1501], %swap3A_1504 {strides = array<i32>} : memref<128x128xf32, #tpu.memory_space<vmem>>, vector<1x16xf32>,
        %add3A_1505 = arith.constant 13 : i32
        %add3A_1506 = arith.addi %add3A_46, %add3A_1505 : i32
        %get3A_1507 = arith.index_cast %add3A_1506 : i32 to index
        %get3A_1508 = arith.constant 96 : index
        %get3A_1509 = tpu.vector_load %arg11[%get3A_1507, %get3A_1508] {strides = array<i32>} : memref<128x128xf32, #tpu.memory_space<vmem>>, vector<1x16xf32>,
        %get3A_1510 = vector.shape_cast %get3A_1509 : vector<1x16xf32> to vector<16xf32>
        %mul3A_1511 = vector.broadcast %squeeze3A_1426 : f32 to vector<16xf32>
        %mul3A_1512 = arith.mulf %get3A_1510, %mul3A_1511 : vector<16xf32>
        %swap3A_1513 = arith.index_cast %add3A_1506 : i32 to index
        %swap3A_1514 = arith.constant 96 : index
        %swap3A_1515 = tpu.vector_load %arg11[%swap3A_1513, %swap3A_1514] {strides = array<i32>} : memref<128x128xf32, #tpu.memory_space<vmem>>, vector<1x16xf32>,
        %swap3A_1516 = vector.shape_cast %swap3A_1515 : vector<1x16xf32> to vector<16xf32>
        %swap3A_1517 = vector.shape_cast %mul3A_1512 : vector<16xf32> to vector<1x16xf32>
        tpu.vector_store %arg11[%swap3A_1513, %swap3A_1514], %swap3A_1517 {strides = array<i32>} : memref<128x128xf32, #tpu.memory_space<vmem>>, vector<1x16xf32>,
        %add3A_1518 = arith.constant 13 : i32
        %add3A_1519 = arith.addi %add3A_46, %add3A_1518 : i32
        %get3A_1520 = arith.index_cast %add3A_1519 : i32 to index
        %get3A_1521 = arith.constant 112 : index
        %get3A_1522 = tpu.vector_load %arg11[%get3A_1520, %get3A_1521] {strides = array<i32>} : memref<128x128xf32, #tpu.memory_space<vmem>>, vector<1x16xf32>,
        %get3A_1523 = vector.shape_cast %get3A_1522 : vector<1x16xf32> to vector<16xf32>
        %mul3A_1524 = vector.broadcast %squeeze3A_1426 : f32 to vector<16xf32>
        %mul3A_1525 = arith.mulf %get3A_1523, %mul3A_1524 : vector<16xf32>
        %swap3A_1526 = arith.index_cast %add3A_1519 : i32 to index
        %swap3A_1527 = arith.constant 112 : index
        %swap3A_1528 = tpu.vector_load %arg11[%swap3A_1526, %swap3A_1527] {strides = array<i32>} : memref<128x128xf32, #tpu.memory_space<vmem>>, vector<1x16xf32>,
        %swap3A_1529 = vector.shape_cast %swap3A_1528 : vector<1x16xf32> to vector<16xf32>
        %swap3A_1530 = vector.shape_cast %mul3A_1525 : vector<16xf32> to vector<1x16xf32>
        tpu.vector_store %arg11[%swap3A_1526, %swap3A_1527], %swap3A_1530 {strides = array<i32>} : memref<128x128xf32, #tpu.memory_space<vmem>>, vector<1x16xf32>,
        %slice3A_1531 = vector.extract_strided_slice %get3A_49 {offsets = [14], sizes = [1], strides = [1]} : vector<16xf32> to vector<1xf32>
        %squeeze3A_1532 = vector.extract %slice3A_1531[0] : f32 from vector<1xf32>
        %add3A_1533 = arith.constant 14 : i32
        %add3A_1534 = arith.addi %add3A_46, %add3A_1533 : i32
        %get3A_1535 = arith.index_cast %add3A_1534 : i32 to index
        %get3A_1536 = arith.constant 0 : index
        %get3A_1537 = tpu.vector_load %arg11[%get3A_1535, %get3A_1536] {strides = array<i32>} : memref<128x128xf32, #tpu.memory_space<vmem>>, vector<1x16xf32>,
        %get3A_1538 = vector.shape_cast %get3A_1537 : vector<1x16xf32> to vector<16xf32>
        %mul3A_1539 = vector.broadcast %squeeze3A_1532 : f32 to vector<16xf32>
        %mul3A_1540 = arith.mulf %get3A_1538, %mul3A_1539 : vector<16xf32>
        %swap3A_1541 = arith.index_cast %add3A_1534 : i32 to index
        %swap3A_1542 = arith.constant 0 : index
        %swap3A_1543 = tpu.vector_load %arg11[%swap3A_1541, %swap3A_1542] {strides = array<i32>} : memref<128x128xf32, #tpu.memory_space<vmem>>, vector<1x16xf32>,
        %swap3A_1544 = vector.shape_cast %swap3A_1543 : vector<1x16xf32> to vector<16xf32>
        %swap3A_1545 = vector.shape_cast %mul3A_1540 : vector<16xf32> to vector<1x16xf32>
        tpu.vector_store %arg11[%swap3A_1541, %swap3A_1542], %swap3A_1545 {strides = array<i32>} : memref<128x128xf32, #tpu.memory_space<vmem>>, vector<1x16xf32>,
        %add3A_1546 = arith.constant 14 : i32
        %add3A_1547 = arith.addi %add3A_46, %add3A_1546 : i32
        %get3A_1548 = arith.index_cast %add3A_1547 : i32 to index
        %get3A_1549 = arith.constant 16 : index
        %get3A_1550 = tpu.vector_load %arg11[%get3A_1548, %get3A_1549] {strides = array<i32>} : memref<128x128xf32, #tpu.memory_space<vmem>>, vector<1x16xf32>,
        %get3A_1551 = vector.shape_cast %get3A_1550 : vector<1x16xf32> to vector<16xf32>
        %mul3A_1552 = vector.broadcast %squeeze3A_1532 : f32 to vector<16xf32>
        %mul3A_1553 = arith.mulf %get3A_1551, %mul3A_1552 : vector<16xf32>
        %swap3A_1554 = arith.index_cast %add3A_1547 : i32 to index
        %swap3A_1555 = arith.constant 16 : index
        %swap3A_1556 = tpu.vector_load %arg11[%swap3A_1554, %swap3A_1555] {strides = array<i32>} : memref<128x128xf32, #tpu.memory_space<vmem>>, vector<1x16xf32>,
        %swap3A_1557 = vector.shape_cast %swap3A_1556 : vector<1x16xf32> to vector<16xf32>
        %swap3A_1558 = vector.shape_cast %mul3A_1553 : vector<16xf32> to vector<1x16xf32>
        tpu.vector_store %arg11[%swap3A_1554, %swap3A_1555], %swap3A_1558 {strides = array<i32>} : memref<128x128xf32, #tpu.memory_space<vmem>>, vector<1x16xf32>,
        %add3A_1559 = arith.constant 14 : i32
        %add3A_1560 = arith.addi %add3A_46, %add3A_1559 : i32
        %get3A_1561 = arith.index_cast %add3A_1560 : i32 to index
        %get3A_1562 = arith.constant 32 : index
        %get3A_1563 = tpu.vector_load %arg11[%get3A_1561, %get3A_1562] {strides = array<i32>} : memref<128x128xf32, #tpu.memory_space<vmem>>, vector<1x16xf32>,
        %get3A_1564 = vector.shape_cast %get3A_1563 : vector<1x16xf32> to vector<16xf32>
        %mul3A_1565 = vector.broadcast %squeeze3A_1532 : f32 to vector<16xf32>
        %mul3A_1566 = arith.mulf %get3A_1564, %mul3A_1565 : vector<16xf32>
        %swap3A_1567 = arith.index_cast %add3A_1560 : i32 to index
        %swap3A_1568 = arith.constant 32 : index
        %swap3A_1569 = tpu.vector_load %arg11[%swap3A_1567, %swap3A_1568] {strides = array<i32>} : memref<128x128xf32, #tpu.memory_space<vmem>>, vector<1x16xf32>,
        %swap3A_1570 = vector.shape_cast %swap3A_1569 : vector<1x16xf32> to vector<16xf32>
        %swap3A_1571 = vector.shape_cast %mul3A_1566 : vector<16xf32> to vector<1x16xf32>
        tpu.vector_store %arg11[%swap3A_1567, %swap3A_1568], %swap3A_1571 {strides = array<i32>} : memref<128x128xf32, #tpu.memory_space<vmem>>, vector<1x16xf32>,
        %add3A_1572 = arith.constant 14 : i32
        %add3A_1573 = arith.addi %add3A_46, %add3A_1572 : i32
        %get3A_1574 = arith.index_cast %add3A_1573 : i32 to index
        %get3A_1575 = arith.constant 48 : index
        %get3A_1576 = tpu.vector_load %arg11[%get3A_1574, %get3A_1575] {strides = array<i32>} : memref<128x128xf32, #tpu.memory_space<vmem>>, vector<1x16xf32>,
        %get3A_1577 = vector.shape_cast %get3A_1576 : vector<1x16xf32> to vector<16xf32>
        %mul3A_1578 = vector.broadcast %squeeze3A_1532 : f32 to vector<16xf32>
        %mul3A_1579 = arith.mulf %get3A_1577, %mul3A_1578 : vector<16xf32>
        %swap3A_1580 = arith.index_cast %add3A_1573 : i32 to index
        %swap3A_1581 = arith.constant 48 : index
        %swap3A_1582 = tpu.vector_load %arg11[%swap3A_1580, %swap3A_1581] {strides = array<i32>} : memref<128x128xf32, #tpu.memory_space<vmem>>, vector<1x16xf32>,
        %swap3A_1583 = vector.shape_cast %swap3A_1582 : vector<1x16xf32> to vector<16xf32>
        %swap3A_1584 = vector.shape_cast %mul3A_1579 : vector<16xf32> to vector<1x16xf32>
        tpu.vector_store %arg11[%swap3A_1580, %swap3A_1581], %swap3A_1584 {strides = array<i32>} : memref<128x128xf32, #tpu.memory_space<vmem>>, vector<1x16xf32>,
        %add3A_1585 = arith.constant 14 : i32
        %add3A_1586 = arith.addi %add3A_46, %add3A_1585 : i32
        %get3A_1587 = arith.index_cast %add3A_1586 : i32 to index
        %get3A_1588 = arith.constant 64 : index
        %get3A_1589 = tpu.vector_load %arg11[%get3A_1587, %get3A_1588] {strides = array<i32>} : memref<128x128xf32, #tpu.memory_space<vmem>>, vector<1x16xf32>,
        %get3A_1590 = vector.shape_cast %get3A_1589 : vector<1x16xf32> to vector<16xf32>
        %mul3A_1591 = vector.broadcast %squeeze3A_1532 : f32 to vector<16xf32>
        %mul3A_1592 = arith.mulf %get3A_1590, %mul3A_1591 : vector<16xf32>
        %swap3A_1593 = arith.index_cast %add3A_1586 : i32 to index
        %swap3A_1594 = arith.constant 64 : index
        %swap3A_1595 = tpu.vector_load %arg11[%swap3A_1593, %swap3A_1594] {strides = array<i32>} : memref<128x128xf32, #tpu.memory_space<vmem>>, vector<1x16xf32>,
        %swap3A_1596 = vector.shape_cast %swap3A_1595 : vector<1x16xf32> to vector<16xf32>
        %swap3A_1597 = vector.shape_cast %mul3A_1592 : vector<16xf32> to vector<1x16xf32>
        tpu.vector_store %arg11[%swap3A_1593, %swap3A_1594], %swap3A_1597 {strides = array<i32>} : memref<128x128xf32, #tpu.memory_space<vmem>>, vector<1x16xf32>,
        %add3A_1598 = arith.constant 14 : i32
        %add3A_1599 = arith.addi %add3A_46, %add3A_1598 : i32
        %get3A_1600 = arith.index_cast %add3A_1599 : i32 to index
        %get3A_1601 = arith.constant 80 : index
        %get3A_1602 = tpu.vector_load %arg11[%get3A_1600, %get3A_1601] {strides = array<i32>} : memref<128x128xf32, #tpu.memory_space<vmem>>, vector<1x16xf32>,
        %get3A_1603 = vector.shape_cast %get3A_1602 : vector<1x16xf32> to vector<16xf32>
        %mul3A_1604 = vector.broadcast %squeeze3A_1532 : f32 to vector<16xf32>
        %mul3A_1605 = arith.mulf %get3A_1603, %mul3A_1604 : vector<16xf32>
        %swap3A_1606 = arith.index_cast %add3A_1599 : i32 to index
        %swap3A_1607 = arith.constant 80 : index
        %swap3A_1608 = tpu.vector_load %arg11[%swap3A_1606, %swap3A_1607] {strides = array<i32>} : memref<128x128xf32, #tpu.memory_space<vmem>>, vector<1x16xf32>,
        %swap3A_1609 = vector.shape_cast %swap3A_1608 : vector<1x16xf32> to vector<16xf32>
        %swap3A_1610 = vector.shape_cast %mul3A_1605 : vector<16xf32> to vector<1x16xf32>
        tpu.vector_store %arg11[%swap3A_1606, %swap3A_1607], %swap3A_1610 {strides = array<i32>} : memref<128x128xf32, #tpu.memory_space<vmem>>, vector<1x16xf32>,
        %add3A_1611 = arith.constant 14 : i32
        %add3A_1612 = arith.addi %add3A_46, %add3A_1611 : i32
        %get3A_1613 = arith.index_cast %add3A_1612 : i32 to index
        %get3A_1614 = arith.constant 96 : index
        %get3A_1615 = tpu.vector_load %arg11[%get3A_1613, %get3A_1614] {strides = array<i32>} : memref<128x128xf32, #tpu.memory_space<vmem>>, vector<1x16xf32>,
        %get3A_1616 = vector.shape_cast %get3A_1615 : vector<1x16xf32> to vector<16xf32>
        %mul3A_1617 = vector.broadcast %squeeze3A_1532 : f32 to vector<16xf32>
        %mul3A_1618 = arith.mulf %get3A_1616, %mul3A_1617 : vector<16xf32>
        %swap3A_1619 = arith.index_cast %add3A_1612 : i32 to index
        %swap3A_1620 = arith.constant 96 : index
        %swap3A_1621 = tpu.vector_load %arg11[%swap3A_1619, %swap3A_1620] {strides = array<i32>} : memref<128x128xf32, #tpu.memory_space<vmem>>, vector<1x16xf32>,
        %swap3A_1622 = vector.shape_cast %swap3A_1621 : vector<1x16xf32> to vector<16xf32>
        %swap3A_1623 = vector.shape_cast %mul3A_1618 : vector<16xf32> to vector<1x16xf32>
        tpu.vector_store %arg11[%swap3A_1619, %swap3A_1620], %swap3A_1623 {strides = array<i32>} : memref<128x128xf32, #tpu.memory_space<vmem>>, vector<1x16xf32>,
        %add3A_1624 = arith.constant 14 : i32
        %add3A_1625 = arith.addi %add3A_46, %add3A_1624 : i32
        %get3A_1626 = arith.index_cast %add3A_1625 : i32 to index
        %get3A_1627 = arith.constant 112 : index
        %get3A_1628 = tpu.vector_load %arg11[%get3A_1626, %get3A_1627] {strides = array<i32>} : memref<128x128xf32, #tpu.memory_space<vmem>>, vector<1x16xf32>,
        %get3A_1629 = vector.shape_cast %get3A_1628 : vector<1x16xf32> to vector<16xf32>
        %mul3A_1630 = vector.broadcast %squeeze3A_1532 : f32 to vector<16xf32>
        %mul3A_1631 = arith.mulf %get3A_1629, %mul3A_1630 : vector<16xf32>
        %swap3A_1632 = arith.index_cast %add3A_1625 : i32 to index
        %swap3A_1633 = arith.constant 112 : index
        %swap3A_1634 = tpu.vector_load %arg11[%swap3A_1632, %swap3A_1633] {strides = array<i32>} : memref<128x128xf32, #tpu.memory_space<vmem>>, vector<1x16xf32>,
        %swap3A_1635 = vector.shape_cast %swap3A_1634 : vector<1x16xf32> to vector<16xf32>
        %swap3A_1636 = vector.shape_cast %mul3A_1631 : vector<16xf32> to vector<1x16xf32>
        tpu.vector_store %arg11[%swap3A_1632, %swap3A_1633], %swap3A_1636 {strides = array<i32>} : memref<128x128xf32, #tpu.memory_space<vmem>>, vector<1x16xf32>,
        %slice3A_1637 = vector.extract_strided_slice %get3A_49 {offsets = [15], sizes = [1], strides = [1]} : vector<16xf32> to vector<1xf32>
        %squeeze3A_1638 = vector.extract %slice3A_1637[0] : f32 from vector<1xf32>
        %add3A_1639 = arith.constant 15 : i32
        %add3A_1640 = arith.addi %add3A_46, %add3A_1639 : i32
        %get3A_1641 = arith.index_cast %add3A_1640 : i32 to index
        %get3A_1642 = arith.constant 0 : index
        %get3A_1643 = tpu.vector_load %arg11[%get3A_1641, %get3A_1642] {strides = array<i32>} : memref<128x128xf32, #tpu.memory_space<vmem>>, vector<1x16xf32>,
        %get3A_1644 = vector.shape_cast %get3A_1643 : vector<1x16xf32> to vector<16xf32>
        %mul3A_1645 = vector.broadcast %squeeze3A_1638 : f32 to vector<16xf32>
        %mul3A_1646 = arith.mulf %get3A_1644, %mul3A_1645 : vector<16xf32>
        %swap3A_1647 = arith.index_cast %add3A_1640 : i32 to index
        %swap3A_1648 = arith.constant 0 : index
        %swap3A_1649 = tpu.vector_load %arg11[%swap3A_1647, %swap3A_1648] {strides = array<i32>} : memref<128x128xf32, #tpu.memory_space<vmem>>, vector<1x16xf32>,
        %swap3A_1650 = vector.shape_cast %swap3A_1649 : vector<1x16xf32> to vector<16xf32>
        %swap3A_1651 = vector.shape_cast %mul3A_1646 : vector<16xf32> to vector<1x16xf32>
        tpu.vector_store %arg11[%swap3A_1647, %swap3A_1648], %swap3A_1651 {strides = array<i32>} : memref<128x128xf32, #tpu.memory_space<vmem>>, vector<1x16xf32>,
        %add3A_1652 = arith.constant 15 : i32
        %add3A_1653 = arith.addi %add3A_46, %add3A_1652 : i32
        %get3A_1654 = arith.index_cast %add3A_1653 : i32 to index
        %get3A_1655 = arith.constant 16 : index
        %get3A_1656 = tpu.vector_load %arg11[%get3A_1654, %get3A_1655] {strides = array<i32>} : memref<128x128xf32, #tpu.memory_space<vmem>>, vector<1x16xf32>,
        %get3A_1657 = vector.shape_cast %get3A_1656 : vector<1x16xf32> to vector<16xf32>
        %mul3A_1658 = vector.broadcast %squeeze3A_1638 : f32 to vector<16xf32>
        %mul3A_1659 = arith.mulf %get3A_1657, %mul3A_1658 : vector<16xf32>
        %swap3A_1660 = arith.index_cast %add3A_1653 : i32 to index
        %swap3A_1661 = arith.constant 16 : index
        %swap3A_1662 = tpu.vector_load %arg11[%swap3A_1660, %swap3A_1661] {strides = array<i32>} : memref<128x128xf32, #tpu.memory_space<vmem>>, vector<1x16xf32>,
        %swap3A_1663 = vector.shape_cast %swap3A_1662 : vector<1x16xf32> to vector<16xf32>
        %swap3A_1664 = vector.shape_cast %mul3A_1659 : vector<16xf32> to vector<1x16xf32>
        tpu.vector_store %arg11[%swap3A_1660, %swap3A_1661], %swap3A_1664 {strides = array<i32>} : memref<128x128xf32, #tpu.memory_space<vmem>>, vector<1x16xf32>,
        %add3A_1665 = arith.constant 15 : i32
        %add3A_1666 = arith.addi %add3A_46, %add3A_1665 : i32
        %get3A_1667 = arith.index_cast %add3A_1666 : i32 to index
        %get3A_1668 = arith.constant 32 : index
        %get3A_1669 = tpu.vector_load %arg11[%get3A_1667, %get3A_1668] {strides = array<i32>} : memref<128x128xf32, #tpu.memory_space<vmem>>, vector<1x16xf32>,
        %get3A_1670 = vector.shape_cast %get3A_1669 : vector<1x16xf32> to vector<16xf32>
        %mul3A_1671 = vector.broadcast %squeeze3A_1638 : f32 to vector<16xf32>
        %mul3A_1672 = arith.mulf %get3A_1670, %mul3A_1671 : vector<16xf32>
        %swap3A_1673 = arith.index_cast %add3A_1666 : i32 to index
        %swap3A_1674 = arith.constant 32 : index
        %swap3A_1675 = tpu.vector_load %arg11[%swap3A_1673, %swap3A_1674] {strides = array<i32>} : memref<128x128xf32, #tpu.memory_space<vmem>>, vector<1x16xf32>,
        %swap3A_1676 = vector.shape_cast %swap3A_1675 : vector<1x16xf32> to vector<16xf32>
        %swap3A_1677 = vector.shape_cast %mul3A_1672 : vector<16xf32> to vector<1x16xf32>
        tpu.vector_store %arg11[%swap3A_1673, %swap3A_1674], %swap3A_1677 {strides = array<i32>} : memref<128x128xf32, #tpu.memory_space<vmem>>, vector<1x16xf32>,
        %add3A_1678 = arith.constant 15 : i32
        %add3A_1679 = arith.addi %add3A_46, %add3A_1678 : i32
        %get3A_1680 = arith.index_cast %add3A_1679 : i32 to index
        %get3A_1681 = arith.constant 48 : index
        %get3A_1682 = tpu.vector_load %arg11[%get3A_1680, %get3A_1681] {strides = array<i32>} : memref<128x128xf32, #tpu.memory_space<vmem>>, vector<1x16xf32>,
        %get3A_1683 = vector.shape_cast %get3A_1682 : vector<1x16xf32> to vector<16xf32>
        %mul3A_1684 = vector.broadcast %squeeze3A_1638 : f32 to vector<16xf32>
        %mul3A_1685 = arith.mulf %get3A_1683, %mul3A_1684 : vector<16xf32>
        %swap3A_1686 = arith.index_cast %add3A_1679 : i32 to index
        %swap3A_1687 = arith.constant 48 : index
        %swap3A_1688 = tpu.vector_load %arg11[%swap3A_1686, %swap3A_1687] {strides = array<i32>} : memref<128x128xf32, #tpu.memory_space<vmem>>, vector<1x16xf32>,
        %swap3A_1689 = vector.shape_cast %swap3A_1688 : vector<1x16xf32> to vector<16xf32>
        %swap3A_1690 = vector.shape_cast %mul3A_1685 : vector<16xf32> to vector<1x16xf32>
        tpu.vector_store %arg11[%swap3A_1686, %swap3A_1687], %swap3A_1690 {strides = array<i32>} : memref<128x128xf32, #tpu.memory_space<vmem>>, vector<1x16xf32>,
        %add3A_1691 = arith.constant 15 : i32
        %add3A_1692 = arith.addi %add3A_46, %add3A_1691 : i32
        %get3A_1693 = arith.index_cast %add3A_1692 : i32 to index
        %get3A_1694 = arith.constant 64 : index
        %get3A_1695 = tpu.vector_load %arg11[%get3A_1693, %get3A_1694] {strides = array<i32>} : memref<128x128xf32, #tpu.memory_space<vmem>>, vector<1x16xf32>,
        %get3A_1696 = vector.shape_cast %get3A_1695 : vector<1x16xf32> to vector<16xf32>
        %mul3A_1697 = vector.broadcast %squeeze3A_1638 : f32 to vector<16xf32>
        %mul3A_1698 = arith.mulf %get3A_1696, %mul3A_1697 : vector<16xf32>
        %swap3A_1699 = arith.index_cast %add3A_1692 : i32 to index
        %swap3A_1700 = arith.constant 64 : index
        %swap3A_1701 = tpu.vector_load %arg11[%swap3A_1699, %swap3A_1700] {strides = array<i32>} : memref<128x128xf32, #tpu.memory_space<vmem>>, vector<1x16xf32>,
        %swap3A_1702 = vector.shape_cast %swap3A_1701 : vector<1x16xf32> to vector<16xf32>
        %swap3A_1703 = vector.shape_cast %mul3A_1698 : vector<16xf32> to vector<1x16xf32>
        tpu.vector_store %arg11[%swap3A_1699, %swap3A_1700], %swap3A_1703 {strides = array<i32>} : memref<128x128xf32, #tpu.memory_space<vmem>>, vector<1x16xf32>,
        %add3A_1704 = arith.constant 15 : i32
        %add3A_1705 = arith.addi %add3A_46, %add3A_1704 : i32
        %get3A_1706 = arith.index_cast %add3A_1705 : i32 to index
        %get3A_1707 = arith.constant 80 : index
        %get3A_1708 = tpu.vector_load %arg11[%get3A_1706, %get3A_1707] {strides = array<i32>} : memref<128x128xf32, #tpu.memory_space<vmem>>, vector<1x16xf32>,
        %get3A_1709 = vector.shape_cast %get3A_1708 : vector<1x16xf32> to vector<16xf32>
        %mul3A_1710 = vector.broadcast %squeeze3A_1638 : f32 to vector<16xf32>
        %mul3A_1711 = arith.mulf %get3A_1709, %mul3A_1710 : vector<16xf32>
        %swap3A_1712 = arith.index_cast %add3A_1705 : i32 to index
        %swap3A_1713 = arith.constant 80 : index
        %swap3A_1714 = tpu.vector_load %arg11[%swap3A_1712, %swap3A_1713] {strides = array<i32>} : memref<128x128xf32, #tpu.memory_space<vmem>>, vector<1x16xf32>,
        %swap3A_1715 = vector.shape_cast %swap3A_1714 : vector<1x16xf32> to vector<16xf32>
        %swap3A_1716 = vector.shape_cast %mul3A_1711 : vector<16xf32> to vector<1x16xf32>
        tpu.vector_store %arg11[%swap3A_1712, %swap3A_1713], %swap3A_1716 {strides = array<i32>} : memref<128x128xf32, #tpu.memory_space<vmem>>, vector<1x16xf32>,
        %add3A_1717 = arith.constant 15 : i32
        %add3A_1718 = arith.addi %add3A_46, %add3A_1717 : i32
        %get3A_1719 = arith.index_cast %add3A_1718 : i32 to index
        %get3A_1720 = arith.constant 96 : index
        %get3A_1721 = tpu.vector_load %arg11[%get3A_1719, %get3A_1720] {strides = array<i32>} : memref<128x128xf32, #tpu.memory_space<vmem>>, vector<1x16xf32>,
        %get3A_1722 = vector.shape_cast %get3A_1721 : vector<1x16xf32> to vector<16xf32>
        %mul3A_1723 = vector.broadcast %squeeze3A_1638 : f32 to vector<16xf32>
        %mul3A_1724 = arith.mulf %get3A_1722, %mul3A_1723 : vector<16xf32>
        %swap3A_1725 = arith.index_cast %add3A_1718 : i32 to index
        %swap3A_1726 = arith.constant 96 : index
        %swap3A_1727 = tpu.vector_load %arg11[%swap3A_1725, %swap3A_1726] {strides = array<i32>} : memref<128x128xf32, #tpu.memory_space<vmem>>, vector<1x16xf32>,
        %swap3A_1728 = vector.shape_cast %swap3A_1727 : vector<1x16xf32> to vector<16xf32>
        %swap3A_1729 = vector.shape_cast %mul3A_1724 : vector<16xf32> to vector<1x16xf32>
        tpu.vector_store %arg11[%swap3A_1725, %swap3A_1726], %swap3A_1729 {strides = array<i32>} : memref<128x128xf32, #tpu.memory_space<vmem>>, vector<1x16xf32>,
        %add3A_1730 = arith.constant 15 : i32
        %add3A_1731 = arith.addi %add3A_46, %add3A_1730 : i32
        %get3A_1732 = arith.index_cast %add3A_1731 : i32 to index
        %get3A_1733 = arith.constant 112 : index
        %get3A_1734 = tpu.vector_load %arg11[%get3A_1732, %get3A_1733] {strides = array<i32>} : memref<128x128xf32, #tpu.memory_space<vmem>>, vector<1x16xf32>,
        %get3A_1735 = vector.shape_cast %get3A_1734 : vector<1x16xf32> to vector<16xf32>
        %mul3A_1736 = vector.broadcast %squeeze3A_1638 : f32 to vector<16xf32>
        %mul3A_1737 = arith.mulf %get3A_1735, %mul3A_1736 : vector<16xf32>
        %swap3A_1738 = arith.index_cast %add3A_1731 : i32 to index
        %swap3A_1739 = arith.constant 112 : index
        %swap3A_1740 = tpu.vector_load %arg11[%swap3A_1738, %swap3A_1739] {strides = array<i32>} : memref<128x128xf32, #tpu.memory_space<vmem>>, vector<1x16xf32>,
        %swap3A_1741 = vector.shape_cast %swap3A_1740 : vector<1x16xf32> to vector<16xf32>
        %swap3A_1742 = vector.shape_cast %mul3A_1737 : vector<16xf32> to vector<1x16xf32>
        tpu.vector_store %arg11[%swap3A_1738, %swap3A_1739], %swap3A_1742 {strides = array<i32>} : memref<128x128xf32, #tpu.memory_space<vmem>>, vector<1x16xf32>,
      }
      %scan3A_41 = arith.constant 8 : i32
      "tpu.region"() ({
        %run_scoped3A = tpu.sem_alloc : memref<!tpu.dma_semaphore, #tpu.memory_space<semaphore_mem>>
        %dma_start3A = arith.constant 0 : i32
        %dma_start3A_42 = tpu.memref_slice %arg9[%add3A_36, %dma_start3A] : memref<79x128xi32, #tpu.memory_space<vmem>> -> memref<1x128xi32, #tpu.memory_space<vmem>>
        %dma_start3A_43 = tpu.memref_squeeze %dma_start3A_42 : memref<1x128xi32, #tpu.memory_space<vmem>> -> memref<128xi32, #tpu.memory_space<vmem>>
        %dma_start3A_44 = arith.constant 0 : i32
        %dma_start3A_45 = arith.constant 0 : i32
        %dma_start3A_46 = tpu.memref_slice %arg7[%dma_start3A_44, %dma_start3A_45] : memref<10000x128xf32, #tpu.memory_space<vmem_shared>> -> memref<10000x128xf32, #tpu.memory_space<vmem_shared>>
        tpu.enqueue_indirect_dma source(%arg11 : memref<128x128xf32, #tpu.memory_space<vmem>>) target(%dma_start3A_46 : memref<10000x128xf32, #tpu.memory_space<vmem_shared>>) offsets(%dma_start3A_43 : memref<128xi32, #tpu.memory_space<vmem>>) semaphore(%run_scoped3A : memref<!tpu.dma_semaphore, #tpu.memory_space<semaphore_mem>>) {add = true}
        %dma_wait3A = arith.constant 0 : i32
        %dma_wait3A_47 = tpu.memref_slice %arg9[%add3A_36, %dma_wait3A] : memref<79x128xi32, #tpu.memory_space<vmem>> -> memref<1x128xi32, #tpu.memory_space<vmem>>
        %dma_wait3A_48 = tpu.memref_squeeze %dma_wait3A_47 : memref<1x128xi32, #tpu.memory_space<vmem>> -> memref<128xi32, #tpu.memory_space<vmem>>
        %dma_wait3A_49 = arith.constant 0 : i32
        %dma_wait3A_50 = arith.constant 0 : i32
        %dma_wait3A_51 = tpu.memref_slice %arg7[%dma_wait3A_49, %dma_wait3A_50] : memref<10000x128xf32, #tpu.memory_space<vmem_shared>> -> memref<10000x128xf32, #tpu.memory_space<vmem_shared>>
        tpu.wait_indirect_dma semaphore(%run_scoped3A : memref<!tpu.dma_semaphore, #tpu.memory_space<semaphore_mem>>) src(%arg11 : memref<128x128xf32, #tpu.memory_space<vmem>>) dst(%dma_wait3A_51 : memref<10000x128xf32, #tpu.memory_space<vmem_shared>>)
        tpu.yield
      }) : () -> ()
    }
    %scan3A_21 = arith.constant 79 : i32
    %barrier3A_22 = arith.constant 0 : index
    tpu.barrier barrier_id(%barrier3A_22)
    %mul3A_23 = arith.constant 624 : i32
    %mul3A_24 = arith.muli %arg1, %mul3A_23 : i32
    %mul3A_25 = arith.constant 624 : i32
    %mul3A_26 = arith.muli %arg1, %mul3A_25 : i32
    "tpu.region"() ({
      %run_scoped3A = tpu.sem_alloc : memref<!tpu.dma_semaphore, #tpu.memory_space<semaphore_mem>>
      %dma_start3A = arith.constant 0 : i32
      %dma_start3A_32 = tpu.memref_slice %arg6[%arg0, %mul3A_26, %dma_start3A] : memref<2x10000x128xf32, #tpu.memory_space<hbm>> -> memref<1x624x128xf32, #tpu.memory_space<hbm>>
      %dma_start3A_33 = tpu.memref_squeeze %dma_start3A_32 : memref<1x624x128xf32, #tpu.memory_space<hbm>> -> memref<624x128xf32, #tpu.memory_space<hbm>>
      %dma_start3A_34 = arith.constant 0 : i32
      %dma_start3A_35 = tpu.memref_slice %arg7[%mul3A_24, %dma_start3A_34] : memref<10000x128xf32, #tpu.memory_space<vmem_shared>> -> memref<624x128xf32, #tpu.memory_space<vmem_shared>>
      tpu.enqueue_dma source(%dma_start3A_35 : memref<624x128xf32, #tpu.memory_space<vmem_shared>>) target(%dma_start3A_33 : memref<624x128xf32, #tpu.memory_space<hbm>>) target_semaphore(%run_scoped3A : memref<!tpu.dma_semaphore, #tpu.memory_space<semaphore_mem>>)
      %dma_wait3A = arith.constant 0 : i32
      %dma_wait3A_36 = tpu.memref_slice %arg6[%arg0, %mul3A_26, %dma_wait3A] : memref<2x10000x128xf32, #tpu.memory_space<hbm>> -> memref<1x624x128xf32, #tpu.memory_space<hbm>>
      %dma_wait3A_37 = tpu.memref_squeeze %dma_wait3A_36 : memref<1x624x128xf32, #tpu.memory_space<hbm>> -> memref<624x128xf32, #tpu.memory_space<hbm>>
      %dma_wait3A_38 = arith.constant 0 : i32
      %dma_wait3A_39 = tpu.memref_slice %arg7[%mul3A_24, %dma_wait3A_38] : memref<10000x128xf32, #tpu.memory_space<vmem_shared>> -> memref<624x128xf32, #tpu.memory_space<vmem_shared>>
      tpu.wait_dma2 semaphore(%run_scoped3A : memref<!tpu.dma_semaphore, #tpu.memory_space<semaphore_mem>>) src(%dma_wait3A_39 : memref<624x128xf32, #tpu.memory_space<vmem_shared>>) dst(%dma_wait3A_37 : memref<624x128xf32, #tpu.memory_space<hbm>>)
      tpu.yield
    }) : () -> ()
    %eq3A_27 = arith.constant 0 : i32
    %eq3A_28 = arith.cmpi eq, %arg1, %eq3A_27 : i32
    %convert_element_type3A_29 = arith.extui %eq3A_28 : i1 to i32
    %cond3A_30 = arith.constant 0 : i32
    %cond3A_31 = arith.cmpi ne, %convert_element_type3A_29, %cond3A_30 : i32
    scf.if %cond3A_31 {
      "tpu.region"() ({
        %run_scoped3A = tpu.sem_alloc : memref<!tpu.dma_semaphore, #tpu.memory_space<semaphore_mem>>
        %dma_start3A = arith.constant 9984 : i32
        %dma_start3A_32 = arith.constant 0 : i32
        %dma_start3A_33 = tpu.memref_slice %arg6[%arg0, %dma_start3A, %dma_start3A_32] : memref<2x10000x128xf32, #tpu.memory_space<hbm>> -> memref<1x16x128xf32, #tpu.memory_space<hbm>>
        %dma_start3A_34 = tpu.memref_squeeze %dma_start3A_33 : memref<1x16x128xf32, #tpu.memory_space<hbm>> -> memref<16x128xf32, #tpu.memory_space<hbm>>
        %dma_start3A_35 = arith.constant 9984 : i32
        %dma_start3A_36 = arith.constant 0 : i32
        %dma_start3A_37 = tpu.memref_slice %arg7[%dma_start3A_35, %dma_start3A_36] : memref<10000x128xf32, #tpu.memory_space<vmem_shared>> -> memref<16x128xf32, #tpu.memory_space<vmem_shared>>
        tpu.enqueue_dma source(%dma_start3A_37 : memref<16x128xf32, #tpu.memory_space<vmem_shared>>) target(%dma_start3A_34 : memref<16x128xf32, #tpu.memory_space<hbm>>) target_semaphore(%run_scoped3A : memref<!tpu.dma_semaphore, #tpu.memory_space<semaphore_mem>>)
        %dma_wait3A = arith.constant 9984 : i32
        %dma_wait3A_38 = arith.constant 0 : i32
        %dma_wait3A_39 = tpu.memref_slice %arg6[%arg0, %dma_wait3A, %dma_wait3A_38] : memref<2x10000x128xf32, #tpu.memory_space<hbm>> -> memref<1x16x128xf32, #tpu.memory_space<hbm>>
        %dma_wait3A_40 = tpu.memref_squeeze %dma_wait3A_39 : memref<1x16x128xf32, #tpu.memory_space<hbm>> -> memref<16x128xf32, #tpu.memory_space<hbm>>
        %dma_wait3A_41 = arith.constant 9984 : i32
        %dma_wait3A_42 = arith.constant 0 : i32
        %dma_wait3A_43 = tpu.memref_slice %arg7[%dma_wait3A_41, %dma_wait3A_42] : memref<10000x128xf32, #tpu.memory_space<vmem_shared>> -> memref<16x128xf32, #tpu.memory_space<vmem_shared>>
        tpu.wait_dma2 semaphore(%run_scoped3A : memref<!tpu.dma_semaphore, #tpu.memory_space<semaphore_mem>>) src(%dma_wait3A_43 : memref<16x128xf32, #tpu.memory_space<vmem_shared>>) dst(%dma_wait3A_40 : memref<16x128xf32, #tpu.memory_space<hbm>>)
        tpu.yield
      }) : () -> ()
    } else {
    }
    return
  }
}

#map = affine_map<(d0, d1) -> (0, 0)>
#map1 = affine_map<(d0, d1) -> (0, 0, 0)>
module attributes {stable_mosaic.version = 14 : i64} {
  func.func @spmm(%arg0: i32, %arg1: i32, %arg2: memref<10000x128xf32, #tpu.memory_space<hbm>>, %arg3: memref<32x79x128xi32, #tpu.memory_space<hbm>>, %arg4: memref<32x79x128xi32, #tpu.memory_space<hbm>>, %arg5: memref<32x79x128xf32, #tpu.memory_space<hbm>>, %arg6: memref<2x10000x128xf32, #tpu.memory_space<hbm>>, %arg7: memref<10000x128xf32, #tpu.memory_space<vmem_shared>>, %arg8: memref<79x128xi32, #tpu.memory_space<vmem>>, %arg9: memref<79x128xi32, #tpu.memory_space<vmem>>, %arg10: memref<79x128xf32, #tpu.memory_space<vmem>>, %arg11: memref<128x128xf32, #tpu.memory_space<vmem>>) attributes {dimension_semantics = [#tpu.dimension_semantics<core_parallel>, #tpu.dimension_semantics<subcore_parallel>], iteration_bounds = array<i64: 2, 16>, scalar_prefetch = 0 : i64, scratch_operands = 5 : i64, tpu.core_type = #tpu.core_type<sc_vector_subcore>, window_params = [{transform_indices = #map}, {transform_indices = #map1}, {transform_indices = #map1}, {transform_indices = #map1}, {transform_indices = #map1}]} {
    %mul3A = arith.constant 16 : i32
    %mul3A_0 = arith.muli %arg0, %mul3A : i32
    %add3A = arith.addi %mul3A_0, %arg1 : i32
    "tpu.region"() ({
      %run_scoped3A = tpu.sem_alloc : memref<!tpu.dma_semaphore, #tpu.memory_space<semaphore_mem>>
      %dma_start3A = arith.constant 0 : i32
      %dma_start3A_32 = arith.constant 0 : i32
      %dma_start3A_33 = tpu.memref_slice %arg3[%add3A, %dma_start3A, %dma_start3A_32] : memref<32x79x128xi32, #tpu.memory_space<hbm>> -> memref<1x79x128xi32, #tpu.memory_space<hbm>>
      %dma_start3A_34 = tpu.memref_squeeze %dma_start3A_33 : memref<1x79x128xi32, #tpu.memory_space<hbm>> -> memref<79x128xi32, #tpu.memory_space<hbm>>
      %dma_start3A_35 = arith.constant 0 : i32
      %dma_start3A_36 = arith.constant 0 : i32
      %dma_start3A_37 = tpu.memref_slice %arg3[%add3A, %dma_start3A_35, %dma_start3A_36] : memref<32x79x128xi32, #tpu.memory_space<hbm>> -> memref<1x79x128xi32, #tpu.memory_space<hbm>>
      %dma_start3A_38 = tpu.memref_squeeze %dma_start3A_37 : memref<1x79x128xi32, #tpu.memory_space<hbm>> -> memref<79x128xi32, #tpu.memory_space<hbm>>
      tpu.enqueue_dma source(%dma_start3A_38 : memref<79x128xi32, #tpu.memory_space<hbm>>) target(%arg8 : memref<79x128xi32, #tpu.memory_space<vmem>>) target_semaphore(%run_scoped3A : memref<!tpu.dma_semaphore, #tpu.memory_space<semaphore_mem>>)
      %dma_wait3A = arith.constant 0 : i32
      %dma_wait3A_39 = arith.constant 0 : i32
      %dma_wait3A_40 = tpu.memref_slice %arg3[%add3A, %dma_wait3A, %dma_wait3A_39] : memref<32x79x128xi32, #tpu.memory_space<hbm>> -> memref<1x79x128xi32, #tpu.memory_space<hbm>>
      %dma_wait3A_41 = tpu.memref_squeeze %dma_wait3A_40 : memref<1x79x128xi32, #tpu.memory_space<hbm>> -> memref<79x128xi32, #tpu.memory_space<hbm>>
      %dma_wait3A_42 = arith.constant 0 : i32
      %dma_wait3A_43 = arith.constant 0 : i32
      %dma_wait3A_44 = tpu.memref_slice %arg3[%add3A, %dma_wait3A_42, %dma_wait3A_43] : memref<32x79x128xi32, #tpu.memory_space<hbm>> -> memref<1x79x128xi32, #tpu.memory_space<hbm>>
      %dma_wait3A_45 = tpu.memref_squeeze %dma_wait3A_44 : memref<1x79x128xi32, #tpu.memory_space<hbm>> -> memref<79x128xi32, #tpu.memory_space<hbm>>
      tpu.wait_dma2 semaphore(%run_scoped3A : memref<!tpu.dma_semaphore, #tpu.memory_space<semaphore_mem>>) src(%dma_wait3A_45 : memref<79x128xi32, #tpu.memory_space<hbm>>) dst(%arg8 : memref<79x128xi32, #tpu.memory_space<vmem>>)
      tpu.yield
    }) : () -> ()
    "tpu.region"() ({
      %run_scoped3A = tpu.sem_alloc : memref<!tpu.dma_semaphore, #tpu.memory_space<semaphore_mem>>
      %dma_start3A = arith.constant 0 : i32
      %dma_start3A_32 = arith.constant 0 : i32
      %dma_start3A_33 = tpu.memref_slice %arg4[%add3A, %dma_start3A, %dma_start3A_32] : memref<32x79x128xi32, #tpu.memory_space<hbm>> -> memref<1x79x128xi32, #tpu.memory_space<hbm>>
      %dma_start3A_34 = tpu.memref_squeeze %dma_start3A_33 : memref<1x79x128xi32, #tpu.memory_space<hbm>> -> memref<79x128xi32, #tpu.memory_space<hbm>>
      %dma_start3A_35 = arith.constant 0 : i32
      %dma_start3A_36 = arith.constant 0 : i32
      %dma_start3A_37 = tpu.memref_slice %arg4[%add3A, %dma_start3A_35, %dma_start3A_36] : memref<32x79x128xi32, #tpu.memory_space<hbm>> -> memref<1x79x128xi32, #tpu.memory_space<hbm>>
      %dma_start3A_38 = tpu.memref_squeeze %dma_start3A_37 : memref<1x79x128xi32, #tpu.memory_space<hbm>> -> memref<79x128xi32, #tpu.memory_space<hbm>>
      tpu.enqueue_dma source(%dma_start3A_38 : memref<79x128xi32, #tpu.memory_space<hbm>>) target(%arg9 : memref<79x128xi32, #tpu.memory_space<vmem>>) target_semaphore(%run_scoped3A : memref<!tpu.dma_semaphore, #tpu.memory_space<semaphore_mem>>)
      %dma_wait3A = arith.constant 0 : i32
      %dma_wait3A_39 = arith.constant 0 : i32
      %dma_wait3A_40 = tpu.memref_slice %arg4[%add3A, %dma_wait3A, %dma_wait3A_39] : memref<32x79x128xi32, #tpu.memory_space<hbm>> -> memref<1x79x128xi32, #tpu.memory_space<hbm>>
      %dma_wait3A_41 = tpu.memref_squeeze %dma_wait3A_40 : memref<1x79x128xi32, #tpu.memory_space<hbm>> -> memref<79x128xi32, #tpu.memory_space<hbm>>
      %dma_wait3A_42 = arith.constant 0 : i32
      %dma_wait3A_43 = arith.constant 0 : i32
      %dma_wait3A_44 = tpu.memref_slice %arg4[%add3A, %dma_wait3A_42, %dma_wait3A_43] : memref<32x79x128xi32, #tpu.memory_space<hbm>> -> memref<1x79x128xi32, #tpu.memory_space<hbm>>
      %dma_wait3A_45 = tpu.memref_squeeze %dma_wait3A_44 : memref<1x79x128xi32, #tpu.memory_space<hbm>> -> memref<79x128xi32, #tpu.memory_space<hbm>>
      tpu.wait_dma2 semaphore(%run_scoped3A : memref<!tpu.dma_semaphore, #tpu.memory_space<semaphore_mem>>) src(%dma_wait3A_45 : memref<79x128xi32, #tpu.memory_space<hbm>>) dst(%arg9 : memref<79x128xi32, #tpu.memory_space<vmem>>)
      tpu.yield
    }) : () -> ()
    "tpu.region"() ({
      %run_scoped3A = tpu.sem_alloc : memref<!tpu.dma_semaphore, #tpu.memory_space<semaphore_mem>>
      %dma_start3A = arith.constant 0 : i32
      %dma_start3A_32 = arith.constant 0 : i32
      %dma_start3A_33 = tpu.memref_slice %arg5[%add3A, %dma_start3A, %dma_start3A_32] : memref<32x79x128xf32, #tpu.memory_space<hbm>> -> memref<1x79x128xf32, #tpu.memory_space<hbm>>
      %dma_start3A_34 = tpu.memref_squeeze %dma_start3A_33 : memref<1x79x128xf32, #tpu.memory_space<hbm>> -> memref<79x128xf32, #tpu.memory_space<hbm>>
      %dma_start3A_35 = arith.constant 0 : i32
      %dma_start3A_36 = arith.constant 0 : i32
      %dma_start3A_37 = tpu.memref_slice %arg5[%add3A, %dma_start3A_35, %dma_start3A_36] : memref<32x79x128xf32, #tpu.memory_space<hbm>> -> memref<1x79x128xf32, #tpu.memory_space<hbm>>
      %dma_start3A_38 = tpu.memref_squeeze %dma_start3A_37 : memref<1x79x128xf32, #tpu.memory_space<hbm>> -> memref<79x128xf32, #tpu.memory_space<hbm>>
      tpu.enqueue_dma source(%dma_start3A_38 : memref<79x128xf32, #tpu.memory_space<hbm>>) target(%arg10 : memref<79x128xf32, #tpu.memory_space<vmem>>) target_semaphore(%run_scoped3A : memref<!tpu.dma_semaphore, #tpu.memory_space<semaphore_mem>>)
      %dma_wait3A = arith.constant 0 : i32
      %dma_wait3A_39 = arith.constant 0 : i32
      %dma_wait3A_40 = tpu.memref_slice %arg5[%add3A, %dma_wait3A, %dma_wait3A_39] : memref<32x79x128xf32, #tpu.memory_space<hbm>> -> memref<1x79x128xf32, #tpu.memory_space<hbm>>
      %dma_wait3A_41 = tpu.memref_squeeze %dma_wait3A_40 : memref<1x79x128xf32, #tpu.memory_space<hbm>> -> memref<79x128xf32, #tpu.memory_space<hbm>>
      %dma_wait3A_42 = arith.constant 0 : i32
      %dma_wait3A_43 = arith.constant 0 : i32
      %dma_wait3A_44 = tpu.memref_slice %arg5[%add3A, %dma_wait3A_42, %dma_wait3A_43] : memref<32x79x128xf32, #tpu.memory_space<hbm>> -> memref<1x79x128xf32, #tpu.memory_space<hbm>>
      %dma_wait3A_45 = tpu.memref_squeeze %dma_wait3A_44 : memref<1x79x128xf32, #tpu.memory_space<hbm>> -> memref<79x128xf32, #tpu.memory_space<hbm>>
      tpu.wait_dma2 semaphore(%run_scoped3A : memref<!tpu.dma_semaphore, #tpu.memory_space<semaphore_mem>>) src(%dma_wait3A_45 : memref<79x128xf32, #tpu.memory_space<hbm>>) dst(%arg10 : memref<79x128xf32, #tpu.memory_space<vmem>>)
      tpu.yield
    }) : () -> ()
    %scan3A = arith.constant 0 : i32
    %scan3A_1 = arith.constant 128 : i32
    %scan3A_2 = arith.addi %scan3A, %scan3A_1 : i32
    %scan3A_3 = arith.constant 1 : i32
    scf.for %scan3A_32 = %scan3A to %scan3A_2 step %scan3A_3  : i32 {
      %mul3A_33 = arith.constant 1 : i32
      %mul3A_34 = arith.muli %scan3A_32, %mul3A_33 : i32
      %add3A_35 = arith.constant 0 : i32
      %add3A_36 = arith.addi %add3A_35, %mul3A_34 : i32
      %broadcast_in_dim3A = arith.constant 0.000000e+00 : f32
      %broadcast_in_dim3A_37 = vector.broadcast %broadcast_in_dim3A : f32 to vector<16xf32>
      %swap3A = arith.index_cast %add3A_36 : i32 to index
      %swap3A_38 = arith.constant 0 : index
      %swap3A_39 = tpu.vector_load %arg11[%swap3A, %swap3A_38] {strides = array<i32>} : memref<128x128xf32, #tpu.memory_space<vmem>>, vector<1x16xf32>,
      %swap3A_40 = vector.shape_cast %swap3A_39 : vector<1x16xf32> to vector<16xf32>
      %swap3A_41 = vector.shape_cast %broadcast_in_dim3A_37 : vector<16xf32> to vector<1x16xf32>
      tpu.vector_store %arg11[%swap3A, %swap3A_38], %swap3A_41 {strides = array<i32>} : memref<128x128xf32, #tpu.memory_space<vmem>>, vector<1x16xf32>,
      %broadcast_in_dim3A_42 = arith.constant 0.000000e+00 : f32
      %broadcast_in_dim3A_43 = vector.broadcast %broadcast_in_dim3A_42 : f32 to vector<16xf32>
      %swap3A_44 = arith.index_cast %add3A_36 : i32 to index
      %swap3A_45 = arith.constant 16 : index
      %swap3A_46 = tpu.vector_load %arg11[%swap3A_44, %swap3A_45] {strides = array<i32>} : memref<128x128xf32, #tpu.memory_space<vmem>>, vector<1x16xf32>,
      %swap3A_47 = vector.shape_cast %swap3A_46 : vector<1x16xf32> to vector<16xf32>
      %swap3A_48 = vector.shape_cast %broadcast_in_dim3A_43 : vector<16xf32> to vector<1x16xf32>
      tpu.vector_store %arg11[%swap3A_44, %swap3A_45], %swap3A_48 {strides = array<i32>} : memref<128x128xf32, #tpu.memory_space<vmem>>, vector<1x16xf32>,
      %broadcast_in_dim3A_49 = arith.constant 0.000000e+00 : f32
      %broadcast_in_dim3A_50 = vector.broadcast %broadcast_in_dim3A_49 : f32 to vector<16xf32>
      %swap3A_51 = arith.index_cast %add3A_36 : i32 to index
      %swap3A_52 = arith.constant 32 : index
      %swap3A_53 = tpu.vector_load %arg11[%swap3A_51, %swap3A_52] {strides = array<i32>} : memref<128x128xf32, #tpu.memory_space<vmem>>, vector<1x16xf32>,
      %swap3A_54 = vector.shape_cast %swap3A_53 : vector<1x16xf32> to vector<16xf32>
      %swap3A_55 = vector.shape_cast %broadcast_in_dim3A_50 : vector<16xf32> to vector<1x16xf32>
      tpu.vector_store %arg11[%swap3A_51, %swap3A_52], %swap3A_55 {strides = array<i32>} : memref<128x128xf32, #tpu.memory_space<vmem>>, vector<1x16xf32>,
      %broadcast_in_dim3A_56 = arith.constant 0.000000e+00 : f32
      %broadcast_in_dim3A_57 = vector.broadcast %broadcast_in_dim3A_56 : f32 to vector<16xf32>
      %swap3A_58 = arith.index_cast %add3A_36 : i32 to index
      %swap3A_59 = arith.constant 48 : index
      %swap3A_60 = tpu.vector_load %arg11[%swap3A_58, %swap3A_59] {strides = array<i32>} : memref<128x128xf32, #tpu.memory_space<vmem>>, vector<1x16xf32>,
      %swap3A_61 = vector.shape_cast %swap3A_60 : vector<1x16xf32> to vector<16xf32>
      %swap3A_62 = vector.shape_cast %broadcast_in_dim3A_57 : vector<16xf32> to vector<1x16xf32>
      tpu.vector_store %arg11[%swap3A_58, %swap3A_59], %swap3A_62 {strides = array<i32>} : memref<128x128xf32, #tpu.memory_space<vmem>>, vector<1x16xf32>,
      %broadcast_in_dim3A_63 = arith.constant 0.000000e+00 : f32
      %broadcast_in_dim3A_64 = vector.broadcast %broadcast_in_dim3A_63 : f32 to vector<16xf32>
      %swap3A_65 = arith.index_cast %add3A_36 : i32 to index
      %swap3A_66 = arith.constant 64 : index
      %swap3A_67 = tpu.vector_load %arg11[%swap3A_65, %swap3A_66] {strides = array<i32>} : memref<128x128xf32, #tpu.memory_space<vmem>>, vector<1x16xf32>,
      %swap3A_68 = vector.shape_cast %swap3A_67 : vector<1x16xf32> to vector<16xf32>
      %swap3A_69 = vector.shape_cast %broadcast_in_dim3A_64 : vector<16xf32> to vector<1x16xf32>
      tpu.vector_store %arg11[%swap3A_65, %swap3A_66], %swap3A_69 {strides = array<i32>} : memref<128x128xf32, #tpu.memory_space<vmem>>, vector<1x16xf32>,
      %broadcast_in_dim3A_70 = arith.constant 0.000000e+00 : f32
      %broadcast_in_dim3A_71 = vector.broadcast %broadcast_in_dim3A_70 : f32 to vector<16xf32>
      %swap3A_72 = arith.index_cast %add3A_36 : i32 to index
      %swap3A_73 = arith.constant 80 : index
      %swap3A_74 = tpu.vector_load %arg11[%swap3A_72, %swap3A_73] {strides = array<i32>} : memref<128x128xf32, #tpu.memory_space<vmem>>, vector<1x16xf32>,
      %swap3A_75 = vector.shape_cast %swap3A_74 : vector<1x16xf32> to vector<16xf32>
      %swap3A_76 = vector.shape_cast %broadcast_in_dim3A_71 : vector<16xf32> to vector<1x16xf32>
      tpu.vector_store %arg11[%swap3A_72, %swap3A_73], %swap3A_76 {strides = array<i32>} : memref<128x128xf32, #tpu.memory_space<vmem>>, vector<1x16xf32>,
      %broadcast_in_dim3A_77 = arith.constant 0.000000e+00 : f32
      %broadcast_in_dim3A_78 = vector.broadcast %broadcast_in_dim3A_77 : f32 to vector<16xf32>
      %swap3A_79 = arith.index_cast %add3A_36 : i32 to index
      %swap3A_80 = arith.constant 96 : index
      %swap3A_81 = tpu.vector_load %arg11[%swap3A_79, %swap3A_80] {strides = array<i32>} : memref<128x128xf32, #tpu.memory_space<vmem>>, vector<1x16xf32>,
      %swap3A_82 = vector.shape_cast %swap3A_81 : vector<1x16xf32> to vector<16xf32>
      %swap3A_83 = vector.shape_cast %broadcast_in_dim3A_78 : vector<16xf32> to vector<1x16xf32>
      tpu.vector_store %arg11[%swap3A_79, %swap3A_80], %swap3A_83 {strides = array<i32>} : memref<128x128xf32, #tpu.memory_space<vmem>>, vector<1x16xf32>,
      %broadcast_in_dim3A_84 = arith.constant 0.000000e+00 : f32
      %broadcast_in_dim3A_85 = vector.broadcast %broadcast_in_dim3A_84 : f32 to vector<16xf32>
      %swap3A_86 = arith.index_cast %add3A_36 : i32 to index
      %swap3A_87 = arith.constant 112 : index
      %swap3A_88 = tpu.vector_load %arg11[%swap3A_86, %swap3A_87] {strides = array<i32>} : memref<128x128xf32, #tpu.memory_space<vmem>>, vector<1x16xf32>,
      %swap3A_89 = vector.shape_cast %swap3A_88 : vector<1x16xf32> to vector<16xf32>
      %swap3A_90 = vector.shape_cast %broadcast_in_dim3A_85 : vector<16xf32> to vector<1x16xf32>
      tpu.vector_store %arg11[%swap3A_86, %swap3A_87], %swap3A_90 {strides = array<i32>} : memref<128x128xf32, #tpu.memory_space<vmem>>, vector<1x16xf32>,
    }
    %scan3A_4 = arith.constant 128 : i32
    %scan3A_5 = arith.constant 0 : i32
    %scan3A_6 = arith.constant 4 : i32
    %scan3A_7 = arith.addi %scan3A_5, %scan3A_6 : i32
    %scan3A_8 = arith.constant 1 : i32
    scf.for %scan3A_32 = %scan3A_5 to %scan3A_7 step %scan3A_8  : i32 {
      %mul3A_33 = arith.constant 1 : i32
      %mul3A_34 = arith.muli %scan3A_32, %mul3A_33 : i32
      %add3A_35 = arith.constant 0 : i32
      %add3A_36 = arith.addi %add3A_35, %mul3A_34 : i32
      %mul3A_37 = arith.constant 624 : i32
      %mul3A_38 = arith.muli %arg1, %mul3A_37 : i32
      %mul3A_39 = arith.constant 128 : i32
      %mul3A_40 = arith.muli %add3A_36, %mul3A_39 : i32
      %add3A_41 = arith.addi %mul3A_38, %mul3A_40 : i32
      "tpu.region"() ({
        %run_scoped3A = tpu.sem_alloc : memref<!tpu.dma_semaphore, #tpu.memory_space<semaphore_mem>>
        %dma_start3A = arith.constant 0 : i32
        %dma_start3A_42 = tpu.memref_slice %arg7[%add3A_41, %dma_start3A] : memref<10000x128xf32, #tpu.memory_space<vmem_shared>> -> memref<128x128xf32, #tpu.memory_space<vmem_shared>>
        %dma_start3A_43 = arith.constant 0 : i32
        %dma_start3A_44 = tpu.memref_slice %arg7[%add3A_41, %dma_start3A_43] : memref<10000x128xf32, #tpu.memory_space<vmem_shared>> -> memref<128x128xf32, #tpu.memory_space<vmem_shared>>
        tpu.enqueue_dma source(%arg11 : memref<128x128xf32, #tpu.memory_space<vmem>>) target(%dma_start3A_44 : memref<128x128xf32, #tpu.memory_space<vmem_shared>>) target_semaphore(%run_scoped3A : memref<!tpu.dma_semaphore, #tpu.memory_space<semaphore_mem>>)
        %dma_wait3A = arith.constant 0 : i32
        %dma_wait3A_45 = tpu.memref_slice %arg7[%add3A_41, %dma_wait3A] : memref<10000x128xf32, #tpu.memory_space<vmem_shared>> -> memref<128x128xf32, #tpu.memory_space<vmem_shared>>
        %dma_wait3A_46 = arith.constant 0 : i32
        %dma_wait3A_47 = tpu.memref_slice %arg7[%add3A_41, %dma_wait3A_46] : memref<10000x128xf32, #tpu.memory_space<vmem_shared>> -> memref<128x128xf32, #tpu.memory_space<vmem_shared>>
        tpu.wait_dma2 semaphore(%run_scoped3A : memref<!tpu.dma_semaphore, #tpu.memory_space<semaphore_mem>>) src(%arg11 : memref<128x128xf32, #tpu.memory_space<vmem>>) dst(%dma_wait3A_47 : memref<128x128xf32, #tpu.memory_space<vmem_shared>>)
        tpu.yield
      }) : () -> ()
    }
    %scan3A_9 = arith.constant 4 : i32
    %mul3A_10 = arith.constant 624 : i32
    %mul3A_11 = arith.muli %arg1, %mul3A_10 : i32
    %add3A_12 = arith.constant 624 : i32
    %add3A_13 = arith.addi %mul3A_11, %add3A_12 : i32
    %sub3A = arith.constant 112 : i32
    %sub3A_14 = arith.subi %add3A_13, %sub3A : i32
    "tpu.region"() ({
      %run_scoped3A = tpu.sem_alloc : memref<!tpu.dma_semaphore, #tpu.memory_space<semaphore_mem>>
      %dma_start3A = arith.constant 0 : i32
      %dma_start3A_32 = arith.constant 0 : i32
      %dma_start3A_33 = tpu.memref_slice %arg11[%dma_start3A, %dma_start3A_32] : memref<128x128xf32, #tpu.memory_space<vmem>> -> memref<112x128xf32, #tpu.memory_space<vmem>>
      %dma_start3A_34 = arith.constant 0 : i32
      %dma_start3A_35 = tpu.memref_slice %arg7[%sub3A_14, %dma_start3A_34] : memref<10000x128xf32, #tpu.memory_space<vmem_shared>> -> memref<112x128xf32, #tpu.memory_space<vmem_shared>>
      %dma_start3A_36 = arith.constant 0 : i32
      %dma_start3A_37 = tpu.memref_slice %arg7[%sub3A_14, %dma_start3A_36] : memref<10000x128xf32, #tpu.memory_space<vmem_shared>> -> memref<112x128xf32, #tpu.memory_space<vmem_shared>>
      %dma_start3A_38 = arith.constant 0 : i32
      %dma_start3A_39 = arith.constant 0 : i32
      %dma_start3A_40 = tpu.memref_slice %arg11[%dma_start3A_38, %dma_start3A_39] : memref<128x128xf32, #tpu.memory_space<vmem>> -> memref<112x128xf32, #tpu.memory_space<vmem>>
      tpu.enqueue_dma source(%dma_start3A_40 : memref<112x128xf32, #tpu.memory_space<vmem>>) target(%dma_start3A_37 : memref<112x128xf32, #tpu.memory_space<vmem_shared>>) target_semaphore(%run_scoped3A : memref<!tpu.dma_semaphore, #tpu.memory_space<semaphore_mem>>)
      %dma_wait3A = arith.constant 0 : i32
      %dma_wait3A_41 = arith.constant 0 : i32
      %dma_wait3A_42 = tpu.memref_slice %arg11[%dma_wait3A, %dma_wait3A_41] : memref<128x128xf32, #tpu.memory_space<vmem>> -> memref<112x128xf32, #tpu.memory_space<vmem>>
      %dma_wait3A_43 = arith.constant 0 : i32
      %dma_wait3A_44 = tpu.memref_slice %arg7[%sub3A_14, %dma_wait3A_43] : memref<10000x128xf32, #tpu.memory_space<vmem_shared>> -> memref<112x128xf32, #tpu.memory_space<vmem_shared>>
      %dma_wait3A_45 = arith.constant 0 : i32
      %dma_wait3A_46 = tpu.memref_slice %arg7[%sub3A_14, %dma_wait3A_45] : memref<10000x128xf32, #tpu.memory_space<vmem_shared>> -> memref<112x128xf32, #tpu.memory_space<vmem_shared>>
      %dma_wait3A_47 = arith.constant 0 : i32
      %dma_wait3A_48 = arith.constant 0 : i32
      %dma_wait3A_49 = tpu.memref_slice %arg11[%dma_wait3A_47, %dma_wait3A_48] : memref<128x128xf32, #tpu.memory_space<vmem>> -> memref<112x128xf32, #tpu.memory_space<vmem>>
      tpu.wait_dma2 semaphore(%run_scoped3A : memref<!tpu.dma_semaphore, #tpu.memory_space<semaphore_mem>>) src(%dma_wait3A_49 : memref<112x128xf32, #tpu.memory_space<vmem>>) dst(%dma_wait3A_46 : memref<112x128xf32, #tpu.memory_space<vmem_shared>>)
      tpu.yield
    }) : () -> ()
    %eq3A = arith.constant 0 : i32
    %eq3A_15 = arith.cmpi eq, %arg1, %eq3A : i32
    %convert_element_type3A = arith.extui %eq3A_15 : i1 to i32
    %cond3A = arith.constant 0 : i32
    %cond3A_16 = arith.cmpi ne, %convert_element_type3A, %cond3A : i32
    scf.if %cond3A_16 {
      "tpu.region"() ({
        %run_scoped3A = tpu.sem_alloc : memref<!tpu.dma_semaphore, #tpu.memory_space<semaphore_mem>>
        %dma_start3A = arith.constant 0 : i32
        %dma_start3A_32 = arith.constant 0 : i32
        %dma_start3A_33 = tpu.memref_slice %arg11[%dma_start3A, %dma_start3A_32] : memref<128x128xf32, #tpu.memory_space<vmem>> -> memref<16x128xf32, #tpu.memory_space<vmem>>
        %dma_start3A_34 = arith.constant 9984 : i32
        %dma_start3A_35 = arith.constant 0 : i32
        %dma_start3A_36 = tpu.memref_slice %arg7[%dma_start3A_34, %dma_start3A_35] : memref<10000x128xf32, #tpu.memory_space<vmem_shared>> -> memref<16x128xf32, #tpu.memory_space<vmem_shared>>
        %dma_start3A_37 = arith.constant 9984 : i32
        %dma_start3A_38 = arith.constant 0 : i32
        %dma_start3A_39 = tpu.memref_slice %arg7[%dma_start3A_37, %dma_start3A_38] : memref<10000x128xf32, #tpu.memory_space<vmem_shared>> -> memref<16x128xf32, #tpu.memory_space<vmem_shared>>
        %dma_start3A_40 = arith.constant 0 : i32
        %dma_start3A_41 = arith.constant 0 : i32
        %dma_start3A_42 = tpu.memref_slice %arg11[%dma_start3A_40, %dma_start3A_41] : memref<128x128xf32, #tpu.memory_space<vmem>> -> memref<16x128xf32, #tpu.memory_space<vmem>>
        tpu.enqueue_dma source(%dma_start3A_42 : memref<16x128xf32, #tpu.memory_space<vmem>>) target(%dma_start3A_39 : memref<16x128xf32, #tpu.memory_space<vmem_shared>>) target_semaphore(%run_scoped3A : memref<!tpu.dma_semaphore, #tpu.memory_space<semaphore_mem>>)
        %dma_wait3A = arith.constant 0 : i32
        %dma_wait3A_43 = arith.constant 0 : i32
        %dma_wait3A_44 = tpu.memref_slice %arg11[%dma_wait3A, %dma_wait3A_43] : memref<128x128xf32, #tpu.memory_space<vmem>> -> memref<16x128xf32, #tpu.memory_space<vmem>>
        %dma_wait3A_45 = arith.constant 9984 : i32
        %dma_wait3A_46 = arith.constant 0 : i32
        %dma_wait3A_47 = tpu.memref_slice %arg7[%dma_wait3A_45, %dma_wait3A_46] : memref<10000x128xf32, #tpu.memory_space<vmem_shared>> -> memref<16x128xf32, #tpu.memory_space<vmem_shared>>
        %dma_wait3A_48 = arith.constant 9984 : i32
        %dma_wait3A_49 = arith.constant 0 : i32
        %dma_wait3A_50 = tpu.memref_slice %arg7[%dma_wait3A_48, %dma_wait3A_49] : memref<10000x128xf32, #tpu.memory_space<vmem_shared>> -> memref<16x128xf32, #tpu.memory_space<vmem_shared>>
        %dma_wait3A_51 = arith.constant 0 : i32
        %dma_wait3A_52 = arith.constant 0 : i32
        %dma_wait3A_53 = tpu.memref_slice %arg11[%dma_wait3A_51, %dma_wait3A_52] : memref<128x128xf32, #tpu.memory_space<vmem>> -> memref<16x128xf32, #tpu.memory_space<vmem>>
        tpu.wait_dma2 semaphore(%run_scoped3A : memref<!tpu.dma_semaphore, #tpu.memory_space<semaphore_mem>>) src(%dma_wait3A_53 : memref<16x128xf32, #tpu.memory_space<vmem>>) dst(%dma_wait3A_50 : memref<16x128xf32, #tpu.memory_space<vmem_shared>>)
        tpu.yield
      }) : () -> ()
    } else {
    }
    %barrier3A = arith.constant 0 : index
    tpu.barrier barrier_id(%barrier3A)
    %scan3A_17 = arith.constant 0 : i32
    %scan3A_18 = arith.constant 79 : i32
    %scan3A_19 = arith.addi %scan3A_17, %scan3A_18 : i32
    %scan3A_20 = arith.constant 1 : i32
    scf.for %scan3A_32 = %scan3A_17 to %scan3A_19 step %scan3A_20  : i32 {
      %mul3A_33 = arith.constant 1 : i32
      %mul3A_34 = arith.muli %scan3A_32, %mul3A_33 : i32
      %add3A_35 = arith.constant 0 : i32
      %add3A_36 = arith.addi %add3A_35, %mul3A_34 : i32
      "tpu.region"() ({
        %run_scoped3A = tpu.sem_alloc : memref<!tpu.dma_semaphore, #tpu.memory_space<semaphore_mem>>
        %dma_start3A = arith.constant 0 : i32
        %dma_start3A_42 = tpu.memref_slice %arg8[%add3A_36, %dma_start3A] : memref<79x128xi32, #tpu.memory_space<vmem>> -> memref<1x128xi32, #tpu.memory_space<vmem>>
        %dma_start3A_43 = tpu.memref_squeeze %dma_start3A_42 : memref<1x128xi32, #tpu.memory_space<vmem>> -> memref<128xi32, #tpu.memory_space<vmem>>
        %dma_start3A_44 = arith.constant 0 : i32
        %dma_start3A_45 = arith.constant 0 : i32
        %dma_start3A_46 = tpu.memref_slice %arg2[%dma_start3A_44, %dma_start3A_45] : memref<10000x128xf32, #tpu.memory_space<hbm>> -> memref<10000x128xf32, #tpu.memory_space<hbm>>
        tpu.enqueue_indirect_dma source(%dma_start3A_46 : memref<10000x128xf32, #tpu.memory_space<hbm>>) target(%arg11 : memref<128x128xf32, #tpu.memory_space<vmem>>) offsets(%dma_start3A_43 : memref<128xi32, #tpu.memory_space<vmem>>) semaphore(%run_scoped3A : memref<!tpu.dma_semaphore, #tpu.memory_space<semaphore_mem>>)
        %dma_wait3A = arith.constant 0 : i32
        %dma_wait3A_47 = tpu.memref_slice %arg8[%add3A_36, %dma_wait3A] : memref<79x128xi32, #tpu.memory_space<vmem>> -> memref<1x128xi32, #tpu.memory_space<vmem>>
        %dma_wait3A_48 = tpu.memref_squeeze %dma_wait3A_47 : memref<1x128xi32, #tpu.memory_space<vmem>> -> memref<128xi32, #tpu.memory_space<vmem>>
        %dma_wait3A_49 = arith.constant 0 : i32
        %dma_wait3A_50 = arith.constant 0 : i32
        %dma_wait3A_51 = tpu.memref_slice %arg2[%dma_wait3A_49, %dma_wait3A_50] : memref<10000x128xf32, #tpu.memory_space<hbm>> -> memref<10000x128xf32, #tpu.memory_space<hbm>>
        tpu.wait_indirect_dma semaphore(%run_scoped3A : memref<!tpu.dma_semaphore, #tpu.memory_space<semaphore_mem>>) src(%dma_wait3A_51 : memref<10000x128xf32, #tpu.memory_space<hbm>>) dst(%arg11 : memref<128x128xf32, #tpu.memory_space<vmem>>)
        tpu.yield
      }) : () -> ()
      %scan3A_37 = arith.constant 0 : i32
      %scan3A_38 = arith.constant 8 : i32
      %scan3A_39 = arith.addi %scan3A_37, %scan3A_38 : i32
      %scan3A_40 = arith.constant 1 : i32
      scf.for %scan3A_42 = %scan3A_37 to %scan3A_39 step %scan3A_40  : i32 {
        %mul3A_43 = arith.constant 16 : i32
        %mul3A_44 = arith.muli %scan3A_42, %mul3A_43 : i32
        %add3A_45 = arith.constant 0 : i32
        %add3A_46 = arith.addi %add3A_45, %mul3A_44 : i32
        %get3A = arith.index_cast %add3A_36 : i32 to index
        %get3A_47 = arith.index_cast %add3A_46 : i32 to index
        %get3A_48 = tpu.vector_load %arg10[%get3A, %get3A_47] {strides = array<i32>} : memref<79x128xf32, #tpu.memory_space<vmem>>, vector<1x16xf32>,
        %get3A_49 = vector.shape_cast %get3A_48 : vector<1x16xf32> to vector<16xf32>
        %slice3A = vector.extract_strided_slice %get3A_49 {offsets = [0], sizes = [1], strides = [1]} : vector<16xf32> to vector<1xf32>
        %squeeze3A = vector.extract %slice3A[0] : f32 from vector<1xf32>
        %add3A_50 = arith.constant 0 : i32
        %add3A_51 = arith.addi %add3A_46, %add3A_50 : i32
        %get3A_52 = arith.index_cast %add3A_51 : i32 to index
        %get3A_53 = arith.constant 0 : index
        %get3A_54 = tpu.vector_load %arg11[%get3A_52, %get3A_53] {strides = array<i32>} : memref<128x128xf32, #tpu.memory_space<vmem>>, vector<1x16xf32>,
        %get3A_55 = vector.shape_cast %get3A_54 : vector<1x16xf32> to vector<16xf32>
        %mul3A_56 = vector.broadcast %squeeze3A : f32 to vector<16xf32>
        %mul3A_57 = arith.mulf %get3A_55, %mul3A_56 : vector<16xf32>
        %swap3A = arith.index_cast %add3A_51 : i32 to index
        %swap3A_58 = arith.constant 0 : index
        %swap3A_59 = tpu.vector_load %arg11[%swap3A, %swap3A_58] {strides = array<i32>} : memref<128x128xf32, #tpu.memory_space<vmem>>, vector<1x16xf32>,
        %swap3A_60 = vector.shape_cast %swap3A_59 : vector<1x16xf32> to vector<16xf32>
        %swap3A_61 = vector.shape_cast %mul3A_57 : vector<16xf32> to vector<1x16xf32>
        tpu.vector_store %arg11[%swap3A, %swap3A_58], %swap3A_61 {strides = array<i32>} : memref<128x128xf32, #tpu.memory_space<vmem>>, vector<1x16xf32>,
        %add3A_62 = arith.constant 0 : i32
        %add3A_63 = arith.addi %add3A_46, %add3A_62 : i32
        %get3A_64 = arith.index_cast %add3A_63 : i32 to index
        %get3A_65 = arith.constant 16 : index
        %get3A_66 = tpu.vector_load %arg11[%get3A_64, %get3A_65] {strides = array<i32>} : memref<128x128xf32, #tpu.memory_space<vmem>>, vector<1x16xf32>,
        %get3A_67 = vector.shape_cast %get3A_66 : vector<1x16xf32> to vector<16xf32>
        %mul3A_68 = vector.broadcast %squeeze3A : f32 to vector<16xf32>
        %mul3A_69 = arith.mulf %get3A_67, %mul3A_68 : vector<16xf32>
        %swap3A_70 = arith.index_cast %add3A_63 : i32 to index
        %swap3A_71 = arith.constant 16 : index
        %swap3A_72 = tpu.vector_load %arg11[%swap3A_70, %swap3A_71] {strides = array<i32>} : memref<128x128xf32, #tpu.memory_space<vmem>>, vector<1x16xf32>,
        %swap3A_73 = vector.shape_cast %swap3A_72 : vector<1x16xf32> to vector<16xf32>
        %swap3A_74 = vector.shape_cast %mul3A_69 : vector<16xf32> to vector<1x16xf32>
        tpu.vector_store %arg11[%swap3A_70, %swap3A_71], %swap3A_74 {strides = array<i32>} : memref<128x128xf32, #tpu.memory_space<vmem>>, vector<1x16xf32>,
        %add3A_75 = arith.constant 0 : i32
        %add3A_76 = arith.addi %add3A_46, %add3A_75 : i32
        %get3A_77 = arith.index_cast %add3A_76 : i32 to index
        %get3A_78 = arith.constant 32 : index
        %get3A_79 = tpu.vector_load %arg11[%get3A_77, %get3A_78] {strides = array<i32>} : memref<128x128xf32, #tpu.memory_space<vmem>>, vector<1x16xf32>,
        %get3A_80 = vector.shape_cast %get3A_79 : vector<1x16xf32> to vector<16xf32>
        %mul3A_81 = vector.broadcast %squeeze3A : f32 to vector<16xf32>
        %mul3A_82 = arith.mulf %get3A_80, %mul3A_81 : vector<16xf32>
        %swap3A_83 = arith.index_cast %add3A_76 : i32 to index
        %swap3A_84 = arith.constant 32 : index
        %swap3A_85 = tpu.vector_load %arg11[%swap3A_83, %swap3A_84] {strides = array<i32>} : memref<128x128xf32, #tpu.memory_space<vmem>>, vector<1x16xf32>,
        %swap3A_86 = vector.shape_cast %swap3A_85 : vector<1x16xf32> to vector<16xf32>
        %swap3A_87 = vector.shape_cast %mul3A_82 : vector<16xf32> to vector<1x16xf32>
        tpu.vector_store %arg11[%swap3A_83, %swap3A_84], %swap3A_87 {strides = array<i32>} : memref<128x128xf32, #tpu.memory_space<vmem>>, vector<1x16xf32>,
        %add3A_88 = arith.constant 0 : i32
        %add3A_89 = arith.addi %add3A_46, %add3A_88 : i32
        %get3A_90 = arith.index_cast %add3A_89 : i32 to index
        %get3A_91 = arith.constant 48 : index
        %get3A_92 = tpu.vector_load %arg11[%get3A_90, %get3A_91] {strides = array<i32>} : memref<128x128xf32, #tpu.memory_space<vmem>>, vector<1x16xf32>,
        %get3A_93 = vector.shape_cast %get3A_92 : vector<1x16xf32> to vector<16xf32>
        %mul3A_94 = vector.broadcast %squeeze3A : f32 to vector<16xf32>
        %mul3A_95 = arith.mulf %get3A_93, %mul3A_94 : vector<16xf32>
        %swap3A_96 = arith.index_cast %add3A_89 : i32 to index
        %swap3A_97 = arith.constant 48 : index
        %swap3A_98 = tpu.vector_load %arg11[%swap3A_96, %swap3A_97] {strides = array<i32>} : memref<128x128xf32, #tpu.memory_space<vmem>>, vector<1x16xf32>,
        %swap3A_99 = vector.shape_cast %swap3A_98 : vector<1x16xf32> to vector<16xf32>
        %swap3A_100 = vector.shape_cast %mul3A_95 : vector<16xf32> to vector<1x16xf32>
        tpu.vector_store %arg11[%swap3A_96, %swap3A_97], %swap3A_100 {strides = array<i32>} : memref<128x128xf32, #tpu.memory_space<vmem>>, vector<1x16xf32>,
        %add3A_101 = arith.constant 0 : i32
        %add3A_102 = arith.addi %add3A_46, %add3A_101 : i32
        %get3A_103 = arith.index_cast %add3A_102 : i32 to index
        %get3A_104 = arith.constant 64 : index
        %get3A_105 = tpu.vector_load %arg11[%get3A_103, %get3A_104] {strides = array<i32>} : memref<128x128xf32, #tpu.memory_space<vmem>>, vector<1x16xf32>,
        %get3A_106 = vector.shape_cast %get3A_105 : vector<1x16xf32> to vector<16xf32>
        %mul3A_107 = vector.broadcast %squeeze3A : f32 to vector<16xf32>
        %mul3A_108 = arith.mulf %get3A_106, %mul3A_107 : vector<16xf32>
        %swap3A_109 = arith.index_cast %add3A_102 : i32 to index
        %swap3A_110 = arith.constant 64 : index
        %swap3A_111 = tpu.vector_load %arg11[%swap3A_109, %swap3A_110] {strides = array<i32>} : memref<128x128xf32, #tpu.memory_space<vmem>>, vector<1x16xf32>,
        %swap3A_112 = vector.shape_cast %swap3A_111 : vector<1x16xf32> to vector<16xf32>
        %swap3A_113 = vector.shape_cast %mul3A_108 : vector<16xf32> to vector<1x16xf32>
        tpu.vector_store %arg11[%swap3A_109, %swap3A_110], %swap3A_113 {strides = array<i32>} : memref<128x128xf32, #tpu.memory_space<vmem>>, vector<1x16xf32>,
        %add3A_114 = arith.constant 0 : i32
        %add3A_115 = arith.addi %add3A_46, %add3A_114 : i32
        %get3A_116 = arith.index_cast %add3A_115 : i32 to index
        %get3A_117 = arith.constant 80 : index
        %get3A_118 = tpu.vector_load %arg11[%get3A_116, %get3A_117] {strides = array<i32>} : memref<128x128xf32, #tpu.memory_space<vmem>>, vector<1x16xf32>,
        %get3A_119 = vector.shape_cast %get3A_118 : vector<1x16xf32> to vector<16xf32>
        %mul3A_120 = vector.broadcast %squeeze3A : f32 to vector<16xf32>
        %mul3A_121 = arith.mulf %get3A_119, %mul3A_120 : vector<16xf32>
        %swap3A_122 = arith.index_cast %add3A_115 : i32 to index
        %swap3A_123 = arith.constant 80 : index
        %swap3A_124 = tpu.vector_load %arg11[%swap3A_122, %swap3A_123] {strides = array<i32>} : memref<128x128xf32, #tpu.memory_space<vmem>>, vector<1x16xf32>,
        %swap3A_125 = vector.shape_cast %swap3A_124 : vector<1x16xf32> to vector<16xf32>
        %swap3A_126 = vector.shape_cast %mul3A_121 : vector<16xf32> to vector<1x16xf32>
        tpu.vector_store %arg11[%swap3A_122, %swap3A_123], %swap3A_126 {strides = array<i32>} : memref<128x128xf32, #tpu.memory_space<vmem>>, vector<1x16xf32>,
        %add3A_127 = arith.constant 0 : i32
        %add3A_128 = arith.addi %add3A_46, %add3A_127 : i32
        %get3A_129 = arith.index_cast %add3A_128 : i32 to index
        %get3A_130 = arith.constant 96 : index
        %get3A_131 = tpu.vector_load %arg11[%get3A_129, %get3A_130] {strides = array<i32>} : memref<128x128xf32, #tpu.memory_space<vmem>>, vector<1x16xf32>,
        %get3A_132 = vector.shape_cast %get3A_131 : vector<1x16xf32> to vector<16xf32>
        %mul3A_133 = vector.broadcast %squeeze3A : f32 to vector<16xf32>
        %mul3A_134 = arith.mulf %get3A_132, %mul3A_133 : vector<16xf32>
        %swap3A_135 = arith.index_cast %add3A_128 : i32 to index
        %swap3A_136 = arith.constant 96 : index
        %swap3A_137 = tpu.vector_load %arg11[%swap3A_135, %swap3A_136] {strides = array<i32>} : memref<128x128xf32, #tpu.memory_space<vmem>>, vector<1x16xf32>,
        %swap3A_138 = vector.shape_cast %swap3A_137 : vector<1x16xf32> to vector<16xf32>
        %swap3A_139 = vector.shape_cast %mul3A_134 : vector<16xf32> to vector<1x16xf32>
        tpu.vector_store %arg11[%swap3A_135, %swap3A_136], %swap3A_139 {strides = array<i32>} : memref<128x128xf32, #tpu.memory_space<vmem>>, vector<1x16xf32>,
        %add3A_140 = arith.constant 0 : i32
        %add3A_141 = arith.addi %add3A_46, %add3A_140 : i32
        %get3A_142 = arith.index_cast %add3A_141 : i32 to index
        %get3A_143 = arith.constant 112 : index
        %get3A_144 = tpu.vector_load %arg11[%get3A_142, %get3A_143] {strides = array<i32>} : memref<128x128xf32, #tpu.memory_space<vmem>>, vector<1x16xf32>,
        %get3A_145 = vector.shape_cast %get3A_144 : vector<1x16xf32> to vector<16xf32>
        %mul3A_146 = vector.broadcast %squeeze3A : f32 to vector<16xf32>
        %mul3A_147 = arith.mulf %get3A_145, %mul3A_146 : vector<16xf32>
        %swap3A_148 = arith.index_cast %add3A_141 : i32 to index
        %swap3A_149 = arith.constant 112 : index
        %swap3A_150 = tpu.vector_load %arg11[%swap3A_148, %swap3A_149] {strides = array<i32>} : memref<128x128xf32, #tpu.memory_space<vmem>>, vector<1x16xf32>,
        %swap3A_151 = vector.shape_cast %swap3A_150 : vector<1x16xf32> to vector<16xf32>
        %swap3A_152 = vector.shape_cast %mul3A_147 : vector<16xf32> to vector<1x16xf32>
        tpu.vector_store %arg11[%swap3A_148, %swap3A_149], %swap3A_152 {strides = array<i32>} : memref<128x128xf32, #tpu.memory_space<vmem>>, vector<1x16xf32>,
        %slice3A_153 = vector.extract_strided_slice %get3A_49 {offsets = [1], sizes = [1], strides = [1]} : vector<16xf32> to vector<1xf32>
        %squeeze3A_154 = vector.extract %slice3A_153[0] : f32 from vector<1xf32>
        %add3A_155 = arith.constant 1 : i32
        %add3A_156 = arith.addi %add3A_46, %add3A_155 : i32
        %get3A_157 = arith.index_cast %add3A_156 : i32 to index
        %get3A_158 = arith.constant 0 : index
        %get3A_159 = tpu.vector_load %arg11[%get3A_157, %get3A_158] {strides = array<i32>} : memref<128x128xf32, #tpu.memory_space<vmem>>, vector<1x16xf32>,
        %get3A_160 = vector.shape_cast %get3A_159 : vector<1x16xf32> to vector<16xf32>
        %mul3A_161 = vector.broadcast %squeeze3A_154 : f32 to vector<16xf32>
        %mul3A_162 = arith.mulf %get3A_160, %mul3A_161 : vector<16xf32>
        %swap3A_163 = arith.index_cast %add3A_156 : i32 to index
        %swap3A_164 = arith.constant 0 : index
        %swap3A_165 = tpu.vector_load %arg11[%swap3A_163, %swap3A_164] {strides = array<i32>} : memref<128x128xf32, #tpu.memory_space<vmem>>, vector<1x16xf32>,
        %swap3A_166 = vector.shape_cast %swap3A_165 : vector<1x16xf32> to vector<16xf32>
        %swap3A_167 = vector.shape_cast %mul3A_162 : vector<16xf32> to vector<1x16xf32>
        tpu.vector_store %arg11[%swap3A_163, %swap3A_164], %swap3A_167 {strides = array<i32>} : memref<128x128xf32, #tpu.memory_space<vmem>>, vector<1x16xf32>,
        %add3A_168 = arith.constant 1 : i32
        %add3A_169 = arith.addi %add3A_46, %add3A_168 : i32
        %get3A_170 = arith.index_cast %add3A_169 : i32 to index
        %get3A_171 = arith.constant 16 : index
        %get3A_172 = tpu.vector_load %arg11[%get3A_170, %get3A_171] {strides = array<i32>} : memref<128x128xf32, #tpu.memory_space<vmem>>, vector<1x16xf32>,
        %get3A_173 = vector.shape_cast %get3A_172 : vector<1x16xf32> to vector<16xf32>
        %mul3A_174 = vector.broadcast %squeeze3A_154 : f32 to vector<16xf32>
        %mul3A_175 = arith.mulf %get3A_173, %mul3A_174 : vector<16xf32>
        %swap3A_176 = arith.index_cast %add3A_169 : i32 to index
        %swap3A_177 = arith.constant 16 : index
        %swap3A_178 = tpu.vector_load %arg11[%swap3A_176, %swap3A_177] {strides = array<i32>} : memref<128x128xf32, #tpu.memory_space<vmem>>, vector<1x16xf32>,
        %swap3A_179 = vector.shape_cast %swap3A_178 : vector<1x16xf32> to vector<16xf32>
        %swap3A_180 = vector.shape_cast %mul3A_175 : vector<16xf32> to vector<1x16xf32>
        tpu.vector_store %arg11[%swap3A_176, %swap3A_177], %swap3A_180 {strides = array<i32>} : memref<128x128xf32, #tpu.memory_space<vmem>>, vector<1x16xf32>,
        %add3A_181 = arith.constant 1 : i32
        %add3A_182 = arith.addi %add3A_46, %add3A_181 : i32
        %get3A_183 = arith.index_cast %add3A_182 : i32 to index
        %get3A_184 = arith.constant 32 : index
        %get3A_185 = tpu.vector_load %arg11[%get3A_183, %get3A_184] {strides = array<i32>} : memref<128x128xf32, #tpu.memory_space<vmem>>, vector<1x16xf32>,
        %get3A_186 = vector.shape_cast %get3A_185 : vector<1x16xf32> to vector<16xf32>
        %mul3A_187 = vector.broadcast %squeeze3A_154 : f32 to vector<16xf32>
        %mul3A_188 = arith.mulf %get3A_186, %mul3A_187 : vector<16xf32>
        %swap3A_189 = arith.index_cast %add3A_182 : i32 to index
        %swap3A_190 = arith.constant 32 : index
        %swap3A_191 = tpu.vector_load %arg11[%swap3A_189, %swap3A_190] {strides = array<i32>} : memref<128x128xf32, #tpu.memory_space<vmem>>, vector<1x16xf32>,
        %swap3A_192 = vector.shape_cast %swap3A_191 : vector<1x16xf32> to vector<16xf32>
        %swap3A_193 = vector.shape_cast %mul3A_188 : vector<16xf32> to vector<1x16xf32>
        tpu.vector_store %arg11[%swap3A_189, %swap3A_190], %swap3A_193 {strides = array<i32>} : memref<128x128xf32, #tpu.memory_space<vmem>>, vector<1x16xf32>,
        %add3A_194 = arith.constant 1 : i32
        %add3A_195 = arith.addi %add3A_46, %add3A_194 : i32
        %get3A_196 = arith.index_cast %add3A_195 : i32 to index
        %get3A_197 = arith.constant 48 : index
        %get3A_198 = tpu.vector_load %arg11[%get3A_196, %get3A_197] {strides = array<i32>} : memref<128x128xf32, #tpu.memory_space<vmem>>, vector<1x16xf32>,
        %get3A_199 = vector.shape_cast %get3A_198 : vector<1x16xf32> to vector<16xf32>
        %mul3A_200 = vector.broadcast %squeeze3A_154 : f32 to vector<16xf32>
        %mul3A_201 = arith.mulf %get3A_199, %mul3A_200 : vector<16xf32>
        %swap3A_202 = arith.index_cast %add3A_195 : i32 to index
        %swap3A_203 = arith.constant 48 : index
        %swap3A_204 = tpu.vector_load %arg11[%swap3A_202, %swap3A_203] {strides = array<i32>} : memref<128x128xf32, #tpu.memory_space<vmem>>, vector<1x16xf32>,
        %swap3A_205 = vector.shape_cast %swap3A_204 : vector<1x16xf32> to vector<16xf32>
        %swap3A_206 = vector.shape_cast %mul3A_201 : vector<16xf32> to vector<1x16xf32>
        tpu.vector_store %arg11[%swap3A_202, %swap3A_203], %swap3A_206 {strides = array<i32>} : memref<128x128xf32, #tpu.memory_space<vmem>>, vector<1x16xf32>,
        %add3A_207 = arith.constant 1 : i32
        %add3A_208 = arith.addi %add3A_46, %add3A_207 : i32
        %get3A_209 = arith.index_cast %add3A_208 : i32 to index
        %get3A_210 = arith.constant 64 : index
        %get3A_211 = tpu.vector_load %arg11[%get3A_209, %get3A_210] {strides = array<i32>} : memref<128x128xf32, #tpu.memory_space<vmem>>, vector<1x16xf32>,
        %get3A_212 = vector.shape_cast %get3A_211 : vector<1x16xf32> to vector<16xf32>
        %mul3A_213 = vector.broadcast %squeeze3A_154 : f32 to vector<16xf32>
        %mul3A_214 = arith.mulf %get3A_212, %mul3A_213 : vector<16xf32>
        %swap3A_215 = arith.index_cast %add3A_208 : i32 to index
        %swap3A_216 = arith.constant 64 : index
        %swap3A_217 = tpu.vector_load %arg11[%swap3A_215, %swap3A_216] {strides = array<i32>} : memref<128x128xf32, #tpu.memory_space<vmem>>, vector<1x16xf32>,
        %swap3A_218 = vector.shape_cast %swap3A_217 : vector<1x16xf32> to vector<16xf32>
        %swap3A_219 = vector.shape_cast %mul3A_214 : vector<16xf32> to vector<1x16xf32>
        tpu.vector_store %arg11[%swap3A_215, %swap3A_216], %swap3A_219 {strides = array<i32>} : memref<128x128xf32, #tpu.memory_space<vmem>>, vector<1x16xf32>,
        %add3A_220 = arith.constant 1 : i32
        %add3A_221 = arith.addi %add3A_46, %add3A_220 : i32
        %get3A_222 = arith.index_cast %add3A_221 : i32 to index
        %get3A_223 = arith.constant 80 : index
        %get3A_224 = tpu.vector_load %arg11[%get3A_222, %get3A_223] {strides = array<i32>} : memref<128x128xf32, #tpu.memory_space<vmem>>, vector<1x16xf32>,
        %get3A_225 = vector.shape_cast %get3A_224 : vector<1x16xf32> to vector<16xf32>
        %mul3A_226 = vector.broadcast %squeeze3A_154 : f32 to vector<16xf32>
        %mul3A_227 = arith.mulf %get3A_225, %mul3A_226 : vector<16xf32>
        %swap3A_228 = arith.index_cast %add3A_221 : i32 to index
        %swap3A_229 = arith.constant 80 : index
        %swap3A_230 = tpu.vector_load %arg11[%swap3A_228, %swap3A_229] {strides = array<i32>} : memref<128x128xf32, #tpu.memory_space<vmem>>, vector<1x16xf32>,
        %swap3A_231 = vector.shape_cast %swap3A_230 : vector<1x16xf32> to vector<16xf32>
        %swap3A_232 = vector.shape_cast %mul3A_227 : vector<16xf32> to vector<1x16xf32>
        tpu.vector_store %arg11[%swap3A_228, %swap3A_229], %swap3A_232 {strides = array<i32>} : memref<128x128xf32, #tpu.memory_space<vmem>>, vector<1x16xf32>,
        %add3A_233 = arith.constant 1 : i32
        %add3A_234 = arith.addi %add3A_46, %add3A_233 : i32
        %get3A_235 = arith.index_cast %add3A_234 : i32 to index
        %get3A_236 = arith.constant 96 : index
        %get3A_237 = tpu.vector_load %arg11[%get3A_235, %get3A_236] {strides = array<i32>} : memref<128x128xf32, #tpu.memory_space<vmem>>, vector<1x16xf32>,
        %get3A_238 = vector.shape_cast %get3A_237 : vector<1x16xf32> to vector<16xf32>
        %mul3A_239 = vector.broadcast %squeeze3A_154 : f32 to vector<16xf32>
        %mul3A_240 = arith.mulf %get3A_238, %mul3A_239 : vector<16xf32>
        %swap3A_241 = arith.index_cast %add3A_234 : i32 to index
        %swap3A_242 = arith.constant 96 : index
        %swap3A_243 = tpu.vector_load %arg11[%swap3A_241, %swap3A_242] {strides = array<i32>} : memref<128x128xf32, #tpu.memory_space<vmem>>, vector<1x16xf32>,
        %swap3A_244 = vector.shape_cast %swap3A_243 : vector<1x16xf32> to vector<16xf32>
        %swap3A_245 = vector.shape_cast %mul3A_240 : vector<16xf32> to vector<1x16xf32>
        tpu.vector_store %arg11[%swap3A_241, %swap3A_242], %swap3A_245 {strides = array<i32>} : memref<128x128xf32, #tpu.memory_space<vmem>>, vector<1x16xf32>,
        %add3A_246 = arith.constant 1 : i32
        %add3A_247 = arith.addi %add3A_46, %add3A_246 : i32
        %get3A_248 = arith.index_cast %add3A_247 : i32 to index
        %get3A_249 = arith.constant 112 : index
        %get3A_250 = tpu.vector_load %arg11[%get3A_248, %get3A_249] {strides = array<i32>} : memref<128x128xf32, #tpu.memory_space<vmem>>, vector<1x16xf32>,
        %get3A_251 = vector.shape_cast %get3A_250 : vector<1x16xf32> to vector<16xf32>
        %mul3A_252 = vector.broadcast %squeeze3A_154 : f32 to vector<16xf32>
        %mul3A_253 = arith.mulf %get3A_251, %mul3A_252 : vector<16xf32>
        %swap3A_254 = arith.index_cast %add3A_247 : i32 to index
        %swap3A_255 = arith.constant 112 : index
        %swap3A_256 = tpu.vector_load %arg11[%swap3A_254, %swap3A_255] {strides = array<i32>} : memref<128x128xf32, #tpu.memory_space<vmem>>, vector<1x16xf32>,
        %swap3A_257 = vector.shape_cast %swap3A_256 : vector<1x16xf32> to vector<16xf32>
        %swap3A_258 = vector.shape_cast %mul3A_253 : vector<16xf32> to vector<1x16xf32>
        tpu.vector_store %arg11[%swap3A_254, %swap3A_255], %swap3A_258 {strides = array<i32>} : memref<128x128xf32, #tpu.memory_space<vmem>>, vector<1x16xf32>,
        %slice3A_259 = vector.extract_strided_slice %get3A_49 {offsets = [2], sizes = [1], strides = [1]} : vector<16xf32> to vector<1xf32>
        %squeeze3A_260 = vector.extract %slice3A_259[0] : f32 from vector<1xf32>
        %add3A_261 = arith.constant 2 : i32
        %add3A_262 = arith.addi %add3A_46, %add3A_261 : i32
        %get3A_263 = arith.index_cast %add3A_262 : i32 to index
        %get3A_264 = arith.constant 0 : index
        %get3A_265 = tpu.vector_load %arg11[%get3A_263, %get3A_264] {strides = array<i32>} : memref<128x128xf32, #tpu.memory_space<vmem>>, vector<1x16xf32>,
        %get3A_266 = vector.shape_cast %get3A_265 : vector<1x16xf32> to vector<16xf32>
        %mul3A_267 = vector.broadcast %squeeze3A_260 : f32 to vector<16xf32>
        %mul3A_268 = arith.mulf %get3A_266, %mul3A_267 : vector<16xf32>
        %swap3A_269 = arith.index_cast %add3A_262 : i32 to index
        %swap3A_270 = arith.constant 0 : index
        %swap3A_271 = tpu.vector_load %arg11[%swap3A_269, %swap3A_270] {strides = array<i32>} : memref<128x128xf32, #tpu.memory_space<vmem>>, vector<1x16xf32>,
        %swap3A_272 = vector.shape_cast %swap3A_271 : vector<1x16xf32> to vector<16xf32>
        %swap3A_273 = vector.shape_cast %mul3A_268 : vector<16xf32> to vector<1x16xf32>
        tpu.vector_store %arg11[%swap3A_269, %swap3A_270], %swap3A_273 {strides = array<i32>} : memref<128x128xf32, #tpu.memory_space<vmem>>, vector<1x16xf32>,
        %add3A_274 = arith.constant 2 : i32
        %add3A_275 = arith.addi %add3A_46, %add3A_274 : i32
        %get3A_276 = arith.index_cast %add3A_275 : i32 to index
        %get3A_277 = arith.constant 16 : index
        %get3A_278 = tpu.vector_load %arg11[%get3A_276, %get3A_277] {strides = array<i32>} : memref<128x128xf32, #tpu.memory_space<vmem>>, vector<1x16xf32>,
        %get3A_279 = vector.shape_cast %get3A_278 : vector<1x16xf32> to vector<16xf32>
        %mul3A_280 = vector.broadcast %squeeze3A_260 : f32 to vector<16xf32>
        %mul3A_281 = arith.mulf %get3A_279, %mul3A_280 : vector<16xf32>
        %swap3A_282 = arith.index_cast %add3A_275 : i32 to index
        %swap3A_283 = arith.constant 16 : index
        %swap3A_284 = tpu.vector_load %arg11[%swap3A_282, %swap3A_283] {strides = array<i32>} : memref<128x128xf32, #tpu.memory_space<vmem>>, vector<1x16xf32>,
        %swap3A_285 = vector.shape_cast %swap3A_284 : vector<1x16xf32> to vector<16xf32>
        %swap3A_286 = vector.shape_cast %mul3A_281 : vector<16xf32> to vector<1x16xf32>
        tpu.vector_store %arg11[%swap3A_282, %swap3A_283], %swap3A_286 {strides = array<i32>} : memref<128x128xf32, #tpu.memory_space<vmem>>, vector<1x16xf32>,
        %add3A_287 = arith.constant 2 : i32
        %add3A_288 = arith.addi %add3A_46, %add3A_287 : i32
        %get3A_289 = arith.index_cast %add3A_288 : i32 to index
        %get3A_290 = arith.constant 32 : index
        %get3A_291 = tpu.vector_load %arg11[%get3A_289, %get3A_290] {strides = array<i32>} : memref<128x128xf32, #tpu.memory_space<vmem>>, vector<1x16xf32>,
        %get3A_292 = vector.shape_cast %get3A_291 : vector<1x16xf32> to vector<16xf32>
        %mul3A_293 = vector.broadcast %squeeze3A_260 : f32 to vector<16xf32>
        %mul3A_294 = arith.mulf %get3A_292, %mul3A_293 : vector<16xf32>
        %swap3A_295 = arith.index_cast %add3A_288 : i32 to index
        %swap3A_296 = arith.constant 32 : index
        %swap3A_297 = tpu.vector_load %arg11[%swap3A_295, %swap3A_296] {strides = array<i32>} : memref<128x128xf32, #tpu.memory_space<vmem>>, vector<1x16xf32>,
        %swap3A_298 = vector.shape_cast %swap3A_297 : vector<1x16xf32> to vector<16xf32>
        %swap3A_299 = vector.shape_cast %mul3A_294 : vector<16xf32> to vector<1x16xf32>
        tpu.vector_store %arg11[%swap3A_295, %swap3A_296], %swap3A_299 {strides = array<i32>} : memref<128x128xf32, #tpu.memory_space<vmem>>, vector<1x16xf32>,
        %add3A_300 = arith.constant 2 : i32
        %add3A_301 = arith.addi %add3A_46, %add3A_300 : i32
        %get3A_302 = arith.index_cast %add3A_301 : i32 to index
        %get3A_303 = arith.constant 48 : index
        %get3A_304 = tpu.vector_load %arg11[%get3A_302, %get3A_303] {strides = array<i32>} : memref<128x128xf32, #tpu.memory_space<vmem>>, vector<1x16xf32>,
        %get3A_305 = vector.shape_cast %get3A_304 : vector<1x16xf32> to vector<16xf32>
        %mul3A_306 = vector.broadcast %squeeze3A_260 : f32 to vector<16xf32>
        %mul3A_307 = arith.mulf %get3A_305, %mul3A_306 : vector<16xf32>
        %swap3A_308 = arith.index_cast %add3A_301 : i32 to index
        %swap3A_309 = arith.constant 48 : index
        %swap3A_310 = tpu.vector_load %arg11[%swap3A_308, %swap3A_309] {strides = array<i32>} : memref<128x128xf32, #tpu.memory_space<vmem>>, vector<1x16xf32>,
        %swap3A_311 = vector.shape_cast %swap3A_310 : vector<1x16xf32> to vector<16xf32>
        %swap3A_312 = vector.shape_cast %mul3A_307 : vector<16xf32> to vector<1x16xf32>
        tpu.vector_store %arg11[%swap3A_308, %swap3A_309], %swap3A_312 {strides = array<i32>} : memref<128x128xf32, #tpu.memory_space<vmem>>, vector<1x16xf32>,
        %add3A_313 = arith.constant 2 : i32
        %add3A_314 = arith.addi %add3A_46, %add3A_313 : i32
        %get3A_315 = arith.index_cast %add3A_314 : i32 to index
        %get3A_316 = arith.constant 64 : index
        %get3A_317 = tpu.vector_load %arg11[%get3A_315, %get3A_316] {strides = array<i32>} : memref<128x128xf32, #tpu.memory_space<vmem>>, vector<1x16xf32>,
        %get3A_318 = vector.shape_cast %get3A_317 : vector<1x16xf32> to vector<16xf32>
        %mul3A_319 = vector.broadcast %squeeze3A_260 : f32 to vector<16xf32>
        %mul3A_320 = arith.mulf %get3A_318, %mul3A_319 : vector<16xf32>
        %swap3A_321 = arith.index_cast %add3A_314 : i32 to index
        %swap3A_322 = arith.constant 64 : index
        %swap3A_323 = tpu.vector_load %arg11[%swap3A_321, %swap3A_322] {strides = array<i32>} : memref<128x128xf32, #tpu.memory_space<vmem>>, vector<1x16xf32>,
        %swap3A_324 = vector.shape_cast %swap3A_323 : vector<1x16xf32> to vector<16xf32>
        %swap3A_325 = vector.shape_cast %mul3A_320 : vector<16xf32> to vector<1x16xf32>
        tpu.vector_store %arg11[%swap3A_321, %swap3A_322], %swap3A_325 {strides = array<i32>} : memref<128x128xf32, #tpu.memory_space<vmem>>, vector<1x16xf32>,
        %add3A_326 = arith.constant 2 : i32
        %add3A_327 = arith.addi %add3A_46, %add3A_326 : i32
        %get3A_328 = arith.index_cast %add3A_327 : i32 to index
        %get3A_329 = arith.constant 80 : index
        %get3A_330 = tpu.vector_load %arg11[%get3A_328, %get3A_329] {strides = array<i32>} : memref<128x128xf32, #tpu.memory_space<vmem>>, vector<1x16xf32>,
        %get3A_331 = vector.shape_cast %get3A_330 : vector<1x16xf32> to vector<16xf32>
        %mul3A_332 = vector.broadcast %squeeze3A_260 : f32 to vector<16xf32>
        %mul3A_333 = arith.mulf %get3A_331, %mul3A_332 : vector<16xf32>
        %swap3A_334 = arith.index_cast %add3A_327 : i32 to index
        %swap3A_335 = arith.constant 80 : index
        %swap3A_336 = tpu.vector_load %arg11[%swap3A_334, %swap3A_335] {strides = array<i32>} : memref<128x128xf32, #tpu.memory_space<vmem>>, vector<1x16xf32>,
        %swap3A_337 = vector.shape_cast %swap3A_336 : vector<1x16xf32> to vector<16xf32>
        %swap3A_338 = vector.shape_cast %mul3A_333 : vector<16xf32> to vector<1x16xf32>
        tpu.vector_store %arg11[%swap3A_334, %swap3A_335], %swap3A_338 {strides = array<i32>} : memref<128x128xf32, #tpu.memory_space<vmem>>, vector<1x16xf32>,
        %add3A_339 = arith.constant 2 : i32
        %add3A_340 = arith.addi %add3A_46, %add3A_339 : i32
        %get3A_341 = arith.index_cast %add3A_340 : i32 to index
        %get3A_342 = arith.constant 96 : index
        %get3A_343 = tpu.vector_load %arg11[%get3A_341, %get3A_342] {strides = array<i32>} : memref<128x128xf32, #tpu.memory_space<vmem>>, vector<1x16xf32>,
        %get3A_344 = vector.shape_cast %get3A_343 : vector<1x16xf32> to vector<16xf32>
        %mul3A_345 = vector.broadcast %squeeze3A_260 : f32 to vector<16xf32>
        %mul3A_346 = arith.mulf %get3A_344, %mul3A_345 : vector<16xf32>
        %swap3A_347 = arith.index_cast %add3A_340 : i32 to index
        %swap3A_348 = arith.constant 96 : index
        %swap3A_349 = tpu.vector_load %arg11[%swap3A_347, %swap3A_348] {strides = array<i32>} : memref<128x128xf32, #tpu.memory_space<vmem>>, vector<1x16xf32>,
        %swap3A_350 = vector.shape_cast %swap3A_349 : vector<1x16xf32> to vector<16xf32>
        %swap3A_351 = vector.shape_cast %mul3A_346 : vector<16xf32> to vector<1x16xf32>
        tpu.vector_store %arg11[%swap3A_347, %swap3A_348], %swap3A_351 {strides = array<i32>} : memref<128x128xf32, #tpu.memory_space<vmem>>, vector<1x16xf32>,
        %add3A_352 = arith.constant 2 : i32
        %add3A_353 = arith.addi %add3A_46, %add3A_352 : i32
        %get3A_354 = arith.index_cast %add3A_353 : i32 to index
        %get3A_355 = arith.constant 112 : index
        %get3A_356 = tpu.vector_load %arg11[%get3A_354, %get3A_355] {strides = array<i32>} : memref<128x128xf32, #tpu.memory_space<vmem>>, vector<1x16xf32>,
        %get3A_357 = vector.shape_cast %get3A_356 : vector<1x16xf32> to vector<16xf32>
        %mul3A_358 = vector.broadcast %squeeze3A_260 : f32 to vector<16xf32>
        %mul3A_359 = arith.mulf %get3A_357, %mul3A_358 : vector<16xf32>
        %swap3A_360 = arith.index_cast %add3A_353 : i32 to index
        %swap3A_361 = arith.constant 112 : index
        %swap3A_362 = tpu.vector_load %arg11[%swap3A_360, %swap3A_361] {strides = array<i32>} : memref<128x128xf32, #tpu.memory_space<vmem>>, vector<1x16xf32>,
        %swap3A_363 = vector.shape_cast %swap3A_362 : vector<1x16xf32> to vector<16xf32>
        %swap3A_364 = vector.shape_cast %mul3A_359 : vector<16xf32> to vector<1x16xf32>
        tpu.vector_store %arg11[%swap3A_360, %swap3A_361], %swap3A_364 {strides = array<i32>} : memref<128x128xf32, #tpu.memory_space<vmem>>, vector<1x16xf32>,
        %slice3A_365 = vector.extract_strided_slice %get3A_49 {offsets = [3], sizes = [1], strides = [1]} : vector<16xf32> to vector<1xf32>
        %squeeze3A_366 = vector.extract %slice3A_365[0] : f32 from vector<1xf32>
        %add3A_367 = arith.constant 3 : i32
        %add3A_368 = arith.addi %add3A_46, %add3A_367 : i32
        %get3A_369 = arith.index_cast %add3A_368 : i32 to index
        %get3A_370 = arith.constant 0 : index
        %get3A_371 = tpu.vector_load %arg11[%get3A_369, %get3A_370] {strides = array<i32>} : memref<128x128xf32, #tpu.memory_space<vmem>>, vector<1x16xf32>,
        %get3A_372 = vector.shape_cast %get3A_371 : vector<1x16xf32> to vector<16xf32>
        %mul3A_373 = vector.broadcast %squeeze3A_366 : f32 to vector<16xf32>
        %mul3A_374 = arith.mulf %get3A_372, %mul3A_373 : vector<16xf32>
        %swap3A_375 = arith.index_cast %add3A_368 : i32 to index
        %swap3A_376 = arith.constant 0 : index
        %swap3A_377 = tpu.vector_load %arg11[%swap3A_375, %swap3A_376] {strides = array<i32>} : memref<128x128xf32, #tpu.memory_space<vmem>>, vector<1x16xf32>,
        %swap3A_378 = vector.shape_cast %swap3A_377 : vector<1x16xf32> to vector<16xf32>
        %swap3A_379 = vector.shape_cast %mul3A_374 : vector<16xf32> to vector<1x16xf32>
        tpu.vector_store %arg11[%swap3A_375, %swap3A_376], %swap3A_379 {strides = array<i32>} : memref<128x128xf32, #tpu.memory_space<vmem>>, vector<1x16xf32>,
        %add3A_380 = arith.constant 3 : i32
        %add3A_381 = arith.addi %add3A_46, %add3A_380 : i32
        %get3A_382 = arith.index_cast %add3A_381 : i32 to index
        %get3A_383 = arith.constant 16 : index
        %get3A_384 = tpu.vector_load %arg11[%get3A_382, %get3A_383] {strides = array<i32>} : memref<128x128xf32, #tpu.memory_space<vmem>>, vector<1x16xf32>,
        %get3A_385 = vector.shape_cast %get3A_384 : vector<1x16xf32> to vector<16xf32>
        %mul3A_386 = vector.broadcast %squeeze3A_366 : f32 to vector<16xf32>
        %mul3A_387 = arith.mulf %get3A_385, %mul3A_386 : vector<16xf32>
        %swap3A_388 = arith.index_cast %add3A_381 : i32 to index
        %swap3A_389 = arith.constant 16 : index
        %swap3A_390 = tpu.vector_load %arg11[%swap3A_388, %swap3A_389] {strides = array<i32>} : memref<128x128xf32, #tpu.memory_space<vmem>>, vector<1x16xf32>,
        %swap3A_391 = vector.shape_cast %swap3A_390 : vector<1x16xf32> to vector<16xf32>
        %swap3A_392 = vector.shape_cast %mul3A_387 : vector<16xf32> to vector<1x16xf32>
        tpu.vector_store %arg11[%swap3A_388, %swap3A_389], %swap3A_392 {strides = array<i32>} : memref<128x128xf32, #tpu.memory_space<vmem>>, vector<1x16xf32>,
        %add3A_393 = arith.constant 3 : i32
        %add3A_394 = arith.addi %add3A_46, %add3A_393 : i32
        %get3A_395 = arith.index_cast %add3A_394 : i32 to index
        %get3A_396 = arith.constant 32 : index
        %get3A_397 = tpu.vector_load %arg11[%get3A_395, %get3A_396] {strides = array<i32>} : memref<128x128xf32, #tpu.memory_space<vmem>>, vector<1x16xf32>,
        %get3A_398 = vector.shape_cast %get3A_397 : vector<1x16xf32> to vector<16xf32>
        %mul3A_399 = vector.broadcast %squeeze3A_366 : f32 to vector<16xf32>
        %mul3A_400 = arith.mulf %get3A_398, %mul3A_399 : vector<16xf32>
        %swap3A_401 = arith.index_cast %add3A_394 : i32 to index
        %swap3A_402 = arith.constant 32 : index
        %swap3A_403 = tpu.vector_load %arg11[%swap3A_401, %swap3A_402] {strides = array<i32>} : memref<128x128xf32, #tpu.memory_space<vmem>>, vector<1x16xf32>,
        %swap3A_404 = vector.shape_cast %swap3A_403 : vector<1x16xf32> to vector<16xf32>
        %swap3A_405 = vector.shape_cast %mul3A_400 : vector<16xf32> to vector<1x16xf32>
        tpu.vector_store %arg11[%swap3A_401, %swap3A_402], %swap3A_405 {strides = array<i32>} : memref<128x128xf32, #tpu.memory_space<vmem>>, vector<1x16xf32>,
        %add3A_406 = arith.constant 3 : i32
        %add3A_407 = arith.addi %add3A_46, %add3A_406 : i32
        %get3A_408 = arith.index_cast %add3A_407 : i32 to index
        %get3A_409 = arith.constant 48 : index
        %get3A_410 = tpu.vector_load %arg11[%get3A_408, %get3A_409] {strides = array<i32>} : memref<128x128xf32, #tpu.memory_space<vmem>>, vector<1x16xf32>,
        %get3A_411 = vector.shape_cast %get3A_410 : vector<1x16xf32> to vector<16xf32>
        %mul3A_412 = vector.broadcast %squeeze3A_366 : f32 to vector<16xf32>
        %mul3A_413 = arith.mulf %get3A_411, %mul3A_412 : vector<16xf32>
        %swap3A_414 = arith.index_cast %add3A_407 : i32 to index
        %swap3A_415 = arith.constant 48 : index
        %swap3A_416 = tpu.vector_load %arg11[%swap3A_414, %swap3A_415] {strides = array<i32>} : memref<128x128xf32, #tpu.memory_space<vmem>>, vector<1x16xf32>,
        %swap3A_417 = vector.shape_cast %swap3A_416 : vector<1x16xf32> to vector<16xf32>
        %swap3A_418 = vector.shape_cast %mul3A_413 : vector<16xf32> to vector<1x16xf32>
        tpu.vector_store %arg11[%swap3A_414, %swap3A_415], %swap3A_418 {strides = array<i32>} : memref<128x128xf32, #tpu.memory_space<vmem>>, vector<1x16xf32>,
        %add3A_419 = arith.constant 3 : i32
        %add3A_420 = arith.addi %add3A_46, %add3A_419 : i32
        %get3A_421 = arith.index_cast %add3A_420 : i32 to index
        %get3A_422 = arith.constant 64 : index
        %get3A_423 = tpu.vector_load %arg11[%get3A_421, %get3A_422] {strides = array<i32>} : memref<128x128xf32, #tpu.memory_space<vmem>>, vector<1x16xf32>,
        %get3A_424 = vector.shape_cast %get3A_423 : vector<1x16xf32> to vector<16xf32>
        %mul3A_425 = vector.broadcast %squeeze3A_366 : f32 to vector<16xf32>
        %mul3A_426 = arith.mulf %get3A_424, %mul3A_425 : vector<16xf32>
        %swap3A_427 = arith.index_cast %add3A_420 : i32 to index
        %swap3A_428 = arith.constant 64 : index
        %swap3A_429 = tpu.vector_load %arg11[%swap3A_427, %swap3A_428] {strides = array<i32>} : memref<128x128xf32, #tpu.memory_space<vmem>>, vector<1x16xf32>,
        %swap3A_430 = vector.shape_cast %swap3A_429 : vector<1x16xf32> to vector<16xf32>
        %swap3A_431 = vector.shape_cast %mul3A_426 : vector<16xf32> to vector<1x16xf32>
        tpu.vector_store %arg11[%swap3A_427, %swap3A_428], %swap3A_431 {strides = array<i32>} : memref<128x128xf32, #tpu.memory_space<vmem>>, vector<1x16xf32>,
        %add3A_432 = arith.constant 3 : i32
        %add3A_433 = arith.addi %add3A_46, %add3A_432 : i32
        %get3A_434 = arith.index_cast %add3A_433 : i32 to index
        %get3A_435 = arith.constant 80 : index
        %get3A_436 = tpu.vector_load %arg11[%get3A_434, %get3A_435] {strides = array<i32>} : memref<128x128xf32, #tpu.memory_space<vmem>>, vector<1x16xf32>,
        %get3A_437 = vector.shape_cast %get3A_436 : vector<1x16xf32> to vector<16xf32>
        %mul3A_438 = vector.broadcast %squeeze3A_366 : f32 to vector<16xf32>
        %mul3A_439 = arith.mulf %get3A_437, %mul3A_438 : vector<16xf32>
        %swap3A_440 = arith.index_cast %add3A_433 : i32 to index
        %swap3A_441 = arith.constant 80 : index
        %swap3A_442 = tpu.vector_load %arg11[%swap3A_440, %swap3A_441] {strides = array<i32>} : memref<128x128xf32, #tpu.memory_space<vmem>>, vector<1x16xf32>,
        %swap3A_443 = vector.shape_cast %swap3A_442 : vector<1x16xf32> to vector<16xf32>
        %swap3A_444 = vector.shape_cast %mul3A_439 : vector<16xf32> to vector<1x16xf32>
        tpu.vector_store %arg11[%swap3A_440, %swap3A_441], %swap3A_444 {strides = array<i32>} : memref<128x128xf32, #tpu.memory_space<vmem>>, vector<1x16xf32>,
        %add3A_445 = arith.constant 3 : i32
        %add3A_446 = arith.addi %add3A_46, %add3A_445 : i32
        %get3A_447 = arith.index_cast %add3A_446 : i32 to index
        %get3A_448 = arith.constant 96 : index
        %get3A_449 = tpu.vector_load %arg11[%get3A_447, %get3A_448] {strides = array<i32>} : memref<128x128xf32, #tpu.memory_space<vmem>>, vector<1x16xf32>,
        %get3A_450 = vector.shape_cast %get3A_449 : vector<1x16xf32> to vector<16xf32>
        %mul3A_451 = vector.broadcast %squeeze3A_366 : f32 to vector<16xf32>
        %mul3A_452 = arith.mulf %get3A_450, %mul3A_451 : vector<16xf32>
        %swap3A_453 = arith.index_cast %add3A_446 : i32 to index
        %swap3A_454 = arith.constant 96 : index
        %swap3A_455 = tpu.vector_load %arg11[%swap3A_453, %swap3A_454] {strides = array<i32>} : memref<128x128xf32, #tpu.memory_space<vmem>>, vector<1x16xf32>,
        %swap3A_456 = vector.shape_cast %swap3A_455 : vector<1x16xf32> to vector<16xf32>
        %swap3A_457 = vector.shape_cast %mul3A_452 : vector<16xf32> to vector<1x16xf32>
        tpu.vector_store %arg11[%swap3A_453, %swap3A_454], %swap3A_457 {strides = array<i32>} : memref<128x128xf32, #tpu.memory_space<vmem>>, vector<1x16xf32>,
        %add3A_458 = arith.constant 3 : i32
        %add3A_459 = arith.addi %add3A_46, %add3A_458 : i32
        %get3A_460 = arith.index_cast %add3A_459 : i32 to index
        %get3A_461 = arith.constant 112 : index
        %get3A_462 = tpu.vector_load %arg11[%get3A_460, %get3A_461] {strides = array<i32>} : memref<128x128xf32, #tpu.memory_space<vmem>>, vector<1x16xf32>,
        %get3A_463 = vector.shape_cast %get3A_462 : vector<1x16xf32> to vector<16xf32>
        %mul3A_464 = vector.broadcast %squeeze3A_366 : f32 to vector<16xf32>
        %mul3A_465 = arith.mulf %get3A_463, %mul3A_464 : vector<16xf32>
        %swap3A_466 = arith.index_cast %add3A_459 : i32 to index
        %swap3A_467 = arith.constant 112 : index
        %swap3A_468 = tpu.vector_load %arg11[%swap3A_466, %swap3A_467] {strides = array<i32>} : memref<128x128xf32, #tpu.memory_space<vmem>>, vector<1x16xf32>,
        %swap3A_469 = vector.shape_cast %swap3A_468 : vector<1x16xf32> to vector<16xf32>
        %swap3A_470 = vector.shape_cast %mul3A_465 : vector<16xf32> to vector<1x16xf32>
        tpu.vector_store %arg11[%swap3A_466, %swap3A_467], %swap3A_470 {strides = array<i32>} : memref<128x128xf32, #tpu.memory_space<vmem>>, vector<1x16xf32>,
        %slice3A_471 = vector.extract_strided_slice %get3A_49 {offsets = [4], sizes = [1], strides = [1]} : vector<16xf32> to vector<1xf32>
        %squeeze3A_472 = vector.extract %slice3A_471[0] : f32 from vector<1xf32>
        %add3A_473 = arith.constant 4 : i32
        %add3A_474 = arith.addi %add3A_46, %add3A_473 : i32
        %get3A_475 = arith.index_cast %add3A_474 : i32 to index
        %get3A_476 = arith.constant 0 : index
        %get3A_477 = tpu.vector_load %arg11[%get3A_475, %get3A_476] {strides = array<i32>} : memref<128x128xf32, #tpu.memory_space<vmem>>, vector<1x16xf32>,
        %get3A_478 = vector.shape_cast %get3A_477 : vector<1x16xf32> to vector<16xf32>
        %mul3A_479 = vector.broadcast %squeeze3A_472 : f32 to vector<16xf32>
        %mul3A_480 = arith.mulf %get3A_478, %mul3A_479 : vector<16xf32>
        %swap3A_481 = arith.index_cast %add3A_474 : i32 to index
        %swap3A_482 = arith.constant 0 : index
        %swap3A_483 = tpu.vector_load %arg11[%swap3A_481, %swap3A_482] {strides = array<i32>} : memref<128x128xf32, #tpu.memory_space<vmem>>, vector<1x16xf32>,
        %swap3A_484 = vector.shape_cast %swap3A_483 : vector<1x16xf32> to vector<16xf32>
        %swap3A_485 = vector.shape_cast %mul3A_480 : vector<16xf32> to vector<1x16xf32>
        tpu.vector_store %arg11[%swap3A_481, %swap3A_482], %swap3A_485 {strides = array<i32>} : memref<128x128xf32, #tpu.memory_space<vmem>>, vector<1x16xf32>,
        %add3A_486 = arith.constant 4 : i32
        %add3A_487 = arith.addi %add3A_46, %add3A_486 : i32
        %get3A_488 = arith.index_cast %add3A_487 : i32 to index
        %get3A_489 = arith.constant 16 : index
        %get3A_490 = tpu.vector_load %arg11[%get3A_488, %get3A_489] {strides = array<i32>} : memref<128x128xf32, #tpu.memory_space<vmem>>, vector<1x16xf32>,
        %get3A_491 = vector.shape_cast %get3A_490 : vector<1x16xf32> to vector<16xf32>
        %mul3A_492 = vector.broadcast %squeeze3A_472 : f32 to vector<16xf32>
        %mul3A_493 = arith.mulf %get3A_491, %mul3A_492 : vector<16xf32>
        %swap3A_494 = arith.index_cast %add3A_487 : i32 to index
        %swap3A_495 = arith.constant 16 : index
        %swap3A_496 = tpu.vector_load %arg11[%swap3A_494, %swap3A_495] {strides = array<i32>} : memref<128x128xf32, #tpu.memory_space<vmem>>, vector<1x16xf32>,
        %swap3A_497 = vector.shape_cast %swap3A_496 : vector<1x16xf32> to vector<16xf32>
        %swap3A_498 = vector.shape_cast %mul3A_493 : vector<16xf32> to vector<1x16xf32>
        tpu.vector_store %arg11[%swap3A_494, %swap3A_495], %swap3A_498 {strides = array<i32>} : memref<128x128xf32, #tpu.memory_space<vmem>>, vector<1x16xf32>,
        %add3A_499 = arith.constant 4 : i32
        %add3A_500 = arith.addi %add3A_46, %add3A_499 : i32
        %get3A_501 = arith.index_cast %add3A_500 : i32 to index
        %get3A_502 = arith.constant 32 : index
        %get3A_503 = tpu.vector_load %arg11[%get3A_501, %get3A_502] {strides = array<i32>} : memref<128x128xf32, #tpu.memory_space<vmem>>, vector<1x16xf32>,
        %get3A_504 = vector.shape_cast %get3A_503 : vector<1x16xf32> to vector<16xf32>
        %mul3A_505 = vector.broadcast %squeeze3A_472 : f32 to vector<16xf32>
        %mul3A_506 = arith.mulf %get3A_504, %mul3A_505 : vector<16xf32>
        %swap3A_507 = arith.index_cast %add3A_500 : i32 to index
        %swap3A_508 = arith.constant 32 : index
        %swap3A_509 = tpu.vector_load %arg11[%swap3A_507, %swap3A_508] {strides = array<i32>} : memref<128x128xf32, #tpu.memory_space<vmem>>, vector<1x16xf32>,
        %swap3A_510 = vector.shape_cast %swap3A_509 : vector<1x16xf32> to vector<16xf32>
        %swap3A_511 = vector.shape_cast %mul3A_506 : vector<16xf32> to vector<1x16xf32>
        tpu.vector_store %arg11[%swap3A_507, %swap3A_508], %swap3A_511 {strides = array<i32>} : memref<128x128xf32, #tpu.memory_space<vmem>>, vector<1x16xf32>,
        %add3A_512 = arith.constant 4 : i32
        %add3A_513 = arith.addi %add3A_46, %add3A_512 : i32
        %get3A_514 = arith.index_cast %add3A_513 : i32 to index
        %get3A_515 = arith.constant 48 : index
        %get3A_516 = tpu.vector_load %arg11[%get3A_514, %get3A_515] {strides = array<i32>} : memref<128x128xf32, #tpu.memory_space<vmem>>, vector<1x16xf32>,
        %get3A_517 = vector.shape_cast %get3A_516 : vector<1x16xf32> to vector<16xf32>
        %mul3A_518 = vector.broadcast %squeeze3A_472 : f32 to vector<16xf32>
        %mul3A_519 = arith.mulf %get3A_517, %mul3A_518 : vector<16xf32>
        %swap3A_520 = arith.index_cast %add3A_513 : i32 to index
        %swap3A_521 = arith.constant 48 : index
        %swap3A_522 = tpu.vector_load %arg11[%swap3A_520, %swap3A_521] {strides = array<i32>} : memref<128x128xf32, #tpu.memory_space<vmem>>, vector<1x16xf32>,
        %swap3A_523 = vector.shape_cast %swap3A_522 : vector<1x16xf32> to vector<16xf32>
        %swap3A_524 = vector.shape_cast %mul3A_519 : vector<16xf32> to vector<1x16xf32>
        tpu.vector_store %arg11[%swap3A_520, %swap3A_521], %swap3A_524 {strides = array<i32>} : memref<128x128xf32, #tpu.memory_space<vmem>>, vector<1x16xf32>,
        %add3A_525 = arith.constant 4 : i32
        %add3A_526 = arith.addi %add3A_46, %add3A_525 : i32
        %get3A_527 = arith.index_cast %add3A_526 : i32 to index
        %get3A_528 = arith.constant 64 : index
        %get3A_529 = tpu.vector_load %arg11[%get3A_527, %get3A_528] {strides = array<i32>} : memref<128x128xf32, #tpu.memory_space<vmem>>, vector<1x16xf32>,
        %get3A_530 = vector.shape_cast %get3A_529 : vector<1x16xf32> to vector<16xf32>
        %mul3A_531 = vector.broadcast %squeeze3A_472 : f32 to vector<16xf32>
        %mul3A_532 = arith.mulf %get3A_530, %mul3A_531 : vector<16xf32>
        %swap3A_533 = arith.index_cast %add3A_526 : i32 to index
        %swap3A_534 = arith.constant 64 : index
        %swap3A_535 = tpu.vector_load %arg11[%swap3A_533, %swap3A_534] {strides = array<i32>} : memref<128x128xf32, #tpu.memory_space<vmem>>, vector<1x16xf32>,
        %swap3A_536 = vector.shape_cast %swap3A_535 : vector<1x16xf32> to vector<16xf32>
        %swap3A_537 = vector.shape_cast %mul3A_532 : vector<16xf32> to vector<1x16xf32>
        tpu.vector_store %arg11[%swap3A_533, %swap3A_534], %swap3A_537 {strides = array<i32>} : memref<128x128xf32, #tpu.memory_space<vmem>>, vector<1x16xf32>,
        %add3A_538 = arith.constant 4 : i32
        %add3A_539 = arith.addi %add3A_46, %add3A_538 : i32
        %get3A_540 = arith.index_cast %add3A_539 : i32 to index
        %get3A_541 = arith.constant 80 : index
        %get3A_542 = tpu.vector_load %arg11[%get3A_540, %get3A_541] {strides = array<i32>} : memref<128x128xf32, #tpu.memory_space<vmem>>, vector<1x16xf32>,
        %get3A_543 = vector.shape_cast %get3A_542 : vector<1x16xf32> to vector<16xf32>
        %mul3A_544 = vector.broadcast %squeeze3A_472 : f32 to vector<16xf32>
        %mul3A_545 = arith.mulf %get3A_543, %mul3A_544 : vector<16xf32>
        %swap3A_546 = arith.index_cast %add3A_539 : i32 to index
        %swap3A_547 = arith.constant 80 : index
        %swap3A_548 = tpu.vector_load %arg11[%swap3A_546, %swap3A_547] {strides = array<i32>} : memref<128x128xf32, #tpu.memory_space<vmem>>, vector<1x16xf32>,
        %swap3A_549 = vector.shape_cast %swap3A_548 : vector<1x16xf32> to vector<16xf32>
        %swap3A_550 = vector.shape_cast %mul3A_545 : vector<16xf32> to vector<1x16xf32>
        tpu.vector_store %arg11[%swap3A_546, %swap3A_547], %swap3A_550 {strides = array<i32>} : memref<128x128xf32, #tpu.memory_space<vmem>>, vector<1x16xf32>,
        %add3A_551 = arith.constant 4 : i32
        %add3A_552 = arith.addi %add3A_46, %add3A_551 : i32
        %get3A_553 = arith.index_cast %add3A_552 : i32 to index
        %get3A_554 = arith.constant 96 : index
        %get3A_555 = tpu.vector_load %arg11[%get3A_553, %get3A_554] {strides = array<i32>} : memref<128x128xf32, #tpu.memory_space<vmem>>, vector<1x16xf32>,
        %get3A_556 = vector.shape_cast %get3A_555 : vector<1x16xf32> to vector<16xf32>
        %mul3A_557 = vector.broadcast %squeeze3A_472 : f32 to vector<16xf32>
        %mul3A_558 = arith.mulf %get3A_556, %mul3A_557 : vector<16xf32>
        %swap3A_559 = arith.index_cast %add3A_552 : i32 to index
        %swap3A_560 = arith.constant 96 : index
        %swap3A_561 = tpu.vector_load %arg11[%swap3A_559, %swap3A_560] {strides = array<i32>} : memref<128x128xf32, #tpu.memory_space<vmem>>, vector<1x16xf32>,
        %swap3A_562 = vector.shape_cast %swap3A_561 : vector<1x16xf32> to vector<16xf32>
        %swap3A_563 = vector.shape_cast %mul3A_558 : vector<16xf32> to vector<1x16xf32>
        tpu.vector_store %arg11[%swap3A_559, %swap3A_560], %swap3A_563 {strides = array<i32>} : memref<128x128xf32, #tpu.memory_space<vmem>>, vector<1x16xf32>,
        %add3A_564 = arith.constant 4 : i32
        %add3A_565 = arith.addi %add3A_46, %add3A_564 : i32
        %get3A_566 = arith.index_cast %add3A_565 : i32 to index
        %get3A_567 = arith.constant 112 : index
        %get3A_568 = tpu.vector_load %arg11[%get3A_566, %get3A_567] {strides = array<i32>} : memref<128x128xf32, #tpu.memory_space<vmem>>, vector<1x16xf32>,
        %get3A_569 = vector.shape_cast %get3A_568 : vector<1x16xf32> to vector<16xf32>
        %mul3A_570 = vector.broadcast %squeeze3A_472 : f32 to vector<16xf32>
        %mul3A_571 = arith.mulf %get3A_569, %mul3A_570 : vector<16xf32>
        %swap3A_572 = arith.index_cast %add3A_565 : i32 to index
        %swap3A_573 = arith.constant 112 : index
        %swap3A_574 = tpu.vector_load %arg11[%swap3A_572, %swap3A_573] {strides = array<i32>} : memref<128x128xf32, #tpu.memory_space<vmem>>, vector<1x16xf32>,
        %swap3A_575 = vector.shape_cast %swap3A_574 : vector<1x16xf32> to vector<16xf32>
        %swap3A_576 = vector.shape_cast %mul3A_571 : vector<16xf32> to vector<1x16xf32>
        tpu.vector_store %arg11[%swap3A_572, %swap3A_573], %swap3A_576 {strides = array<i32>} : memref<128x128xf32, #tpu.memory_space<vmem>>, vector<1x16xf32>,
        %slice3A_577 = vector.extract_strided_slice %get3A_49 {offsets = [5], sizes = [1], strides = [1]} : vector<16xf32> to vector<1xf32>
        %squeeze3A_578 = vector.extract %slice3A_577[0] : f32 from vector<1xf32>
        %add3A_579 = arith.constant 5 : i32
        %add3A_580 = arith.addi %add3A_46, %add3A_579 : i32
        %get3A_581 = arith.index_cast %add3A_580 : i32 to index
        %get3A_582 = arith.constant 0 : index
        %get3A_583 = tpu.vector_load %arg11[%get3A_581, %get3A_582] {strides = array<i32>} : memref<128x128xf32, #tpu.memory_space<vmem>>, vector<1x16xf32>,
        %get3A_584 = vector.shape_cast %get3A_583 : vector<1x16xf32> to vector<16xf32>
        %mul3A_585 = vector.broadcast %squeeze3A_578 : f32 to vector<16xf32>
        %mul3A_586 = arith.mulf %get3A_584, %mul3A_585 : vector<16xf32>
        %swap3A_587 = arith.index_cast %add3A_580 : i32 to index
        %swap3A_588 = arith.constant 0 : index
        %swap3A_589 = tpu.vector_load %arg11[%swap3A_587, %swap3A_588] {strides = array<i32>} : memref<128x128xf32, #tpu.memory_space<vmem>>, vector<1x16xf32>,
        %swap3A_590 = vector.shape_cast %swap3A_589 : vector<1x16xf32> to vector<16xf32>
        %swap3A_591 = vector.shape_cast %mul3A_586 : vector<16xf32> to vector<1x16xf32>
        tpu.vector_store %arg11[%swap3A_587, %swap3A_588], %swap3A_591 {strides = array<i32>} : memref<128x128xf32, #tpu.memory_space<vmem>>, vector<1x16xf32>,
        %add3A_592 = arith.constant 5 : i32
        %add3A_593 = arith.addi %add3A_46, %add3A_592 : i32
        %get3A_594 = arith.index_cast %add3A_593 : i32 to index
        %get3A_595 = arith.constant 16 : index
        %get3A_596 = tpu.vector_load %arg11[%get3A_594, %get3A_595] {strides = array<i32>} : memref<128x128xf32, #tpu.memory_space<vmem>>, vector<1x16xf32>,
        %get3A_597 = vector.shape_cast %get3A_596 : vector<1x16xf32> to vector<16xf32>
        %mul3A_598 = vector.broadcast %squeeze3A_578 : f32 to vector<16xf32>
        %mul3A_599 = arith.mulf %get3A_597, %mul3A_598 : vector<16xf32>
        %swap3A_600 = arith.index_cast %add3A_593 : i32 to index
        %swap3A_601 = arith.constant 16 : index
        %swap3A_602 = tpu.vector_load %arg11[%swap3A_600, %swap3A_601] {strides = array<i32>} : memref<128x128xf32, #tpu.memory_space<vmem>>, vector<1x16xf32>,
        %swap3A_603 = vector.shape_cast %swap3A_602 : vector<1x16xf32> to vector<16xf32>
        %swap3A_604 = vector.shape_cast %mul3A_599 : vector<16xf32> to vector<1x16xf32>
        tpu.vector_store %arg11[%swap3A_600, %swap3A_601], %swap3A_604 {strides = array<i32>} : memref<128x128xf32, #tpu.memory_space<vmem>>, vector<1x16xf32>,
        %add3A_605 = arith.constant 5 : i32
        %add3A_606 = arith.addi %add3A_46, %add3A_605 : i32
        %get3A_607 = arith.index_cast %add3A_606 : i32 to index
        %get3A_608 = arith.constant 32 : index
        %get3A_609 = tpu.vector_load %arg11[%get3A_607, %get3A_608] {strides = array<i32>} : memref<128x128xf32, #tpu.memory_space<vmem>>, vector<1x16xf32>,
        %get3A_610 = vector.shape_cast %get3A_609 : vector<1x16xf32> to vector<16xf32>
        %mul3A_611 = vector.broadcast %squeeze3A_578 : f32 to vector<16xf32>
        %mul3A_612 = arith.mulf %get3A_610, %mul3A_611 : vector<16xf32>
        %swap3A_613 = arith.index_cast %add3A_606 : i32 to index
        %swap3A_614 = arith.constant 32 : index
        %swap3A_615 = tpu.vector_load %arg11[%swap3A_613, %swap3A_614] {strides = array<i32>} : memref<128x128xf32, #tpu.memory_space<vmem>>, vector<1x16xf32>,
        %swap3A_616 = vector.shape_cast %swap3A_615 : vector<1x16xf32> to vector<16xf32>
        %swap3A_617 = vector.shape_cast %mul3A_612 : vector<16xf32> to vector<1x16xf32>
        tpu.vector_store %arg11[%swap3A_613, %swap3A_614], %swap3A_617 {strides = array<i32>} : memref<128x128xf32, #tpu.memory_space<vmem>>, vector<1x16xf32>,
        %add3A_618 = arith.constant 5 : i32
        %add3A_619 = arith.addi %add3A_46, %add3A_618 : i32
        %get3A_620 = arith.index_cast %add3A_619 : i32 to index
        %get3A_621 = arith.constant 48 : index
        %get3A_622 = tpu.vector_load %arg11[%get3A_620, %get3A_621] {strides = array<i32>} : memref<128x128xf32, #tpu.memory_space<vmem>>, vector<1x16xf32>,
        %get3A_623 = vector.shape_cast %get3A_622 : vector<1x16xf32> to vector<16xf32>
        %mul3A_624 = vector.broadcast %squeeze3A_578 : f32 to vector<16xf32>
        %mul3A_625 = arith.mulf %get3A_623, %mul3A_624 : vector<16xf32>
        %swap3A_626 = arith.index_cast %add3A_619 : i32 to index
        %swap3A_627 = arith.constant 48 : index
        %swap3A_628 = tpu.vector_load %arg11[%swap3A_626, %swap3A_627] {strides = array<i32>} : memref<128x128xf32, #tpu.memory_space<vmem>>, vector<1x16xf32>,
        %swap3A_629 = vector.shape_cast %swap3A_628 : vector<1x16xf32> to vector<16xf32>
        %swap3A_630 = vector.shape_cast %mul3A_625 : vector<16xf32> to vector<1x16xf32>
        tpu.vector_store %arg11[%swap3A_626, %swap3A_627], %swap3A_630 {strides = array<i32>} : memref<128x128xf32, #tpu.memory_space<vmem>>, vector<1x16xf32>,
        %add3A_631 = arith.constant 5 : i32
        %add3A_632 = arith.addi %add3A_46, %add3A_631 : i32
        %get3A_633 = arith.index_cast %add3A_632 : i32 to index
        %get3A_634 = arith.constant 64 : index
        %get3A_635 = tpu.vector_load %arg11[%get3A_633, %get3A_634] {strides = array<i32>} : memref<128x128xf32, #tpu.memory_space<vmem>>, vector<1x16xf32>,
        %get3A_636 = vector.shape_cast %get3A_635 : vector<1x16xf32> to vector<16xf32>
        %mul3A_637 = vector.broadcast %squeeze3A_578 : f32 to vector<16xf32>
        %mul3A_638 = arith.mulf %get3A_636, %mul3A_637 : vector<16xf32>
        %swap3A_639 = arith.index_cast %add3A_632 : i32 to index
        %swap3A_640 = arith.constant 64 : index
        %swap3A_641 = tpu.vector_load %arg11[%swap3A_639, %swap3A_640] {strides = array<i32>} : memref<128x128xf32, #tpu.memory_space<vmem>>, vector<1x16xf32>,
        %swap3A_642 = vector.shape_cast %swap3A_641 : vector<1x16xf32> to vector<16xf32>
        %swap3A_643 = vector.shape_cast %mul3A_638 : vector<16xf32> to vector<1x16xf32>
        tpu.vector_store %arg11[%swap3A_639, %swap3A_640], %swap3A_643 {strides = array<i32>} : memref<128x128xf32, #tpu.memory_space<vmem>>, vector<1x16xf32>,
        %add3A_644 = arith.constant 5 : i32
        %add3A_645 = arith.addi %add3A_46, %add3A_644 : i32
        %get3A_646 = arith.index_cast %add3A_645 : i32 to index
        %get3A_647 = arith.constant 80 : index
        %get3A_648 = tpu.vector_load %arg11[%get3A_646, %get3A_647] {strides = array<i32>} : memref<128x128xf32, #tpu.memory_space<vmem>>, vector<1x16xf32>,
        %get3A_649 = vector.shape_cast %get3A_648 : vector<1x16xf32> to vector<16xf32>
        %mul3A_650 = vector.broadcast %squeeze3A_578 : f32 to vector<16xf32>
        %mul3A_651 = arith.mulf %get3A_649, %mul3A_650 : vector<16xf32>
        %swap3A_652 = arith.index_cast %add3A_645 : i32 to index
        %swap3A_653 = arith.constant 80 : index
        %swap3A_654 = tpu.vector_load %arg11[%swap3A_652, %swap3A_653] {strides = array<i32>} : memref<128x128xf32, #tpu.memory_space<vmem>>, vector<1x16xf32>,
        %swap3A_655 = vector.shape_cast %swap3A_654 : vector<1x16xf32> to vector<16xf32>
        %swap3A_656 = vector.shape_cast %mul3A_651 : vector<16xf32> to vector<1x16xf32>
        tpu.vector_store %arg11[%swap3A_652, %swap3A_653], %swap3A_656 {strides = array<i32>} : memref<128x128xf32, #tpu.memory_space<vmem>>, vector<1x16xf32>,
        %add3A_657 = arith.constant 5 : i32
        %add3A_658 = arith.addi %add3A_46, %add3A_657 : i32
        %get3A_659 = arith.index_cast %add3A_658 : i32 to index
        %get3A_660 = arith.constant 96 : index
        %get3A_661 = tpu.vector_load %arg11[%get3A_659, %get3A_660] {strides = array<i32>} : memref<128x128xf32, #tpu.memory_space<vmem>>, vector<1x16xf32>,
        %get3A_662 = vector.shape_cast %get3A_661 : vector<1x16xf32> to vector<16xf32>
        %mul3A_663 = vector.broadcast %squeeze3A_578 : f32 to vector<16xf32>
        %mul3A_664 = arith.mulf %get3A_662, %mul3A_663 : vector<16xf32>
        %swap3A_665 = arith.index_cast %add3A_658 : i32 to index
        %swap3A_666 = arith.constant 96 : index
        %swap3A_667 = tpu.vector_load %arg11[%swap3A_665, %swap3A_666] {strides = array<i32>} : memref<128x128xf32, #tpu.memory_space<vmem>>, vector<1x16xf32>,
        %swap3A_668 = vector.shape_cast %swap3A_667 : vector<1x16xf32> to vector<16xf32>
        %swap3A_669 = vector.shape_cast %mul3A_664 : vector<16xf32> to vector<1x16xf32>
        tpu.vector_store %arg11[%swap3A_665, %swap3A_666], %swap3A_669 {strides = array<i32>} : memref<128x128xf32, #tpu.memory_space<vmem>>, vector<1x16xf32>,
        %add3A_670 = arith.constant 5 : i32
        %add3A_671 = arith.addi %add3A_46, %add3A_670 : i32
        %get3A_672 = arith.index_cast %add3A_671 : i32 to index
        %get3A_673 = arith.constant 112 : index
        %get3A_674 = tpu.vector_load %arg11[%get3A_672, %get3A_673] {strides = array<i32>} : memref<128x128xf32, #tpu.memory_space<vmem>>, vector<1x16xf32>,
        %get3A_675 = vector.shape_cast %get3A_674 : vector<1x16xf32> to vector<16xf32>
        %mul3A_676 = vector.broadcast %squeeze3A_578 : f32 to vector<16xf32>
        %mul3A_677 = arith.mulf %get3A_675, %mul3A_676 : vector<16xf32>
        %swap3A_678 = arith.index_cast %add3A_671 : i32 to index
        %swap3A_679 = arith.constant 112 : index
        %swap3A_680 = tpu.vector_load %arg11[%swap3A_678, %swap3A_679] {strides = array<i32>} : memref<128x128xf32, #tpu.memory_space<vmem>>, vector<1x16xf32>,
        %swap3A_681 = vector.shape_cast %swap3A_680 : vector<1x16xf32> to vector<16xf32>
        %swap3A_682 = vector.shape_cast %mul3A_677 : vector<16xf32> to vector<1x16xf32>
        tpu.vector_store %arg11[%swap3A_678, %swap3A_679], %swap3A_682 {strides = array<i32>} : memref<128x128xf32, #tpu.memory_space<vmem>>, vector<1x16xf32>,
        %slice3A_683 = vector.extract_strided_slice %get3A_49 {offsets = [6], sizes = [1], strides = [1]} : vector<16xf32> to vector<1xf32>
        %squeeze3A_684 = vector.extract %slice3A_683[0] : f32 from vector<1xf32>
        %add3A_685 = arith.constant 6 : i32
        %add3A_686 = arith.addi %add3A_46, %add3A_685 : i32
        %get3A_687 = arith.index_cast %add3A_686 : i32 to index
        %get3A_688 = arith.constant 0 : index
        %get3A_689 = tpu.vector_load %arg11[%get3A_687, %get3A_688] {strides = array<i32>} : memref<128x128xf32, #tpu.memory_space<vmem>>, vector<1x16xf32>,
        %get3A_690 = vector.shape_cast %get3A_689 : vector<1x16xf32> to vector<16xf32>
        %mul3A_691 = vector.broadcast %squeeze3A_684 : f32 to vector<16xf32>
        %mul3A_692 = arith.mulf %get3A_690, %mul3A_691 : vector<16xf32>
        %swap3A_693 = arith.index_cast %add3A_686 : i32 to index
        %swap3A_694 = arith.constant 0 : index
        %swap3A_695 = tpu.vector_load %arg11[%swap3A_693, %swap3A_694] {strides = array<i32>} : memref<128x128xf32, #tpu.memory_space<vmem>>, vector<1x16xf32>,
        %swap3A_696 = vector.shape_cast %swap3A_695 : vector<1x16xf32> to vector<16xf32>
        %swap3A_697 = vector.shape_cast %mul3A_692 : vector<16xf32> to vector<1x16xf32>
        tpu.vector_store %arg11[%swap3A_693, %swap3A_694], %swap3A_697 {strides = array<i32>} : memref<128x128xf32, #tpu.memory_space<vmem>>, vector<1x16xf32>,
        %add3A_698 = arith.constant 6 : i32
        %add3A_699 = arith.addi %add3A_46, %add3A_698 : i32
        %get3A_700 = arith.index_cast %add3A_699 : i32 to index
        %get3A_701 = arith.constant 16 : index
        %get3A_702 = tpu.vector_load %arg11[%get3A_700, %get3A_701] {strides = array<i32>} : memref<128x128xf32, #tpu.memory_space<vmem>>, vector<1x16xf32>,
        %get3A_703 = vector.shape_cast %get3A_702 : vector<1x16xf32> to vector<16xf32>
        %mul3A_704 = vector.broadcast %squeeze3A_684 : f32 to vector<16xf32>
        %mul3A_705 = arith.mulf %get3A_703, %mul3A_704 : vector<16xf32>
        %swap3A_706 = arith.index_cast %add3A_699 : i32 to index
        %swap3A_707 = arith.constant 16 : index
        %swap3A_708 = tpu.vector_load %arg11[%swap3A_706, %swap3A_707] {strides = array<i32>} : memref<128x128xf32, #tpu.memory_space<vmem>>, vector<1x16xf32>,
        %swap3A_709 = vector.shape_cast %swap3A_708 : vector<1x16xf32> to vector<16xf32>
        %swap3A_710 = vector.shape_cast %mul3A_705 : vector<16xf32> to vector<1x16xf32>
        tpu.vector_store %arg11[%swap3A_706, %swap3A_707], %swap3A_710 {strides = array<i32>} : memref<128x128xf32, #tpu.memory_space<vmem>>, vector<1x16xf32>,
        %add3A_711 = arith.constant 6 : i32
        %add3A_712 = arith.addi %add3A_46, %add3A_711 : i32
        %get3A_713 = arith.index_cast %add3A_712 : i32 to index
        %get3A_714 = arith.constant 32 : index
        %get3A_715 = tpu.vector_load %arg11[%get3A_713, %get3A_714] {strides = array<i32>} : memref<128x128xf32, #tpu.memory_space<vmem>>, vector<1x16xf32>,
        %get3A_716 = vector.shape_cast %get3A_715 : vector<1x16xf32> to vector<16xf32>
        %mul3A_717 = vector.broadcast %squeeze3A_684 : f32 to vector<16xf32>
        %mul3A_718 = arith.mulf %get3A_716, %mul3A_717 : vector<16xf32>
        %swap3A_719 = arith.index_cast %add3A_712 : i32 to index
        %swap3A_720 = arith.constant 32 : index
        %swap3A_721 = tpu.vector_load %arg11[%swap3A_719, %swap3A_720] {strides = array<i32>} : memref<128x128xf32, #tpu.memory_space<vmem>>, vector<1x16xf32>,
        %swap3A_722 = vector.shape_cast %swap3A_721 : vector<1x16xf32> to vector<16xf32>
        %swap3A_723 = vector.shape_cast %mul3A_718 : vector<16xf32> to vector<1x16xf32>
        tpu.vector_store %arg11[%swap3A_719, %swap3A_720], %swap3A_723 {strides = array<i32>} : memref<128x128xf32, #tpu.memory_space<vmem>>, vector<1x16xf32>,
        %add3A_724 = arith.constant 6 : i32
        %add3A_725 = arith.addi %add3A_46, %add3A_724 : i32
        %get3A_726 = arith.index_cast %add3A_725 : i32 to index
        %get3A_727 = arith.constant 48 : index
        %get3A_728 = tpu.vector_load %arg11[%get3A_726, %get3A_727] {strides = array<i32>} : memref<128x128xf32, #tpu.memory_space<vmem>>, vector<1x16xf32>,
        %get3A_729 = vector.shape_cast %get3A_728 : vector<1x16xf32> to vector<16xf32>
        %mul3A_730 = vector.broadcast %squeeze3A_684 : f32 to vector<16xf32>
        %mul3A_731 = arith.mulf %get3A_729, %mul3A_730 : vector<16xf32>
        %swap3A_732 = arith.index_cast %add3A_725 : i32 to index
        %swap3A_733 = arith.constant 48 : index
        %swap3A_734 = tpu.vector_load %arg11[%swap3A_732, %swap3A_733] {strides = array<i32>} : memref<128x128xf32, #tpu.memory_space<vmem>>, vector<1x16xf32>,
        %swap3A_735 = vector.shape_cast %swap3A_734 : vector<1x16xf32> to vector<16xf32>
        %swap3A_736 = vector.shape_cast %mul3A_731 : vector<16xf32> to vector<1x16xf32>
        tpu.vector_store %arg11[%swap3A_732, %swap3A_733], %swap3A_736 {strides = array<i32>} : memref<128x128xf32, #tpu.memory_space<vmem>>, vector<1x16xf32>,
        %add3A_737 = arith.constant 6 : i32
        %add3A_738 = arith.addi %add3A_46, %add3A_737 : i32
        %get3A_739 = arith.index_cast %add3A_738 : i32 to index
        %get3A_740 = arith.constant 64 : index
        %get3A_741 = tpu.vector_load %arg11[%get3A_739, %get3A_740] {strides = array<i32>} : memref<128x128xf32, #tpu.memory_space<vmem>>, vector<1x16xf32>,
        %get3A_742 = vector.shape_cast %get3A_741 : vector<1x16xf32> to vector<16xf32>
        %mul3A_743 = vector.broadcast %squeeze3A_684 : f32 to vector<16xf32>
        %mul3A_744 = arith.mulf %get3A_742, %mul3A_743 : vector<16xf32>
        %swap3A_745 = arith.index_cast %add3A_738 : i32 to index
        %swap3A_746 = arith.constant 64 : index
        %swap3A_747 = tpu.vector_load %arg11[%swap3A_745, %swap3A_746] {strides = array<i32>} : memref<128x128xf32, #tpu.memory_space<vmem>>, vector<1x16xf32>,
        %swap3A_748 = vector.shape_cast %swap3A_747 : vector<1x16xf32> to vector<16xf32>
        %swap3A_749 = vector.shape_cast %mul3A_744 : vector<16xf32> to vector<1x16xf32>
        tpu.vector_store %arg11[%swap3A_745, %swap3A_746], %swap3A_749 {strides = array<i32>} : memref<128x128xf32, #tpu.memory_space<vmem>>, vector<1x16xf32>,
        %add3A_750 = arith.constant 6 : i32
        %add3A_751 = arith.addi %add3A_46, %add3A_750 : i32
        %get3A_752 = arith.index_cast %add3A_751 : i32 to index
        %get3A_753 = arith.constant 80 : index
        %get3A_754 = tpu.vector_load %arg11[%get3A_752, %get3A_753] {strides = array<i32>} : memref<128x128xf32, #tpu.memory_space<vmem>>, vector<1x16xf32>,
        %get3A_755 = vector.shape_cast %get3A_754 : vector<1x16xf32> to vector<16xf32>
        %mul3A_756 = vector.broadcast %squeeze3A_684 : f32 to vector<16xf32>
        %mul3A_757 = arith.mulf %get3A_755, %mul3A_756 : vector<16xf32>
        %swap3A_758 = arith.index_cast %add3A_751 : i32 to index
        %swap3A_759 = arith.constant 80 : index
        %swap3A_760 = tpu.vector_load %arg11[%swap3A_758, %swap3A_759] {strides = array<i32>} : memref<128x128xf32, #tpu.memory_space<vmem>>, vector<1x16xf32>,
        %swap3A_761 = vector.shape_cast %swap3A_760 : vector<1x16xf32> to vector<16xf32>
        %swap3A_762 = vector.shape_cast %mul3A_757 : vector<16xf32> to vector<1x16xf32>
        tpu.vector_store %arg11[%swap3A_758, %swap3A_759], %swap3A_762 {strides = array<i32>} : memref<128x128xf32, #tpu.memory_space<vmem>>, vector<1x16xf32>,
        %add3A_763 = arith.constant 6 : i32
        %add3A_764 = arith.addi %add3A_46, %add3A_763 : i32
        %get3A_765 = arith.index_cast %add3A_764 : i32 to index
        %get3A_766 = arith.constant 96 : index
        %get3A_767 = tpu.vector_load %arg11[%get3A_765, %get3A_766] {strides = array<i32>} : memref<128x128xf32, #tpu.memory_space<vmem>>, vector<1x16xf32>,
        %get3A_768 = vector.shape_cast %get3A_767 : vector<1x16xf32> to vector<16xf32>
        %mul3A_769 = vector.broadcast %squeeze3A_684 : f32 to vector<16xf32>
        %mul3A_770 = arith.mulf %get3A_768, %mul3A_769 : vector<16xf32>
        %swap3A_771 = arith.index_cast %add3A_764 : i32 to index
        %swap3A_772 = arith.constant 96 : index
        %swap3A_773 = tpu.vector_load %arg11[%swap3A_771, %swap3A_772] {strides = array<i32>} : memref<128x128xf32, #tpu.memory_space<vmem>>, vector<1x16xf32>,
        %swap3A_774 = vector.shape_cast %swap3A_773 : vector<1x16xf32> to vector<16xf32>
        %swap3A_775 = vector.shape_cast %mul3A_770 : vector<16xf32> to vector<1x16xf32>
        tpu.vector_store %arg11[%swap3A_771, %swap3A_772], %swap3A_775 {strides = array<i32>} : memref<128x128xf32, #tpu.memory_space<vmem>>, vector<1x16xf32>,
        %add3A_776 = arith.constant 6 : i32
        %add3A_777 = arith.addi %add3A_46, %add3A_776 : i32
        %get3A_778 = arith.index_cast %add3A_777 : i32 to index
        %get3A_779 = arith.constant 112 : index
        %get3A_780 = tpu.vector_load %arg11[%get3A_778, %get3A_779] {strides = array<i32>} : memref<128x128xf32, #tpu.memory_space<vmem>>, vector<1x16xf32>,
        %get3A_781 = vector.shape_cast %get3A_780 : vector<1x16xf32> to vector<16xf32>
        %mul3A_782 = vector.broadcast %squeeze3A_684 : f32 to vector<16xf32>
        %mul3A_783 = arith.mulf %get3A_781, %mul3A_782 : vector<16xf32>
        %swap3A_784 = arith.index_cast %add3A_777 : i32 to index
        %swap3A_785 = arith.constant 112 : index
        %swap3A_786 = tpu.vector_load %arg11[%swap3A_784, %swap3A_785] {strides = array<i32>} : memref<128x128xf32, #tpu.memory_space<vmem>>, vector<1x16xf32>,
        %swap3A_787 = vector.shape_cast %swap3A_786 : vector<1x16xf32> to vector<16xf32>
        %swap3A_788 = vector.shape_cast %mul3A_783 : vector<16xf32> to vector<1x16xf32>
        tpu.vector_store %arg11[%swap3A_784, %swap3A_785], %swap3A_788 {strides = array<i32>} : memref<128x128xf32, #tpu.memory_space<vmem>>, vector<1x16xf32>,
        %slice3A_789 = vector.extract_strided_slice %get3A_49 {offsets = [7], sizes = [1], strides = [1]} : vector<16xf32> to vector<1xf32>
        %squeeze3A_790 = vector.extract %slice3A_789[0] : f32 from vector<1xf32>
        %add3A_791 = arith.constant 7 : i32
        %add3A_792 = arith.addi %add3A_46, %add3A_791 : i32
        %get3A_793 = arith.index_cast %add3A_792 : i32 to index
        %get3A_794 = arith.constant 0 : index
        %get3A_795 = tpu.vector_load %arg11[%get3A_793, %get3A_794] {strides = array<i32>} : memref<128x128xf32, #tpu.memory_space<vmem>>, vector<1x16xf32>,
        %get3A_796 = vector.shape_cast %get3A_795 : vector<1x16xf32> to vector<16xf32>
        %mul3A_797 = vector.broadcast %squeeze3A_790 : f32 to vector<16xf32>
        %mul3A_798 = arith.mulf %get3A_796, %mul3A_797 : vector<16xf32>
        %swap3A_799 = arith.index_cast %add3A_792 : i32 to index
        %swap3A_800 = arith.constant 0 : index
        %swap3A_801 = tpu.vector_load %arg11[%swap3A_799, %swap3A_800] {strides = array<i32>} : memref<128x128xf32, #tpu.memory_space<vmem>>, vector<1x16xf32>,
        %swap3A_802 = vector.shape_cast %swap3A_801 : vector<1x16xf32> to vector<16xf32>
        %swap3A_803 = vector.shape_cast %mul3A_798 : vector<16xf32> to vector<1x16xf32>
        tpu.vector_store %arg11[%swap3A_799, %swap3A_800], %swap3A_803 {strides = array<i32>} : memref<128x128xf32, #tpu.memory_space<vmem>>, vector<1x16xf32>,
        %add3A_804 = arith.constant 7 : i32
        %add3A_805 = arith.addi %add3A_46, %add3A_804 : i32
        %get3A_806 = arith.index_cast %add3A_805 : i32 to index
        %get3A_807 = arith.constant 16 : index
        %get3A_808 = tpu.vector_load %arg11[%get3A_806, %get3A_807] {strides = array<i32>} : memref<128x128xf32, #tpu.memory_space<vmem>>, vector<1x16xf32>,
        %get3A_809 = vector.shape_cast %get3A_808 : vector<1x16xf32> to vector<16xf32>
        %mul3A_810 = vector.broadcast %squeeze3A_790 : f32 to vector<16xf32>
        %mul3A_811 = arith.mulf %get3A_809, %mul3A_810 : vector<16xf32>
        %swap3A_812 = arith.index_cast %add3A_805 : i32 to index
        %swap3A_813 = arith.constant 16 : index
        %swap3A_814 = tpu.vector_load %arg11[%swap3A_812, %swap3A_813] {strides = array<i32>} : memref<128x128xf32, #tpu.memory_space<vmem>>, vector<1x16xf32>,
        %swap3A_815 = vector.shape_cast %swap3A_814 : vector<1x16xf32> to vector<16xf32>
        %swap3A_816 = vector.shape_cast %mul3A_811 : vector<16xf32> to vector<1x16xf32>
        tpu.vector_store %arg11[%swap3A_812, %swap3A_813], %swap3A_816 {strides = array<i32>} : memref<128x128xf32, #tpu.memory_space<vmem>>, vector<1x16xf32>,
        %add3A_817 = arith.constant 7 : i32
        %add3A_818 = arith.addi %add3A_46, %add3A_817 : i32
        %get3A_819 = arith.index_cast %add3A_818 : i32 to index
        %get3A_820 = arith.constant 32 : index
        %get3A_821 = tpu.vector_load %arg11[%get3A_819, %get3A_820] {strides = array<i32>} : memref<128x128xf32, #tpu.memory_space<vmem>>, vector<1x16xf32>,
        %get3A_822 = vector.shape_cast %get3A_821 : vector<1x16xf32> to vector<16xf32>
        %mul3A_823 = vector.broadcast %squeeze3A_790 : f32 to vector<16xf32>
        %mul3A_824 = arith.mulf %get3A_822, %mul3A_823 : vector<16xf32>
        %swap3A_825 = arith.index_cast %add3A_818 : i32 to index
        %swap3A_826 = arith.constant 32 : index
        %swap3A_827 = tpu.vector_load %arg11[%swap3A_825, %swap3A_826] {strides = array<i32>} : memref<128x128xf32, #tpu.memory_space<vmem>>, vector<1x16xf32>,
        %swap3A_828 = vector.shape_cast %swap3A_827 : vector<1x16xf32> to vector<16xf32>
        %swap3A_829 = vector.shape_cast %mul3A_824 : vector<16xf32> to vector<1x16xf32>
        tpu.vector_store %arg11[%swap3A_825, %swap3A_826], %swap3A_829 {strides = array<i32>} : memref<128x128xf32, #tpu.memory_space<vmem>>, vector<1x16xf32>,
        %add3A_830 = arith.constant 7 : i32
        %add3A_831 = arith.addi %add3A_46, %add3A_830 : i32
        %get3A_832 = arith.index_cast %add3A_831 : i32 to index
        %get3A_833 = arith.constant 48 : index
        %get3A_834 = tpu.vector_load %arg11[%get3A_832, %get3A_833] {strides = array<i32>} : memref<128x128xf32, #tpu.memory_space<vmem>>, vector<1x16xf32>,
        %get3A_835 = vector.shape_cast %get3A_834 : vector<1x16xf32> to vector<16xf32>
        %mul3A_836 = vector.broadcast %squeeze3A_790 : f32 to vector<16xf32>
        %mul3A_837 = arith.mulf %get3A_835, %mul3A_836 : vector<16xf32>
        %swap3A_838 = arith.index_cast %add3A_831 : i32 to index
        %swap3A_839 = arith.constant 48 : index
        %swap3A_840 = tpu.vector_load %arg11[%swap3A_838, %swap3A_839] {strides = array<i32>} : memref<128x128xf32, #tpu.memory_space<vmem>>, vector<1x16xf32>,
        %swap3A_841 = vector.shape_cast %swap3A_840 : vector<1x16xf32> to vector<16xf32>
        %swap3A_842 = vector.shape_cast %mul3A_837 : vector<16xf32> to vector<1x16xf32>
        tpu.vector_store %arg11[%swap3A_838, %swap3A_839], %swap3A_842 {strides = array<i32>} : memref<128x128xf32, #tpu.memory_space<vmem>>, vector<1x16xf32>,
        %add3A_843 = arith.constant 7 : i32
        %add3A_844 = arith.addi %add3A_46, %add3A_843 : i32
        %get3A_845 = arith.index_cast %add3A_844 : i32 to index
        %get3A_846 = arith.constant 64 : index
        %get3A_847 = tpu.vector_load %arg11[%get3A_845, %get3A_846] {strides = array<i32>} : memref<128x128xf32, #tpu.memory_space<vmem>>, vector<1x16xf32>,
        %get3A_848 = vector.shape_cast %get3A_847 : vector<1x16xf32> to vector<16xf32>
        %mul3A_849 = vector.broadcast %squeeze3A_790 : f32 to vector<16xf32>
        %mul3A_850 = arith.mulf %get3A_848, %mul3A_849 : vector<16xf32>
        %swap3A_851 = arith.index_cast %add3A_844 : i32 to index
        %swap3A_852 = arith.constant 64 : index
        %swap3A_853 = tpu.vector_load %arg11[%swap3A_851, %swap3A_852] {strides = array<i32>} : memref<128x128xf32, #tpu.memory_space<vmem>>, vector<1x16xf32>,
        %swap3A_854 = vector.shape_cast %swap3A_853 : vector<1x16xf32> to vector<16xf32>
        %swap3A_855 = vector.shape_cast %mul3A_850 : vector<16xf32> to vector<1x16xf32>
        tpu.vector_store %arg11[%swap3A_851, %swap3A_852], %swap3A_855 {strides = array<i32>} : memref<128x128xf32, #tpu.memory_space<vmem>>, vector<1x16xf32>,
        %add3A_856 = arith.constant 7 : i32
        %add3A_857 = arith.addi %add3A_46, %add3A_856 : i32
        %get3A_858 = arith.index_cast %add3A_857 : i32 to index
        %get3A_859 = arith.constant 80 : index
        %get3A_860 = tpu.vector_load %arg11[%get3A_858, %get3A_859] {strides = array<i32>} : memref<128x128xf32, #tpu.memory_space<vmem>>, vector<1x16xf32>,
        %get3A_861 = vector.shape_cast %get3A_860 : vector<1x16xf32> to vector<16xf32>
        %mul3A_862 = vector.broadcast %squeeze3A_790 : f32 to vector<16xf32>
        %mul3A_863 = arith.mulf %get3A_861, %mul3A_862 : vector<16xf32>
        %swap3A_864 = arith.index_cast %add3A_857 : i32 to index
        %swap3A_865 = arith.constant 80 : index
        %swap3A_866 = tpu.vector_load %arg11[%swap3A_864, %swap3A_865] {strides = array<i32>} : memref<128x128xf32, #tpu.memory_space<vmem>>, vector<1x16xf32>,
        %swap3A_867 = vector.shape_cast %swap3A_866 : vector<1x16xf32> to vector<16xf32>
        %swap3A_868 = vector.shape_cast %mul3A_863 : vector<16xf32> to vector<1x16xf32>
        tpu.vector_store %arg11[%swap3A_864, %swap3A_865], %swap3A_868 {strides = array<i32>} : memref<128x128xf32, #tpu.memory_space<vmem>>, vector<1x16xf32>,
        %add3A_869 = arith.constant 7 : i32
        %add3A_870 = arith.addi %add3A_46, %add3A_869 : i32
        %get3A_871 = arith.index_cast %add3A_870 : i32 to index
        %get3A_872 = arith.constant 96 : index
        %get3A_873 = tpu.vector_load %arg11[%get3A_871, %get3A_872] {strides = array<i32>} : memref<128x128xf32, #tpu.memory_space<vmem>>, vector<1x16xf32>,
        %get3A_874 = vector.shape_cast %get3A_873 : vector<1x16xf32> to vector<16xf32>
        %mul3A_875 = vector.broadcast %squeeze3A_790 : f32 to vector<16xf32>
        %mul3A_876 = arith.mulf %get3A_874, %mul3A_875 : vector<16xf32>
        %swap3A_877 = arith.index_cast %add3A_870 : i32 to index
        %swap3A_878 = arith.constant 96 : index
        %swap3A_879 = tpu.vector_load %arg11[%swap3A_877, %swap3A_878] {strides = array<i32>} : memref<128x128xf32, #tpu.memory_space<vmem>>, vector<1x16xf32>,
        %swap3A_880 = vector.shape_cast %swap3A_879 : vector<1x16xf32> to vector<16xf32>
        %swap3A_881 = vector.shape_cast %mul3A_876 : vector<16xf32> to vector<1x16xf32>
        tpu.vector_store %arg11[%swap3A_877, %swap3A_878], %swap3A_881 {strides = array<i32>} : memref<128x128xf32, #tpu.memory_space<vmem>>, vector<1x16xf32>,
        %add3A_882 = arith.constant 7 : i32
        %add3A_883 = arith.addi %add3A_46, %add3A_882 : i32
        %get3A_884 = arith.index_cast %add3A_883 : i32 to index
        %get3A_885 = arith.constant 112 : index
        %get3A_886 = tpu.vector_load %arg11[%get3A_884, %get3A_885] {strides = array<i32>} : memref<128x128xf32, #tpu.memory_space<vmem>>, vector<1x16xf32>,
        %get3A_887 = vector.shape_cast %get3A_886 : vector<1x16xf32> to vector<16xf32>
        %mul3A_888 = vector.broadcast %squeeze3A_790 : f32 to vector<16xf32>
        %mul3A_889 = arith.mulf %get3A_887, %mul3A_888 : vector<16xf32>
        %swap3A_890 = arith.index_cast %add3A_883 : i32 to index
        %swap3A_891 = arith.constant 112 : index
        %swap3A_892 = tpu.vector_load %arg11[%swap3A_890, %swap3A_891] {strides = array<i32>} : memref<128x128xf32, #tpu.memory_space<vmem>>, vector<1x16xf32>,
        %swap3A_893 = vector.shape_cast %swap3A_892 : vector<1x16xf32> to vector<16xf32>
        %swap3A_894 = vector.shape_cast %mul3A_889 : vector<16xf32> to vector<1x16xf32>
        tpu.vector_store %arg11[%swap3A_890, %swap3A_891], %swap3A_894 {strides = array<i32>} : memref<128x128xf32, #tpu.memory_space<vmem>>, vector<1x16xf32>,
        %slice3A_895 = vector.extract_strided_slice %get3A_49 {offsets = [8], sizes = [1], strides = [1]} : vector<16xf32> to vector<1xf32>
        %squeeze3A_896 = vector.extract %slice3A_895[0] : f32 from vector<1xf32>
        %add3A_897 = arith.constant 8 : i32
        %add3A_898 = arith.addi %add3A_46, %add3A_897 : i32
        %get3A_899 = arith.index_cast %add3A_898 : i32 to index
        %get3A_900 = arith.constant 0 : index
        %get3A_901 = tpu.vector_load %arg11[%get3A_899, %get3A_900] {strides = array<i32>} : memref<128x128xf32, #tpu.memory_space<vmem>>, vector<1x16xf32>,
        %get3A_902 = vector.shape_cast %get3A_901 : vector<1x16xf32> to vector<16xf32>
        %mul3A_903 = vector.broadcast %squeeze3A_896 : f32 to vector<16xf32>
        %mul3A_904 = arith.mulf %get3A_902, %mul3A_903 : vector<16xf32>
        %swap3A_905 = arith.index_cast %add3A_898 : i32 to index
        %swap3A_906 = arith.constant 0 : index
        %swap3A_907 = tpu.vector_load %arg11[%swap3A_905, %swap3A_906] {strides = array<i32>} : memref<128x128xf32, #tpu.memory_space<vmem>>, vector<1x16xf32>,
        %swap3A_908 = vector.shape_cast %swap3A_907 : vector<1x16xf32> to vector<16xf32>
        %swap3A_909 = vector.shape_cast %mul3A_904 : vector<16xf32> to vector<1x16xf32>
        tpu.vector_store %arg11[%swap3A_905, %swap3A_906], %swap3A_909 {strides = array<i32>} : memref<128x128xf32, #tpu.memory_space<vmem>>, vector<1x16xf32>,
        %add3A_910 = arith.constant 8 : i32
        %add3A_911 = arith.addi %add3A_46, %add3A_910 : i32
        %get3A_912 = arith.index_cast %add3A_911 : i32 to index
        %get3A_913 = arith.constant 16 : index
        %get3A_914 = tpu.vector_load %arg11[%get3A_912, %get3A_913] {strides = array<i32>} : memref<128x128xf32, #tpu.memory_space<vmem>>, vector<1x16xf32>,
        %get3A_915 = vector.shape_cast %get3A_914 : vector<1x16xf32> to vector<16xf32>
        %mul3A_916 = vector.broadcast %squeeze3A_896 : f32 to vector<16xf32>
        %mul3A_917 = arith.mulf %get3A_915, %mul3A_916 : vector<16xf32>
        %swap3A_918 = arith.index_cast %add3A_911 : i32 to index
        %swap3A_919 = arith.constant 16 : index
        %swap3A_920 = tpu.vector_load %arg11[%swap3A_918, %swap3A_919] {strides = array<i32>} : memref<128x128xf32, #tpu.memory_space<vmem>>, vector<1x16xf32>,
        %swap3A_921 = vector.shape_cast %swap3A_920 : vector<1x16xf32> to vector<16xf32>
        %swap3A_922 = vector.shape_cast %mul3A_917 : vector<16xf32> to vector<1x16xf32>
        tpu.vector_store %arg11[%swap3A_918, %swap3A_919], %swap3A_922 {strides = array<i32>} : memref<128x128xf32, #tpu.memory_space<vmem>>, vector<1x16xf32>,
        %add3A_923 = arith.constant 8 : i32
        %add3A_924 = arith.addi %add3A_46, %add3A_923 : i32
        %get3A_925 = arith.index_cast %add3A_924 : i32 to index
        %get3A_926 = arith.constant 32 : index
        %get3A_927 = tpu.vector_load %arg11[%get3A_925, %get3A_926] {strides = array<i32>} : memref<128x128xf32, #tpu.memory_space<vmem>>, vector<1x16xf32>,
        %get3A_928 = vector.shape_cast %get3A_927 : vector<1x16xf32> to vector<16xf32>
        %mul3A_929 = vector.broadcast %squeeze3A_896 : f32 to vector<16xf32>
        %mul3A_930 = arith.mulf %get3A_928, %mul3A_929 : vector<16xf32>
        %swap3A_931 = arith.index_cast %add3A_924 : i32 to index
        %swap3A_932 = arith.constant 32 : index
        %swap3A_933 = tpu.vector_load %arg11[%swap3A_931, %swap3A_932] {strides = array<i32>} : memref<128x128xf32, #tpu.memory_space<vmem>>, vector<1x16xf32>,
        %swap3A_934 = vector.shape_cast %swap3A_933 : vector<1x16xf32> to vector<16xf32>
        %swap3A_935 = vector.shape_cast %mul3A_930 : vector<16xf32> to vector<1x16xf32>
        tpu.vector_store %arg11[%swap3A_931, %swap3A_932], %swap3A_935 {strides = array<i32>} : memref<128x128xf32, #tpu.memory_space<vmem>>, vector<1x16xf32>,
        %add3A_936 = arith.constant 8 : i32
        %add3A_937 = arith.addi %add3A_46, %add3A_936 : i32
        %get3A_938 = arith.index_cast %add3A_937 : i32 to index
        %get3A_939 = arith.constant 48 : index
        %get3A_940 = tpu.vector_load %arg11[%get3A_938, %get3A_939] {strides = array<i32>} : memref<128x128xf32, #tpu.memory_space<vmem>>, vector<1x16xf32>,
        %get3A_941 = vector.shape_cast %get3A_940 : vector<1x16xf32> to vector<16xf32>
        %mul3A_942 = vector.broadcast %squeeze3A_896 : f32 to vector<16xf32>
        %mul3A_943 = arith.mulf %get3A_941, %mul3A_942 : vector<16xf32>
        %swap3A_944 = arith.index_cast %add3A_937 : i32 to index
        %swap3A_945 = arith.constant 48 : index
        %swap3A_946 = tpu.vector_load %arg11[%swap3A_944, %swap3A_945] {strides = array<i32>} : memref<128x128xf32, #tpu.memory_space<vmem>>, vector<1x16xf32>,
        %swap3A_947 = vector.shape_cast %swap3A_946 : vector<1x16xf32> to vector<16xf32>
        %swap3A_948 = vector.shape_cast %mul3A_943 : vector<16xf32> to vector<1x16xf32>
        tpu.vector_store %arg11[%swap3A_944, %swap3A_945], %swap3A_948 {strides = array<i32>} : memref<128x128xf32, #tpu.memory_space<vmem>>, vector<1x16xf32>,
        %add3A_949 = arith.constant 8 : i32
        %add3A_950 = arith.addi %add3A_46, %add3A_949 : i32
        %get3A_951 = arith.index_cast %add3A_950 : i32 to index
        %get3A_952 = arith.constant 64 : index
        %get3A_953 = tpu.vector_load %arg11[%get3A_951, %get3A_952] {strides = array<i32>} : memref<128x128xf32, #tpu.memory_space<vmem>>, vector<1x16xf32>,
        %get3A_954 = vector.shape_cast %get3A_953 : vector<1x16xf32> to vector<16xf32>
        %mul3A_955 = vector.broadcast %squeeze3A_896 : f32 to vector<16xf32>
        %mul3A_956 = arith.mulf %get3A_954, %mul3A_955 : vector<16xf32>
        %swap3A_957 = arith.index_cast %add3A_950 : i32 to index
        %swap3A_958 = arith.constant 64 : index
        %swap3A_959 = tpu.vector_load %arg11[%swap3A_957, %swap3A_958] {strides = array<i32>} : memref<128x128xf32, #tpu.memory_space<vmem>>, vector<1x16xf32>,
        %swap3A_960 = vector.shape_cast %swap3A_959 : vector<1x16xf32> to vector<16xf32>
        %swap3A_961 = vector.shape_cast %mul3A_956 : vector<16xf32> to vector<1x16xf32>
        tpu.vector_store %arg11[%swap3A_957, %swap3A_958], %swap3A_961 {strides = array<i32>} : memref<128x128xf32, #tpu.memory_space<vmem>>, vector<1x16xf32>,
        %add3A_962 = arith.constant 8 : i32
        %add3A_963 = arith.addi %add3A_46, %add3A_962 : i32
        %get3A_964 = arith.index_cast %add3A_963 : i32 to index
        %get3A_965 = arith.constant 80 : index
        %get3A_966 = tpu.vector_load %arg11[%get3A_964, %get3A_965] {strides = array<i32>} : memref<128x128xf32, #tpu.memory_space<vmem>>, vector<1x16xf32>,
        %get3A_967 = vector.shape_cast %get3A_966 : vector<1x16xf32> to vector<16xf32>
        %mul3A_968 = vector.broadcast %squeeze3A_896 : f32 to vector<16xf32>
        %mul3A_969 = arith.mulf %get3A_967, %mul3A_968 : vector<16xf32>
        %swap3A_970 = arith.index_cast %add3A_963 : i32 to index
        %swap3A_971 = arith.constant 80 : index
        %swap3A_972 = tpu.vector_load %arg11[%swap3A_970, %swap3A_971] {strides = array<i32>} : memref<128x128xf32, #tpu.memory_space<vmem>>, vector<1x16xf32>,
        %swap3A_973 = vector.shape_cast %swap3A_972 : vector<1x16xf32> to vector<16xf32>
        %swap3A_974 = vector.shape_cast %mul3A_969 : vector<16xf32> to vector<1x16xf32>
        tpu.vector_store %arg11[%swap3A_970, %swap3A_971], %swap3A_974 {strides = array<i32>} : memref<128x128xf32, #tpu.memory_space<vmem>>, vector<1x16xf32>,
        %add3A_975 = arith.constant 8 : i32
        %add3A_976 = arith.addi %add3A_46, %add3A_975 : i32
        %get3A_977 = arith.index_cast %add3A_976 : i32 to index
        %get3A_978 = arith.constant 96 : index
        %get3A_979 = tpu.vector_load %arg11[%get3A_977, %get3A_978] {strides = array<i32>} : memref<128x128xf32, #tpu.memory_space<vmem>>, vector<1x16xf32>,
        %get3A_980 = vector.shape_cast %get3A_979 : vector<1x16xf32> to vector<16xf32>
        %mul3A_981 = vector.broadcast %squeeze3A_896 : f32 to vector<16xf32>
        %mul3A_982 = arith.mulf %get3A_980, %mul3A_981 : vector<16xf32>
        %swap3A_983 = arith.index_cast %add3A_976 : i32 to index
        %swap3A_984 = arith.constant 96 : index
        %swap3A_985 = tpu.vector_load %arg11[%swap3A_983, %swap3A_984] {strides = array<i32>} : memref<128x128xf32, #tpu.memory_space<vmem>>, vector<1x16xf32>,
        %swap3A_986 = vector.shape_cast %swap3A_985 : vector<1x16xf32> to vector<16xf32>
        %swap3A_987 = vector.shape_cast %mul3A_982 : vector<16xf32> to vector<1x16xf32>
        tpu.vector_store %arg11[%swap3A_983, %swap3A_984], %swap3A_987 {strides = array<i32>} : memref<128x128xf32, #tpu.memory_space<vmem>>, vector<1x16xf32>,
        %add3A_988 = arith.constant 8 : i32
        %add3A_989 = arith.addi %add3A_46, %add3A_988 : i32
        %get3A_990 = arith.index_cast %add3A_989 : i32 to index
        %get3A_991 = arith.constant 112 : index
        %get3A_992 = tpu.vector_load %arg11[%get3A_990, %get3A_991] {strides = array<i32>} : memref<128x128xf32, #tpu.memory_space<vmem>>, vector<1x16xf32>,
        %get3A_993 = vector.shape_cast %get3A_992 : vector<1x16xf32> to vector<16xf32>
        %mul3A_994 = vector.broadcast %squeeze3A_896 : f32 to vector<16xf32>
        %mul3A_995 = arith.mulf %get3A_993, %mul3A_994 : vector<16xf32>
        %swap3A_996 = arith.index_cast %add3A_989 : i32 to index
        %swap3A_997 = arith.constant 112 : index
        %swap3A_998 = tpu.vector_load %arg11[%swap3A_996, %swap3A_997] {strides = array<i32>} : memref<128x128xf32, #tpu.memory_space<vmem>>, vector<1x16xf32>,
        %swap3A_999 = vector.shape_cast %swap3A_998 : vector<1x16xf32> to vector<16xf32>
        %swap3A_1000 = vector.shape_cast %mul3A_995 : vector<16xf32> to vector<1x16xf32>
        tpu.vector_store %arg11[%swap3A_996, %swap3A_997], %swap3A_1000 {strides = array<i32>} : memref<128x128xf32, #tpu.memory_space<vmem>>, vector<1x16xf32>,
        %slice3A_1001 = vector.extract_strided_slice %get3A_49 {offsets = [9], sizes = [1], strides = [1]} : vector<16xf32> to vector<1xf32>
        %squeeze3A_1002 = vector.extract %slice3A_1001[0] : f32 from vector<1xf32>
        %add3A_1003 = arith.constant 9 : i32
        %add3A_1004 = arith.addi %add3A_46, %add3A_1003 : i32
        %get3A_1005 = arith.index_cast %add3A_1004 : i32 to index
        %get3A_1006 = arith.constant 0 : index
        %get3A_1007 = tpu.vector_load %arg11[%get3A_1005, %get3A_1006] {strides = array<i32>} : memref<128x128xf32, #tpu.memory_space<vmem>>, vector<1x16xf32>,
        %get3A_1008 = vector.shape_cast %get3A_1007 : vector<1x16xf32> to vector<16xf32>
        %mul3A_1009 = vector.broadcast %squeeze3A_1002 : f32 to vector<16xf32>
        %mul3A_1010 = arith.mulf %get3A_1008, %mul3A_1009 : vector<16xf32>
        %swap3A_1011 = arith.index_cast %add3A_1004 : i32 to index
        %swap3A_1012 = arith.constant 0 : index
        %swap3A_1013 = tpu.vector_load %arg11[%swap3A_1011, %swap3A_1012] {strides = array<i32>} : memref<128x128xf32, #tpu.memory_space<vmem>>, vector<1x16xf32>,
        %swap3A_1014 = vector.shape_cast %swap3A_1013 : vector<1x16xf32> to vector<16xf32>
        %swap3A_1015 = vector.shape_cast %mul3A_1010 : vector<16xf32> to vector<1x16xf32>
        tpu.vector_store %arg11[%swap3A_1011, %swap3A_1012], %swap3A_1015 {strides = array<i32>} : memref<128x128xf32, #tpu.memory_space<vmem>>, vector<1x16xf32>,
        %add3A_1016 = arith.constant 9 : i32
        %add3A_1017 = arith.addi %add3A_46, %add3A_1016 : i32
        %get3A_1018 = arith.index_cast %add3A_1017 : i32 to index
        %get3A_1019 = arith.constant 16 : index
        %get3A_1020 = tpu.vector_load %arg11[%get3A_1018, %get3A_1019] {strides = array<i32>} : memref<128x128xf32, #tpu.memory_space<vmem>>, vector<1x16xf32>,
        %get3A_1021 = vector.shape_cast %get3A_1020 : vector<1x16xf32> to vector<16xf32>
        %mul3A_1022 = vector.broadcast %squeeze3A_1002 : f32 to vector<16xf32>
        %mul3A_1023 = arith.mulf %get3A_1021, %mul3A_1022 : vector<16xf32>
        %swap3A_1024 = arith.index_cast %add3A_1017 : i32 to index
        %swap3A_1025 = arith.constant 16 : index
        %swap3A_1026 = tpu.vector_load %arg11[%swap3A_1024, %swap3A_1025] {strides = array<i32>} : memref<128x128xf32, #tpu.memory_space<vmem>>, vector<1x16xf32>,
        %swap3A_1027 = vector.shape_cast %swap3A_1026 : vector<1x16xf32> to vector<16xf32>
        %swap3A_1028 = vector.shape_cast %mul3A_1023 : vector<16xf32> to vector<1x16xf32>
        tpu.vector_store %arg11[%swap3A_1024, %swap3A_1025], %swap3A_1028 {strides = array<i32>} : memref<128x128xf32, #tpu.memory_space<vmem>>, vector<1x16xf32>,
        %add3A_1029 = arith.constant 9 : i32
        %add3A_1030 = arith.addi %add3A_46, %add3A_1029 : i32
        %get3A_1031 = arith.index_cast %add3A_1030 : i32 to index
        %get3A_1032 = arith.constant 32 : index
        %get3A_1033 = tpu.vector_load %arg11[%get3A_1031, %get3A_1032] {strides = array<i32>} : memref<128x128xf32, #tpu.memory_space<vmem>>, vector<1x16xf32>,
        %get3A_1034 = vector.shape_cast %get3A_1033 : vector<1x16xf32> to vector<16xf32>
        %mul3A_1035 = vector.broadcast %squeeze3A_1002 : f32 to vector<16xf32>
        %mul3A_1036 = arith.mulf %get3A_1034, %mul3A_1035 : vector<16xf32>
        %swap3A_1037 = arith.index_cast %add3A_1030 : i32 to index
        %swap3A_1038 = arith.constant 32 : index
        %swap3A_1039 = tpu.vector_load %arg11[%swap3A_1037, %swap3A_1038] {strides = array<i32>} : memref<128x128xf32, #tpu.memory_space<vmem>>, vector<1x16xf32>,
        %swap3A_1040 = vector.shape_cast %swap3A_1039 : vector<1x16xf32> to vector<16xf32>
        %swap3A_1041 = vector.shape_cast %mul3A_1036 : vector<16xf32> to vector<1x16xf32>
        tpu.vector_store %arg11[%swap3A_1037, %swap3A_1038], %swap3A_1041 {strides = array<i32>} : memref<128x128xf32, #tpu.memory_space<vmem>>, vector<1x16xf32>,
        %add3A_1042 = arith.constant 9 : i32
        %add3A_1043 = arith.addi %add3A_46, %add3A_1042 : i32
        %get3A_1044 = arith.index_cast %add3A_1043 : i32 to index
        %get3A_1045 = arith.constant 48 : index
        %get3A_1046 = tpu.vector_load %arg11[%get3A_1044, %get3A_1045] {strides = array<i32>} : memref<128x128xf32, #tpu.memory_space<vmem>>, vector<1x16xf32>,
        %get3A_1047 = vector.shape_cast %get3A_1046 : vector<1x16xf32> to vector<16xf32>
        %mul3A_1048 = vector.broadcast %squeeze3A_1002 : f32 to vector<16xf32>
        %mul3A_1049 = arith.mulf %get3A_1047, %mul3A_1048 : vector<16xf32>
        %swap3A_1050 = arith.index_cast %add3A_1043 : i32 to index
        %swap3A_1051 = arith.constant 48 : index
        %swap3A_1052 = tpu.vector_load %arg11[%swap3A_1050, %swap3A_1051] {strides = array<i32>} : memref<128x128xf32, #tpu.memory_space<vmem>>, vector<1x16xf32>,
        %swap3A_1053 = vector.shape_cast %swap3A_1052 : vector<1x16xf32> to vector<16xf32>
        %swap3A_1054 = vector.shape_cast %mul3A_1049 : vector<16xf32> to vector<1x16xf32>
        tpu.vector_store %arg11[%swap3A_1050, %swap3A_1051], %swap3A_1054 {strides = array<i32>} : memref<128x128xf32, #tpu.memory_space<vmem>>, vector<1x16xf32>,
        %add3A_1055 = arith.constant 9 : i32
        %add3A_1056 = arith.addi %add3A_46, %add3A_1055 : i32
        %get3A_1057 = arith.index_cast %add3A_1056 : i32 to index
        %get3A_1058 = arith.constant 64 : index
        %get3A_1059 = tpu.vector_load %arg11[%get3A_1057, %get3A_1058] {strides = array<i32>} : memref<128x128xf32, #tpu.memory_space<vmem>>, vector<1x16xf32>,
        %get3A_1060 = vector.shape_cast %get3A_1059 : vector<1x16xf32> to vector<16xf32>
        %mul3A_1061 = vector.broadcast %squeeze3A_1002 : f32 to vector<16xf32>
        %mul3A_1062 = arith.mulf %get3A_1060, %mul3A_1061 : vector<16xf32>
        %swap3A_1063 = arith.index_cast %add3A_1056 : i32 to index
        %swap3A_1064 = arith.constant 64 : index
        %swap3A_1065 = tpu.vector_load %arg11[%swap3A_1063, %swap3A_1064] {strides = array<i32>} : memref<128x128xf32, #tpu.memory_space<vmem>>, vector<1x16xf32>,
        %swap3A_1066 = vector.shape_cast %swap3A_1065 : vector<1x16xf32> to vector<16xf32>
        %swap3A_1067 = vector.shape_cast %mul3A_1062 : vector<16xf32> to vector<1x16xf32>
        tpu.vector_store %arg11[%swap3A_1063, %swap3A_1064], %swap3A_1067 {strides = array<i32>} : memref<128x128xf32, #tpu.memory_space<vmem>>, vector<1x16xf32>,
        %add3A_1068 = arith.constant 9 : i32
        %add3A_1069 = arith.addi %add3A_46, %add3A_1068 : i32
        %get3A_1070 = arith.index_cast %add3A_1069 : i32 to index
        %get3A_1071 = arith.constant 80 : index
        %get3A_1072 = tpu.vector_load %arg11[%get3A_1070, %get3A_1071] {strides = array<i32>} : memref<128x128xf32, #tpu.memory_space<vmem>>, vector<1x16xf32>,
        %get3A_1073 = vector.shape_cast %get3A_1072 : vector<1x16xf32> to vector<16xf32>
        %mul3A_1074 = vector.broadcast %squeeze3A_1002 : f32 to vector<16xf32>
        %mul3A_1075 = arith.mulf %get3A_1073, %mul3A_1074 : vector<16xf32>
        %swap3A_1076 = arith.index_cast %add3A_1069 : i32 to index
        %swap3A_1077 = arith.constant 80 : index
        %swap3A_1078 = tpu.vector_load %arg11[%swap3A_1076, %swap3A_1077] {strides = array<i32>} : memref<128x128xf32, #tpu.memory_space<vmem>>, vector<1x16xf32>,
        %swap3A_1079 = vector.shape_cast %swap3A_1078 : vector<1x16xf32> to vector<16xf32>
        %swap3A_1080 = vector.shape_cast %mul3A_1075 : vector<16xf32> to vector<1x16xf32>
        tpu.vector_store %arg11[%swap3A_1076, %swap3A_1077], %swap3A_1080 {strides = array<i32>} : memref<128x128xf32, #tpu.memory_space<vmem>>, vector<1x16xf32>,
        %add3A_1081 = arith.constant 9 : i32
        %add3A_1082 = arith.addi %add3A_46, %add3A_1081 : i32
        %get3A_1083 = arith.index_cast %add3A_1082 : i32 to index
        %get3A_1084 = arith.constant 96 : index
        %get3A_1085 = tpu.vector_load %arg11[%get3A_1083, %get3A_1084] {strides = array<i32>} : memref<128x128xf32, #tpu.memory_space<vmem>>, vector<1x16xf32>,
        %get3A_1086 = vector.shape_cast %get3A_1085 : vector<1x16xf32> to vector<16xf32>
        %mul3A_1087 = vector.broadcast %squeeze3A_1002 : f32 to vector<16xf32>
        %mul3A_1088 = arith.mulf %get3A_1086, %mul3A_1087 : vector<16xf32>
        %swap3A_1089 = arith.index_cast %add3A_1082 : i32 to index
        %swap3A_1090 = arith.constant 96 : index
        %swap3A_1091 = tpu.vector_load %arg11[%swap3A_1089, %swap3A_1090] {strides = array<i32>} : memref<128x128xf32, #tpu.memory_space<vmem>>, vector<1x16xf32>,
        %swap3A_1092 = vector.shape_cast %swap3A_1091 : vector<1x16xf32> to vector<16xf32>
        %swap3A_1093 = vector.shape_cast %mul3A_1088 : vector<16xf32> to vector<1x16xf32>
        tpu.vector_store %arg11[%swap3A_1089, %swap3A_1090], %swap3A_1093 {strides = array<i32>} : memref<128x128xf32, #tpu.memory_space<vmem>>, vector<1x16xf32>,
        %add3A_1094 = arith.constant 9 : i32
        %add3A_1095 = arith.addi %add3A_46, %add3A_1094 : i32
        %get3A_1096 = arith.index_cast %add3A_1095 : i32 to index
        %get3A_1097 = arith.constant 112 : index
        %get3A_1098 = tpu.vector_load %arg11[%get3A_1096, %get3A_1097] {strides = array<i32>} : memref<128x128xf32, #tpu.memory_space<vmem>>, vector<1x16xf32>,
        %get3A_1099 = vector.shape_cast %get3A_1098 : vector<1x16xf32> to vector<16xf32>
        %mul3A_1100 = vector.broadcast %squeeze3A_1002 : f32 to vector<16xf32>
        %mul3A_1101 = arith.mulf %get3A_1099, %mul3A_1100 : vector<16xf32>
        %swap3A_1102 = arith.index_cast %add3A_1095 : i32 to index
        %swap3A_1103 = arith.constant 112 : index
        %swap3A_1104 = tpu.vector_load %arg11[%swap3A_1102, %swap3A_1103] {strides = array<i32>} : memref<128x128xf32, #tpu.memory_space<vmem>>, vector<1x16xf32>,
        %swap3A_1105 = vector.shape_cast %swap3A_1104 : vector<1x16xf32> to vector<16xf32>
        %swap3A_1106 = vector.shape_cast %mul3A_1101 : vector<16xf32> to vector<1x16xf32>
        tpu.vector_store %arg11[%swap3A_1102, %swap3A_1103], %swap3A_1106 {strides = array<i32>} : memref<128x128xf32, #tpu.memory_space<vmem>>, vector<1x16xf32>,
        %slice3A_1107 = vector.extract_strided_slice %get3A_49 {offsets = [10], sizes = [1], strides = [1]} : vector<16xf32> to vector<1xf32>
        %squeeze3A_1108 = vector.extract %slice3A_1107[0] : f32 from vector<1xf32>
        %add3A_1109 = arith.constant 10 : i32
        %add3A_1110 = arith.addi %add3A_46, %add3A_1109 : i32
        %get3A_1111 = arith.index_cast %add3A_1110 : i32 to index
        %get3A_1112 = arith.constant 0 : index
        %get3A_1113 = tpu.vector_load %arg11[%get3A_1111, %get3A_1112] {strides = array<i32>} : memref<128x128xf32, #tpu.memory_space<vmem>>, vector<1x16xf32>,
        %get3A_1114 = vector.shape_cast %get3A_1113 : vector<1x16xf32> to vector<16xf32>
        %mul3A_1115 = vector.broadcast %squeeze3A_1108 : f32 to vector<16xf32>
        %mul3A_1116 = arith.mulf %get3A_1114, %mul3A_1115 : vector<16xf32>
        %swap3A_1117 = arith.index_cast %add3A_1110 : i32 to index
        %swap3A_1118 = arith.constant 0 : index
        %swap3A_1119 = tpu.vector_load %arg11[%swap3A_1117, %swap3A_1118] {strides = array<i32>} : memref<128x128xf32, #tpu.memory_space<vmem>>, vector<1x16xf32>,
        %swap3A_1120 = vector.shape_cast %swap3A_1119 : vector<1x16xf32> to vector<16xf32>
        %swap3A_1121 = vector.shape_cast %mul3A_1116 : vector<16xf32> to vector<1x16xf32>
        tpu.vector_store %arg11[%swap3A_1117, %swap3A_1118], %swap3A_1121 {strides = array<i32>} : memref<128x128xf32, #tpu.memory_space<vmem>>, vector<1x16xf32>,
        %add3A_1122 = arith.constant 10 : i32
        %add3A_1123 = arith.addi %add3A_46, %add3A_1122 : i32
        %get3A_1124 = arith.index_cast %add3A_1123 : i32 to index
        %get3A_1125 = arith.constant 16 : index
        %get3A_1126 = tpu.vector_load %arg11[%get3A_1124, %get3A_1125] {strides = array<i32>} : memref<128x128xf32, #tpu.memory_space<vmem>>, vector<1x16xf32>,
        %get3A_1127 = vector.shape_cast %get3A_1126 : vector<1x16xf32> to vector<16xf32>
        %mul3A_1128 = vector.broadcast %squeeze3A_1108 : f32 to vector<16xf32>
        %mul3A_1129 = arith.mulf %get3A_1127, %mul3A_1128 : vector<16xf32>
        %swap3A_1130 = arith.index_cast %add3A_1123 : i32 to index
        %swap3A_1131 = arith.constant 16 : index
        %swap3A_1132 = tpu.vector_load %arg11[%swap3A_1130, %swap3A_1131] {strides = array<i32>} : memref<128x128xf32, #tpu.memory_space<vmem>>, vector<1x16xf32>,
        %swap3A_1133 = vector.shape_cast %swap3A_1132 : vector<1x16xf32> to vector<16xf32>
        %swap3A_1134 = vector.shape_cast %mul3A_1129 : vector<16xf32> to vector<1x16xf32>
        tpu.vector_store %arg11[%swap3A_1130, %swap3A_1131], %swap3A_1134 {strides = array<i32>} : memref<128x128xf32, #tpu.memory_space<vmem>>, vector<1x16xf32>,
        %add3A_1135 = arith.constant 10 : i32
        %add3A_1136 = arith.addi %add3A_46, %add3A_1135 : i32
        %get3A_1137 = arith.index_cast %add3A_1136 : i32 to index
        %get3A_1138 = arith.constant 32 : index
        %get3A_1139 = tpu.vector_load %arg11[%get3A_1137, %get3A_1138] {strides = array<i32>} : memref<128x128xf32, #tpu.memory_space<vmem>>, vector<1x16xf32>,
        %get3A_1140 = vector.shape_cast %get3A_1139 : vector<1x16xf32> to vector<16xf32>
        %mul3A_1141 = vector.broadcast %squeeze3A_1108 : f32 to vector<16xf32>
        %mul3A_1142 = arith.mulf %get3A_1140, %mul3A_1141 : vector<16xf32>
        %swap3A_1143 = arith.index_cast %add3A_1136 : i32 to index
        %swap3A_1144 = arith.constant 32 : index
        %swap3A_1145 = tpu.vector_load %arg11[%swap3A_1143, %swap3A_1144] {strides = array<i32>} : memref<128x128xf32, #tpu.memory_space<vmem>>, vector<1x16xf32>,
        %swap3A_1146 = vector.shape_cast %swap3A_1145 : vector<1x16xf32> to vector<16xf32>
        %swap3A_1147 = vector.shape_cast %mul3A_1142 : vector<16xf32> to vector<1x16xf32>
        tpu.vector_store %arg11[%swap3A_1143, %swap3A_1144], %swap3A_1147 {strides = array<i32>} : memref<128x128xf32, #tpu.memory_space<vmem>>, vector<1x16xf32>,
        %add3A_1148 = arith.constant 10 : i32
        %add3A_1149 = arith.addi %add3A_46, %add3A_1148 : i32
        %get3A_1150 = arith.index_cast %add3A_1149 : i32 to index
        %get3A_1151 = arith.constant 48 : index
        %get3A_1152 = tpu.vector_load %arg11[%get3A_1150, %get3A_1151] {strides = array<i32>} : memref<128x128xf32, #tpu.memory_space<vmem>>, vector<1x16xf32>,
        %get3A_1153 = vector.shape_cast %get3A_1152 : vector<1x16xf32> to vector<16xf32>
        %mul3A_1154 = vector.broadcast %squeeze3A_1108 : f32 to vector<16xf32>
        %mul3A_1155 = arith.mulf %get3A_1153, %mul3A_1154 : vector<16xf32>
        %swap3A_1156 = arith.index_cast %add3A_1149 : i32 to index
        %swap3A_1157 = arith.constant 48 : index
        %swap3A_1158 = tpu.vector_load %arg11[%swap3A_1156, %swap3A_1157] {strides = array<i32>} : memref<128x128xf32, #tpu.memory_space<vmem>>, vector<1x16xf32>,
        %swap3A_1159 = vector.shape_cast %swap3A_1158 : vector<1x16xf32> to vector<16xf32>
        %swap3A_1160 = vector.shape_cast %mul3A_1155 : vector<16xf32> to vector<1x16xf32>
        tpu.vector_store %arg11[%swap3A_1156, %swap3A_1157], %swap3A_1160 {strides = array<i32>} : memref<128x128xf32, #tpu.memory_space<vmem>>, vector<1x16xf32>,
        %add3A_1161 = arith.constant 10 : i32
        %add3A_1162 = arith.addi %add3A_46, %add3A_1161 : i32
        %get3A_1163 = arith.index_cast %add3A_1162 : i32 to index
        %get3A_1164 = arith.constant 64 : index
        %get3A_1165 = tpu.vector_load %arg11[%get3A_1163, %get3A_1164] {strides = array<i32>} : memref<128x128xf32, #tpu.memory_space<vmem>>, vector<1x16xf32>,
        %get3A_1166 = vector.shape_cast %get3A_1165 : vector<1x16xf32> to vector<16xf32>
        %mul3A_1167 = vector.broadcast %squeeze3A_1108 : f32 to vector<16xf32>
        %mul3A_1168 = arith.mulf %get3A_1166, %mul3A_1167 : vector<16xf32>
        %swap3A_1169 = arith.index_cast %add3A_1162 : i32 to index
        %swap3A_1170 = arith.constant 64 : index
        %swap3A_1171 = tpu.vector_load %arg11[%swap3A_1169, %swap3A_1170] {strides = array<i32>} : memref<128x128xf32, #tpu.memory_space<vmem>>, vector<1x16xf32>,
        %swap3A_1172 = vector.shape_cast %swap3A_1171 : vector<1x16xf32> to vector<16xf32>
        %swap3A_1173 = vector.shape_cast %mul3A_1168 : vector<16xf32> to vector<1x16xf32>
        tpu.vector_store %arg11[%swap3A_1169, %swap3A_1170], %swap3A_1173 {strides = array<i32>} : memref<128x128xf32, #tpu.memory_space<vmem>>, vector<1x16xf32>,
        %add3A_1174 = arith.constant 10 : i32
        %add3A_1175 = arith.addi %add3A_46, %add3A_1174 : i32
        %get3A_1176 = arith.index_cast %add3A_1175 : i32 to index
        %get3A_1177 = arith.constant 80 : index
        %get3A_1178 = tpu.vector_load %arg11[%get3A_1176, %get3A_1177] {strides = array<i32>} : memref<128x128xf32, #tpu.memory_space<vmem>>, vector<1x16xf32>,
        %get3A_1179 = vector.shape_cast %get3A_1178 : vector<1x16xf32> to vector<16xf32>
        %mul3A_1180 = vector.broadcast %squeeze3A_1108 : f32 to vector<16xf32>
        %mul3A_1181 = arith.mulf %get3A_1179, %mul3A_1180 : vector<16xf32>
        %swap3A_1182 = arith.index_cast %add3A_1175 : i32 to index
        %swap3A_1183 = arith.constant 80 : index
        %swap3A_1184 = tpu.vector_load %arg11[%swap3A_1182, %swap3A_1183] {strides = array<i32>} : memref<128x128xf32, #tpu.memory_space<vmem>>, vector<1x16xf32>,
        %swap3A_1185 = vector.shape_cast %swap3A_1184 : vector<1x16xf32> to vector<16xf32>
        %swap3A_1186 = vector.shape_cast %mul3A_1181 : vector<16xf32> to vector<1x16xf32>
        tpu.vector_store %arg11[%swap3A_1182, %swap3A_1183], %swap3A_1186 {strides = array<i32>} : memref<128x128xf32, #tpu.memory_space<vmem>>, vector<1x16xf32>,
        %add3A_1187 = arith.constant 10 : i32
        %add3A_1188 = arith.addi %add3A_46, %add3A_1187 : i32
        %get3A_1189 = arith.index_cast %add3A_1188 : i32 to index
        %get3A_1190 = arith.constant 96 : index
        %get3A_1191 = tpu.vector_load %arg11[%get3A_1189, %get3A_1190] {strides = array<i32>} : memref<128x128xf32, #tpu.memory_space<vmem>>, vector<1x16xf32>,
        %get3A_1192 = vector.shape_cast %get3A_1191 : vector<1x16xf32> to vector<16xf32>
        %mul3A_1193 = vector.broadcast %squeeze3A_1108 : f32 to vector<16xf32>
        %mul3A_1194 = arith.mulf %get3A_1192, %mul3A_1193 : vector<16xf32>
        %swap3A_1195 = arith.index_cast %add3A_1188 : i32 to index
        %swap3A_1196 = arith.constant 96 : index
        %swap3A_1197 = tpu.vector_load %arg11[%swap3A_1195, %swap3A_1196] {strides = array<i32>} : memref<128x128xf32, #tpu.memory_space<vmem>>, vector<1x16xf32>,
        %swap3A_1198 = vector.shape_cast %swap3A_1197 : vector<1x16xf32> to vector<16xf32>
        %swap3A_1199 = vector.shape_cast %mul3A_1194 : vector<16xf32> to vector<1x16xf32>
        tpu.vector_store %arg11[%swap3A_1195, %swap3A_1196], %swap3A_1199 {strides = array<i32>} : memref<128x128xf32, #tpu.memory_space<vmem>>, vector<1x16xf32>,
        %add3A_1200 = arith.constant 10 : i32
        %add3A_1201 = arith.addi %add3A_46, %add3A_1200 : i32
        %get3A_1202 = arith.index_cast %add3A_1201 : i32 to index
        %get3A_1203 = arith.constant 112 : index
        %get3A_1204 = tpu.vector_load %arg11[%get3A_1202, %get3A_1203] {strides = array<i32>} : memref<128x128xf32, #tpu.memory_space<vmem>>, vector<1x16xf32>,
        %get3A_1205 = vector.shape_cast %get3A_1204 : vector<1x16xf32> to vector<16xf32>
        %mul3A_1206 = vector.broadcast %squeeze3A_1108 : f32 to vector<16xf32>
        %mul3A_1207 = arith.mulf %get3A_1205, %mul3A_1206 : vector<16xf32>
        %swap3A_1208 = arith.index_cast %add3A_1201 : i32 to index
        %swap3A_1209 = arith.constant 112 : index
        %swap3A_1210 = tpu.vector_load %arg11[%swap3A_1208, %swap3A_1209] {strides = array<i32>} : memref<128x128xf32, #tpu.memory_space<vmem>>, vector<1x16xf32>,
        %swap3A_1211 = vector.shape_cast %swap3A_1210 : vector<1x16xf32> to vector<16xf32>
        %swap3A_1212 = vector.shape_cast %mul3A_1207 : vector<16xf32> to vector<1x16xf32>
        tpu.vector_store %arg11[%swap3A_1208, %swap3A_1209], %swap3A_1212 {strides = array<i32>} : memref<128x128xf32, #tpu.memory_space<vmem>>, vector<1x16xf32>,
        %slice3A_1213 = vector.extract_strided_slice %get3A_49 {offsets = [11], sizes = [1], strides = [1]} : vector<16xf32> to vector<1xf32>
        %squeeze3A_1214 = vector.extract %slice3A_1213[0] : f32 from vector<1xf32>
        %add3A_1215 = arith.constant 11 : i32
        %add3A_1216 = arith.addi %add3A_46, %add3A_1215 : i32
        %get3A_1217 = arith.index_cast %add3A_1216 : i32 to index
        %get3A_1218 = arith.constant 0 : index
        %get3A_1219 = tpu.vector_load %arg11[%get3A_1217, %get3A_1218] {strides = array<i32>} : memref<128x128xf32, #tpu.memory_space<vmem>>, vector<1x16xf32>,
        %get3A_1220 = vector.shape_cast %get3A_1219 : vector<1x16xf32> to vector<16xf32>
        %mul3A_1221 = vector.broadcast %squeeze3A_1214 : f32 to vector<16xf32>
        %mul3A_1222 = arith.mulf %get3A_1220, %mul3A_1221 : vector<16xf32>
        %swap3A_1223 = arith.index_cast %add3A_1216 : i32 to index
        %swap3A_1224 = arith.constant 0 : index
        %swap3A_1225 = tpu.vector_load %arg11[%swap3A_1223, %swap3A_1224] {strides = array<i32>} : memref<128x128xf32, #tpu.memory_space<vmem>>, vector<1x16xf32>,
        %swap3A_1226 = vector.shape_cast %swap3A_1225 : vector<1x16xf32> to vector<16xf32>
        %swap3A_1227 = vector.shape_cast %mul3A_1222 : vector<16xf32> to vector<1x16xf32>
        tpu.vector_store %arg11[%swap3A_1223, %swap3A_1224], %swap3A_1227 {strides = array<i32>} : memref<128x128xf32, #tpu.memory_space<vmem>>, vector<1x16xf32>,
        %add3A_1228 = arith.constant 11 : i32
        %add3A_1229 = arith.addi %add3A_46, %add3A_1228 : i32
        %get3A_1230 = arith.index_cast %add3A_1229 : i32 to index
        %get3A_1231 = arith.constant 16 : index
        %get3A_1232 = tpu.vector_load %arg11[%get3A_1230, %get3A_1231] {strides = array<i32>} : memref<128x128xf32, #tpu.memory_space<vmem>>, vector<1x16xf32>,
        %get3A_1233 = vector.shape_cast %get3A_1232 : vector<1x16xf32> to vector<16xf32>
        %mul3A_1234 = vector.broadcast %squeeze3A_1214 : f32 to vector<16xf32>
        %mul3A_1235 = arith.mulf %get3A_1233, %mul3A_1234 : vector<16xf32>
        %swap3A_1236 = arith.index_cast %add3A_1229 : i32 to index
        %swap3A_1237 = arith.constant 16 : index
        %swap3A_1238 = tpu.vector_load %arg11[%swap3A_1236, %swap3A_1237] {strides = array<i32>} : memref<128x128xf32, #tpu.memory_space<vmem>>, vector<1x16xf32>,
        %swap3A_1239 = vector.shape_cast %swap3A_1238 : vector<1x16xf32> to vector<16xf32>
        %swap3A_1240 = vector.shape_cast %mul3A_1235 : vector<16xf32> to vector<1x16xf32>
        tpu.vector_store %arg11[%swap3A_1236, %swap3A_1237], %swap3A_1240 {strides = array<i32>} : memref<128x128xf32, #tpu.memory_space<vmem>>, vector<1x16xf32>,
        %add3A_1241 = arith.constant 11 : i32
        %add3A_1242 = arith.addi %add3A_46, %add3A_1241 : i32
        %get3A_1243 = arith.index_cast %add3A_1242 : i32 to index
        %get3A_1244 = arith.constant 32 : index
        %get3A_1245 = tpu.vector_load %arg11[%get3A_1243, %get3A_1244] {strides = array<i32>} : memref<128x128xf32, #tpu.memory_space<vmem>>, vector<1x16xf32>,
        %get3A_1246 = vector.shape_cast %get3A_1245 : vector<1x16xf32> to vector<16xf32>
        %mul3A_1247 = vector.broadcast %squeeze3A_1214 : f32 to vector<16xf32>
        %mul3A_1248 = arith.mulf %get3A_1246, %mul3A_1247 : vector<16xf32>
        %swap3A_1249 = arith.index_cast %add3A_1242 : i32 to index
        %swap3A_1250 = arith.constant 32 : index
        %swap3A_1251 = tpu.vector_load %arg11[%swap3A_1249, %swap3A_1250] {strides = array<i32>} : memref<128x128xf32, #tpu.memory_space<vmem>>, vector<1x16xf32>,
        %swap3A_1252 = vector.shape_cast %swap3A_1251 : vector<1x16xf32> to vector<16xf32>
        %swap3A_1253 = vector.shape_cast %mul3A_1248 : vector<16xf32> to vector<1x16xf32>
        tpu.vector_store %arg11[%swap3A_1249, %swap3A_1250], %swap3A_1253 {strides = array<i32>} : memref<128x128xf32, #tpu.memory_space<vmem>>, vector<1x16xf32>,
        %add3A_1254 = arith.constant 11 : i32
        %add3A_1255 = arith.addi %add3A_46, %add3A_1254 : i32
        %get3A_1256 = arith.index_cast %add3A_1255 : i32 to index
        %get3A_1257 = arith.constant 48 : index
        %get3A_1258 = tpu.vector_load %arg11[%get3A_1256, %get3A_1257] {strides = array<i32>} : memref<128x128xf32, #tpu.memory_space<vmem>>, vector<1x16xf32>,
        %get3A_1259 = vector.shape_cast %get3A_1258 : vector<1x16xf32> to vector<16xf32>
        %mul3A_1260 = vector.broadcast %squeeze3A_1214 : f32 to vector<16xf32>
        %mul3A_1261 = arith.mulf %get3A_1259, %mul3A_1260 : vector<16xf32>
        %swap3A_1262 = arith.index_cast %add3A_1255 : i32 to index
        %swap3A_1263 = arith.constant 48 : index
        %swap3A_1264 = tpu.vector_load %arg11[%swap3A_1262, %swap3A_1263] {strides = array<i32>} : memref<128x128xf32, #tpu.memory_space<vmem>>, vector<1x16xf32>,
        %swap3A_1265 = vector.shape_cast %swap3A_1264 : vector<1x16xf32> to vector<16xf32>
        %swap3A_1266 = vector.shape_cast %mul3A_1261 : vector<16xf32> to vector<1x16xf32>
        tpu.vector_store %arg11[%swap3A_1262, %swap3A_1263], %swap3A_1266 {strides = array<i32>} : memref<128x128xf32, #tpu.memory_space<vmem>>, vector<1x16xf32>,
        %add3A_1267 = arith.constant 11 : i32
        %add3A_1268 = arith.addi %add3A_46, %add3A_1267 : i32
        %get3A_1269 = arith.index_cast %add3A_1268 : i32 to index
        %get3A_1270 = arith.constant 64 : index
        %get3A_1271 = tpu.vector_load %arg11[%get3A_1269, %get3A_1270] {strides = array<i32>} : memref<128x128xf32, #tpu.memory_space<vmem>>, vector<1x16xf32>,
        %get3A_1272 = vector.shape_cast %get3A_1271 : vector<1x16xf32> to vector<16xf32>
        %mul3A_1273 = vector.broadcast %squeeze3A_1214 : f32 to vector<16xf32>
        %mul3A_1274 = arith.mulf %get3A_1272, %mul3A_1273 : vector<16xf32>
        %swap3A_1275 = arith.index_cast %add3A_1268 : i32 to index
        %swap3A_1276 = arith.constant 64 : index
        %swap3A_1277 = tpu.vector_load %arg11[%swap3A_1275, %swap3A_1276] {strides = array<i32>} : memref<128x128xf32, #tpu.memory_space<vmem>>, vector<1x16xf32>,
        %swap3A_1278 = vector.shape_cast %swap3A_1277 : vector<1x16xf32> to vector<16xf32>
        %swap3A_1279 = vector.shape_cast %mul3A_1274 : vector<16xf32> to vector<1x16xf32>
        tpu.vector_store %arg11[%swap3A_1275, %swap3A_1276], %swap3A_1279 {strides = array<i32>} : memref<128x128xf32, #tpu.memory_space<vmem>>, vector<1x16xf32>,
        %add3A_1280 = arith.constant 11 : i32
        %add3A_1281 = arith.addi %add3A_46, %add3A_1280 : i32
        %get3A_1282 = arith.index_cast %add3A_1281 : i32 to index
        %get3A_1283 = arith.constant 80 : index
        %get3A_1284 = tpu.vector_load %arg11[%get3A_1282, %get3A_1283] {strides = array<i32>} : memref<128x128xf32, #tpu.memory_space<vmem>>, vector<1x16xf32>,
        %get3A_1285 = vector.shape_cast %get3A_1284 : vector<1x16xf32> to vector<16xf32>
        %mul3A_1286 = vector.broadcast %squeeze3A_1214 : f32 to vector<16xf32>
        %mul3A_1287 = arith.mulf %get3A_1285, %mul3A_1286 : vector<16xf32>
        %swap3A_1288 = arith.index_cast %add3A_1281 : i32 to index
        %swap3A_1289 = arith.constant 80 : index
        %swap3A_1290 = tpu.vector_load %arg11[%swap3A_1288, %swap3A_1289] {strides = array<i32>} : memref<128x128xf32, #tpu.memory_space<vmem>>, vector<1x16xf32>,
        %swap3A_1291 = vector.shape_cast %swap3A_1290 : vector<1x16xf32> to vector<16xf32>
        %swap3A_1292 = vector.shape_cast %mul3A_1287 : vector<16xf32> to vector<1x16xf32>
        tpu.vector_store %arg11[%swap3A_1288, %swap3A_1289], %swap3A_1292 {strides = array<i32>} : memref<128x128xf32, #tpu.memory_space<vmem>>, vector<1x16xf32>,
        %add3A_1293 = arith.constant 11 : i32
        %add3A_1294 = arith.addi %add3A_46, %add3A_1293 : i32
        %get3A_1295 = arith.index_cast %add3A_1294 : i32 to index
        %get3A_1296 = arith.constant 96 : index
        %get3A_1297 = tpu.vector_load %arg11[%get3A_1295, %get3A_1296] {strides = array<i32>} : memref<128x128xf32, #tpu.memory_space<vmem>>, vector<1x16xf32>,
        %get3A_1298 = vector.shape_cast %get3A_1297 : vector<1x16xf32> to vector<16xf32>
        %mul3A_1299 = vector.broadcast %squeeze3A_1214 : f32 to vector<16xf32>
        %mul3A_1300 = arith.mulf %get3A_1298, %mul3A_1299 : vector<16xf32>
        %swap3A_1301 = arith.index_cast %add3A_1294 : i32 to index
        %swap3A_1302 = arith.constant 96 : index
        %swap3A_1303 = tpu.vector_load %arg11[%swap3A_1301, %swap3A_1302] {strides = array<i32>} : memref<128x128xf32, #tpu.memory_space<vmem>>, vector<1x16xf32>,
        %swap3A_1304 = vector.shape_cast %swap3A_1303 : vector<1x16xf32> to vector<16xf32>
        %swap3A_1305 = vector.shape_cast %mul3A_1300 : vector<16xf32> to vector<1x16xf32>
        tpu.vector_store %arg11[%swap3A_1301, %swap3A_1302], %swap3A_1305 {strides = array<i32>} : memref<128x128xf32, #tpu.memory_space<vmem>>, vector<1x16xf32>,
        %add3A_1306 = arith.constant 11 : i32
        %add3A_1307 = arith.addi %add3A_46, %add3A_1306 : i32
        %get3A_1308 = arith.index_cast %add3A_1307 : i32 to index
        %get3A_1309 = arith.constant 112 : index
        %get3A_1310 = tpu.vector_load %arg11[%get3A_1308, %get3A_1309] {strides = array<i32>} : memref<128x128xf32, #tpu.memory_space<vmem>>, vector<1x16xf32>,
        %get3A_1311 = vector.shape_cast %get3A_1310 : vector<1x16xf32> to vector<16xf32>
        %mul3A_1312 = vector.broadcast %squeeze3A_1214 : f32 to vector<16xf32>
        %mul3A_1313 = arith.mulf %get3A_1311, %mul3A_1312 : vector<16xf32>
        %swap3A_1314 = arith.index_cast %add3A_1307 : i32 to index
        %swap3A_1315 = arith.constant 112 : index
        %swap3A_1316 = tpu.vector_load %arg11[%swap3A_1314, %swap3A_1315] {strides = array<i32>} : memref<128x128xf32, #tpu.memory_space<vmem>>, vector<1x16xf32>,
        %swap3A_1317 = vector.shape_cast %swap3A_1316 : vector<1x16xf32> to vector<16xf32>
        %swap3A_1318 = vector.shape_cast %mul3A_1313 : vector<16xf32> to vector<1x16xf32>
        tpu.vector_store %arg11[%swap3A_1314, %swap3A_1315], %swap3A_1318 {strides = array<i32>} : memref<128x128xf32, #tpu.memory_space<vmem>>, vector<1x16xf32>,
        %slice3A_1319 = vector.extract_strided_slice %get3A_49 {offsets = [12], sizes = [1], strides = [1]} : vector<16xf32> to vector<1xf32>
        %squeeze3A_1320 = vector.extract %slice3A_1319[0] : f32 from vector<1xf32>
        %add3A_1321 = arith.constant 12 : i32
        %add3A_1322 = arith.addi %add3A_46, %add3A_1321 : i32
        %get3A_1323 = arith.index_cast %add3A_1322 : i32 to index
        %get3A_1324 = arith.constant 0 : index
        %get3A_1325 = tpu.vector_load %arg11[%get3A_1323, %get3A_1324] {strides = array<i32>} : memref<128x128xf32, #tpu.memory_space<vmem>>, vector<1x16xf32>,
        %get3A_1326 = vector.shape_cast %get3A_1325 : vector<1x16xf32> to vector<16xf32>
        %mul3A_1327 = vector.broadcast %squeeze3A_1320 : f32 to vector<16xf32>
        %mul3A_1328 = arith.mulf %get3A_1326, %mul3A_1327 : vector<16xf32>
        %swap3A_1329 = arith.index_cast %add3A_1322 : i32 to index
        %swap3A_1330 = arith.constant 0 : index
        %swap3A_1331 = tpu.vector_load %arg11[%swap3A_1329, %swap3A_1330] {strides = array<i32>} : memref<128x128xf32, #tpu.memory_space<vmem>>, vector<1x16xf32>,
        %swap3A_1332 = vector.shape_cast %swap3A_1331 : vector<1x16xf32> to vector<16xf32>
        %swap3A_1333 = vector.shape_cast %mul3A_1328 : vector<16xf32> to vector<1x16xf32>
        tpu.vector_store %arg11[%swap3A_1329, %swap3A_1330], %swap3A_1333 {strides = array<i32>} : memref<128x128xf32, #tpu.memory_space<vmem>>, vector<1x16xf32>,
        %add3A_1334 = arith.constant 12 : i32
        %add3A_1335 = arith.addi %add3A_46, %add3A_1334 : i32
        %get3A_1336 = arith.index_cast %add3A_1335 : i32 to index
        %get3A_1337 = arith.constant 16 : index
        %get3A_1338 = tpu.vector_load %arg11[%get3A_1336, %get3A_1337] {strides = array<i32>} : memref<128x128xf32, #tpu.memory_space<vmem>>, vector<1x16xf32>,
        %get3A_1339 = vector.shape_cast %get3A_1338 : vector<1x16xf32> to vector<16xf32>
        %mul3A_1340 = vector.broadcast %squeeze3A_1320 : f32 to vector<16xf32>
        %mul3A_1341 = arith.mulf %get3A_1339, %mul3A_1340 : vector<16xf32>
        %swap3A_1342 = arith.index_cast %add3A_1335 : i32 to index
        %swap3A_1343 = arith.constant 16 : index
        %swap3A_1344 = tpu.vector_load %arg11[%swap3A_1342, %swap3A_1343] {strides = array<i32>} : memref<128x128xf32, #tpu.memory_space<vmem>>, vector<1x16xf32>,
        %swap3A_1345 = vector.shape_cast %swap3A_1344 : vector<1x16xf32> to vector<16xf32>
        %swap3A_1346 = vector.shape_cast %mul3A_1341 : vector<16xf32> to vector<1x16xf32>
        tpu.vector_store %arg11[%swap3A_1342, %swap3A_1343], %swap3A_1346 {strides = array<i32>} : memref<128x128xf32, #tpu.memory_space<vmem>>, vector<1x16xf32>,
        %add3A_1347 = arith.constant 12 : i32
        %add3A_1348 = arith.addi %add3A_46, %add3A_1347 : i32
        %get3A_1349 = arith.index_cast %add3A_1348 : i32 to index
        %get3A_1350 = arith.constant 32 : index
        %get3A_1351 = tpu.vector_load %arg11[%get3A_1349, %get3A_1350] {strides = array<i32>} : memref<128x128xf32, #tpu.memory_space<vmem>>, vector<1x16xf32>,
        %get3A_1352 = vector.shape_cast %get3A_1351 : vector<1x16xf32> to vector<16xf32>
        %mul3A_1353 = vector.broadcast %squeeze3A_1320 : f32 to vector<16xf32>
        %mul3A_1354 = arith.mulf %get3A_1352, %mul3A_1353 : vector<16xf32>
        %swap3A_1355 = arith.index_cast %add3A_1348 : i32 to index
        %swap3A_1356 = arith.constant 32 : index
        %swap3A_1357 = tpu.vector_load %arg11[%swap3A_1355, %swap3A_1356] {strides = array<i32>} : memref<128x128xf32, #tpu.memory_space<vmem>>, vector<1x16xf32>,
        %swap3A_1358 = vector.shape_cast %swap3A_1357 : vector<1x16xf32> to vector<16xf32>
        %swap3A_1359 = vector.shape_cast %mul3A_1354 : vector<16xf32> to vector<1x16xf32>
        tpu.vector_store %arg11[%swap3A_1355, %swap3A_1356], %swap3A_1359 {strides = array<i32>} : memref<128x128xf32, #tpu.memory_space<vmem>>, vector<1x16xf32>,
        %add3A_1360 = arith.constant 12 : i32
        %add3A_1361 = arith.addi %add3A_46, %add3A_1360 : i32
        %get3A_1362 = arith.index_cast %add3A_1361 : i32 to index
        %get3A_1363 = arith.constant 48 : index
        %get3A_1364 = tpu.vector_load %arg11[%get3A_1362, %get3A_1363] {strides = array<i32>} : memref<128x128xf32, #tpu.memory_space<vmem>>, vector<1x16xf32>,
        %get3A_1365 = vector.shape_cast %get3A_1364 : vector<1x16xf32> to vector<16xf32>
        %mul3A_1366 = vector.broadcast %squeeze3A_1320 : f32 to vector<16xf32>
        %mul3A_1367 = arith.mulf %get3A_1365, %mul3A_1366 : vector<16xf32>
        %swap3A_1368 = arith.index_cast %add3A_1361 : i32 to index
        %swap3A_1369 = arith.constant 48 : index
        %swap3A_1370 = tpu.vector_load %arg11[%swap3A_1368, %swap3A_1369] {strides = array<i32>} : memref<128x128xf32, #tpu.memory_space<vmem>>, vector<1x16xf32>,
        %swap3A_1371 = vector.shape_cast %swap3A_1370 : vector<1x16xf32> to vector<16xf32>
        %swap3A_1372 = vector.shape_cast %mul3A_1367 : vector<16xf32> to vector<1x16xf32>
        tpu.vector_store %arg11[%swap3A_1368, %swap3A_1369], %swap3A_1372 {strides = array<i32>} : memref<128x128xf32, #tpu.memory_space<vmem>>, vector<1x16xf32>,
        %add3A_1373 = arith.constant 12 : i32
        %add3A_1374 = arith.addi %add3A_46, %add3A_1373 : i32
        %get3A_1375 = arith.index_cast %add3A_1374 : i32 to index
        %get3A_1376 = arith.constant 64 : index
        %get3A_1377 = tpu.vector_load %arg11[%get3A_1375, %get3A_1376] {strides = array<i32>} : memref<128x128xf32, #tpu.memory_space<vmem>>, vector<1x16xf32>,
        %get3A_1378 = vector.shape_cast %get3A_1377 : vector<1x16xf32> to vector<16xf32>
        %mul3A_1379 = vector.broadcast %squeeze3A_1320 : f32 to vector<16xf32>
        %mul3A_1380 = arith.mulf %get3A_1378, %mul3A_1379 : vector<16xf32>
        %swap3A_1381 = arith.index_cast %add3A_1374 : i32 to index
        %swap3A_1382 = arith.constant 64 : index
        %swap3A_1383 = tpu.vector_load %arg11[%swap3A_1381, %swap3A_1382] {strides = array<i32>} : memref<128x128xf32, #tpu.memory_space<vmem>>, vector<1x16xf32>,
        %swap3A_1384 = vector.shape_cast %swap3A_1383 : vector<1x16xf32> to vector<16xf32>
        %swap3A_1385 = vector.shape_cast %mul3A_1380 : vector<16xf32> to vector<1x16xf32>
        tpu.vector_store %arg11[%swap3A_1381, %swap3A_1382], %swap3A_1385 {strides = array<i32>} : memref<128x128xf32, #tpu.memory_space<vmem>>, vector<1x16xf32>,
        %add3A_1386 = arith.constant 12 : i32
        %add3A_1387 = arith.addi %add3A_46, %add3A_1386 : i32
        %get3A_1388 = arith.index_cast %add3A_1387 : i32 to index
        %get3A_1389 = arith.constant 80 : index
        %get3A_1390 = tpu.vector_load %arg11[%get3A_1388, %get3A_1389] {strides = array<i32>} : memref<128x128xf32, #tpu.memory_space<vmem>>, vector<1x16xf32>,
        %get3A_1391 = vector.shape_cast %get3A_1390 : vector<1x16xf32> to vector<16xf32>
        %mul3A_1392 = vector.broadcast %squeeze3A_1320 : f32 to vector<16xf32>
        %mul3A_1393 = arith.mulf %get3A_1391, %mul3A_1392 : vector<16xf32>
        %swap3A_1394 = arith.index_cast %add3A_1387 : i32 to index
        %swap3A_1395 = arith.constant 80 : index
        %swap3A_1396 = tpu.vector_load %arg11[%swap3A_1394, %swap3A_1395] {strides = array<i32>} : memref<128x128xf32, #tpu.memory_space<vmem>>, vector<1x16xf32>,
        %swap3A_1397 = vector.shape_cast %swap3A_1396 : vector<1x16xf32> to vector<16xf32>
        %swap3A_1398 = vector.shape_cast %mul3A_1393 : vector<16xf32> to vector<1x16xf32>
        tpu.vector_store %arg11[%swap3A_1394, %swap3A_1395], %swap3A_1398 {strides = array<i32>} : memref<128x128xf32, #tpu.memory_space<vmem>>, vector<1x16xf32>,
        %add3A_1399 = arith.constant 12 : i32
        %add3A_1400 = arith.addi %add3A_46, %add3A_1399 : i32
        %get3A_1401 = arith.index_cast %add3A_1400 : i32 to index
        %get3A_1402 = arith.constant 96 : index
        %get3A_1403 = tpu.vector_load %arg11[%get3A_1401, %get3A_1402] {strides = array<i32>} : memref<128x128xf32, #tpu.memory_space<vmem>>, vector<1x16xf32>,
        %get3A_1404 = vector.shape_cast %get3A_1403 : vector<1x16xf32> to vector<16xf32>
        %mul3A_1405 = vector.broadcast %squeeze3A_1320 : f32 to vector<16xf32>
        %mul3A_1406 = arith.mulf %get3A_1404, %mul3A_1405 : vector<16xf32>
        %swap3A_1407 = arith.index_cast %add3A_1400 : i32 to index
        %swap3A_1408 = arith.constant 96 : index
        %swap3A_1409 = tpu.vector_load %arg11[%swap3A_1407, %swap3A_1408] {strides = array<i32>} : memref<128x128xf32, #tpu.memory_space<vmem>>, vector<1x16xf32>,
        %swap3A_1410 = vector.shape_cast %swap3A_1409 : vector<1x16xf32> to vector<16xf32>
        %swap3A_1411 = vector.shape_cast %mul3A_1406 : vector<16xf32> to vector<1x16xf32>
        tpu.vector_store %arg11[%swap3A_1407, %swap3A_1408], %swap3A_1411 {strides = array<i32>} : memref<128x128xf32, #tpu.memory_space<vmem>>, vector<1x16xf32>,
        %add3A_1412 = arith.constant 12 : i32
        %add3A_1413 = arith.addi %add3A_46, %add3A_1412 : i32
        %get3A_1414 = arith.index_cast %add3A_1413 : i32 to index
        %get3A_1415 = arith.constant 112 : index
        %get3A_1416 = tpu.vector_load %arg11[%get3A_1414, %get3A_1415] {strides = array<i32>} : memref<128x128xf32, #tpu.memory_space<vmem>>, vector<1x16xf32>,
        %get3A_1417 = vector.shape_cast %get3A_1416 : vector<1x16xf32> to vector<16xf32>
        %mul3A_1418 = vector.broadcast %squeeze3A_1320 : f32 to vector<16xf32>
        %mul3A_1419 = arith.mulf %get3A_1417, %mul3A_1418 : vector<16xf32>
        %swap3A_1420 = arith.index_cast %add3A_1413 : i32 to index
        %swap3A_1421 = arith.constant 112 : index
        %swap3A_1422 = tpu.vector_load %arg11[%swap3A_1420, %swap3A_1421] {strides = array<i32>} : memref<128x128xf32, #tpu.memory_space<vmem>>, vector<1x16xf32>,
        %swap3A_1423 = vector.shape_cast %swap3A_1422 : vector<1x16xf32> to vector<16xf32>
        %swap3A_1424 = vector.shape_cast %mul3A_1419 : vector<16xf32> to vector<1x16xf32>
        tpu.vector_store %arg11[%swap3A_1420, %swap3A_1421], %swap3A_1424 {strides = array<i32>} : memref<128x128xf32, #tpu.memory_space<vmem>>, vector<1x16xf32>,
        %slice3A_1425 = vector.extract_strided_slice %get3A_49 {offsets = [13], sizes = [1], strides = [1]} : vector<16xf32> to vector<1xf32>
        %squeeze3A_1426 = vector.extract %slice3A_1425[0] : f32 from vector<1xf32>
        %add3A_1427 = arith.constant 13 : i32
        %add3A_1428 = arith.addi %add3A_46, %add3A_1427 : i32
        %get3A_1429 = arith.index_cast %add3A_1428 : i32 to index
        %get3A_1430 = arith.constant 0 : index
        %get3A_1431 = tpu.vector_load %arg11[%get3A_1429, %get3A_1430] {strides = array<i32>} : memref<128x128xf32, #tpu.memory_space<vmem>>, vector<1x16xf32>,
        %get3A_1432 = vector.shape_cast %get3A_1431 : vector<1x16xf32> to vector<16xf32>
        %mul3A_1433 = vector.broadcast %squeeze3A_1426 : f32 to vector<16xf32>
        %mul3A_1434 = arith.mulf %get3A_1432, %mul3A_1433 : vector<16xf32>
        %swap3A_1435 = arith.index_cast %add3A_1428 : i32 to index
        %swap3A_1436 = arith.constant 0 : index
        %swap3A_1437 = tpu.vector_load %arg11[%swap3A_1435, %swap3A_1436] {strides = array<i32>} : memref<128x128xf32, #tpu.memory_space<vmem>>, vector<1x16xf32>,
        %swap3A_1438 = vector.shape_cast %swap3A_1437 : vector<1x16xf32> to vector<16xf32>
        %swap3A_1439 = vector.shape_cast %mul3A_1434 : vector<16xf32> to vector<1x16xf32>
        tpu.vector_store %arg11[%swap3A_1435, %swap3A_1436], %swap3A_1439 {strides = array<i32>} : memref<128x128xf32, #tpu.memory_space<vmem>>, vector<1x16xf32>,
        %add3A_1440 = arith.constant 13 : i32
        %add3A_1441 = arith.addi %add3A_46, %add3A_1440 : i32
        %get3A_1442 = arith.index_cast %add3A_1441 : i32 to index
        %get3A_1443 = arith.constant 16 : index
        %get3A_1444 = tpu.vector_load %arg11[%get3A_1442, %get3A_1443] {strides = array<i32>} : memref<128x128xf32, #tpu.memory_space<vmem>>, vector<1x16xf32>,
        %get3A_1445 = vector.shape_cast %get3A_1444 : vector<1x16xf32> to vector<16xf32>
        %mul3A_1446 = vector.broadcast %squeeze3A_1426 : f32 to vector<16xf32>
        %mul3A_1447 = arith.mulf %get3A_1445, %mul3A_1446 : vector<16xf32>
        %swap3A_1448 = arith.index_cast %add3A_1441 : i32 to index
        %swap3A_1449 = arith.constant 16 : index
        %swap3A_1450 = tpu.vector_load %arg11[%swap3A_1448, %swap3A_1449] {strides = array<i32>} : memref<128x128xf32, #tpu.memory_space<vmem>>, vector<1x16xf32>,
        %swap3A_1451 = vector.shape_cast %swap3A_1450 : vector<1x16xf32> to vector<16xf32>
        %swap3A_1452 = vector.shape_cast %mul3A_1447 : vector<16xf32> to vector<1x16xf32>
        tpu.vector_store %arg11[%swap3A_1448, %swap3A_1449], %swap3A_1452 {strides = array<i32>} : memref<128x128xf32, #tpu.memory_space<vmem>>, vector<1x16xf32>,
        %add3A_1453 = arith.constant 13 : i32
        %add3A_1454 = arith.addi %add3A_46, %add3A_1453 : i32
        %get3A_1455 = arith.index_cast %add3A_1454 : i32 to index
        %get3A_1456 = arith.constant 32 : index
        %get3A_1457 = tpu.vector_load %arg11[%get3A_1455, %get3A_1456] {strides = array<i32>} : memref<128x128xf32, #tpu.memory_space<vmem>>, vector<1x16xf32>,
        %get3A_1458 = vector.shape_cast %get3A_1457 : vector<1x16xf32> to vector<16xf32>
        %mul3A_1459 = vector.broadcast %squeeze3A_1426 : f32 to vector<16xf32>
        %mul3A_1460 = arith.mulf %get3A_1458, %mul3A_1459 : vector<16xf32>
        %swap3A_1461 = arith.index_cast %add3A_1454 : i32 to index
        %swap3A_1462 = arith.constant 32 : index
        %swap3A_1463 = tpu.vector_load %arg11[%swap3A_1461, %swap3A_1462] {strides = array<i32>} : memref<128x128xf32, #tpu.memory_space<vmem>>, vector<1x16xf32>,
        %swap3A_1464 = vector.shape_cast %swap3A_1463 : vector<1x16xf32> to vector<16xf32>
        %swap3A_1465 = vector.shape_cast %mul3A_1460 : vector<16xf32> to vector<1x16xf32>
        tpu.vector_store %arg11[%swap3A_1461, %swap3A_1462], %swap3A_1465 {strides = array<i32>} : memref<128x128xf32, #tpu.memory_space<vmem>>, vector<1x16xf32>,
        %add3A_1466 = arith.constant 13 : i32
        %add3A_1467 = arith.addi %add3A_46, %add3A_1466 : i32
        %get3A_1468 = arith.index_cast %add3A_1467 : i32 to index
        %get3A_1469 = arith.constant 48 : index
        %get3A_1470 = tpu.vector_load %arg11[%get3A_1468, %get3A_1469] {strides = array<i32>} : memref<128x128xf32, #tpu.memory_space<vmem>>, vector<1x16xf32>,
        %get3A_1471 = vector.shape_cast %get3A_1470 : vector<1x16xf32> to vector<16xf32>
        %mul3A_1472 = vector.broadcast %squeeze3A_1426 : f32 to vector<16xf32>
        %mul3A_1473 = arith.mulf %get3A_1471, %mul3A_1472 : vector<16xf32>
        %swap3A_1474 = arith.index_cast %add3A_1467 : i32 to index
        %swap3A_1475 = arith.constant 48 : index
        %swap3A_1476 = tpu.vector_load %arg11[%swap3A_1474, %swap3A_1475] {strides = array<i32>} : memref<128x128xf32, #tpu.memory_space<vmem>>, vector<1x16xf32>,
        %swap3A_1477 = vector.shape_cast %swap3A_1476 : vector<1x16xf32> to vector<16xf32>
        %swap3A_1478 = vector.shape_cast %mul3A_1473 : vector<16xf32> to vector<1x16xf32>
        tpu.vector_store %arg11[%swap3A_1474, %swap3A_1475], %swap3A_1478 {strides = array<i32>} : memref<128x128xf32, #tpu.memory_space<vmem>>, vector<1x16xf32>,
        %add3A_1479 = arith.constant 13 : i32
        %add3A_1480 = arith.addi %add3A_46, %add3A_1479 : i32
        %get3A_1481 = arith.index_cast %add3A_1480 : i32 to index
        %get3A_1482 = arith.constant 64 : index
        %get3A_1483 = tpu.vector_load %arg11[%get3A_1481, %get3A_1482] {strides = array<i32>} : memref<128x128xf32, #tpu.memory_space<vmem>>, vector<1x16xf32>,
        %get3A_1484 = vector.shape_cast %get3A_1483 : vector<1x16xf32> to vector<16xf32>
        %mul3A_1485 = vector.broadcast %squeeze3A_1426 : f32 to vector<16xf32>
        %mul3A_1486 = arith.mulf %get3A_1484, %mul3A_1485 : vector<16xf32>
        %swap3A_1487 = arith.index_cast %add3A_1480 : i32 to index
        %swap3A_1488 = arith.constant 64 : index
        %swap3A_1489 = tpu.vector_load %arg11[%swap3A_1487, %swap3A_1488] {strides = array<i32>} : memref<128x128xf32, #tpu.memory_space<vmem>>, vector<1x16xf32>,
        %swap3A_1490 = vector.shape_cast %swap3A_1489 : vector<1x16xf32> to vector<16xf32>
        %swap3A_1491 = vector.shape_cast %mul3A_1486 : vector<16xf32> to vector<1x16xf32>
        tpu.vector_store %arg11[%swap3A_1487, %swap3A_1488], %swap3A_1491 {strides = array<i32>} : memref<128x128xf32, #tpu.memory_space<vmem>>, vector<1x16xf32>,
        %add3A_1492 = arith.constant 13 : i32
        %add3A_1493 = arith.addi %add3A_46, %add3A_1492 : i32
        %get3A_1494 = arith.index_cast %add3A_1493 : i32 to index
        %get3A_1495 = arith.constant 80 : index
        %get3A_1496 = tpu.vector_load %arg11[%get3A_1494, %get3A_1495] {strides = array<i32>} : memref<128x128xf32, #tpu.memory_space<vmem>>, vector<1x16xf32>,
        %get3A_1497 = vector.shape_cast %get3A_1496 : vector<1x16xf32> to vector<16xf32>
        %mul3A_1498 = vector.broadcast %squeeze3A_1426 : f32 to vector<16xf32>
        %mul3A_1499 = arith.mulf %get3A_1497, %mul3A_1498 : vector<16xf32>
        %swap3A_1500 = arith.index_cast %add3A_1493 : i32 to index
        %swap3A_1501 = arith.constant 80 : index
        %swap3A_1502 = tpu.vector_load %arg11[%swap3A_1500, %swap3A_1501] {strides = array<i32>} : memref<128x128xf32, #tpu.memory_space<vmem>>, vector<1x16xf32>,
        %swap3A_1503 = vector.shape_cast %swap3A_1502 : vector<1x16xf32> to vector<16xf32>
        %swap3A_1504 = vector.shape_cast %mul3A_1499 : vector<16xf32> to vector<1x16xf32>
        tpu.vector_store %arg11[%swap3A_1500, %swap3A_1501], %swap3A_1504 {strides = array<i32>} : memref<128x128xf32, #tpu.memory_space<vmem>>, vector<1x16xf32>,
        %add3A_1505 = arith.constant 13 : i32
        %add3A_1506 = arith.addi %add3A_46, %add3A_1505 : i32
        %get3A_1507 = arith.index_cast %add3A_1506 : i32 to index
        %get3A_1508 = arith.constant 96 : index
        %get3A_1509 = tpu.vector_load %arg11[%get3A_1507, %get3A_1508] {strides = array<i32>} : memref<128x128xf32, #tpu.memory_space<vmem>>, vector<1x16xf32>,
        %get3A_1510 = vector.shape_cast %get3A_1509 : vector<1x16xf32> to vector<16xf32>
        %mul3A_1511 = vector.broadcast %squeeze3A_1426 : f32 to vector<16xf32>
        %mul3A_1512 = arith.mulf %get3A_1510, %mul3A_1511 : vector<16xf32>
        %swap3A_1513 = arith.index_cast %add3A_1506 : i32 to index
        %swap3A_1514 = arith.constant 96 : index
        %swap3A_1515 = tpu.vector_load %arg11[%swap3A_1513, %swap3A_1514] {strides = array<i32>} : memref<128x128xf32, #tpu.memory_space<vmem>>, vector<1x16xf32>,
        %swap3A_1516 = vector.shape_cast %swap3A_1515 : vector<1x16xf32> to vector<16xf32>
        %swap3A_1517 = vector.shape_cast %mul3A_1512 : vector<16xf32> to vector<1x16xf32>
        tpu.vector_store %arg11[%swap3A_1513, %swap3A_1514], %swap3A_1517 {strides = array<i32>} : memref<128x128xf32, #tpu.memory_space<vmem>>, vector<1x16xf32>,
        %add3A_1518 = arith.constant 13 : i32
        %add3A_1519 = arith.addi %add3A_46, %add3A_1518 : i32
        %get3A_1520 = arith.index_cast %add3A_1519 : i32 to index
        %get3A_1521 = arith.constant 112 : index
        %get3A_1522 = tpu.vector_load %arg11[%get3A_1520, %get3A_1521] {strides = array<i32>} : memref<128x128xf32, #tpu.memory_space<vmem>>, vector<1x16xf32>,
        %get3A_1523 = vector.shape_cast %get3A_1522 : vector<1x16xf32> to vector<16xf32>
        %mul3A_1524 = vector.broadcast %squeeze3A_1426 : f32 to vector<16xf32>
        %mul3A_1525 = arith.mulf %get3A_1523, %mul3A_1524 : vector<16xf32>
        %swap3A_1526 = arith.index_cast %add3A_1519 : i32 to index
        %swap3A_1527 = arith.constant 112 : index
        %swap3A_1528 = tpu.vector_load %arg11[%swap3A_1526, %swap3A_1527] {strides = array<i32>} : memref<128x128xf32, #tpu.memory_space<vmem>>, vector<1x16xf32>,
        %swap3A_1529 = vector.shape_cast %swap3A_1528 : vector<1x16xf32> to vector<16xf32>
        %swap3A_1530 = vector.shape_cast %mul3A_1525 : vector<16xf32> to vector<1x16xf32>
        tpu.vector_store %arg11[%swap3A_1526, %swap3A_1527], %swap3A_1530 {strides = array<i32>} : memref<128x128xf32, #tpu.memory_space<vmem>>, vector<1x16xf32>,
        %slice3A_1531 = vector.extract_strided_slice %get3A_49 {offsets = [14], sizes = [1], strides = [1]} : vector<16xf32> to vector<1xf32>
        %squeeze3A_1532 = vector.extract %slice3A_1531[0] : f32 from vector<1xf32>
        %add3A_1533 = arith.constant 14 : i32
        %add3A_1534 = arith.addi %add3A_46, %add3A_1533 : i32
        %get3A_1535 = arith.index_cast %add3A_1534 : i32 to index
        %get3A_1536 = arith.constant 0 : index
        %get3A_1537 = tpu.vector_load %arg11[%get3A_1535, %get3A_1536] {strides = array<i32>} : memref<128x128xf32, #tpu.memory_space<vmem>>, vector<1x16xf32>,
        %get3A_1538 = vector.shape_cast %get3A_1537 : vector<1x16xf32> to vector<16xf32>
        %mul3A_1539 = vector.broadcast %squeeze3A_1532 : f32 to vector<16xf32>
        %mul3A_1540 = arith.mulf %get3A_1538, %mul3A_1539 : vector<16xf32>
        %swap3A_1541 = arith.index_cast %add3A_1534 : i32 to index
        %swap3A_1542 = arith.constant 0 : index
        %swap3A_1543 = tpu.vector_load %arg11[%swap3A_1541, %swap3A_1542] {strides = array<i32>} : memref<128x128xf32, #tpu.memory_space<vmem>>, vector<1x16xf32>,
        %swap3A_1544 = vector.shape_cast %swap3A_1543 : vector<1x16xf32> to vector<16xf32>
        %swap3A_1545 = vector.shape_cast %mul3A_1540 : vector<16xf32> to vector<1x16xf32>
        tpu.vector_store %arg11[%swap3A_1541, %swap3A_1542], %swap3A_1545 {strides = array<i32>} : memref<128x128xf32, #tpu.memory_space<vmem>>, vector<1x16xf32>,
        %add3A_1546 = arith.constant 14 : i32
        %add3A_1547 = arith.addi %add3A_46, %add3A_1546 : i32
        %get3A_1548 = arith.index_cast %add3A_1547 : i32 to index
        %get3A_1549 = arith.constant 16 : index
        %get3A_1550 = tpu.vector_load %arg11[%get3A_1548, %get3A_1549] {strides = array<i32>} : memref<128x128xf32, #tpu.memory_space<vmem>>, vector<1x16xf32>,
        %get3A_1551 = vector.shape_cast %get3A_1550 : vector<1x16xf32> to vector<16xf32>
        %mul3A_1552 = vector.broadcast %squeeze3A_1532 : f32 to vector<16xf32>
        %mul3A_1553 = arith.mulf %get3A_1551, %mul3A_1552 : vector<16xf32>
        %swap3A_1554 = arith.index_cast %add3A_1547 : i32 to index
        %swap3A_1555 = arith.constant 16 : index
        %swap3A_1556 = tpu.vector_load %arg11[%swap3A_1554, %swap3A_1555] {strides = array<i32>} : memref<128x128xf32, #tpu.memory_space<vmem>>, vector<1x16xf32>,
        %swap3A_1557 = vector.shape_cast %swap3A_1556 : vector<1x16xf32> to vector<16xf32>
        %swap3A_1558 = vector.shape_cast %mul3A_1553 : vector<16xf32> to vector<1x16xf32>
        tpu.vector_store %arg11[%swap3A_1554, %swap3A_1555], %swap3A_1558 {strides = array<i32>} : memref<128x128xf32, #tpu.memory_space<vmem>>, vector<1x16xf32>,
        %add3A_1559 = arith.constant 14 : i32
        %add3A_1560 = arith.addi %add3A_46, %add3A_1559 : i32
        %get3A_1561 = arith.index_cast %add3A_1560 : i32 to index
        %get3A_1562 = arith.constant 32 : index
        %get3A_1563 = tpu.vector_load %arg11[%get3A_1561, %get3A_1562] {strides = array<i32>} : memref<128x128xf32, #tpu.memory_space<vmem>>, vector<1x16xf32>,
        %get3A_1564 = vector.shape_cast %get3A_1563 : vector<1x16xf32> to vector<16xf32>
        %mul3A_1565 = vector.broadcast %squeeze3A_1532 : f32 to vector<16xf32>
        %mul3A_1566 = arith.mulf %get3A_1564, %mul3A_1565 : vector<16xf32>
        %swap3A_1567 = arith.index_cast %add3A_1560 : i32 to index
        %swap3A_1568 = arith.constant 32 : index
        %swap3A_1569 = tpu.vector_load %arg11[%swap3A_1567, %swap3A_1568] {strides = array<i32>} : memref<128x128xf32, #tpu.memory_space<vmem>>, vector<1x16xf32>,
        %swap3A_1570 = vector.shape_cast %swap3A_1569 : vector<1x16xf32> to vector<16xf32>
        %swap3A_1571 = vector.shape_cast %mul3A_1566 : vector<16xf32> to vector<1x16xf32>
        tpu.vector_store %arg11[%swap3A_1567, %swap3A_1568], %swap3A_1571 {strides = array<i32>} : memref<128x128xf32, #tpu.memory_space<vmem>>, vector<1x16xf32>,
        %add3A_1572 = arith.constant 14 : i32
        %add3A_1573 = arith.addi %add3A_46, %add3A_1572 : i32
        %get3A_1574 = arith.index_cast %add3A_1573 : i32 to index
        %get3A_1575 = arith.constant 48 : index
        %get3A_1576 = tpu.vector_load %arg11[%get3A_1574, %get3A_1575] {strides = array<i32>} : memref<128x128xf32, #tpu.memory_space<vmem>>, vector<1x16xf32>,
        %get3A_1577 = vector.shape_cast %get3A_1576 : vector<1x16xf32> to vector<16xf32>
        %mul3A_1578 = vector.broadcast %squeeze3A_1532 : f32 to vector<16xf32>
        %mul3A_1579 = arith.mulf %get3A_1577, %mul3A_1578 : vector<16xf32>
        %swap3A_1580 = arith.index_cast %add3A_1573 : i32 to index
        %swap3A_1581 = arith.constant 48 : index
        %swap3A_1582 = tpu.vector_load %arg11[%swap3A_1580, %swap3A_1581] {strides = array<i32>} : memref<128x128xf32, #tpu.memory_space<vmem>>, vector<1x16xf32>,
        %swap3A_1583 = vector.shape_cast %swap3A_1582 : vector<1x16xf32> to vector<16xf32>
        %swap3A_1584 = vector.shape_cast %mul3A_1579 : vector<16xf32> to vector<1x16xf32>
        tpu.vector_store %arg11[%swap3A_1580, %swap3A_1581], %swap3A_1584 {strides = array<i32>} : memref<128x128xf32, #tpu.memory_space<vmem>>, vector<1x16xf32>,
        %add3A_1585 = arith.constant 14 : i32
        %add3A_1586 = arith.addi %add3A_46, %add3A_1585 : i32
        %get3A_1587 = arith.index_cast %add3A_1586 : i32 to index
        %get3A_1588 = arith.constant 64 : index
        %get3A_1589 = tpu.vector_load %arg11[%get3A_1587, %get3A_1588] {strides = array<i32>} : memref<128x128xf32, #tpu.memory_space<vmem>>, vector<1x16xf32>,
        %get3A_1590 = vector.shape_cast %get3A_1589 : vector<1x16xf32> to vector<16xf32>
        %mul3A_1591 = vector.broadcast %squeeze3A_1532 : f32 to vector<16xf32>
        %mul3A_1592 = arith.mulf %get3A_1590, %mul3A_1591 : vector<16xf32>
        %swap3A_1593 = arith.index_cast %add3A_1586 : i32 to index
        %swap3A_1594 = arith.constant 64 : index
        %swap3A_1595 = tpu.vector_load %arg11[%swap3A_1593, %swap3A_1594] {strides = array<i32>} : memref<128x128xf32, #tpu.memory_space<vmem>>, vector<1x16xf32>,
        %swap3A_1596 = vector.shape_cast %swap3A_1595 : vector<1x16xf32> to vector<16xf32>
        %swap3A_1597 = vector.shape_cast %mul3A_1592 : vector<16xf32> to vector<1x16xf32>
        tpu.vector_store %arg11[%swap3A_1593, %swap3A_1594], %swap3A_1597 {strides = array<i32>} : memref<128x128xf32, #tpu.memory_space<vmem>>, vector<1x16xf32>,
        %add3A_1598 = arith.constant 14 : i32
        %add3A_1599 = arith.addi %add3A_46, %add3A_1598 : i32
        %get3A_1600 = arith.index_cast %add3A_1599 : i32 to index
        %get3A_1601 = arith.constant 80 : index
        %get3A_1602 = tpu.vector_load %arg11[%get3A_1600, %get3A_1601] {strides = array<i32>} : memref<128x128xf32, #tpu.memory_space<vmem>>, vector<1x16xf32>,
        %get3A_1603 = vector.shape_cast %get3A_1602 : vector<1x16xf32> to vector<16xf32>
        %mul3A_1604 = vector.broadcast %squeeze3A_1532 : f32 to vector<16xf32>
        %mul3A_1605 = arith.mulf %get3A_1603, %mul3A_1604 : vector<16xf32>
        %swap3A_1606 = arith.index_cast %add3A_1599 : i32 to index
        %swap3A_1607 = arith.constant 80 : index
        %swap3A_1608 = tpu.vector_load %arg11[%swap3A_1606, %swap3A_1607] {strides = array<i32>} : memref<128x128xf32, #tpu.memory_space<vmem>>, vector<1x16xf32>,
        %swap3A_1609 = vector.shape_cast %swap3A_1608 : vector<1x16xf32> to vector<16xf32>
        %swap3A_1610 = vector.shape_cast %mul3A_1605 : vector<16xf32> to vector<1x16xf32>
        tpu.vector_store %arg11[%swap3A_1606, %swap3A_1607], %swap3A_1610 {strides = array<i32>} : memref<128x128xf32, #tpu.memory_space<vmem>>, vector<1x16xf32>,
        %add3A_1611 = arith.constant 14 : i32
        %add3A_1612 = arith.addi %add3A_46, %add3A_1611 : i32
        %get3A_1613 = arith.index_cast %add3A_1612 : i32 to index
        %get3A_1614 = arith.constant 96 : index
        %get3A_1615 = tpu.vector_load %arg11[%get3A_1613, %get3A_1614] {strides = array<i32>} : memref<128x128xf32, #tpu.memory_space<vmem>>, vector<1x16xf32>,
        %get3A_1616 = vector.shape_cast %get3A_1615 : vector<1x16xf32> to vector<16xf32>
        %mul3A_1617 = vector.broadcast %squeeze3A_1532 : f32 to vector<16xf32>
        %mul3A_1618 = arith.mulf %get3A_1616, %mul3A_1617 : vector<16xf32>
        %swap3A_1619 = arith.index_cast %add3A_1612 : i32 to index
        %swap3A_1620 = arith.constant 96 : index
        %swap3A_1621 = tpu.vector_load %arg11[%swap3A_1619, %swap3A_1620] {strides = array<i32>} : memref<128x128xf32, #tpu.memory_space<vmem>>, vector<1x16xf32>,
        %swap3A_1622 = vector.shape_cast %swap3A_1621 : vector<1x16xf32> to vector<16xf32>
        %swap3A_1623 = vector.shape_cast %mul3A_1618 : vector<16xf32> to vector<1x16xf32>
        tpu.vector_store %arg11[%swap3A_1619, %swap3A_1620], %swap3A_1623 {strides = array<i32>} : memref<128x128xf32, #tpu.memory_space<vmem>>, vector<1x16xf32>,
        %add3A_1624 = arith.constant 14 : i32
        %add3A_1625 = arith.addi %add3A_46, %add3A_1624 : i32
        %get3A_1626 = arith.index_cast %add3A_1625 : i32 to index
        %get3A_1627 = arith.constant 112 : index
        %get3A_1628 = tpu.vector_load %arg11[%get3A_1626, %get3A_1627] {strides = array<i32>} : memref<128x128xf32, #tpu.memory_space<vmem>>, vector<1x16xf32>,
        %get3A_1629 = vector.shape_cast %get3A_1628 : vector<1x16xf32> to vector<16xf32>
        %mul3A_1630 = vector.broadcast %squeeze3A_1532 : f32 to vector<16xf32>
        %mul3A_1631 = arith.mulf %get3A_1629, %mul3A_1630 : vector<16xf32>
        %swap3A_1632 = arith.index_cast %add3A_1625 : i32 to index
        %swap3A_1633 = arith.constant 112 : index
        %swap3A_1634 = tpu.vector_load %arg11[%swap3A_1632, %swap3A_1633] {strides = array<i32>} : memref<128x128xf32, #tpu.memory_space<vmem>>, vector<1x16xf32>,
        %swap3A_1635 = vector.shape_cast %swap3A_1634 : vector<1x16xf32> to vector<16xf32>
        %swap3A_1636 = vector.shape_cast %mul3A_1631 : vector<16xf32> to vector<1x16xf32>
        tpu.vector_store %arg11[%swap3A_1632, %swap3A_1633], %swap3A_1636 {strides = array<i32>} : memref<128x128xf32, #tpu.memory_space<vmem>>, vector<1x16xf32>,
        %slice3A_1637 = vector.extract_strided_slice %get3A_49 {offsets = [15], sizes = [1], strides = [1]} : vector<16xf32> to vector<1xf32>
        %squeeze3A_1638 = vector.extract %slice3A_1637[0] : f32 from vector<1xf32>
        %add3A_1639 = arith.constant 15 : i32
        %add3A_1640 = arith.addi %add3A_46, %add3A_1639 : i32
        %get3A_1641 = arith.index_cast %add3A_1640 : i32 to index
        %get3A_1642 = arith.constant 0 : index
        %get3A_1643 = tpu.vector_load %arg11[%get3A_1641, %get3A_1642] {strides = array<i32>} : memref<128x128xf32, #tpu.memory_space<vmem>>, vector<1x16xf32>,
        %get3A_1644 = vector.shape_cast %get3A_1643 : vector<1x16xf32> to vector<16xf32>
        %mul3A_1645 = vector.broadcast %squeeze3A_1638 : f32 to vector<16xf32>
        %mul3A_1646 = arith.mulf %get3A_1644, %mul3A_1645 : vector<16xf32>
        %swap3A_1647 = arith.index_cast %add3A_1640 : i32 to index
        %swap3A_1648 = arith.constant 0 : index
        %swap3A_1649 = tpu.vector_load %arg11[%swap3A_1647, %swap3A_1648] {strides = array<i32>} : memref<128x128xf32, #tpu.memory_space<vmem>>, vector<1x16xf32>,
        %swap3A_1650 = vector.shape_cast %swap3A_1649 : vector<1x16xf32> to vector<16xf32>
        %swap3A_1651 = vector.shape_cast %mul3A_1646 : vector<16xf32> to vector<1x16xf32>
        tpu.vector_store %arg11[%swap3A_1647, %swap3A_1648], %swap3A_1651 {strides = array<i32>} : memref<128x128xf32, #tpu.memory_space<vmem>>, vector<1x16xf32>,
        %add3A_1652 = arith.constant 15 : i32
        %add3A_1653 = arith.addi %add3A_46, %add3A_1652 : i32
        %get3A_1654 = arith.index_cast %add3A_1653 : i32 to index
        %get3A_1655 = arith.constant 16 : index
        %get3A_1656 = tpu.vector_load %arg11[%get3A_1654, %get3A_1655] {strides = array<i32>} : memref<128x128xf32, #tpu.memory_space<vmem>>, vector<1x16xf32>,
        %get3A_1657 = vector.shape_cast %get3A_1656 : vector<1x16xf32> to vector<16xf32>
        %mul3A_1658 = vector.broadcast %squeeze3A_1638 : f32 to vector<16xf32>
        %mul3A_1659 = arith.mulf %get3A_1657, %mul3A_1658 : vector<16xf32>
        %swap3A_1660 = arith.index_cast %add3A_1653 : i32 to index
        %swap3A_1661 = arith.constant 16 : index
        %swap3A_1662 = tpu.vector_load %arg11[%swap3A_1660, %swap3A_1661] {strides = array<i32>} : memref<128x128xf32, #tpu.memory_space<vmem>>, vector<1x16xf32>,
        %swap3A_1663 = vector.shape_cast %swap3A_1662 : vector<1x16xf32> to vector<16xf32>
        %swap3A_1664 = vector.shape_cast %mul3A_1659 : vector<16xf32> to vector<1x16xf32>
        tpu.vector_store %arg11[%swap3A_1660, %swap3A_1661], %swap3A_1664 {strides = array<i32>} : memref<128x128xf32, #tpu.memory_space<vmem>>, vector<1x16xf32>,
        %add3A_1665 = arith.constant 15 : i32
        %add3A_1666 = arith.addi %add3A_46, %add3A_1665 : i32
        %get3A_1667 = arith.index_cast %add3A_1666 : i32 to index
        %get3A_1668 = arith.constant 32 : index
        %get3A_1669 = tpu.vector_load %arg11[%get3A_1667, %get3A_1668] {strides = array<i32>} : memref<128x128xf32, #tpu.memory_space<vmem>>, vector<1x16xf32>,
        %get3A_1670 = vector.shape_cast %get3A_1669 : vector<1x16xf32> to vector<16xf32>
        %mul3A_1671 = vector.broadcast %squeeze3A_1638 : f32 to vector<16xf32>
        %mul3A_1672 = arith.mulf %get3A_1670, %mul3A_1671 : vector<16xf32>
        %swap3A_1673 = arith.index_cast %add3A_1666 : i32 to index
        %swap3A_1674 = arith.constant 32 : index
        %swap3A_1675 = tpu.vector_load %arg11[%swap3A_1673, %swap3A_1674] {strides = array<i32>} : memref<128x128xf32, #tpu.memory_space<vmem>>, vector<1x16xf32>,
        %swap3A_1676 = vector.shape_cast %swap3A_1675 : vector<1x16xf32> to vector<16xf32>
        %swap3A_1677 = vector.shape_cast %mul3A_1672 : vector<16xf32> to vector<1x16xf32>
        tpu.vector_store %arg11[%swap3A_1673, %swap3A_1674], %swap3A_1677 {strides = array<i32>} : memref<128x128xf32, #tpu.memory_space<vmem>>, vector<1x16xf32>,
        %add3A_1678 = arith.constant 15 : i32
        %add3A_1679 = arith.addi %add3A_46, %add3A_1678 : i32
        %get3A_1680 = arith.index_cast %add3A_1679 : i32 to index
        %get3A_1681 = arith.constant 48 : index
        %get3A_1682 = tpu.vector_load %arg11[%get3A_1680, %get3A_1681] {strides = array<i32>} : memref<128x128xf32, #tpu.memory_space<vmem>>, vector<1x16xf32>,
        %get3A_1683 = vector.shape_cast %get3A_1682 : vector<1x16xf32> to vector<16xf32>
        %mul3A_1684 = vector.broadcast %squeeze3A_1638 : f32 to vector<16xf32>
        %mul3A_1685 = arith.mulf %get3A_1683, %mul3A_1684 : vector<16xf32>
        %swap3A_1686 = arith.index_cast %add3A_1679 : i32 to index
        %swap3A_1687 = arith.constant 48 : index
        %swap3A_1688 = tpu.vector_load %arg11[%swap3A_1686, %swap3A_1687] {strides = array<i32>} : memref<128x128xf32, #tpu.memory_space<vmem>>, vector<1x16xf32>,
        %swap3A_1689 = vector.shape_cast %swap3A_1688 : vector<1x16xf32> to vector<16xf32>
        %swap3A_1690 = vector.shape_cast %mul3A_1685 : vector<16xf32> to vector<1x16xf32>
        tpu.vector_store %arg11[%swap3A_1686, %swap3A_1687], %swap3A_1690 {strides = array<i32>} : memref<128x128xf32, #tpu.memory_space<vmem>>, vector<1x16xf32>,
        %add3A_1691 = arith.constant 15 : i32
        %add3A_1692 = arith.addi %add3A_46, %add3A_1691 : i32
        %get3A_1693 = arith.index_cast %add3A_1692 : i32 to index
        %get3A_1694 = arith.constant 64 : index
        %get3A_1695 = tpu.vector_load %arg11[%get3A_1693, %get3A_1694] {strides = array<i32>} : memref<128x128xf32, #tpu.memory_space<vmem>>, vector<1x16xf32>,
        %get3A_1696 = vector.shape_cast %get3A_1695 : vector<1x16xf32> to vector<16xf32>
        %mul3A_1697 = vector.broadcast %squeeze3A_1638 : f32 to vector<16xf32>
        %mul3A_1698 = arith.mulf %get3A_1696, %mul3A_1697 : vector<16xf32>
        %swap3A_1699 = arith.index_cast %add3A_1692 : i32 to index
        %swap3A_1700 = arith.constant 64 : index
        %swap3A_1701 = tpu.vector_load %arg11[%swap3A_1699, %swap3A_1700] {strides = array<i32>} : memref<128x128xf32, #tpu.memory_space<vmem>>, vector<1x16xf32>,
        %swap3A_1702 = vector.shape_cast %swap3A_1701 : vector<1x16xf32> to vector<16xf32>
        %swap3A_1703 = vector.shape_cast %mul3A_1698 : vector<16xf32> to vector<1x16xf32>
        tpu.vector_store %arg11[%swap3A_1699, %swap3A_1700], %swap3A_1703 {strides = array<i32>} : memref<128x128xf32, #tpu.memory_space<vmem>>, vector<1x16xf32>,
        %add3A_1704 = arith.constant 15 : i32
        %add3A_1705 = arith.addi %add3A_46, %add3A_1704 : i32
        %get3A_1706 = arith.index_cast %add3A_1705 : i32 to index
        %get3A_1707 = arith.constant 80 : index
        %get3A_1708 = tpu.vector_load %arg11[%get3A_1706, %get3A_1707] {strides = array<i32>} : memref<128x128xf32, #tpu.memory_space<vmem>>, vector<1x16xf32>,
        %get3A_1709 = vector.shape_cast %get3A_1708 : vector<1x16xf32> to vector<16xf32>
        %mul3A_1710 = vector.broadcast %squeeze3A_1638 : f32 to vector<16xf32>
        %mul3A_1711 = arith.mulf %get3A_1709, %mul3A_1710 : vector<16xf32>
        %swap3A_1712 = arith.index_cast %add3A_1705 : i32 to index
        %swap3A_1713 = arith.constant 80 : index
        %swap3A_1714 = tpu.vector_load %arg11[%swap3A_1712, %swap3A_1713] {strides = array<i32>} : memref<128x128xf32, #tpu.memory_space<vmem>>, vector<1x16xf32>,
        %swap3A_1715 = vector.shape_cast %swap3A_1714 : vector<1x16xf32> to vector<16xf32>
        %swap3A_1716 = vector.shape_cast %mul3A_1711 : vector<16xf32> to vector<1x16xf32>
        tpu.vector_store %arg11[%swap3A_1712, %swap3A_1713], %swap3A_1716 {strides = array<i32>} : memref<128x128xf32, #tpu.memory_space<vmem>>, vector<1x16xf32>,
        %add3A_1717 = arith.constant 15 : i32
        %add3A_1718 = arith.addi %add3A_46, %add3A_1717 : i32
        %get3A_1719 = arith.index_cast %add3A_1718 : i32 to index
        %get3A_1720 = arith.constant 96 : index
        %get3A_1721 = tpu.vector_load %arg11[%get3A_1719, %get3A_1720] {strides = array<i32>} : memref<128x128xf32, #tpu.memory_space<vmem>>, vector<1x16xf32>,
        %get3A_1722 = vector.shape_cast %get3A_1721 : vector<1x16xf32> to vector<16xf32>
        %mul3A_1723 = vector.broadcast %squeeze3A_1638 : f32 to vector<16xf32>
        %mul3A_1724 = arith.mulf %get3A_1722, %mul3A_1723 : vector<16xf32>
        %swap3A_1725 = arith.index_cast %add3A_1718 : i32 to index
        %swap3A_1726 = arith.constant 96 : index
        %swap3A_1727 = tpu.vector_load %arg11[%swap3A_1725, %swap3A_1726] {strides = array<i32>} : memref<128x128xf32, #tpu.memory_space<vmem>>, vector<1x16xf32>,
        %swap3A_1728 = vector.shape_cast %swap3A_1727 : vector<1x16xf32> to vector<16xf32>
        %swap3A_1729 = vector.shape_cast %mul3A_1724 : vector<16xf32> to vector<1x16xf32>
        tpu.vector_store %arg11[%swap3A_1725, %swap3A_1726], %swap3A_1729 {strides = array<i32>} : memref<128x128xf32, #tpu.memory_space<vmem>>, vector<1x16xf32>,
        %add3A_1730 = arith.constant 15 : i32
        %add3A_1731 = arith.addi %add3A_46, %add3A_1730 : i32
        %get3A_1732 = arith.index_cast %add3A_1731 : i32 to index
        %get3A_1733 = arith.constant 112 : index
        %get3A_1734 = tpu.vector_load %arg11[%get3A_1732, %get3A_1733] {strides = array<i32>} : memref<128x128xf32, #tpu.memory_space<vmem>>, vector<1x16xf32>,
        %get3A_1735 = vector.shape_cast %get3A_1734 : vector<1x16xf32> to vector<16xf32>
        %mul3A_1736 = vector.broadcast %squeeze3A_1638 : f32 to vector<16xf32>
        %mul3A_1737 = arith.mulf %get3A_1735, %mul3A_1736 : vector<16xf32>
        %swap3A_1738 = arith.index_cast %add3A_1731 : i32 to index
        %swap3A_1739 = arith.constant 112 : index
        %swap3A_1740 = tpu.vector_load %arg11[%swap3A_1738, %swap3A_1739] {strides = array<i32>} : memref<128x128xf32, #tpu.memory_space<vmem>>, vector<1x16xf32>,
        %swap3A_1741 = vector.shape_cast %swap3A_1740 : vector<1x16xf32> to vector<16xf32>
        %swap3A_1742 = vector.shape_cast %mul3A_1737 : vector<16xf32> to vector<1x16xf32>
        tpu.vector_store %arg11[%swap3A_1738, %swap3A_1739], %swap3A_1742 {strides = array<i32>} : memref<128x128xf32, #tpu.memory_space<vmem>>, vector<1x16xf32>,
      }
      %scan3A_41 = arith.constant 8 : i32
      "tpu.region"() ({
        %run_scoped3A = tpu.sem_alloc : memref<!tpu.dma_semaphore, #tpu.memory_space<semaphore_mem>>
        %dma_start3A = arith.constant 0 : i32
        %dma_start3A_42 = tpu.memref_slice %arg9[%add3A_36, %dma_start3A] : memref<79x128xi32, #tpu.memory_space<vmem>> -> memref<1x128xi32, #tpu.memory_space<vmem>>
        %dma_start3A_43 = tpu.memref_squeeze %dma_start3A_42 : memref<1x128xi32, #tpu.memory_space<vmem>> -> memref<128xi32, #tpu.memory_space<vmem>>
        %dma_start3A_44 = arith.constant 0 : i32
        %dma_start3A_45 = arith.constant 0 : i32
        %dma_start3A_46 = tpu.memref_slice %arg7[%dma_start3A_44, %dma_start3A_45] : memref<10000x128xf32, #tpu.memory_space<vmem_shared>> -> memref<10000x128xf32, #tpu.memory_space<vmem_shared>>
        tpu.enqueue_indirect_dma source(%arg11 : memref<128x128xf32, #tpu.memory_space<vmem>>) target(%dma_start3A_46 : memref<10000x128xf32, #tpu.memory_space<vmem_shared>>) offsets(%dma_start3A_43 : memref<128xi32, #tpu.memory_space<vmem>>) semaphore(%run_scoped3A : memref<!tpu.dma_semaphore, #tpu.memory_space<semaphore_mem>>) {add = true}
        %dma_wait3A = arith.constant 0 : i32
        %dma_wait3A_47 = tpu.memref_slice %arg9[%add3A_36, %dma_wait3A] : memref<79x128xi32, #tpu.memory_space<vmem>> -> memref<1x128xi32, #tpu.memory_space<vmem>>
        %dma_wait3A_48 = tpu.memref_squeeze %dma_wait3A_47 : memref<1x128xi32, #tpu.memory_space<vmem>> -> memref<128xi32, #tpu.memory_space<vmem>>
        %dma_wait3A_49 = arith.constant 0 : i32
        %dma_wait3A_50 = arith.constant 0 : i32
        %dma_wait3A_51 = tpu.memref_slice %arg7[%dma_wait3A_49, %dma_wait3A_50] : memref<10000x128xf32, #tpu.memory_space<vmem_shared>> -> memref<10000x128xf32, #tpu.memory_space<vmem_shared>>
        tpu.wait_indirect_dma semaphore(%run_scoped3A : memref<!tpu.dma_semaphore, #tpu.memory_space<semaphore_mem>>) src(%arg11 : memref<128x128xf32, #tpu.memory_space<vmem>>) dst(%dma_wait3A_51 : memref<10000x128xf32, #tpu.memory_space<vmem_shared>>)
        tpu.yield
      }) : () -> ()
    }
    %scan3A_21 = arith.constant 79 : i32
    %barrier3A_22 = arith.constant 0 : index
    tpu.barrier barrier_id(%barrier3A_22)
    %mul3A_23 = arith.constant 624 : i32
    %mul3A_24 = arith.muli %arg1, %mul3A_23 : i32
    %mul3A_25 = arith.constant 624 : i32
    %mul3A_26 = arith.muli %arg1, %mul3A_25 : i32
    "tpu.region"() ({
      %run_scoped3A = tpu.sem_alloc : memref<!tpu.dma_semaphore, #tpu.memory_space<semaphore_mem>>
      %dma_start3A = arith.constant 0 : i32
      %dma_start3A_32 = tpu.memref_slice %arg6[%arg0, %mul3A_26, %dma_start3A] : memref<2x10000x128xf32, #tpu.memory_space<hbm>> -> memref<1x624x128xf32, #tpu.memory_space<hbm>>
      %dma_start3A_33 = tpu.memref_squeeze %dma_start3A_32 : memref<1x624x128xf32, #tpu.memory_space<hbm>> -> memref<624x128xf32, #tpu.memory_space<hbm>>
      %dma_start3A_34 = arith.constant 0 : i32
      %dma_start3A_35 = tpu.memref_slice %arg7[%mul3A_24, %dma_start3A_34] : memref<10000x128xf32, #tpu.memory_space<vmem_shared>> -> memref<624x128xf32, #tpu.memory_space<vmem_shared>>
      tpu.enqueue_dma source(%dma_start3A_35 : memref<624x128xf32, #tpu.memory_space<vmem_shared>>) target(%dma_start3A_33 : memref<624x128xf32, #tpu.memory_space<hbm>>) target_semaphore(%run_scoped3A : memref<!tpu.dma_semaphore, #tpu.memory_space<semaphore_mem>>)
      %dma_wait3A = arith.constant 0 : i32
      %dma_wait3A_36 = tpu.memref_slice %arg6[%arg0, %mul3A_26, %dma_wait3A] : memref<2x10000x128xf32, #tpu.memory_space<hbm>> -> memref<1x624x128xf32, #tpu.memory_space<hbm>>
      %dma_wait3A_37 = tpu.memref_squeeze %dma_wait3A_36 : memref<1x624x128xf32, #tpu.memory_space<hbm>> -> memref<624x128xf32, #tpu.memory_space<hbm>>
      %dma_wait3A_38 = arith.constant 0 : i32
      %dma_wait3A_39 = tpu.memref_slice %arg7[%mul3A_24, %dma_wait3A_38] : memref<10000x128xf32, #tpu.memory_space<vmem_shared>> -> memref<624x128xf32, #tpu.memory_space<vmem_shared>>
      tpu.wait_dma2 semaphore(%run_scoped3A : memref<!tpu.dma_semaphore, #tpu.memory_space<semaphore_mem>>) src(%dma_wait3A_39 : memref<624x128xf32, #tpu.memory_space<vmem_shared>>) dst(%dma_wait3A_37 : memref<624x128xf32, #tpu.memory_space<hbm>>)
      tpu.yield
    }) : () -> ()
    %eq3A_27 = arith.constant 0 : i32
    %eq3A_28 = arith.cmpi eq, %arg1, %eq3A_27 : i32
    %convert_element_type3A_29 = arith.extui %eq3A_28 : i1 to i32
    %cond3A_30 = arith.constant 0 : i32
    %cond3A_31 = arith.cmpi ne, %convert_element_type3A_29, %cond3A_30 : i32
    scf.if %cond3A_31 {
      "tpu.region"() ({
        %run_scoped3A = tpu.sem_alloc : memref<!tpu.dma_semaphore, #tpu.memory_space<semaphore_mem>>
        %dma_start3A = arith.constant 9984 : i32
        %dma_start3A_32 = arith.constant 0 : i32
        %dma_start3A_33 = tpu.memref_slice %arg6[%arg0, %dma_start3A, %dma_start3A_32] : memref<2x10000x128xf32, #tpu.memory_space<hbm>> -> memref<1x16x128xf32, #tpu.memory_space<hbm>>
        %dma_start3A_34 = tpu.memref_squeeze %dma_start3A_33 : memref<1x16x128xf32, #tpu.memory_space<hbm>> -> memref<16x128xf32, #tpu.memory_space<hbm>>
        %dma_start3A_35 = arith.constant 9984 : i32
        %dma_start3A_36 = arith.constant 0 : i32
        %dma_start3A_37 = tpu.memref_slice %arg7[%dma_start3A_35, %dma_start3A_36] : memref<10000x128xf32, #tpu.memory_space<vmem_shared>> -> memref<16x128xf32, #tpu.memory_space<vmem_shared>>
        tpu.enqueue_dma source(%dma_start3A_37 : memref<16x128xf32, #tpu.memory_space<vmem_shared>>) target(%dma_start3A_34 : memref<16x128xf32, #tpu.memory_space<hbm>>) target_semaphore(%run_scoped3A : memref<!tpu.dma_semaphore, #tpu.memory_space<semaphore_mem>>)
        %dma_wait3A = arith.constant 9984 : i32
        %dma_wait3A_38 = arith.constant 0 : i32
        %dma_wait3A_39 = tpu.memref_slice %arg6[%arg0, %dma_wait3A, %dma_wait3A_38] : memref<2x10000x128xf32, #tpu.memory_space<hbm>> -> memref<1x16x128xf32, #tpu.memory_space<hbm>>
        %dma_wait3A_40 = tpu.memref_squeeze %dma_wait3A_39 : memref<1x16x128xf32, #tpu.memory_space<hbm>> -> memref<16x128xf32, #tpu.memory_space<hbm>>
        %dma_wait3A_41 = arith.constant 9984 : i32
        %dma_wait3A_42 = arith.constant 0 : i32
        %dma_wait3A_43 = tpu.memref_slice %arg7[%dma_wait3A_41, %dma_wait3A_42] : memref<10000x128xf32, #tpu.memory_space<vmem_shared>> -> memref<16x128xf32, #tpu.memory_space<vmem_shared>>
        tpu.wait_dma2 semaphore(%run_scoped3A : memref<!tpu.dma_semaphore, #tpu.memory_space<semaphore_mem>>) src(%dma_wait3A_43 : memref<16x128xf32, #tpu.memory_space<vmem_shared>>) dst(%dma_wait3A_40 : memref<16x128xf32, #tpu.memory_space<hbm>>)
        tpu.yield
      }) : () -> ()
    } else {
    }
    return
  }
}

module attributes {stable_mosaic.version = 14 : i64} {
  func.func @body(%arg0: i32, %arg1: memref<2x1000x128xf32, #tpu.memory_space<vmem>>, %arg2: memref<1000x128xf32, #tpu.memory_space<vmem>>) attributes {dimension_semantics = [#tpu.dimension_semantics<arbitrary>], iteration_bounds = array<i64: 10>, scalar_prefetch = 0 : i64, scratch_operands = 0 : i64, tpu.core_type = #tpu.core_type<tc>, window_params = [{transform_indices = @transform_0, window_bounds = array<i64: 2, 1000, 128>}, {transform_indices = @transform_1, window_bounds = array<i64: 1000, 128>}]} {
    %get3A = arith.constant 0 : index
    %get3A_0 = arith.constant 0 : index
    %get3A_1 = arith.constant 0 : index
    %get3A_2 = vector.load %arg1[%get3A, %get3A_0, %get3A_1] : memref<2x1000x128xf32, #tpu.memory_space<vmem>>, vector<1x1000x128xf32>
    %get3A_3 = vector.shape_cast %get3A_2 : vector<1x1000x128xf32> to vector<1000x128xf32>
    %get3A_4 = arith.constant 1 : index
    %get3A_5 = arith.constant 0 : index
    %get3A_6 = arith.constant 0 : index
    %get3A_7 = vector.load %arg1[%get3A_4, %get3A_5, %get3A_6] : memref<2x1000x128xf32, #tpu.memory_space<vmem>>, vector<1x1000x128xf32>
    %get3A_8 = vector.shape_cast %get3A_7 : vector<1x1000x128xf32> to vector<1000x128xf32>
    %add3A = arith.addf %get3A_3, %get3A_8 : vector<1000x128xf32>
    %swap3A = arith.constant 0 : index
    %swap3A_9 = arith.constant 0 : index
    %swap3A_10 = vector.load %arg2[%swap3A, %swap3A_9] : memref<1000x128xf32, #tpu.memory_space<vmem>>, vector<1000x128xf32>
    tpu.vector_store %arg2[%swap3A, %swap3A_9], %add3A {strides = array<i32>} : memref<1000x128xf32, #tpu.memory_space<vmem>>, vector<1000x128xf32>,
    return
  }
  func.func @transform_0(%arg0: i32) -> (i32, i32, i32) {
    %c0_i32 = arith.constant 0 : i32
    %c0_i32_0 = arith.constant 0 : i32
    %c0_i32_1 = arith.constant 0 : i32
    return %c0_i32, %arg0, %c0_i32_0 : i32, i32, i32
  }
  func.func @transform_1(%arg0: i32) -> (i32, i32) {
    %c0_i32 = arith.constant 0 : i32
    %c0_i32_0 = arith.constant 0 : i32
    return %arg0, %c0_i32 : i32, i32
  }
}

module attributes {stable_mosaic.version = 14 : i64} {
  func.func @body(%arg0: i32, %arg1: memref<2x1000x128xf32, #tpu.memory_space<vmem>>, %arg2: memref<1000x128xf32, #tpu.memory_space<vmem>>, %arg3: memref<1000x1xf32, #tpu.memory_space<vmem>>, %arg4: memref<1000x128xf32, #tpu.memory_space<vmem>>) attributes {dimension_semantics = [#tpu.dimension_semantics<arbitrary>], iteration_bounds = array<i64: 10>, scalar_prefetch = 0 : i64, scratch_operands = 0 : i64, tpu.core_type = #tpu.core_type<tc>, window_params = [{transform_indices = @transform_0, window_bounds = array<i64: 2, 1000, 128>}, {transform_indices = @transform_1, window_bounds = array<i64: 1000, 128>}, {transform_indices = @transform_2, window_bounds = array<i64: 1000, 1>}, {transform_indices = @transform_3, window_bounds = array<i64: 1000, 128>}]} {
    %get3A = arith.constant 0 : index
    %get3A_0 = arith.constant 0 : index
    %get3A_1 = arith.constant 0 : index
    %get3A_2 = vector.load %arg1[%get3A, %get3A_0, %get3A_1] : memref<2x1000x128xf32, #tpu.memory_space<vmem>>, vector<1x1000x128xf32>
    %get3A_3 = vector.shape_cast %get3A_2 : vector<1x1000x128xf32> to vector<1000x128xf32>
    %get3A_4 = arith.constant 1 : index
    %get3A_5 = arith.constant 0 : index
    %get3A_6 = arith.constant 0 : index
    %get3A_7 = vector.load %arg1[%get3A_4, %get3A_5, %get3A_6] : memref<2x1000x128xf32, #tpu.memory_space<vmem>>, vector<1x1000x128xf32>
    %get3A_8 = vector.shape_cast %get3A_7 : vector<1x1000x128xf32> to vector<1000x128xf32>
    %add3A = arith.addf %get3A_3, %get3A_8 : vector<1000x128xf32>
    %get3A_9 = arith.constant 0 : index
    %get3A_10 = arith.constant 0 : index
    %get3A_11 = vector.load %arg3[%get3A_9, %get3A_10] : memref<1000x1xf32, #tpu.memory_space<vmem>>, vector<1000x1xf32>
    %mul3A = vector.broadcast %get3A_11 : vector<1000x1xf32> to vector<1000x128xf32>
    %mul3A_12 = arith.mulf %add3A, %mul3A : vector<1000x128xf32>
    %get3A_13 = arith.constant 0 : index
    %get3A_14 = arith.constant 0 : index
    %get3A_15 = vector.load %arg2[%get3A_13, %get3A_14] : memref<1000x128xf32, #tpu.memory_space<vmem>>, vector<1000x128xf32>
    %sub3A = arith.subf %mul3A_12, %get3A_15 : vector<1000x128xf32>
    %jit3A = arith.constant -1.000000e+01 : f32
    %jit3A_16 = arith.constant 1.000000e+01 : f32
    %max3A = vector.broadcast %jit3A : f32 to vector<1000x128xf32>
    %max3A_17 = arith.maximumf %max3A, %sub3A : vector<1000x128xf32>
    %min3A = vector.broadcast %jit3A_16 : f32 to vector<1000x128xf32>
    %min3A_18 = arith.minimumf %min3A, %max3A_17 : vector<1000x128xf32>
    %swap3A = arith.constant 0 : index
    %swap3A_19 = arith.constant 0 : index
    %swap3A_20 = vector.load %arg4[%swap3A, %swap3A_19] : memref<1000x128xf32, #tpu.memory_space<vmem>>, vector<1000x128xf32>
    tpu.vector_store %arg4[%swap3A, %swap3A_19], %min3A_18 {strides = array<i32>} : memref<1000x128xf32, #tpu.memory_space<vmem>>, vector<1000x128xf32>,
    return
  }
  func.func @transform_0(%arg0: i32) -> (i32, i32, i32) {
    %c0_i32 = arith.constant 0 : i32
    %c0_i32_0 = arith.constant 0 : i32
    %c0_i32_1 = arith.constant 0 : i32
    return %c0_i32, %arg0, %c0_i32_0 : i32, i32, i32
  }
  func.func @transform_1(%arg0: i32) -> (i32, i32) {
    %c0_i32 = arith.constant 0 : i32
    %c0_i32_0 = arith.constant 0 : i32
    return %arg0, %c0_i32 : i32, i32
  }
  func.func @transform_2(%arg0: i32) -> (i32, i32) {
    %c0_i32 = arith.constant 0 : i32
    %c0_i32_0 = arith.constant 0 : i32
    return %arg0, %c0_i32 : i32, i32
  }
  func.func @transform_3(%arg0: i32) -> (i32, i32) {
    %c0_i32 = arith.constant 0 : i32
    %c0_i32_0 = arith.constant 0 : i32
    return %arg0, %c0_i32 : i32, i32
  }
}

module attributes {stable_mosaic.version = 14 : i64} {
  func.func @body(%arg0: i32, %arg1: memref<1000x128xf32, #tpu.memory_space<vmem>>, %arg2: memref<128x64xf32, #tpu.memory_space<vmem>>, %arg3: memref<1x64xf32, #tpu.memory_space<vmem>>, %arg4: memref<64x1xf32, #tpu.memory_space<vmem>>, %arg5: memref<1x1xf32, #tpu.memory_space<vmem>>, %arg6: memref<1000x1xf32, #tpu.memory_space<vmem>>) attributes {dimension_semantics = [#tpu.dimension_semantics<arbitrary>], iteration_bounds = array<i64: 10>, scalar_prefetch = 0 : i64, scratch_operands = 0 : i64, tpu.core_type = #tpu.core_type<tc>, window_params = [{transform_indices = @transform_0, window_bounds = array<i64: 1000, 128>}, {pipeline_mode = #tpu.pipeline_mode<synchronous>, transform_indices = @transform_1, window_bounds = array<i64: 128, 64>}, {pipeline_mode = #tpu.pipeline_mode<synchronous>, transform_indices = @transform_2, window_bounds = array<i64: 1, 64>}, {pipeline_mode = #tpu.pipeline_mode<synchronous>, transform_indices = @transform_3, window_bounds = array<i64: 64, 1>}, {pipeline_mode = #tpu.pipeline_mode<synchronous>, transform_indices = @transform_4, window_bounds = array<i64: 1, 1>}, {transform_indices = @transform_5, window_bounds = array<i64: 1000, 1>}]} {
    %get3A = arith.constant 0 : index
    %get3A_0 = arith.constant 0 : index
    %get3A_1 = vector.load %arg1[%get3A, %get3A_0] : memref<1000x128xf32, #tpu.memory_space<vmem>>, vector<1000x128xf32>
    %get3A_2 = arith.constant 0 : index
    %get3A_3 = arith.constant 0 : index
    %get3A_4 = vector.load %arg2[%get3A_2, %get3A_3] : memref<128x64xf32, #tpu.memory_space<vmem>>, vector<128x64xf32>
    %dot_general3A = arith.constant dense<0.000000e+00> : vector<1000x64xf32>
    %dot_general3A_5 = tpu.matmul %get3A_1, %get3A_4, %dot_general3A {dimension_numbers = #tpu.dot_dimension_numbers<[1], [0], [0], [1], [0, 0, 1, 1], [], []>, transpose_lhs_hint = false} : vector<1000x128xf32>, vector<128x64xf32>, vector<1000x64xf32> -> vector<1000x64xf32>
    %get3A_6 = arith.constant 0 : index
    %get3A_7 = arith.constant 0 : index
    %get3A_8 = vector.load %arg3[%get3A_6, %get3A_7] : memref<1x64xf32, #tpu.memory_space<vmem>>, vector<1x64xf32>
    %add3A = vector.broadcast %get3A_8 : vector<1x64xf32> to vector<1000x64xf32>
    %add3A_9 = arith.addf %dot_general3A_5, %add3A : vector<1000x64xf32>
    %max3A = arith.constant 0.000000e+00 : f32
    %max3A_10 = vector.broadcast %max3A : f32 to vector<1000x64xf32>
    %max3A_11 = arith.maximumf %add3A_9, %max3A_10 : vector<1000x64xf32>
    %get3A_12 = arith.constant 0 : index
    %get3A_13 = arith.constant 0 : index
    %get3A_14 = vector.load %arg4[%get3A_12, %get3A_13] : memref<64x1xf32, #tpu.memory_space<vmem>>, vector<64x1xf32>
    %dot_general3A_15 = arith.constant dense<0.000000e+00> : vector<1000x1xf32>
    %dot_general3A_16 = tpu.matmul %max3A_11, %get3A_14, %dot_general3A_15 {dimension_numbers = #tpu.dot_dimension_numbers<[1], [0], [0], [1], [0, 0, 1, 1], [], []>, transpose_lhs_hint = false} : vector<1000x64xf32>, vector<64x1xf32>, vector<1000x1xf32> -> vector<1000x1xf32>
    %get3A_17 = arith.constant 0 : index
    %get3A_18 = arith.constant 0 : index
    %get3A_19 = vector.load %arg5[%get3A_17, %get3A_18] : memref<1x1xf32, #tpu.memory_space<vmem>>, vector<1x1xf32>
    %add3A_20 = vector.broadcast %get3A_19 : vector<1x1xf32> to vector<1000x1xf32>
    %add3A_21 = arith.addf %dot_general3A_16, %add3A_20 : vector<1000x1xf32>
    %logistic3A = arith.negf %add3A_21 : vector<1000x1xf32>
    %logistic3A_22 = math.exp %logistic3A : vector<1000x1xf32>
    %logistic3A_23 = arith.constant 1.000000e+00 : f32
    %logistic3A_24 = vector.broadcast %logistic3A_23 : f32 to vector<1000x1xf32>
    %logistic3A_25 = arith.addf %logistic3A_24, %logistic3A_22 : vector<1000x1xf32>
    %logistic3A_26 = arith.divf %logistic3A_24, %logistic3A_25 : vector<1000x1xf32>
    %swap3A = arith.constant 0 : index
    %swap3A_27 = arith.constant 0 : index
    %swap3A_28 = vector.load %arg6[%swap3A, %swap3A_27] : memref<1000x1xf32, #tpu.memory_space<vmem>>, vector<1000x1xf32>
    tpu.vector_store %arg6[%swap3A, %swap3A_27], %logistic3A_26 {strides = array<i32>} : memref<1000x1xf32, #tpu.memory_space<vmem>>, vector<1000x1xf32>,
    return
  }
  func.func @transform_0(%arg0: i32) -> (i32, i32) {
    %c0_i32 = arith.constant 0 : i32
    %c0_i32_0 = arith.constant 0 : i32
    return %arg0, %c0_i32 : i32, i32
  }
  func.func @transform_1(%arg0: i32) -> (i32, i32) {
    %c0_i32 = arith.constant 0 : i32
    %c0_i32_0 = arith.constant 0 : i32
    %c0_i32_1 = arith.constant 0 : i32
    return %c0_i32, %c0_i32_0 : i32, i32
  }
  func.func @transform_2(%arg0: i32) -> (i32, i32) {
    %c0_i32 = arith.constant 0 : i32
    %c0_i32_0 = arith.constant 0 : i32
    %c0_i32_1 = arith.constant 0 : i32
    return %c0_i32, %c0_i32_0 : i32, i32
  }
  func.func @transform_3(%arg0: i32) -> (i32, i32) {
    %c0_i32 = arith.constant 0 : i32
    %c0_i32_0 = arith.constant 0 : i32
    %c0_i32_1 = arith.constant 0 : i32
    return %c0_i32, %c0_i32_0 : i32, i32
  }
  func.func @transform_4(%arg0: i32) -> (i32, i32) {
    %c0_i32 = arith.constant 0 : i32
    %c0_i32_0 = arith.constant 0 : i32
    %c0_i32_1 = arith.constant 0 : i32
    return %c0_i32, %c0_i32_0 : i32, i32
  }
  func.func @transform_5(%arg0: i32) -> (i32, i32) {
    %c0_i32 = arith.constant 0 : i32
    %c0_i32_0 = arith.constant 0 : i32
    return %arg0, %c0_i32 : i32, i32
  }
}

</mosaic_0001>

<sc_bundles>
// kernel: kernel.10.cloned.1.call-start
scs
__scs_entry_jumppad:
0x0: {  	(pc) =	sbr.rel $0x88, $3  }
0x1: {  	(tag) =	ssettag $0x0;
	lr =	simm.s32 $0x1  }
0x2: {  	[smem:$0x3F9A] =	sst lr;
	_ =	strace $0xD0000000  }
0x3: {  	_ = 	snop  }
0x4: {  	_ = 	snop  }
0x5: {  	_ = 	snop  }
0x6: {  	_ = 	snop  }
0x7: {  	_ = 	snop  }
__scs_overlays_trampoline_lowered:
0x8: {  	[smem:$0x3FA9] =	sst s0  }
0x9: {  	[smem:$0x3FAA] =	sst s1  }
0xa: {  	[smem:$0x3FAB] =	sst s2  }
0xb: {  	[smem:$0x3FAC] =	sst s3  }
0xc: {  	[smem:$0x3FAD] =	sst s4  }
0xd: {  	[smem:$0x3FAE] =	sst s5  }
0xe: {  	[smem:$0x3FAF] =	sst s6  }
0xf: {  	[smem:$0x3FB0] =	sst s7  }
0x10: {  	[smem:$0x3FB1] =	sst s8  }
0x11: {  	[smem:$0x3FB2] =	sst s9;
	s0 =	simm.s32 @!p0 $0x0  }
0x12: {  	s1 =	sld [smem:$0x3F98];
	s0 =	simm.s32 @p0 $0x1  }
0x13: {  	[smem:$0x3FB3] =	sst s0;
	s0 =	simm.s32 @!p1 $0x0  }
0x14: {  	s2 =	sld [smem:$0x3F97];
	s0 =	simm.s32 @p1 $0x1  }
0x15: {  	[smem:$0x3FB4] =	sst s0;
	s0 =	simm.s32 @!p2 $0x0  }
0x16: {  	s3 =	sld [smem:$0x3FDB];
	s0 =	simm.s32 @p2 $0x1  }
0x17: {  	s4 =	simm.s32 $0x1BF5;
	[smem:$0x3FB6] =	sst s0  }
0x18: {  	s0 =	sld [smem:$0x3F99];
	_ =	swait.ge [sflag:s4], $0x0  }
0x19: {  	s7 =	sld [smem:$0x3F9A]  }
0x1a: {  	s8 =	sadd.s32 $0xFFFFE003, lr  }
0x1b: {  	s9 =	sadd.s32 $0xFFFFFEF7, lr;
	s5 =	simm.s32 $0xFFFFFFFF;
	p2 =	slt.u32 s8, $0xFFFFF086  }
0x1c: {  	p1 =	slt.u32 s9, $0xF7A;
	s5 =	simm.s32 @!p2 $0x0  }
0x1d: {  	s5 =	simm.s32 @p1 $0x1;
	p0 =	seq.s32 s7, s2  }
0x1e: {  	s7 =	smul.u32 @!p0 $0xF7A, s2;
	p2 =	seq.s32 @!p0 s5, $0x0  }
0x1f: {  	s9 =	smul.u32 $0xF7A, s1;
	s8 =	simm.s32 @!p0 $0x1BF5;
	p2 =	por !p2, p0  }
0x20: {  	[sflag:s8] =	ssyncset.s32 @!p0 $0xFFFFF086;
	s6 =	sadd.s32 @!p0 s3, s7;
	s7 =	simm.s32 @!p0 $0x108  }
0x21: {  	s3 =	sadd.s32 s3, s9;
	s6 =	sadd.s32 @!p0 $0x88, s6;
	s7 =	simm.s32 @p2 $0x1082  }
0x22: {  	[simem:s7], [sflag:s8] =	dma.local @!p0 [hbm:s6], $0xF7A  }
0x23: {  	s9 =	sor.u32 $0xD0000000, s2;
	s6 =	simm.s32 $0x108;
	_ =	swait.ge @!p0 [sflag:s8], $0x0  }
0x24: {  	s3 =	sadd.s32 $0x88, s3;
	s6 =	simm.s32 @!p1 $0x1082;
	[sflag:s4] =	ssyncset.s32 $0xFFFFF086  }
0x25: {  	[simem:s6], [sflag:s4] =	dma.local [hbm:s3], $0xF7A  }
0x26: {  	[smem:$0x3F9A] =	sst s1;
	(tag) =	ssettag s2;
	_ =	strace s9  }
0x27: {  	s1 =	sld [smem:$0x3FAA]  }
0x28: {  	s2 =	sld [smem:$0x3FAB]  }
0x29: {  	s4 =	sld [smem:$0x3FAD]  }
0x2a: {  	p0 =	seq.s32 s5, $0x0;
	s5 =	sld [smem:$0x3FAE]  }
0x2b: {  	s6 =	sld [smem:$0x3FAF]  }
0x2c: {  	s7 =	sld [smem:$0x3FB0]  }
0x2d: {  	s3 =	simm.s32 $0x108;
	s8 =	sld [smem:$0x3FB1]  }
0x2e: {  	s3 =	simm.s32 @!p0 $0x1082;
	s9 =	sld [smem:$0x3FB2]  }
0x2f: {  	lr =	sadd.s32 s0, s3;
	s0 =	sld [smem:$0x3FA9]  }
0x30: {  	s3 =	sld [smem:$0x3FAC]  }
0x31: {  	[smem:$0x3FB5] =	sst s10  }
0x32: {  	s10 =	sld [smem:$0x3FB3];
	_ =	sdelay $0x3  }
0x33: {  	p0 =	seq.s32 s10, $0x1;
	s10 =	sld [smem:$0x3FB5];
	_ =	sdelay $0x3  }
0x34: {  	[smem:$0x3FB5] =	sst s10  }
0x35: {  	s10 =	sld [smem:$0x3FB4];
	_ =	sdelay $0x3  }
0x36: {  	p1 =	seq.s32 s10, $0x1;
	s10 =	sld [smem:$0x3FB5];
	_ =	sdelay $0x3  }
0x37: {  	[smem:$0x3FB5] =	sst s10  }
0x38: {  	s10 =	sld [smem:$0x3FB6]  }
0x39: {  	_ = 	snop;
	(pc) =	sbr.ind lr, $3  }
0x3a: {  	_ = 	snop  }
0x3b: {  	_ = 	snop  }
0x3c: {  	p2 =	seq.s32 s10, $0x1;
	s10 =	sld [smem:$0x3FB5]  }
0x3d: {  	_ =	shalt  }
0x3e: {  	_ =	shalt  }
0x3f: {  	_ =	shalt  }
0x40: {  	_ =	shalt  }
0x41: {  	_ =	shalt  }
0x42: {  	_ =	shalt  }
0x43: {  	_ =	shalt  }
0x44: {  	_ =	shalt  }
0x45: {  	_ =	shalt  }
0x46: {  	_ =	shalt  }
0x47: {  	_ =	shalt  }
0x48: {  	_ =	shalt  }
0x49: {  	_ =	shalt  }
0x4a: {  	_ =	shalt  }
0x4b: {  	_ =	shalt  }
0x4c: {  	_ =	shalt  }
0x4d: {  	_ =	shalt  }
0x4e: {  	_ =	shalt  }
0x4f: {  	_ =	shalt  }
0x50: {  	_ =	shalt  }
0x51: {  	_ =	shalt  }
0x52: {  	_ =	shalt  }
0x53: {  	_ =	shalt  }
0x54: {  	_ =	shalt  }
0x55: {  	_ =	shalt  }
0x56: {  	_ =	shalt  }
0x57: {  	_ =	shalt  }
0x58: {  	_ =	shalt  }
0x59: {  	_ =	shalt  }
0x5a: {  	_ =	shalt  }
0x5b: {  	_ =	shalt  }
0x5c: {  	_ =	shalt  }
0x5d: {  	_ =	shalt  }
0x5e: {  	_ =	shalt  }
0x5f: {  	_ =	shalt  }
0x60: {  	_ =	shalt  }
0x61: {  	_ =	shalt  }
0x62: {  	_ =	shalt  }
0x63: {  	_ =	shalt  }
0x64: {  	_ =	shalt  }
0x65: {  	_ =	shalt  }
0x66: {  	_ =	shalt  }
0x67: {  	_ =	shalt  }
0x68: {  	_ =	shalt  }
0x69: {  	_ =	shalt  }
0x6a: {  	_ =	shalt  }
0x6b: {  	_ =	shalt  }
0x6c: {  	_ =	shalt  }
0x6d: {  	_ =	shalt  }
0x6e: {  	_ =	shalt  }
0x6f: {  	_ =	shalt  }
0x70: {  	_ =	shalt  }
0x71: {  	_ =	shalt  }
0x72: {  	_ =	shalt  }
0x73: {  	_ =	shalt  }
0x74: {  	_ =	shalt  }
0x75: {  	_ =	shalt  }
0x76: {  	_ =	shalt  }
0x77: {  	_ =	shalt  }
0x78: {  	_ =	shalt  }
0x79: {  	_ =	shalt  }
0x7a: {  	_ =	shalt  }
0x7b: {  	_ =	shalt  }
0x7c: {  	_ =	shalt  }
0x7d: {  	_ =	shalt  }
0x7e: {  	_ =	shalt  }
0x7f: {  	_ =	shalt  }
0x80: {  	_ =	shalt  }
0x81: {  	_ =	shalt  }
0x82: {  	_ =	shalt  }
0x83: {  	_ =	shalt  }
0x84: {  	_ =	shalt  }
0x85: {  	_ =	shalt  }
0x86: {  	_ =	shalt  }
0x87: {  	_ =	shalt  }
.Lfunc_end0:
.L_simem_size_0:
called_computation.1_lowered:
.L_overlay_start_0:
0x88: {  	s2 =	sld [smem:$0x3FD9]  }
0x89: {  	s3 =	sld [smem:$0x3FFE];
	_ =	sdelay $0x1  }
0x8a: {  	s1 =	srdreg.scid  }
0x8b: {  	s0 =	sand.u32 $0x1, s1  }
0x8c: {  	s17 =	sshll.u32 s0, $0xA;
	s2 =	sadd.s32 s3, s2  }
0x8d: {  	s2 =	sadd.s32 s2, s17  }
0x8e: {  	[smem:$0x3FC1] =	sst s2  }
0x8f: {  	_ = 	snop  }
0x90: {  	s2 =	sld [smem:$0x3FD0];
	(tm) =	ssettm $0x1  }
0x91: {  	s18 =	sld [smem:$0x3FFB];
	_ =	sdelay $0x3  }
0x92: {  	_ =	strace s18  }
0x93: {  	s3 =	sld [smem:$0x3FFC];
	_ =	sdelay $0x3  }
0x94: {  	_ =	strace s3  }
0x95: {  	s3 =	sld [smem:$0x3FFD];
	_ =	sdelay $0x3  }
0x96: {  	_ =	strace s3  }
0x97: {  	_ =	strace $0x8FFFFFFF  }
0x98: {  	s19 =	sld [smem:$0x3FDB];
	_ =	sdelay $0x1  }
0x99: {  	s4 =	simm.s32 $_scs_section_size  }
0x9a: {  	s5 =	simm.s32 $_size__tile_overlayer_lowered;
	s6 =	simm.s32 $_tile_overlayer_lowered  }
0x9b: {  	s22 =	simm.s32 $0x1BFF;
	s21 =	sshll.u32 s6, $0x1;
	s3 =	sadd.s32 s4, s19  }
0x9c: {  	s7 =	simm.s32 $0x0;
	s20 =	sshll.u32 s5, $0x1;
	s5 =	sadd.s32 s21, s3  }
0x9d: {  	[timem:s7], [sflag:s22] =	dma.local [hbm:s5], s20  }
0x9e: {  	_ =	swait.ge [sflag:s22], s20  }
0x9f: {  	s4 =	ssub.s32 $0x0, s20;
	[sflag:s22] =	ssyncset.done $0x0  }
0xa0: {  	[sflag:s22] =	ssyncadd.s32 s4;
	_ =	sdelay $0x1  }
0xa1: {  	s23 =	simm.s32 $0x1B8B  }
0xa2: {  	_ =	swait.ge [sflag:s23], $0x1  }
0xa3: {  	[sflag:s23] =	ssyncset.done $0x0  }
0xa4: {  	s25 =	simm.s32 $0x1B8E;
	s24 =	sld [smem:$0x3FFE];
	[sflag:s23] =	ssyncadd.s32 $0xFFFFFFFF  }
0xa5: {  	s26 =	simm.s32 $execute0_lowered;
	[smem:$0x3FD2] =	sst s25  }
0xa6: {  	s5 =	sshll.u32 s26, $0x1;
	_ =	strace $0x80000049;
	[dreg:$0x1] =	wrdreg $0xFFFFFFFF  }
0xa7: {  	s28 =	simm.s32 $_size_execute0_lowered;
	s3 =	sadd.s32 s3, s5;
	[dreg:$0x0] =	wrdreg $0x0  }
0xa8: {  	s5 =	sshll.u32 s28, $0x1;
	[dreg:$0x2] =	wrdreg s3  }
0xa9: {  	[dreg:$0x3] =	wrdreg s5  }
0xaa: {  	[dreg:$0x4] =	wrdreg $0xC0  }
0xab: {  	_ =	task [dreg:s7], $0x5FFFF  }
0xac: {  	[dreg:$0x1] =	wrdreg $0xFFFFFFFF  }
0xad: {  	[dreg:$0x0] =	wrdreg $0x60  }
0xae: {  	[dreg:$0x2] =	wrdreg s2  }
0xaf: {  	[dreg:$0x3] =	wrdreg s24  }
0xb0: {  	[dreg:$0x4] =	wrdreg $0x0  }
0xb1: {  	[dreg:$0x5] =	wrdreg $0x9  }
0xb2: {  	_ =	task.clear_ibuf [dreg:s7], $0x6FFFF;
	_ =	strace $0x90000049  }
0xb3: {  	s29 =	simm.s32 $0x9;
	_ =	strace $0x8000004B  }
0xb4: {  	_ =	swait.ge [sflag:s29], $0x1  }
0xb5: {  	[sflag:s29] =	ssyncadd.s32 $0xFFFFFFFF  }
0xb6: {  	_ =	strace $0x9000004B  }
0xb7: {  	_ =	sfence  }
0xb8: {  	s30 =	sld [smem:$0x0];
	_ =	sdelay $0x2  }
0xb9: {  	s31 =	sshll.u32 s1, $0xD;
	s1 =	sshrl.u32 s1, $0x2  }
0xba: {  	s3 =	sand.u32 $0x4000, s31;
	s1 =	sadd.s32 s1, s30  }
0xbb: {  	s0 =	sor.u32 s3, s0;
	s1 =	sshll.u32 s1, $0x11  }
0xbc: {  	s0 =	sor.u32 s1, s0  }
0xbd: {  	s0 =	sadd.s32 $0x8F2B, s0  }
0xbe: {  	[sflag:s0] =	ssyncadd.remote.s32 $0x1  }
0xbf: {  	_ =	sfence.sel $0xFFFF  }
0xc0: {  	[dreg:$0x0] =	wrdreg $0xFFFFFFFF;
	(pc) =	sbr.abs _section_cstart, $3  }
0xc1: {  	[dreg:$0x1] =	wrdreg $0xFFFFFFFF  }
0xc2: {  	_ =	task.clear_ibuf [dreg:s7], $0x2FFFF;
	_ =	strace $0x9FFFFFFF  }
0xc3: {  	(tm) =	ssettm $0x7FFFFFFF  }
tec
execute0_lowered:
.L_overlay_start_1:
0x0: {  	(tag) =	ssettag $0x1  }
0x1: {  	s0 =	rddreg [dreg:$0x0]  }
0x2: {  	s5 =	rddreg [dreg:$0x1]  }
0x3: {  	s1 =	srdreg.scid;
	s2 =	rddreg [dreg:$0x2]  }
0x4: {  	s3 =	stileid.u32;
	s4 =	simm.s32 $0x0;
	s17 =	simm.s32 $0x13880  }
0x5: {  	s18 =	simm.s32 $0x1;
	s19 =	simm.s32 $0x16080;
	s20 =	simm.s32 $0x18880  }
0x6: {  	s21 =	simm.s32 $0x1B080;
	s22 =	simm.s32 $0x80;
	s23 =	simm.s32 $0x0  }
0x7: {  	s6 =	sand.u32 $0x1, s1;
	s1 =	rddreg [dreg:$0x3];
	s9 =	smul.u32 $0x4E000, s3  }
0x8: {  	[smem:$0x7FF] =	sst s4;
	s11 =	sadd.s32 $0x1F600, s5;
	s12 =	smul.u32 $0x13800, s3  }
0x9: {  	p0 =	sne.s32 s3, $0x0;
	s7 =	sshll.u32 s6, $0x4;
	_ =	strace $0x8000004A  }
0xa: {  	s8 =	ssub.s32 $0x2, s6;
	s10 =	smul.u32 $0x138800, s6;
	s7 =	sor.u32 s3, s7  }
0xb: {  	s30 =	sshrl.u32 s8, $0x1;
	s31 =	sshrl.u32 s9, $0x2;
	s7 =	smul.u32 $0x500, s7  }
0xc: {  	s13 =	ssub.s32 s8, s30;
	s8 =	sadd.s32 s31, s2;
	s12 =	sadd.s32 s12, s10  }
0xd: {  	s10 =	sshrl.u32 s10, $0x3;
	s9 =	sadd.s32 $0x10000, s8;
	s12 =	sshrl.u32 s12, $0x3  }
0xe: {  	s14 =	sadd.s32 s11, s10;
	s10 =	sadd.s32 $0x138000, s2;
	s13 =	smax.u32 s13, $0x1  }
0xf: {  	s15 =	sadd.s32 $0x8000, s8;
	s16 =	sadd.s32 $0xC000, s8;
	s7 =	sadd.s32 s7, s5  }
0x10: {  	s11 =	sadd.s32 s11, s12;
	s12 =	sadd.s32 $0x27000, s14;
	s14 =	sadd.s32 $0x4000, s8  }
0x11: {  	v0 =	vimm.f32 $0.0e+00;
	s5 =	sadd.s32 $0x1600, s7;
	s6 =	sadd.s32 $0xB600, s7;
	s7 =	sadd.s32 $0x15600, s7  }
.LBB2_1:
0x12: {  	[tilespmem:s17], [sflag:$0x1] =	stream.linear.gather [hbm4b:s5+s4], $0x2780, $0x38;
	[tilespmem:$0x1F080] =	vst v63  }
0x13: {  	_ =	swait.ge [sflag:s18], $0x2780  }
0x14: {  	[sflag:s18] =	ssyncset.done $0x0  }
0x15: {  	[sflag:s18] =	ssyncadd.s32 $0xFFFFD880  }
0x16: {  	[tilespmem:s19], [sflag:$0x1] =	stream.linear.gather [hbm4b:s6+s4], $0x2780, $0x38;
	[tilespmem:$0x1F080] =	vst v63  }
0x17: {  	_ =	swait.ge [sflag:s18], $0x2780  }
0x18: {  	[sflag:s18] =	ssyncset.done $0x0  }
0x19: {  	[sflag:s18] =	ssyncadd.s32 $0xFFFFD880  }
0x1a: {  	[tilespmem:s20], [sflag:$0x1] =	stream.linear.gather [hbm4b:s7+s4], $0x2780, $0x38;
	[tilespmem:$0x1F080] =	vst v63  }
0x1b: {  	_ =	swait.ge [sflag:s18], $0x2780  }
0x1c: {  	[sflag:s18] =	ssyncset.done $0x0  }
0x1d: {  	s24 =	simm.s32 $0x0;
	s25 =	simm.s32 $0x200;
	[sflag:s18] =	ssyncadd.s32 $0xFFFFD880  }
.LBB2_2:
0x1e: {  	p1 =	sne.s32 s25, $0xFE00;
	[tilespmem:s24+$0x1B0F0] =	vst v0  }
0x1f: {  	[tilespmem:s24+$0x1B080] =	vst v0  }
0x20: {  	[tilespmem:s24+$0x1B090] =	vst v0  }
.Ltmp0:
0x21: {  	[tilespmem:s24+$0x1B0A0] =	vst v0;
	(pc) =	sbr.rel @p1 .LBB2_2-.Ltmp0, $4  }
0x22: {  	[tilespmem:s24+$0x1B0B0] =	vst v0  }
0x23: {  	[tilespmem:s24+$0x1B0C0] =	vst v0  }
0x24: {  	[tilespmem:s24+$0x1B0D0] =	vst v0  }
0x25: {  	[tilespmem:s24+$0x1B0E0] =	vst v0;
	s24 =	sshra.s32 s25, $0x2;
	s25 =	sadd.s32 $0x200, s25  }
0x26: {  	[tilespmem:s24+$0x1B0F0] =	vst v0  }
0x27: {  	[tilespmem:s24+$0x1B080] =	vst v0  }
0x28: {  	[tilespmem:s24+$0x1B090] =	vst v0  }
0x29: {  	[tilespmem:s24+$0x1B0A0] =	vst v0  }
0x2a: {  	[tilespmem:s24+$0x1B0B0] =	vst v0  }
0x2b: {  	[tilespmem:s24+$0x1B0C0] =	vst v0  }
0x2c: {  	[tilespmem:s24+$0x1B0D0] =	vst v0  }
0x2d: {  	[tilespmem:s24+$0x1B0E0] =	vst v0  }
0x2e: {  	[spmem:s8] =	stream.linear.scatter [tilespmem:s21], [sflag:$0x1], $0x4000, $0x38;
	[tilespmem:$0x1F080] =	vst v63  }
0x2f: {  	_ =	swait.ge [sflag:s18], $0x4000  }
0x30: {  	[sflag:s18] =	ssyncset.done $0x0  }
0x31: {  	[sflag:s18] =	ssyncadd.s32 $0xFFFFC000  }
0x32: {  	[spmem:s14] =	stream.linear.scatter [tilespmem:s21], [sflag:$0x1], $0x4000, $0x38;
	[tilespmem:$0x1F080] =	vst v63  }
0x33: {  	_ =	swait.ge [sflag:s18], $0x4000  }
0x34: {  	[sflag:s18] =	ssyncset.done $0x0  }
0x35: {  	[sflag:s18] =	ssyncadd.s32 $0xFFFFC000  }
0x36: {  	[spmem:s15] =	stream.linear.scatter [tilespmem:s21], [sflag:$0x1], $0x4000, $0x38;
	[tilespmem:$0x1F080] =	vst v63  }
0x37: {  	_ =	swait.ge [sflag:s18], $0x4000  }
0x38: {  	[sflag:s18] =	ssyncset.done $0x0  }
0x39: {  	[sflag:s18] =	ssyncadd.s32 $0xFFFFC000  }
0x3a: {  	[spmem:s16] =	stream.linear.scatter [tilespmem:s21], [sflag:$0x1], $0x4000, $0x38;
	[tilespmem:$0x1F080] =	vst v63  }
0x3b: {  	_ =	swait.ge [sflag:s18], $0x4000  }
0x3c: {  	[sflag:s18] =	ssyncset.done $0x0  }
0x3d: {  	[sflag:s18] =	ssyncadd.s32 $0xFFFFC000  }
0x3e: {  	[spmem:s9] =	stream.linear.scatter [tilespmem:s21], [sflag:$0x1], $0x3800, $0x38;
	[tilespmem:$0x1F080] =	vst v63  }
0x3f: {  	_ =	swait.ge [sflag:s18], $0x3800  }
0x40: {  	[sflag:s18] =	ssyncset.done $0x0  }
0x41: {  	s24 =	simm.s32 @!p0 $0x1B080;
	[sflag:s18] =	ssyncadd.s32 $0xFFFFC800  }
0x42: {  	[spmem:s10] =	stream.linear.scatter @!p0 [tilespmem:s24], [sflag:$0x1], $0x800, $0x38;
	[tilespmem:$0x1F080] =	vst v63  }
0x43: {  	s24 =	simm.s32 @!p0 $0x1  }
0x44: {  	_ =	swait.ge @!p0 [sflag:s24], $0x800  }
0x45: {  	[sflag:s24] =	ssyncset.done @!p0 $0x0  }
0x46: {  	[sflag:s24] =	ssyncadd.s32 @!p0 $0xFFFFF800  }
0x47: {  	s24 =	simm.s32 $0x0;
	[bflag:$0x0] =	sbarrier.arrive $0xFFFF  }
.LBB2_4:
0x48: {  	s25 =	sshll.u32 s24, $0x7  }
0x49: {  	s26 =	sadd.s32 $0x18880, s25  }
0x4a: {  	s28 =	sadd.s32 $0x13880, s25;
	v1 =	vmov s26  }
0x4b: {  	[tilespmem:s21], [sflag:$0x1] =	stream.indirect.gather [hbm4b:s0+s22], $0x80, s28, s22, $0xb8;
	[tilespmem:$0x1F080] =	vst v63  }
0x4c: {  	_ =	swait.ge [sflag:s18], $0x4000  }
0x4d: {  	s31 =	simm.s32 $0x0;
	[sflag:s18] =	ssyncset.done $0x0  }
0x4e: {  	s26 =	sand.u32 $0x3FFFFFF0, s31;
	s28 =	simm.s32 $0x0;
	[sflag:s18] =	ssyncadd.s32 $0xFFFFC000  }
0x4f: {  	v2 =	vld.idx.msk [tilespmem:v1+s26+$0x0 ss:$0x1], $0xffff;
	s26 =	sand.u32 $0x3FFFF800, s28  }
0x50: {  	v8 =	vld [tilespmem:s26+$0x1B140]  }
0x51: {  	v4 =	vld [tilespmem:s26+$0x1B0A0]  }
0x52: {  	v5 =	vld [tilespmem:s26+$0x1B0B0]  }
0x53: {  	v11 =	vld [tilespmem:s26+$0x1B0E0]  }
0x54: {  	v12 =	vld [tilespmem:s26+$0x1B0F0];
	v3 =	vbroadcast v2, $0x0  }
0x55: {  	v13 =	vld [tilespmem:s26+$0x1B100]  }
0x56: {  	v14 =	vld [tilespmem:s26+$0x1B110];
	v4 =	vmul.f32 v4, v3  }
0x57: {  	v15 =	vld [tilespmem:s26+$0x1B120];
	v5 =	vmul.f32 v5, v3  }
0x58: {  	v10 =	vld [tilespmem:s26+$0x1B130];
	v21 =	vbroadcast v2, $0x1;
	v20 =	vmul.f32 v11, v3;
	[tilespmem:s26+$0x1B0A0] =	vst v4  }
0x59: {  	v9 =	vld [tilespmem:s26+$0x1B150];
	v12 =	vmul.f32 v12, v3;
	[tilespmem:s26+$0x1B0B0] =	vst v5  }
0x5a: {  	v7 =	vld [tilespmem:s26+$0x1B5F0];
	v13 =	vmul.f32 v13, v21;
	[tilespmem:s26+$0x1B0E0] =	vst v20  }
0x5b: {  	v23 =	vld [tilespmem:s26+$0x1B170];
	v14 =	vmul.f32 v14, v21;
	[tilespmem:s26+$0x1B0F0] =	vst v12  }
0x5c: {  	v24 =	vld [tilespmem:s26+$0x1B180];
	v15 =	vmul.f32 v15, v21;
	[tilespmem:s26+$0x1B100] =	vst v13  }
0x5d: {  	v25 =	vld [tilespmem:s26+$0x1B190];
	v10 =	vmul.f32 v10, v21;
	[tilespmem:s26+$0x1B110] =	vst v14  }
0x5e: {  	v22 =	vld [tilespmem:s26+$0x1B160];
	v8 =	vmul.f32 v8, v21;
	[tilespmem:s26+$0x1B120] =	vst v15  }
0x5f: {  	v26 =	vld [tilespmem:s26+$0x1B1A0];
	v16 =	vbroadcast v2, $0x2;
	v9 =	vmul.f32 v9, v21;
	[tilespmem:s26+$0x1B130] =	vst v10  }
0x60: {  	v27 =	vld [tilespmem:s26+$0x1B1B0];
	v11 =	vmul.f32 v23, v21;
	[tilespmem:s26+$0x1B140] =	vst v8  }
0x61: {  	v28 =	vld [tilespmem:s26+$0x1B1C0];
	v6 =	vbroadcast v2, $0xA;
	v30 =	vmul.f32 v24, v16;
	[tilespmem:s26+$0x1B150] =	vst v9  }
0x62: {  	v29 =	vld [tilespmem:s26+$0x1B1D0];
	v32 =	vmul.f32 v25, v16;
	[tilespmem:s26+$0x1B170] =	vst v11  }
0x63: {  	v31 =	vld [tilespmem:s26+$0x1B1E0];
	v4 =	vmul.f32 v7, v6;
	[tilespmem:s26+$0x1B180] =	vst v30  }
0x64: {  	v33 =	vld [tilespmem:s26+$0x1B1F0];
	v12 =	vmul.f32 v22, v21;
	[tilespmem:s26+$0x1B190] =	vst v32  }
0x65: {  	v34 =	vld [tilespmem:s26+$0x1B200];
	v10 =	vmul.f32 v26, v16;
	[tilespmem:s26+$0x1B5F0] =	vst v4  }
0x66: {  	v35 =	vld [tilespmem:s26+$0x1B210];
	v8 =	vmul.f32 v27, v16;
	[tilespmem:s26+$0x1B160] =	vst v12  }
0x67: {  	v36 =	vld [tilespmem:s26+$0x1B220];
	v9 =	vmul.f32 v28, v16;
	[tilespmem:s26+$0x1B1A0] =	vst v10  }
0x68: {  	v37 =	vld [tilespmem:s26+$0x1B230];
	v39 =	vbroadcast v2, $0x3;
	v11 =	vmul.f32 v31, v16;
	[tilespmem:s26+$0x1B1B0] =	vst v8  }
0x69: {  	v38 =	vld [tilespmem:s26+$0x1B240];
	v13 =	vmul.f32 v33, v16;
	[tilespmem:s26+$0x1B1C0] =	vst v9  }
0x6a: {  	v40 =	vld [tilespmem:s26+$0x1B250];
	v14 =	vmul.f32 v34, v39;
	[tilespmem:s26+$0x1B1E0] =	vst v11  }
0x6b: {  	v41 =	vld [tilespmem:s26+$0x1B260];
	v12 =	vmul.f32 v29, v16;
	[tilespmem:s26+$0x1B1F0] =	vst v13  }
0x6c: {  	v42 =	vld [tilespmem:s26+$0x1B270];
	v10 =	vmul.f32 v35, v39;
	[tilespmem:s26+$0x1B200] =	vst v14  }
0x6d: {  	v43 =	vld [tilespmem:s26+$0x1B280];
	v8 =	vmul.f32 v36, v39;
	[tilespmem:s26+$0x1B1D0] =	vst v12  }
0x6e: {  	v44 =	vld [tilespmem:s26+$0x1B290];
	v9 =	vmul.f32 v37, v39;
	[tilespmem:s26+$0x1B210] =	vst v10  }
0x6f: {  	v45 =	vld [tilespmem:s26+$0x1B2A0];
	v11 =	vmul.f32 v40, v39;
	[tilespmem:s26+$0x1B220] =	vst v8  }
0x70: {  	v46 =	vld [tilespmem:s26+$0x1B2B0];
	v13 =	vmul.f32 v41, v39;
	[tilespmem:s26+$0x1B230] =	vst v9  }
0x71: {  	v47 =	vld [tilespmem:s26+$0x1B2C0];
	v48 =	vbroadcast v2, $0x4;
	v14 =	vmul.f32 v42, v39;
	[tilespmem:s26+$0x1B250] =	vst v11  }
0x72: {  	v49 =	vld [tilespmem:s26+$0x1B2D0];
	v12 =	vmul.f32 v38, v39;
	[tilespmem:s26+$0x1B260] =	vst v13  }
0x73: {  	v50 =	vld [tilespmem:s26+$0x1B2E0];
	v10 =	vmul.f32 v43, v48;
	[tilespmem:s26+$0x1B270] =	vst v14  }
0x74: {  	v51 =	vld [tilespmem:s26+$0x1B2F0];
	v8 =	vmul.f32 v44, v48;
	[tilespmem:s26+$0x1B240] =	vst v12  }
0x75: {  	v52 =	vld [tilespmem:s26+$0x1B300];
	v9 =	vmul.f32 v45, v48;
	[tilespmem:s26+$0x1B280] =	vst v10  }
0x76: {  	v53 =	vld [tilespmem:s26+$0x1B310];
	v11 =	vmul.f32 v47, v48;
	[tilespmem:s26+$0x1B290] =	vst v8  }
0x77: {  	v54 =	vld [tilespmem:s26+$0x1B320];
	v13 =	vmul.f32 v49, v48;
	[tilespmem:s26+$0x1B2A0] =	vst v9  }
0x78: {  	v55 =	vld [tilespmem:s26+$0x1B330];
	v14 =	vmul.f32 v50, v48;
	[tilespmem:s26+$0x1B2C0] =	vst v11  }
0x79: {  	v56 =	vld [tilespmem:s26+$0x1B340];
	v57 =	vbroadcast v2, $0x5;
	v12 =	vmul.f32 v46, v48;
	[tilespmem:s26+$0x1B2D0] =	vst v13  }
0x7a: {  	v58 =	vld [tilespmem:s26+$0x1B350];
	v10 =	vmul.f32 v51, v48;
	[tilespmem:s26+$0x1B2E0] =	vst v14  }
0x7b: {  	v59 =	vld [tilespmem:s26+$0x1B360];
	v8 =	vmul.f32 v52, v57;
	[tilespmem:s26+$0x1B2B0] =	vst v12  }
0x7c: {  	v60 =	vld [tilespmem:s26+$0x1B370];
	v9 =	vmul.f32 v53, v57;
	[tilespmem:s26+$0x1B2F0] =	vst v10  }
0x7d: {  	v61 =	vld [tilespmem:s26+$0x1B380];
	v11 =	vmul.f32 v55, v57;
	[tilespmem:s26+$0x1B300] =	vst v8  }
0x7e: {  	v62 =	vld [tilespmem:s26+$0x1B390];
	v13 =	vmul.f32 v56, v57;
	[tilespmem:s26+$0x1B310] =	vst v9  }
0x7f: {  	v63 =	vld [tilespmem:s26+$0x1B3A0];
	v14 =	vmul.f32 v58, v57;
	[tilespmem:s26+$0x1B330] =	vst v11  }
0x80: {  	v20 =	vld [tilespmem:s26+$0x1B3B0];
	v12 =	vmul.f32 v54, v57;
	[tilespmem:s26+$0x1B340] =	vst v13  }
0x81: {  	v21 =	vld [tilespmem:s26+$0x1B3C0];
	v22 =	vbroadcast v2, $0x6;
	v10 =	vmul.f32 v59, v57;
	[tilespmem:s26+$0x1B350] =	vst v14  }
0x82: {  	v23 =	vld [tilespmem:s26+$0x1B3D0];
	v8 =	vmul.f32 v60, v57;
	[tilespmem:s26+$0x1B320] =	vst v12  }
0x83: {  	v24 =	vld [tilespmem:s26+$0x1B3E0];
	v9 =	vmul.f32 v61, v22;
	[tilespmem:s26+$0x1B360] =	vst v10  }
0x84: {  	v25 =	vld [tilespmem:s26+$0x1B3F0];
	v11 =	vmul.f32 v63, v22;
	[tilespmem:s26+$0x1B370] =	vst v8  }
0x85: {  	v5 =	vld [tilespmem:s26+$0x1B600];
	v13 =	vmul.f32 v20, v22;
	[tilespmem:s26+$0x1B380] =	vst v9  }
0x86: {  	v27 =	vld [tilespmem:s26+$0x1B410];
	v14 =	vmul.f32 v21, v22;
	[tilespmem:s26+$0x1B3A0] =	vst v11  }
0x87: {  	v28 =	vld [tilespmem:s26+$0x1B420];
	v12 =	vmul.f32 v62, v22;
	[tilespmem:s26+$0x1B3B0] =	vst v13  }
0x88: {  	v29 =	vld [tilespmem:s26+$0x1B430];
	v10 =	vmul.f32 v23, v22;
	[tilespmem:s26+$0x1B3C0] =	vst v14  }
0x89: {  	v31 =	vbroadcast v2, $0x7;
	v53 =	vld [tilespmem:s26+$0x1B580];
	v8 =	vmul.f32 v24, v22;
	[tilespmem:s26+$0x1B390] =	vst v12  }
0x8a: {  	v58 =	vld [tilespmem:s26+$0x1B5D0];
	v9 =	vmul.f32 v25, v22;
	[tilespmem:s26+$0x1B3D0] =	vst v10  }
0x8b: {  	v26 =	vld [tilespmem:s26+$0x1B400];
	v11 =	vmul.f32 v27, v31;
	[tilespmem:s26+$0x1B3E0] =	vst v8  }
0x8c: {  	v30 =	vld [tilespmem:s26+$0x1B440];
	v13 =	vmul.f32 v28, v31;
	[tilespmem:s26+$0x1B3F0] =	vst v9  }
0x8d: {  	v32 =	vld [tilespmem:s26+$0x1B450];
	v14 =	vmul.f32 v29, v31;
	[tilespmem:s26+$0x1B410] =	vst v11  }
0x8e: {  	v33 =	vld [tilespmem:s26+$0x1B460];
	v59 =	vmul.f32 v53, v6;
	[tilespmem:s26+$0x1B420] =	vst v13  }
0x8f: {  	v35 =	vld [tilespmem:s26+$0x1B480];
	v21 =	vmul.f32 v58, v6;
	[tilespmem:s26+$0x1B430] =	vst v14  }
0x90: {  	v36 =	vld [tilespmem:s26+$0x1B490];
	v12 =	vmul.f32 v26, v31;
	[tilespmem:s26+$0x1B580] =	vst v59  }
0x91: {  	v37 =	vld [tilespmem:s26+$0x1B4A0];
	v10 =	vmul.f32 v30, v31;
	[tilespmem:s26+$0x1B5D0] =	vst v21  }
0x92: {  	v7 =	vld [tilespmem:s26+$0x1B610];
	v40 =	vbroadcast v2, $0x8;
	v8 =	vmul.f32 v32, v31;
	[tilespmem:s26+$0x1B400] =	vst v12  }
0x93: {  	v34 =	vld [tilespmem:s26+$0x1B470];
	v9 =	vmul.f32 v33, v31;
	[tilespmem:s26+$0x1B440] =	vst v10  }
0x94: {  	v57 =	vld [tilespmem:s26+$0x1B5C0];
	v11 =	vmul.f32 v35, v40;
	[tilespmem:s26+$0x1B450] =	vst v8  }
0x95: {  	v61 =	vld [tilespmem:s26+$0x1B080];
	v24 =	vbroadcast v2, $0xB;
	v13 =	vmul.f32 v36, v40;
	[tilespmem:s26+$0x1B460] =	vst v9  }
0x96: {  	v4 =	vld [tilespmem:s26+$0x1B850];
	v14 =	vmul.f32 v37, v40;
	[tilespmem:s26+$0x1B480] =	vst v11  }
0x97: {  	v38 =	vld [tilespmem:s26+$0x1B4B0];
	v5 =	vmul.f32 v5, v24;
	[tilespmem:s26+$0x1B490] =	vst v13  }
0x98: {  	v39 =	vld [tilespmem:s26+$0x1B4C0];
	v7 =	vmul.f32 v7, v24;
	[tilespmem:s26+$0x1B4A0] =	vst v14  }
0x99: {  	v41 =	vld [tilespmem:s26+$0x1B4D0];
	v19 =	vmul.f32 v57, v6;
	[tilespmem:s26+$0x1B600] =	vst v5  }
0x9a: {  	v43 =	vld [tilespmem:s26+$0x1B4F0];
	v25 =	vmul.f32 v3, v61;
	[tilespmem:s26+$0x1B610] =	vst v7  }
0x9b: {  	v44 =	vld [tilespmem:s26+$0x1B500];
	v12 =	vmul.f32 v34, v31;
	[tilespmem:s26+$0x1B5C0] =	vst v19  }
0x9c: {  	v45 =	vld [tilespmem:s26+$0x1B510];
	v10 =	vmul.f32 v38, v40;
	[tilespmem:s26+$0x1B080] =	vst v25  }
0x9d: {  	v27 =	vld [tilespmem:s26+$0x1B650];
	v8 =	vmul.f32 v39, v40;
	[tilespmem:s26+$0x1B470] =	vst v12  }
0x9e: {  	v49 =	vbroadcast v2, $0x9;
	v29 =	vld [tilespmem:s26+$0x1B670];
	v9 =	vmul.f32 v41, v40;
	[tilespmem:s26+$0x1B4B0] =	vst v10  }
0x9f: {  	v42 =	vld [tilespmem:s26+$0x1B4E0];
	v11 =	vmul.f32 v43, v40;
	[tilespmem:s26+$0x1B4C0] =	vst v8  }
0xa0: {  	v46 =	vld [tilespmem:s26+$0x1B520];
	v13 =	vmul.f32 v44, v49;
	[tilespmem:s26+$0x1B4D0] =	vst v9  }
0xa1: {  	v47 =	vld [tilespmem:s26+$0x1B530];
	v14 =	vmul.f32 v45, v49;
	[tilespmem:s26+$0x1B4F0] =	vst v11  }
0xa2: {  	v48 =	vld [tilespmem:s26+$0x1B540];
	v32 =	vmul.f32 v27, v24;
	[tilespmem:s26+$0x1B500] =	vst v13  }
0xa3: {  	v51 =	vld [tilespmem:s26+$0x1B560];
	v7 =	vmul.f32 v29, v24;
	[tilespmem:s26+$0x1B510] =	vst v14  }
0xa4: {  	v52 =	vld [tilespmem:s26+$0x1B570];
	v12 =	vmul.f32 v42, v40;
	[tilespmem:s26+$0x1B650] =	vst v32  }
0xa5: {  	v10 =	vmul.f32 v46, v49;
	[tilespmem:s26+$0x1B670] =	vst v7  }
0xa6: {  	v28 =	vld [tilespmem:s26+$0x1B660];
	v8 =	vmul.f32 v47, v49;
	[tilespmem:s26+$0x1B4E0] =	vst v12  }
0xa7: {  	v30 =	vld [tilespmem:s26+$0x1B680];
	v9 =	vmul.f32 v48, v49;
	[tilespmem:s26+$0x1B520] =	vst v10  }
0xa8: {  	v50 =	vld [tilespmem:s26+$0x1B550];
	v5 =	vbroadcast v2, $0xF;
	v11 =	vmul.f32 v51, v49;
	[tilespmem:s26+$0x1B530] =	vst v8  }
0xa9: {  	v54 =	vld [tilespmem:s26+$0x1B590];
	v13 =	vmul.f32 v52, v49;
	[tilespmem:s26+$0x1B540] =	vst v9  }
0xaa: {  	v55 =	vld [tilespmem:s26+$0x1B5A0];
	v35 =	vbroadcast v2, $0xC;
	v4 =	vmul.f32 v4, v5;
	[tilespmem:s26+$0x1B560] =	vst v11  }
0xab: {  	v56 =	vld [tilespmem:s26+$0x1B5B0];
	v40 =	vmul.f32 v28, v24;
	[tilespmem:s26+$0x1B570] =	vst v13  }
0xac: {  	v60 =	vld [tilespmem:s26+$0x1B5E0];
	v16 =	vmul.f32 v30, v35;
	[tilespmem:s26+$0x1B850] =	vst v4  }
0xad: {  	v62 =	vld [tilespmem:s26+$0x1B090];
	v12 =	vmul.f32 v50, v49;
	[tilespmem:s26+$0x1B660] =	vst v40  }
0xae: {  	v63 =	vld [tilespmem:s26+$0x1B0C0];
	v10 =	vmul.f32 v54, v6;
	[tilespmem:s26+$0x1B680] =	vst v16  }
0xaf: {  	v20 =	vld [tilespmem:s26+$0x1B0D0];
	v8 =	vmul.f32 v55, v6;
	[tilespmem:s26+$0x1B550] =	vst v12  }
0xb0: {  	v33 =	vld [tilespmem:s26+$0x1B6B0];
	v9 =	vmul.f32 v56, v6;
	[tilespmem:s26+$0x1B590] =	vst v10  }
0xb1: {  	v61 =	vld [tilespmem:s26+$0x1B870];
	v6 =	vmul.f32 v60, v6;
	[tilespmem:s26+$0x1B5A0] =	vst v8  }
0xb2: {  	v38 =	vld [tilespmem:s26+$0x1B6F0];
	v13 =	vmul.f32 v62, v3;
	[tilespmem:s26+$0x1B5B0] =	vst v9  }
0xb3: {  	v22 =	vld [tilespmem:s26+$0x1B620];
	v4 =	vmul.f32 v63, v3;
	[tilespmem:s26+$0x1B5E0] =	vst v6  }
0xb4: {  	v23 =	vld [tilespmem:s26+$0x1B630];
	v3 =	vmul.f32 v20, v3;
	[tilespmem:s26+$0x1B090] =	vst v13  }
0xb5: {  	v26 =	vld [tilespmem:s26+$0x1B640];
	v62 =	vmul.f32 v33, v35;
	[tilespmem:s26+$0x1B0C0] =	vst v4  }
0xb6: {  	v31 =	vld [tilespmem:s26+$0x1B690];
	v63 =	vmul.f32 v61, v5;
	[tilespmem:s26+$0x1B0D0] =	vst v3  }
0xb7: {  	v34 =	vld [tilespmem:s26+$0x1B6C0];
	v16 =	vmul.f32 v38, v35;
	[tilespmem:s26+$0x1B6B0] =	vst v62  }
0xb8: {  	v41 =	vld [tilespmem:s26+$0x1B720];
	v8 =	vmul.f32 v22, v24;
	[tilespmem:s26+$0x1B870] =	vst v63  }
0xb9: {  	v46 =	vld [tilespmem:s26+$0x1B760];
	v9 =	vmul.f32 v23, v24;
	[tilespmem:s26+$0x1B6F0] =	vst v16  }
0xba: {  	v6 =	vmul.f32 v26, v24;
	v3 =	vld [tilespmem:s26+$0x1B710];
	[tilespmem:s26+$0x1B620] =	vst v8  }
0xbb: {  	v36 =	vld [tilespmem:s26+$0x1B6D0];
	v44 =	vbroadcast v2, $0xD;
	v10 =	vmul.f32 v31, v35;
	[tilespmem:s26+$0x1B630] =	vst v9  }
0xbc: {  	v37 =	vld [tilespmem:s26+$0x1B6E0];
	v13 =	vmul.f32 v34, v35;
	[tilespmem:s26+$0x1B640] =	vst v6  }
0xbd: {  	v39 =	vld [tilespmem:s26+$0x1B700];
	v12 =	vmul.f32 v41, v44;
	[tilespmem:s26+$0x1B690] =	vst v10  }
0xbe: {  	v42 =	vld [tilespmem:s26+$0x1B730];
	v51 =	vmul.f32 v46, v44;
	[tilespmem:s26+$0x1B6C0] =	vst v13  }
0xbf: {  	v48 =	vld [tilespmem:s26+$0x1B790];
	[tilespmem:s26+$0x1B720] =	vst v12;
	v3 =	vmul.f32 v3, v44  }
0xc0: {  	v49 =	vld [tilespmem:s26+$0x1B7A0];
	v9 =	vmul.f32 v36, v35;
	[tilespmem:s26+$0x1B760] =	vst v51  }
0xc1: {  	v6 =	vmul.f32 v37, v35;
	[tilespmem:s26+$0x1B710] =	vst v3;
	v3 =	vld [tilespmem:s26+$0x1B780]  }
0xc2: {  	v2 =	vbroadcast v2, $0xE;
	v50 =	vld [tilespmem:s26+$0x1B7B0];
	v10 =	vmul.f32 v39, v44;
	[tilespmem:s26+$0x1B6D0] =	vst v9  }
0xc3: {  	v45 =	vld [tilespmem:s26+$0x1B750];
	v13 =	vmul.f32 v42, v44;
	[tilespmem:s26+$0x1B6E0] =	vst v6  }
0xc4: {  	v47 =	vld [tilespmem:s26+$0x1B770];
	v12 =	vmul.f32 v48, v2;
	[tilespmem:s26+$0x1B700] =	vst v10  }
0xc5: {  	v43 =	vld [tilespmem:s26+$0x1B740];
	v11 =	vmul.f32 v49, v2;
	[tilespmem:s26+$0x1B730] =	vst v13  }
0xc6: {  	v55 =	vld [tilespmem:s26+$0x1B800];
	[tilespmem:s26+$0x1B790] =	vst v12;
	v3 =	vmul.f32 v3, v2  }
0xc7: {  	v57 =	vld [tilespmem:s26+$0x1B820];
	v7 =	vmul.f32 v50, v2;
	[tilespmem:s26+$0x1B7A0] =	vst v11  }
0xc8: {  	v6 =	vmul.f32 v45, v44;
	[tilespmem:s26+$0x1B780] =	vst v3;
	v3 =	vld [tilespmem:s26+$0x1B7F0]  }
0xc9: {  	v52 =	vld [tilespmem:s26+$0x1B7C0];
	v10 =	vmul.f32 v47, v44;
	[tilespmem:s26+$0x1B7B0] =	vst v7  }
0xca: {  	v56 =	vld [tilespmem:s26+$0x1B810];
	v9 =	vmul.f32 v43, v44;
	[tilespmem:s26+$0x1B750] =	vst v6  }
0xcb: {  	v54 =	vld [tilespmem:s26+$0x1B7E0];
	v12 =	vmul.f32 v55, v5;
	[tilespmem:s26+$0x1B770] =	vst v10  }
0xcc: {  	v58 =	vld [tilespmem:s26+$0x1B830];
	v7 =	vmul.f32 v57, v5;
	[tilespmem:s26+$0x1B740] =	vst v9  }
0xcd: {  	v53 =	vld [tilespmem:s26+$0x1B7D0];
	[tilespmem:s26+$0x1B800] =	vst v12;
	v3 =	vmul.f32 v3, v2  }
0xce: {  	v59 =	vld [tilespmem:s26+$0x1B840];
	v6 =	vmul.f32 v52, v2;
	[tilespmem:s26+$0x1B820] =	vst v7  }
0xcf: {  	v60 =	vld [tilespmem:s26+$0x1B860];
	[tilespmem:s26+$0x1B7F0] =	vst v3;
	v3 =	vmul.f32 v56, v5  }
0xd0: {  	v10 =	vmul.f32 v54, v2;
	[tilespmem:s26+$0x1B7C0] =	vst v6  }
0xd1: {  	v4 =	vld [tilespmem:s26+$0x1B6A0];
	[tilespmem:s26+$0x1B810] =	vst v3;
	v3 =	vmul.f32 v58, v5  }
0xd2: {  	[tilespmem:s26+$0x1B7E0] =	vst v10;
	v2 =	vmul.f32 v53, v2  }
0xd3: {  	[tilespmem:s26+$0x1B830] =	vst v3;
	v3 =	vmul.f32 v59, v5  }
0xd4: {  	[tilespmem:s26+$0x1B7D0] =	vst v2;
	v5 =	vmul.f32 v60, v5  }
0xd5: {  	[tilespmem:s26+$0x1B840] =	vst v3  }
0xd6: {  	s28 =	simm.s32 $0x1;
	v3 =	vmul.f32 v4, v35;
	[tilespmem:s26+$0x1B860] =	vst v5  }
.LBB2_5:
0xd7: {  	s29 =	sshll.u32 s28, $0x4  }
0xd8: {  	p1 =	sne.s32 s28, $0x7;
	[tilespmem:s26+$0x1B6A0] =	vst v3;
	s26 =	smov.u32 s28;
	s28 =	sadd.s32 $0x1, s28  }
0xd9: {  	s29 =	sand.u32 $0x3FFFFFF0, s29  }
0xda: {  	v2 =	vld.idx.msk [tilespmem:v1+s29+$0x0 ss:$0x1], $0xffff  }
0xdb: {  	s26 =	sshll.u32 s26, $0xB  }
0xdc: {  	s26 =	sand.u32 $0x3FFFF800, s26  }
0xdd: {  	v9 =	vld [tilespmem:s26+$0x1B140]  }
0xde: {  	v10 =	vld [tilespmem:s26+$0x1B150]  }
0xdf: {  	v11 =	vld [tilespmem:s26+$0x1B130]  }
0xe0: {  	v3 =	vbroadcast v2, $0x0;
	v8 =	vbroadcast v2, $0x4;
	v4 =	vld [tilespmem:s26+$0x1B0A0]  }
0xe1: {  	v6 =	vld [tilespmem:s26+$0x1B0B0]  }
0xe2: {  	v7 =	vld [tilespmem:s26+$0x1B5F0]  }
0xe3: {  	v12 =	vld [tilespmem:s26+$0x1B0E0]  }
0xe4: {  	v13 =	vld [tilespmem:s26+$0x1B0F0]  }
0xe5: {  	v5 =	vbroadcast v2, $0xA;
	v4 =	vmul.f32 v4, v3;
	v14 =	vld [tilespmem:s26+$0x1B100]  }
0xe6: {  	v6 =	vmul.f32 v6, v3;
	v15 =	vld [tilespmem:s26+$0x1B110]  }
0xe7: {  	[tilespmem:s26+$0x1B0A0] =	vst v4;
	v16 =	vld [tilespmem:s26+$0x1B120];
	v4 =	vmul.f32 v7, v5  }
0xe8: {  	[tilespmem:s26+$0x1B0B0] =	vst v6;
	v7 =	vmul.f32 v12, v3;
	v12 =	vbroadcast v2, $0x1;
	v6 =	vld [tilespmem:s26+$0x1B600]  }
0xe9: {  	v13 =	vmul.f32 v13, v3;
	[tilespmem:s26+$0x1B5F0] =	vst v4;
	v4 =	vld [tilespmem:s26+$0x1B850]  }
0xea: {  	[tilespmem:s26+$0x1B0E0] =	vst v7;
	v14 =	vmul.f32 v14, v12;
	v7 =	vld [tilespmem:s26+$0x1B610]  }
0xeb: {  	[tilespmem:s26+$0x1B0F0] =	vst v13;
	v13 =	vmul.f32 v15, v12;
	v15 =	vld [tilespmem:s26+$0x1B160]  }
0xec: {  	[tilespmem:s26+$0x1B100] =	vst v14;
	v14 =	vmul.f32 v16, v12;
	v16 =	vld [tilespmem:s26+$0x1B170]  }
0xed: {  	v11 =	vmul.f32 v11, v12;
	[tilespmem:s26+$0x1B110] =	vst v13;
	v13 =	vld [tilespmem:s26+$0x1B180]  }
0xee: {  	v9 =	vmul.f32 v9, v12;
	[tilespmem:s26+$0x1B120] =	vst v14;
	v14 =	vld [tilespmem:s26+$0x1B190]  }
0xef: {  	v10 =	vmul.f32 v10, v12;
	[tilespmem:s26+$0x1B130] =	vst v11;
	v11 =	vld [tilespmem:s26+$0x1B1A0]  }
0xf0: {  	[tilespmem:s26+$0x1B140] =	vst v9;
	v9 =	vmul.f32 v15, v12;
	v15 =	vbroadcast v2, $0x2;
	v17 =	vld [tilespmem:s26+$0x1B1B0]  }
0xf1: {  	[tilespmem:s26+$0x1B150] =	vst v10;
	v10 =	vmul.f32 v16, v12;
	v12 =	vld [tilespmem:s26+$0x1B1C0]  }
0xf2: {  	[tilespmem:s26+$0x1B160] =	vst v9;
	v9 =	vmul.f32 v13, v15;
	v13 =	vld [tilespmem:s26+$0x1B1D0]  }
0xf3: {  	[tilespmem:s26+$0x1B170] =	vst v10;
	v10 =	vmul.f32 v14, v15;
	v14 =	vld [tilespmem:s26+$0x1B1E0]  }
0xf4: {  	[tilespmem:s26+$0x1B180] =	vst v9;
	v9 =	vmul.f32 v11, v15;
	v11 =	vld [tilespmem:s26+$0x1B1F0]  }
0xf5: {  	[tilespmem:s26+$0x1B190] =	vst v10;
	v10 =	vmul.f32 v17, v15;
	v16 =	vld [tilespmem:s26+$0x1B200]  }
0xf6: {  	[tilespmem:s26+$0x1B1A0] =	vst v9;
	v9 =	vmul.f32 v12, v15;
	v12 =	vld [tilespmem:s26+$0x1B210]  }
0xf7: {  	[tilespmem:s26+$0x1B1B0] =	vst v10;
	v10 =	vmul.f32 v13, v15;
	v13 =	vld [tilespmem:s26+$0x1B220]  }
0xf8: {  	[tilespmem:s26+$0x1B1C0] =	vst v9;
	v9 =	vmul.f32 v14, v15;
	v14 =	vbroadcast v2, $0x3;
	v17 =	vld [tilespmem:s26+$0x1B230]  }
0xf9: {  	[tilespmem:s26+$0x1B1D0] =	vst v10;
	v10 =	vmul.f32 v11, v15;
	v11 =	vld [tilespmem:s26+$0x1B240]  }
0xfa: {  	[tilespmem:s26+$0x1B1E0] =	vst v9;
	v9 =	vmul.f32 v16, v14;
	v15 =	vld [tilespmem:s26+$0x1B250]  }
0xfb: {  	[tilespmem:s26+$0x1B1F0] =	vst v10;
	v10 =	vmul.f32 v12, v14;
	v12 =	vld [tilespmem:s26+$0x1B260]  }
0xfc: {  	[tilespmem:s26+$0x1B200] =	vst v9;
	v9 =	vmul.f32 v13, v14;
	v13 =	vld [tilespmem:s26+$0x1B270]  }
0xfd: {  	[tilespmem:s26+$0x1B210] =	vst v10;
	v10 =	vmul.f32 v17, v14;
	v16 =	vld [tilespmem:s26+$0x1B280]  }
0xfe: {  	[tilespmem:s26+$0x1B220] =	vst v9;
	v9 =	vmul.f32 v11, v14;
	v11 =	vld [tilespmem:s26+$0x1B290]  }
0xff: {  	[tilespmem:s26+$0x1B230] =	vst v10;
	v10 =	vmul.f32 v15, v14;
	v15 =	vld [tilespmem:s26+$0x1B2A0]  }
0x100: {  	[tilespmem:s26+$0x1B240] =	vst v9;
	v9 =	vmul.f32 v12, v14;
	v12 =	vld [tilespmem:s26+$0x1B2B0]  }
0x101: {  	[tilespmem:s26+$0x1B250] =	vst v10;
	v10 =	vmul.f32 v13, v14;
	v13 =	vld [tilespmem:s26+$0x1B2C0]  }
0x102: {  	[tilespmem:s26+$0x1B260] =	vst v9;
	v9 =	vmul.f32 v16, v8;
	v14 =	vld [tilespmem:s26+$0x1B2D0]  }
0x103: {  	[tilespmem:s26+$0x1B270] =	vst v10;
	v10 =	vmul.f32 v11, v8;
	v11 =	vld [tilespmem:s26+$0x1B2E0]  }
0x104: {  	[tilespmem:s26+$0x1B280] =	vst v9;
	v9 =	vmul.f32 v15, v8;
	v15 =	vld [tilespmem:s26+$0x1B2F0]  }
0x105: {  	[tilespmem:s26+$0x1B290] =	vst v10;
	v10 =	vmul.f32 v12, v8;
	v12 =	vld [tilespmem:s26+$0x1B300]  }
0x106: {  	[tilespmem:s26+$0x1B2A0] =	vst v9;
	v9 =	vmul.f32 v13, v8;
	v13 =	vld [tilespmem:s26+$0x1B310]  }
0x107: {  	[tilespmem:s26+$0x1B2B0] =	vst v10;
	v10 =	vmul.f32 v14, v8;
	v14 =	vld [tilespmem:s26+$0x1B320]  }
0x108: {  	[tilespmem:s26+$0x1B2C0] =	vst v9;
	v9 =	vmul.f32 v11, v8;
	v11 =	vbroadcast v2, $0x5;
	v16 =	vld [tilespmem:s26+$0x1B330]  }
0x109: {  	[tilespmem:s26+$0x1B2D0] =	vst v10;
	v8 =	vmul.f32 v15, v8;
	v10 =	vld [tilespmem:s26+$0x1B340]  }
0x10a: {  	[tilespmem:s26+$0x1B2E0] =	vst v9;
	v9 =	vmul.f32 v12, v11;
	v12 =	vld [tilespmem:s26+$0x1B350]  }
0x10b: {  	[tilespmem:s26+$0x1B2F0] =	vst v8;
	v8 =	vmul.f32 v13, v11;
	v13 =	vld [tilespmem:s26+$0x1B360]  }
0x10c: {  	[tilespmem:s26+$0x1B300] =	vst v9;
	v9 =	vmul.f32 v14, v11;
	v14 =	vld [tilespmem:s26+$0x1B370]  }
0x10d: {  	[tilespmem:s26+$0x1B310] =	vst v8;
	v8 =	vmul.f32 v16, v11;
	v15 =	vld [tilespmem:s26+$0x1B380]  }
0x10e: {  	[tilespmem:s26+$0x1B320] =	vst v9;
	v9 =	vmul.f32 v10, v11;
	v10 =	vld [tilespmem:s26+$0x1B390]  }
0x10f: {  	[tilespmem:s26+$0x1B330] =	vst v8;
	v8 =	vmul.f32 v12, v11;
	v12 =	vld [tilespmem:s26+$0x1B3A0]  }
0x110: {  	[tilespmem:s26+$0x1B340] =	vst v9;
	v9 =	vmul.f32 v13, v11;
	v13 =	vbroadcast v2, $0x6;
	v16 =	vld [tilespmem:s26+$0x1B3B0]  }
0x111: {  	[tilespmem:s26+$0x1B350] =	vst v8;
	v8 =	vmul.f32 v14, v11;
	v11 =	vld [tilespmem:s26+$0x1B3C0]  }
0x112: {  	[tilespmem:s26+$0x1B360] =	vst v9;
	v9 =	vmul.f32 v15, v13;
	v14 =	vld [tilespmem:s26+$0x1B3D0]  }
0x113: {  	[tilespmem:s26+$0x1B370] =	vst v8;
	v8 =	vmul.f32 v10, v13;
	v10 =	vld [tilespmem:s26+$0x1B3E0]  }
0x114: {  	[tilespmem:s26+$0x1B380] =	vst v9;
	v9 =	vmul.f32 v12, v13;
	v12 =	vld [tilespmem:s26+$0x1B3F0]  }
0x115: {  	[tilespmem:s26+$0x1B390] =	vst v8;
	v8 =	vmul.f32 v16, v13;
	v15 =	vld [tilespmem:s26+$0x1B400]  }
0x116: {  	[tilespmem:s26+$0x1B3A0] =	vst v9;
	v9 =	vmul.f32 v11, v13;
	v11 =	vld [tilespmem:s26+$0x1B410]  }
0x117: {  	[tilespmem:s26+$0x1B3B0] =	vst v8;
	v8 =	vmul.f32 v14, v13;
	v14 =	vld [tilespmem:s26+$0x1B420]  }
0x118: {  	[tilespmem:s26+$0x1B3C0] =	vst v9;
	v9 =	vmul.f32 v10, v13;
	v10 =	vbroadcast v2, $0x7;
	v16 =	vld [tilespmem:s26+$0x1B430]  }
0x119: {  	[tilespmem:s26+$0x1B3D0] =	vst v8;
	v8 =	vmul.f32 v12, v13;
	v12 =	vld [tilespmem:s26+$0x1B440]  }
0x11a: {  	[tilespmem:s26+$0x1B3E0] =	vst v9;
	v9 =	vmul.f32 v15, v10;
	v13 =	vld [tilespmem:s26+$0x1B450]  }
0x11b: {  	[tilespmem:s26+$0x1B3F0] =	vst v8;
	v8 =	vmul.f32 v11, v10;
	v11 =	vld [tilespmem:s26+$0x1B460]  }
0x11c: {  	[tilespmem:s26+$0x1B400] =	vst v9;
	v9 =	vmul.f32 v14, v10;
	v14 =	vld [tilespmem:s26+$0x1B470]  }
0x11d: {  	[tilespmem:s26+$0x1B410] =	vst v8;
	v8 =	vmul.f32 v16, v10;
	v15 =	vld [tilespmem:s26+$0x1B480]  }
0x11e: {  	[tilespmem:s26+$0x1B420] =	vst v9;
	v9 =	vmul.f32 v12, v10;
	v12 =	vld [tilespmem:s26+$0x1B490]  }
0x11f: {  	[tilespmem:s26+$0x1B430] =	vst v8;
	v8 =	vmul.f32 v13, v10;
	v13 =	vld [tilespmem:s26+$0x1B4A0]  }
0x120: {  	[tilespmem:s26+$0x1B440] =	vst v9;
	v9 =	vmul.f32 v11, v10;
	v11 =	vbroadcast v2, $0x8;
	v16 =	vld [tilespmem:s26+$0x1B4B0]  }
0x121: {  	[tilespmem:s26+$0x1B450] =	vst v8;
	v8 =	vmul.f32 v14, v10;
	v10 =	vld [tilespmem:s26+$0x1B4C0]  }
0x122: {  	[tilespmem:s26+$0x1B460] =	vst v9;
	v9 =	vmul.f32 v15, v11;
	v14 =	vld [tilespmem:s26+$0x1B4D0]  }
0x123: {  	[tilespmem:s26+$0x1B470] =	vst v8;
	v8 =	vmul.f32 v12, v11;
	v12 =	vld [tilespmem:s26+$0x1B4E0]  }
0x124: {  	[tilespmem:s26+$0x1B480] =	vst v9;
	v9 =	vmul.f32 v13, v11;
	v13 =	vld [tilespmem:s26+$0x1B4F0]  }
0x125: {  	[tilespmem:s26+$0x1B490] =	vst v8;
	v8 =	vmul.f32 v16, v11;
	v15 =	vld [tilespmem:s26+$0x1B500]  }
0x126: {  	[tilespmem:s26+$0x1B4A0] =	vst v9;
	v9 =	vmul.f32 v10, v11;
	v10 =	vld [tilespmem:s26+$0x1B510]  }
0x127: {  	[tilespmem:s26+$0x1B4B0] =	vst v8;
	v8 =	vmul.f32 v14, v11;
	v14 =	vld [tilespmem:s26+$0x1B520]  }
0x128: {  	[tilespmem:s26+$0x1B4C0] =	vst v9;
	v9 =	vmul.f32 v12, v11;
	v12 =	vbroadcast v2, $0x9;
	v16 =	vld [tilespmem:s26+$0x1B530]  }
0x129: {  	[tilespmem:s26+$0x1B4D0] =	vst v8;
	v8 =	vmul.f32 v13, v11;
	v11 =	vld [tilespmem:s26+$0x1B540]  }
0x12a: {  	[tilespmem:s26+$0x1B4E0] =	vst v9;
	v9 =	vmul.f32 v15, v12;
	v13 =	vld [tilespmem:s26+$0x1B550]  }
0x12b: {  	[tilespmem:s26+$0x1B4F0] =	vst v8;
	v8 =	vmul.f32 v10, v12;
	v10 =	vld [tilespmem:s26+$0x1B560]  }
0x12c: {  	[tilespmem:s26+$0x1B500] =	vst v9;
	v9 =	vmul.f32 v14, v12;
	v14 =	vld [tilespmem:s26+$0x1B570]  }
0x12d: {  	[tilespmem:s26+$0x1B510] =	vst v8;
	v8 =	vmul.f32 v16, v12;
	v15 =	vld [tilespmem:s26+$0x1B580]  }
0x12e: {  	[tilespmem:s26+$0x1B520] =	vst v9;
	v9 =	vmul.f32 v11, v12;
	v11 =	vld [tilespmem:s26+$0x1B590]  }
0x12f: {  	[tilespmem:s26+$0x1B530] =	vst v8;
	v8 =	vmul.f32 v13, v12;
	v13 =	vld [tilespmem:s26+$0x1B5A0]  }
0x130: {  	[tilespmem:s26+$0x1B540] =	vst v9;
	v9 =	vmul.f32 v10, v12;
	v10 =	vld [tilespmem:s26+$0x1B5B0]  }
0x131: {  	[tilespmem:s26+$0x1B550] =	vst v8;
	v8 =	vmul.f32 v14, v12;
	v12 =	vld [tilespmem:s26+$0x1B5C0]  }
0x132: {  	[tilespmem:s26+$0x1B560] =	vst v9;
	v9 =	vmul.f32 v15, v5;
	v14 =	vld [tilespmem:s26+$0x1B5D0]  }
0x133: {  	[tilespmem:s26+$0x1B570] =	vst v8;
	v8 =	vmul.f32 v11, v5;
	v11 =	vld [tilespmem:s26+$0x1B5E0]  }
0x134: {  	v15 =	vld [tilespmem:s26+$0x1B080];
	[tilespmem:s26+$0x1B580] =	vst v9;
	v9 =	vmul.f32 v13, v5  }
0x135: {  	v13 =	vld [tilespmem:s26+$0x1B090];
	[tilespmem:s26+$0x1B590] =	vst v8;
	v8 =	vmul.f32 v10, v5  }
0x136: {  	v10 =	vld [tilespmem:s26+$0x1B0C0];
	[tilespmem:s26+$0x1B5A0] =	vst v9;
	v9 =	vmul.f32 v12, v5  }
0x137: {  	v12 =	vld [tilespmem:s26+$0x1B0D0];
	[tilespmem:s26+$0x1B5B0] =	vst v8;
	v8 =	vmul.f32 v14, v5  }
0x138: {  	[tilespmem:s26+$0x1B5C0] =	vst v9;
	v9 =	vmul.f32 v11, v5;
	v11 =	vbroadcast v2, $0xB;
	v14 =	vld [tilespmem:s26+$0x1B620]  }
0x139: {  	v5 =	vbroadcast v2, $0xF;
	v15 =	vmul.f32 v3, v15;
	[tilespmem:s26+$0x1B5D0] =	vst v8;
	v8 =	vld [tilespmem:s26+$0x1B630]  }
0x13a: {  	v13 =	vmul.f32 v13, v3;
	[tilespmem:s26+$0x1B5E0] =	vst v9;
	v6 =	vmul.f32 v6, v11;
	v9 =	vld [tilespmem:s26+$0x1B640]  }
0x13b: {  	v7 =	vmul.f32 v7, v11;
	[tilespmem:s26+$0x1B080] =	vst v15;
	v10 =	vmul.f32 v10, v3;
	v15 =	vld [tilespmem:s26+$0x1B650]  }
0x13c: {  	v4 =	vmul.f32 v4, v5;
	v12 =	vmul.f32 v12, v3;
	[tilespmem:s26+$0x1B600] =	vst v6;
	v3 =	vld [tilespmem:s26+$0x1B660]  }
0x13d: {  	[tilespmem:s26+$0x1B610] =	vst v7;
	v6 =	vmul.f32 v14, v11;
	v7 =	vld [tilespmem:s26+$0x1B670]  }
0x13e: {  	v8 =	vmul.f32 v8, v11;
	v14 =	vld [tilespmem:s26+$0x1B680];
	[tilespmem:s26+$0x1B850] =	vst v4  }
0x13f: {  	[tilespmem:s26+$0x1B090] =	vst v13;
	v4 =	vmul.f32 v9, v11;
	v9 =	vld [tilespmem:s26+$0x1B690]  }
0x140: {  	[tilespmem:s26+$0x1B0C0] =	vst v10;
	v10 =	vmul.f32 v15, v11;
	v13 =	vld [tilespmem:s26+$0x1B6A0]  }
0x141: {  	v15 =	vbroadcast v2, $0xC;
	[tilespmem:s26+$0x1B620] =	vst v6;
	v6 =	vmul.f32 v3, v11;
	v16 =	vld [tilespmem:s26+$0x1B6B0]  }
0x142: {  	[tilespmem:s26+$0x1B650] =	vst v10;
	v7 =	vmul.f32 v7, v11;
	v10 =	vld [tilespmem:s26+$0x1B6C0]  }
0x143: {  	[tilespmem:s26+$0x1B630] =	vst v8;
	v3 =	vmul.f32 v14, v15;
	v8 =	vld [tilespmem:s26+$0x1B6D0]  }
0x144: {  	[tilespmem:s26+$0x1B640] =	vst v4;
	v4 =	vmul.f32 v9, v15;
	v9 =	vld [tilespmem:s26+$0x1B6E0]  }
0x145: {  	[tilespmem:s26+$0x1B680] =	vst v3;
	v3 =	vmul.f32 v13, v15;
	v11 =	vld [tilespmem:s26+$0x1B6F0]  }
0x146: {  	[tilespmem:s26+$0x1B690] =	vst v4;
	v4 =	vld [tilespmem:s26+$0x1B700]  }
0x147: {  	[tilespmem:s26+$0x1B0D0] =	vst v12;
	v10 =	vmul.f32 v10, v15;
	v12 =	vld [tilespmem:s26+$0x1B710]  }
0x148: {  	[tilespmem:s26+$0x1B660] =	vst v6;
	v6 =	vmul.f32 v8, v15;
	v8 =	vld [tilespmem:s26+$0x1B720]  }
0x149: {  	[tilespmem:s26+$0x1B6C0] =	vst v10;
	v9 =	vmul.f32 v9, v15;
	v10 =	vbroadcast v2, $0xD;
	v13 =	vld [tilespmem:s26+$0x1B730]  }
0x14a: {  	[tilespmem:s26+$0x1B6D0] =	vst v6;
	v6 =	vmul.f32 v11, v15;
	v11 =	vld [tilespmem:s26+$0x1B740]  }
0x14b: {  	[tilespmem:s26+$0x1B6E0] =	vst v9;
	v4 =	vmul.f32 v4, v10;
	v9 =	vld [tilespmem:s26+$0x1B750]  }
0x14c: {  	[tilespmem:s26+$0x1B6F0] =	vst v6;
	v6 =	vmul.f32 v12, v10;
	v12 =	vld [tilespmem:s26+$0x1B760]  }
0x14d: {  	[tilespmem:s26+$0x1B700] =	vst v4;
	v4 =	vmul.f32 v8, v10;
	v8 =	vld [tilespmem:s26+$0x1B770]  }
0x14e: {  	[tilespmem:s26+$0x1B710] =	vst v6;
	v6 =	vmul.f32 v13, v10;
	v13 =	vld [tilespmem:s26+$0x1B780]  }
0x14f: {  	[tilespmem:s26+$0x1B720] =	vst v4;
	v4 =	vmul.f32 v11, v10;
	v11 =	vld [tilespmem:s26+$0x1B790]  }
0x150: {  	[tilespmem:s26+$0x1B730] =	vst v6;
	v6 =	vmul.f32 v9, v10;
	v9 =	vld [tilespmem:s26+$0x1B7A0]  }
0x151: {  	v2 =	vbroadcast v2, $0xE;
	[tilespmem:s26+$0x1B670] =	vst v7;
	v7 =	vmul.f32 v12, v10;
	v12 =	vld [tilespmem:s26+$0x1B7B0]  }
0x152: {  	[tilespmem:s26+$0x1B750] =	vst v6;
	v6 =	vmul.f32 v8, v10;
	v8 =	vld [tilespmem:s26+$0x1B7C0]  }
0x153: {  	[tilespmem:s26+$0x1B760] =	vst v7;
	v7 =	vmul.f32 v13, v2;
	v10 =	vld [tilespmem:s26+$0x1B7D0]  }
0x154: {  	[tilespmem:s26+$0x1B770] =	vst v6;
	v6 =	vmul.f32 v11, v2;
	v11 =	vld [tilespmem:s26+$0x1B7E0]  }
0x155: {  	[tilespmem:s26+$0x1B780] =	vst v7;
	v7 =	vmul.f32 v9, v2;
	v9 =	vld [tilespmem:s26+$0x1B7F0]  }
0x156: {  	[tilespmem:s26+$0x1B790] =	vst v6;
	v6 =	vmul.f32 v12, v2;
	v12 =	vld [tilespmem:s26+$0x1B800]  }
0x157: {  	[tilespmem:s26+$0x1B7A0] =	vst v7;
	v7 =	vmul.f32 v8, v2;
	v8 =	vld [tilespmem:s26+$0x1B810]  }
0x158: {  	[tilespmem:s26+$0x1B7B0] =	vst v6;
	v6 =	vmul.f32 v10, v2;
	v10 =	vld [tilespmem:s26+$0x1B820]  }
0x159: {  	[tilespmem:s26+$0x1B7C0] =	vst v7;
	v7 =	vmul.f32 v11, v2;
	v11 =	vld [tilespmem:s26+$0x1B830]  }
0x15a: {  	[tilespmem:s26+$0x1B740] =	vst v4;
	v2 =	vmul.f32 v9, v2;
	v4 =	vld [tilespmem:s26+$0x1B840]  }
0x15b: {  	[tilespmem:s26+$0x1B7E0] =	vst v7;
	v7 =	vmul.f32 v12, v5;
	v9 =	vld [tilespmem:s26+$0x1B860]  }
0x15c: {  	[tilespmem:s26+$0x1B7F0] =	vst v2;
	v2 =	vmul.f32 v8, v5;
	v8 =	vld [tilespmem:s26+$0x1B870]  }
0x15d: {  	[tilespmem:s26+$0x1B800] =	vst v7;
	v7 =	vmul.f32 v10, v5  }
0x15e: {  	[tilespmem:s26+$0x1B810] =	vst v2;
	v2 =	vmul.f32 v11, v5  }
0x15f: {  	v10 =	vmul.f32 v16, v15;
	[tilespmem:s26+$0x1B820] =	vst v7  }
0x160: {  	[tilespmem:s26+$0x1B830] =	vst v2;
	v2 =	vmul.f32 v4, v5  }
.Ltmp1:
0x161: {  	[tilespmem:s26+$0x1B6B0] =	vst v10;
	v4 =	vmul.f32 v8, v5;
	(pc) =	sbr.rel @p1 .LBB2_5-.Ltmp1, $4  }
0x162: {  	[tilespmem:s26+$0x1B840] =	vst v2  }
0x163: {  	v2 =	vmul.f32 v9, v5;
	[tilespmem:s26+$0x1B870] =	vst v4  }
0x164: {  	[tilespmem:s26+$0x1B7D0] =	vst v6  }
0x165: {  	[tilespmem:s26+$0x1B860] =	vst v2  }
0x166: {  	s24 =	sadd.s32 $0x1, s24  }
0x167: {  	p1 =	sne.s32 s24, $0x4F  }
.Ltmp2:
0x168: {  	[tilespmem:s26+$0x1B6A0] =	vst v3;
	s25 =	sadd.s32 $0x16080, s25;
	(pc) =	sbr.rel @p1 .LBB2_4-.Ltmp2, $4  }
0x169: {  	[spmem:s2] =	stream.indirect.scatter.add.f32 [tilespmem:s21], [sflag:$0x1], $0x80, s25, s22, $0xb8;
	[tilespmem:$0x1F080] =	vst v63  }
0x16a: {  	_ =	swait.ge [sflag:s18], $0x4000  }
0x16b: {  	[sflag:s18] =	ssyncset.done $0x0  }
0x16c: {  	[sflag:s18] =	ssyncadd.s32 $0xFFFFC000  }
0x16d: {  	s24 =	sshll.u32 s3, $0x6  }
0x16e: {  	[bflag:$0x0] =	sbarrier.arrive $0xFFFF;
	s25 =	sshrl.u32 s8, $0x3;
	s24 =	sor.u32 $0x1C01, s24  }
0x16f: {  	[hbm:s11], [sflag:s24] =	dma.local [spmem:s25], $0x2700  }
0x170: {  	_ =	swait.ge [sflag:s18], $0x2700  }
0x171: {  	s23 =	sadd.s32 $0x1, s23;
	[sflag:s18] =	ssyncset.done $0x0  }
0x172: {  	p1 =	sne.s32 s23, s13;
	s25 =	sshrl.u32 @!p0 s10, $0x3;
	[sflag:s18] =	ssyncadd.s32 $0xFFFFD900  }
0x173: {  	[hbm:s12], [sflag:s24] =	dma.local @!p0 [spmem:s25], $0x100  }
.Ltmp3:
0x174: {  	_ = 	snop;
	(pc) =	sbr.rel @p1 .LBB2_1-.Ltmp3, $4  }
0x175: {  	s24 =	simm.s32 @!p0 $0x1  }
0x176: {  	_ =	swait.ge @!p0 [sflag:s24], $0x100  }
0x177: {  	[sflag:s24] =	ssyncset.done @!p0 $0x0  }
0x178: {  	[sflag:s24] =	ssyncadd.s32 @!p0 $0xFFFFFF00  }
0x179: {  	_ =	sfence.sel $0x180000  }
0x17a: {  	[bflag:$0x0] =	sbarrier.arrive $0xFFFF  }
0x17b: {  	_ =	strace $0x9000004A  }
0x17c: {  	s0 =	sadd.s32 @!p0 $0x100000, s1;
	[bflag:$0x2] =	sbarrier.arrive $0xFFFF  }
0x17d: {  	[sflag:s0] =	ssyncadd.tile.s32 @!p0 $0x1;
	_ =	shalt  }
.Lfunc_end2:
_tile_overlayer_lowered:
.L_overlay_start_2:
0x17e: {  	(tag) =	ssettag $0x2  }
0x17f: {  	s0 =	rddreg [dreg:$0x0];
	s2 =	stileid.u32  }
0x180: {  	s1 =	rddreg [dreg:$0x1];
	p0 =	sne.s32 s2, $0x0  }
0x181: {  	s3 =	rddreg [dreg:$0x2];
	[bflag:$0x3] =	sbarrier.arrive $0xFFFF;
	s2 =	simm.s32 @!p0 $0x1C01  }
0x182: {  	[timem:s3], [sflag:s2] =	dma.local @!p0 [hbm:s0], s1  }
0x183: {  	s0 =	simm.s32 @!p0 $0x1  }
0x184: {  	_ =	swait.ge @!p0 [sflag:s0], s1  }
0x185: {  	s1 =	ssub.s32 @!p0 $0x0, s1;
	[sflag:s0] =	ssyncset.done @!p0 $0x0  }
0x186: {  	[sflag:s0] =	ssyncadd.s32 @!p0 s1  }
0x187: {  	[bflag:$0x3] =	sbarrier.arrive $0xFFFF  }
0x188: {  	_ =	shalt  }

// kernel: kernel.7.cloned.1.call-start
scs
__scs_entry_jumppad:
0x0: {  	(pc) =	sbr.rel $0x88, $3  }
0x1: {  	(tag) =	ssettag $0x0;
	lr =	simm.s32 $0x1  }
0x2: {  	[smem:$0x3F9A] =	sst lr;
	_ =	strace $0xD0000000  }
0x3: {  	_ = 	snop  }
0x4: {  	_ = 	snop  }
0x5: {  	_ = 	snop  }
0x6: {  	_ = 	snop  }
0x7: {  	_ = 	snop  }
__scs_overlays_trampoline_lowered:
0x8: {  	[smem:$0x3FA9] =	sst s0  }
0x9: {  	[smem:$0x3FAA] =	sst s1  }
0xa: {  	[smem:$0x3FAB] =	sst s2  }
0xb: {  	[smem:$0x3FAC] =	sst s3  }
0xc: {  	[smem:$0x3FAD] =	sst s4  }
0xd: {  	[smem:$0x3FAE] =	sst s5  }
0xe: {  	[smem:$0x3FAF] =	sst s6  }
0xf: {  	[smem:$0x3FB0] =	sst s7  }
0x10: {  	[smem:$0x3FB1] =	sst s8  }
0x11: {  	[smem:$0x3FB2] =	sst s9;
	s0 =	simm.s32 @!p0 $0x0  }
0x12: {  	s1 =	sld [smem:$0x3F98];
	s0 =	simm.s32 @p0 $0x1  }
0x13: {  	[smem:$0x3FB3] =	sst s0;
	s0 =	simm.s32 @!p1 $0x0  }
0x14: {  	s2 =	sld [smem:$0x3F97];
	s0 =	simm.s32 @p1 $0x1  }
0x15: {  	[smem:$0x3FB4] =	sst s0;
	s0 =	simm.s32 @!p2 $0x0  }
0x16: {  	s3 =	sld [smem:$0x3FDB];
	s0 =	simm.s32 @p2 $0x1  }
0x17: {  	s4 =	simm.s32 $0x1BF5;
	[smem:$0x3FB6] =	sst s0  }
0x18: {  	s0 =	sld [smem:$0x3F99];
	_ =	swait.ge [sflag:s4], $0x0  }
0x19: {  	s7 =	sld [smem:$0x3F9A]  }
0x1a: {  	s8 =	sadd.s32 $0xFFFFE003, lr  }
0x1b: {  	s9 =	sadd.s32 $0xFFFFFEF7, lr;
	s5 =	simm.s32 $0xFFFFFFFF;
	p2 =	slt.u32 s8, $0xFFFFF086  }
0x1c: {  	p1 =	slt.u32 s9, $0xF7A;
	s5 =	simm.s32 @!p2 $0x0  }
0x1d: {  	s5 =	simm.s32 @p1 $0x1;
	p0 =	seq.s32 s7, s2  }
0x1e: {  	s7 =	smul.u32 @!p0 $0xF7A, s2;
	p2 =	seq.s32 @!p0 s5, $0x0  }
0x1f: {  	s9 =	smul.u32 $0xF7A, s1;
	s8 =	simm.s32 @!p0 $0x1BF5;
	p2 =	por !p2, p0  }
0x20: {  	[sflag:s8] =	ssyncset.s32 @!p0 $0xFFFFF086;
	s6 =	sadd.s32 @!p0 s3, s7;
	s7 =	simm.s32 @!p0 $0x108  }
0x21: {  	s3 =	sadd.s32 s3, s9;
	s6 =	sadd.s32 @!p0 $0x88, s6;
	s7 =	simm.s32 @p2 $0x1082  }
0x22: {  	[simem:s7], [sflag:s8] =	dma.local @!p0 [hbm:s6], $0xF7A  }
0x23: {  	s9 =	sor.u32 $0xD0000000, s2;
	s6 =	simm.s32 $0x108;
	_ =	swait.ge @!p0 [sflag:s8], $0x0  }
0x24: {  	s3 =	sadd.s32 $0x88, s3;
	s6 =	simm.s32 @!p1 $0x1082;
	[sflag:s4] =	ssyncset.s32 $0xFFFFF086  }
0x25: {  	[simem:s6], [sflag:s4] =	dma.local [hbm:s3], $0xF7A  }
0x26: {  	[smem:$0x3F9A] =	sst s1;
	(tag) =	ssettag s2;
	_ =	strace s9  }
0x27: {  	s1 =	sld [smem:$0x3FAA]  }
0x28: {  	s2 =	sld [smem:$0x3FAB]  }
0x29: {  	s4 =	sld [smem:$0x3FAD]  }
0x2a: {  	p0 =	seq.s32 s5, $0x0;
	s5 =	sld [smem:$0x3FAE]  }
0x2b: {  	s6 =	sld [smem:$0x3FAF]  }
0x2c: {  	s7 =	sld [smem:$0x3FB0]  }
0x2d: {  	s3 =	simm.s32 $0x108;
	s8 =	sld [smem:$0x3FB1]  }
0x2e: {  	s3 =	simm.s32 @!p0 $0x1082;
	s9 =	sld [smem:$0x3FB2]  }
0x2f: {  	lr =	sadd.s32 s0, s3;
	s0 =	sld [smem:$0x3FA9]  }
0x30: {  	s3 =	sld [smem:$0x3FAC]  }
0x31: {  	[smem:$0x3FB5] =	sst s10  }
0x32: {  	s10 =	sld [smem:$0x3FB3];
	_ =	sdelay $0x3  }
0x33: {  	p0 =	seq.s32 s10, $0x1;
	s10 =	sld [smem:$0x3FB5];
	_ =	sdelay $0x3  }
0x34: {  	[smem:$0x3FB5] =	sst s10  }
0x35: {  	s10 =	sld [smem:$0x3FB4];
	_ =	sdelay $0x3  }
0x36: {  	p1 =	seq.s32 s10, $0x1;
	s10 =	sld [smem:$0x3FB5];
	_ =	sdelay $0x3  }
0x37: {  	[smem:$0x3FB5] =	sst s10  }
0x38: {  	s10 =	sld [smem:$0x3FB6]  }
0x39: {  	_ = 	snop;
	(pc) =	sbr.ind lr, $3  }
0x3a: {  	_ = 	snop  }
0x3b: {  	_ = 	snop  }
0x3c: {  	p2 =	seq.s32 s10, $0x1;
	s10 =	sld [smem:$0x3FB5]  }
0x3d: {  	_ =	shalt  }
0x3e: {  	_ =	shalt  }
0x3f: {  	_ =	shalt  }
0x40: {  	_ =	shalt  }
0x41: {  	_ =	shalt  }
0x42: {  	_ =	shalt  }
0x43: {  	_ =	shalt  }
0x44: {  	_ =	shalt  }
0x45: {  	_ =	shalt  }
0x46: {  	_ =	shalt  }
0x47: {  	_ =	shalt  }
0x48: {  	_ =	shalt  }
0x49: {  	_ =	shalt  }
0x4a: {  	_ =	shalt  }
0x4b: {  	_ =	shalt  }
0x4c: {  	_ =	shalt  }
0x4d: {  	_ =	shalt  }
0x4e: {  	_ =	shalt  }
0x4f: {  	_ =	shalt  }
0x50: {  	_ =	shalt  }
0x51: {  	_ =	shalt  }
0x52: {  	_ =	shalt  }
0x53: {  	_ =	shalt  }
0x54: {  	_ =	shalt  }
0x55: {  	_ =	shalt  }
0x56: {  	_ =	shalt  }
0x57: {  	_ =	shalt  }
0x58: {  	_ =	shalt  }
0x59: {  	_ =	shalt  }
0x5a: {  	_ =	shalt  }
0x5b: {  	_ =	shalt  }
0x5c: {  	_ =	shalt  }
0x5d: {  	_ =	shalt  }
0x5e: {  	_ =	shalt  }
0x5f: {  	_ =	shalt  }
0x60: {  	_ =	shalt  }
0x61: {  	_ =	shalt  }
0x62: {  	_ =	shalt  }
0x63: {  	_ =	shalt  }
0x64: {  	_ =	shalt  }
0x65: {  	_ =	shalt  }
0x66: {  	_ =	shalt  }
0x67: {  	_ =	shalt  }
0x68: {  	_ =	shalt  }
0x69: {  	_ =	shalt  }
0x6a: {  	_ =	shalt  }
0x6b: {  	_ =	shalt  }
0x6c: {  	_ =	shalt  }
0x6d: {  	_ =	shalt  }
0x6e: {  	_ =	shalt  }
0x6f: {  	_ =	shalt  }
0x70: {  	_ =	shalt  }
0x71: {  	_ =	shalt  }
0x72: {  	_ =	shalt  }
0x73: {  	_ =	shalt  }
0x74: {  	_ =	shalt  }
0x75: {  	_ =	shalt  }
0x76: {  	_ =	shalt  }
0x77: {  	_ =	shalt  }
0x78: {  	_ =	shalt  }
0x79: {  	_ =	shalt  }
0x7a: {  	_ =	shalt  }
0x7b: {  	_ =	shalt  }
0x7c: {  	_ =	shalt  }
0x7d: {  	_ =	shalt  }
0x7e: {  	_ =	shalt  }
0x7f: {  	_ =	shalt  }
0x80: {  	_ =	shalt  }
0x81: {  	_ =	shalt  }
0x82: {  	_ =	shalt  }
0x83: {  	_ =	shalt  }
0x84: {  	_ =	shalt  }
0x85: {  	_ =	shalt  }
0x86: {  	_ =	shalt  }
0x87: {  	_ =	shalt  }
.Lfunc_end0:
.L_simem_size_0:
called_computation_lowered:
.L_overlay_start_0:
0x88: {  	s2 =	sld [smem:$0x3FD9]  }
0x89: {  	s3 =	sld [smem:$0x3FFE];
	_ =	sdelay $0x1  }
0x8a: {  	s1 =	srdreg.scid  }
0x8b: {  	s0 =	sand.u32 $0x1, s1  }
0x8c: {  	s17 =	sshll.u32 s0, $0xA;
	s2 =	sadd.s32 s3, s2  }
0x8d: {  	s2 =	sadd.s32 s2, s17  }
0x8e: {  	[smem:$0x3FC1] =	sst s2  }
0x8f: {  	_ = 	snop  }
0x90: {  	s2 =	sld [smem:$0x3FC9];
	(tm) =	ssettm $0x1  }
0x91: {  	s18 =	sld [smem:$0x3FFB];
	_ =	sdelay $0x3  }
0x92: {  	_ =	strace s18  }
0x93: {  	s3 =	sld [smem:$0x3FFC];
	_ =	sdelay $0x3  }
0x94: {  	_ =	strace s3  }
0x95: {  	s3 =	sld [smem:$0x3FFD];
	_ =	sdelay $0x3  }
0x96: {  	_ =	strace s3  }
0x97: {  	_ =	strace $0x8FFFFFFF  }
0x98: {  	s19 =	sld [smem:$0x3FDB];
	_ =	sdelay $0x1  }
0x99: {  	s4 =	simm.s32 $_scs_section_size  }
0x9a: {  	s5 =	simm.s32 $_size__tile_overlayer_lowered;
	s6 =	simm.s32 $_tile_overlayer_lowered  }
0x9b: {  	s22 =	simm.s32 $0x1BFF;
	s21 =	sshll.u32 s6, $0x1;
	s3 =	sadd.s32 s4, s19  }
0x9c: {  	s7 =	simm.s32 $0x0;
	s20 =	sshll.u32 s5, $0x1;
	s5 =	sadd.s32 s21, s3  }
0x9d: {  	[timem:s7], [sflag:s22] =	dma.local [hbm:s5], s20  }
0x9e: {  	_ =	swait.ge [sflag:s22], s20  }
0x9f: {  	s4 =	ssub.s32 $0x0, s20;
	[sflag:s22] =	ssyncset.done $0x0  }
0xa0: {  	[sflag:s22] =	ssyncadd.s32 s4;
	_ =	sdelay $0x1  }
0xa1: {  	s23 =	simm.s32 $0x1B8B  }
0xa2: {  	_ =	swait.ge [sflag:s23], $0x1  }
0xa3: {  	[sflag:s23] =	ssyncset.done $0x0  }
0xa4: {  	s25 =	simm.s32 $0x1B8E;
	s24 =	sld [smem:$0x3FFE];
	[sflag:s23] =	ssyncadd.s32 $0xFFFFFFFF  }
0xa5: {  	s26 =	simm.s32 $execute0_lowered;
	[smem:$0x3FD2] =	sst s25  }
0xa6: {  	s5 =	sshll.u32 s26, $0x1;
	_ =	strace $0x80000046;
	[dreg:$0x1] =	wrdreg $0xFFFFFFFF  }
0xa7: {  	s28 =	simm.s32 $_size_execute0_lowered;
	s3 =	sadd.s32 s3, s5;
	[dreg:$0x0] =	wrdreg $0x0  }
0xa8: {  	s5 =	sshll.u32 s28, $0x1;
	[dreg:$0x2] =	wrdreg s3  }
0xa9: {  	[dreg:$0x3] =	wrdreg s5  }
0xaa: {  	[dreg:$0x4] =	wrdreg $0xC0  }
0xab: {  	_ =	task [dreg:s7], $0x5FFFF  }
0xac: {  	[dreg:$0x1] =	wrdreg $0xFFFFFFFF  }
0xad: {  	[dreg:$0x0] =	wrdreg $0x60  }
0xae: {  	[dreg:$0x2] =	wrdreg s2  }
0xaf: {  	[dreg:$0x3] =	wrdreg s24  }
0xb0: {  	[dreg:$0x4] =	wrdreg $0x0  }
0xb1: {  	[dreg:$0x5] =	wrdreg $0x9  }
0xb2: {  	_ =	task.clear_ibuf [dreg:s7], $0x6FFFF;
	_ =	strace $0x90000046  }
0xb3: {  	s29 =	simm.s32 $0x9;
	_ =	strace $0x80000048  }
0xb4: {  	_ =	swait.ge [sflag:s29], $0x1  }
0xb5: {  	[sflag:s29] =	ssyncadd.s32 $0xFFFFFFFF  }
0xb6: {  	_ =	strace $0x90000048  }
0xb7: {  	_ =	sfence  }
0xb8: {  	s30 =	sld [smem:$0x0];
	_ =	sdelay $0x2  }
0xb9: {  	s31 =	sshll.u32 s1, $0xD;
	s1 =	sshrl.u32 s1, $0x2  }
0xba: {  	s3 =	sand.u32 $0x4000, s31;
	s1 =	sadd.s32 s1, s30  }
0xbb: {  	s0 =	sor.u32 s3, s0;
	s1 =	sshll.u32 s1, $0x11  }
0xbc: {  	s0 =	sor.u32 s1, s0  }
0xbd: {  	s0 =	sadd.s32 $0x8F2B, s0  }
0xbe: {  	[sflag:s0] =	ssyncadd.remote.s32 $0x1  }
0xbf: {  	_ =	sfence.sel $0xFFFF  }
0xc0: {  	[dreg:$0x0] =	wrdreg $0xFFFFFFFF;
	(pc) =	sbr.abs _section_cstart, $3  }
0xc1: {  	[dreg:$0x1] =	wrdreg $0xFFFFFFFF  }
0xc2: {  	_ =	task.clear_ibuf [dreg:s7], $0x2FFFF;
	_ =	strace $0x9FFFFFFF  }
0xc3: {  	(tm) =	ssettm $0x7FFFFFFF  }
tec
execute0_lowered:
.L_overlay_start_1:
0x0: {  	(tag) =	ssettag $0x1  }
0x1: {  	s0 =	rddreg [dreg:$0x0]  }
0x2: {  	s5 =	rddreg [dreg:$0x1]  }
0x3: {  	s1 =	srdreg.scid;
	s2 =	rddreg [dreg:$0x2]  }
0x4: {  	s3 =	stileid.u32;
	s4 =	simm.s32 $0x0;
	s17 =	simm.s32 $0x13880  }
0x5: {  	s18 =	simm.s32 $0x1;
	s19 =	simm.s32 $0x16080;
	s20 =	simm.s32 $0x18880  }
0x6: {  	s21 =	simm.s32 $0x1B080;
	s22 =	simm.s32 $0x80;
	s23 =	simm.s32 $0x0  }
0x7: {  	s6 =	sand.u32 $0x1, s1;
	s1 =	rddreg [dreg:$0x3];
	s9 =	smul.u32 $0x4E000, s3  }
0x8: {  	[smem:$0x7FF] =	sst s4;
	s11 =	sadd.s32 $0x1F600, s5;
	s12 =	smul.u32 $0x13800, s3  }
0x9: {  	p0 =	sne.s32 s3, $0x0;
	s7 =	sshll.u32 s6, $0x4;
	_ =	strace $0x80000047  }
0xa: {  	s8 =	ssub.s32 $0x2, s6;
	s10 =	smul.u32 $0x138800, s6;
	s7 =	sor.u32 s3, s7  }
0xb: {  	s30 =	sshrl.u32 s8, $0x1;
	s31 =	sshrl.u32 s9, $0x2;
	s7 =	smul.u32 $0x500, s7  }
0xc: {  	s13 =	ssub.s32 s8, s30;
	s8 =	sadd.s32 s31, s2;
	s12 =	sadd.s32 s12, s10  }
0xd: {  	s10 =	sshrl.u32 s10, $0x3;
	s9 =	sadd.s32 $0x10000, s8;
	s12 =	sshrl.u32 s12, $0x3  }
0xe: {  	s14 =	sadd.s32 s11, s10;
	s10 =	sadd.s32 $0x138000, s2;
	s13 =	smax.u32 s13, $0x1  }
0xf: {  	s15 =	sadd.s32 $0x8000, s8;
	s16 =	sadd.s32 $0xC000, s8;
	s7 =	sadd.s32 s7, s5  }
0x10: {  	s11 =	sadd.s32 s11, s12;
	s12 =	sadd.s32 $0x27000, s14;
	s14 =	sadd.s32 $0x4000, s8  }
0x11: {  	v0 =	vimm.f32 $0.0e+00;
	s5 =	sadd.s32 $0x1600, s7;
	s6 =	sadd.s32 $0xB600, s7;
	s7 =	sadd.s32 $0x15600, s7  }
.LBB2_1:
0x12: {  	[tilespmem:s17], [sflag:$0x1] =	stream.linear.gather [hbm4b:s5+s4], $0x2780, $0x38;
	[tilespmem:$0x1F080] =	vst v63  }
0x13: {  	_ =	swait.ge [sflag:s18], $0x2780  }
0x14: {  	[sflag:s18] =	ssyncset.done $0x0  }
0x15: {  	[sflag:s18] =	ssyncadd.s32 $0xFFFFD880  }
0x16: {  	[tilespmem:s19], [sflag:$0x1] =	stream.linear.gather [hbm4b:s6+s4], $0x2780, $0x38;
	[tilespmem:$0x1F080] =	vst v63  }
0x17: {  	_ =	swait.ge [sflag:s18], $0x2780  }
0x18: {  	[sflag:s18] =	ssyncset.done $0x0  }
0x19: {  	[sflag:s18] =	ssyncadd.s32 $0xFFFFD880  }
0x1a: {  	[tilespmem:s20], [sflag:$0x1] =	stream.linear.gather [hbm4b:s7+s4], $0x2780, $0x38;
	[tilespmem:$0x1F080] =	vst v63  }
0x1b: {  	_ =	swait.ge [sflag:s18], $0x2780  }
0x1c: {  	[sflag:s18] =	ssyncset.done $0x0  }
0x1d: {  	s24 =	simm.s32 $0x0;
	s25 =	simm.s32 $0x200;
	[sflag:s18] =	ssyncadd.s32 $0xFFFFD880  }
.LBB2_2:
0x1e: {  	p1 =	sne.s32 s25, $0xFE00;
	[tilespmem:s24+$0x1B0F0] =	vst v0  }
0x1f: {  	[tilespmem:s24+$0x1B080] =	vst v0  }
0x20: {  	[tilespmem:s24+$0x1B090] =	vst v0  }
.Ltmp0:
0x21: {  	[tilespmem:s24+$0x1B0A0] =	vst v0;
	(pc) =	sbr.rel @p1 .LBB2_2-.Ltmp0, $4  }
0x22: {  	[tilespmem:s24+$0x1B0B0] =	vst v0  }
0x23: {  	[tilespmem:s24+$0x1B0C0] =	vst v0  }
0x24: {  	[tilespmem:s24+$0x1B0D0] =	vst v0  }
0x25: {  	[tilespmem:s24+$0x1B0E0] =	vst v0;
	s24 =	sshra.s32 s25, $0x2;
	s25 =	sadd.s32 $0x200, s25  }
0x26: {  	[tilespmem:s24+$0x1B0F0] =	vst v0  }
0x27: {  	[tilespmem:s24+$0x1B080] =	vst v0  }
0x28: {  	[tilespmem:s24+$0x1B090] =	vst v0  }
0x29: {  	[tilespmem:s24+$0x1B0A0] =	vst v0  }
0x2a: {  	[tilespmem:s24+$0x1B0B0] =	vst v0  }
0x2b: {  	[tilespmem:s24+$0x1B0C0] =	vst v0  }
0x2c: {  	[tilespmem:s24+$0x1B0D0] =	vst v0  }
0x2d: {  	[tilespmem:s24+$0x1B0E0] =	vst v0  }
0x2e: {  	[spmem:s8] =	stream.linear.scatter [tilespmem:s21], [sflag:$0x1], $0x4000, $0x38;
	[tilespmem:$0x1F080] =	vst v63  }
0x2f: {  	_ =	swait.ge [sflag:s18], $0x4000  }
0x30: {  	[sflag:s18] =	ssyncset.done $0x0  }
0x31: {  	[sflag:s18] =	ssyncadd.s32 $0xFFFFC000  }
0x32: {  	[spmem:s14] =	stream.linear.scatter [tilespmem:s21], [sflag:$0x1], $0x4000, $0x38;
	[tilespmem:$0x1F080] =	vst v63  }
0x33: {  	_ =	swait.ge [sflag:s18], $0x4000  }
0x34: {  	[sflag:s18] =	ssyncset.done $0x0  }
0x35: {  	[sflag:s18] =	ssyncadd.s32 $0xFFFFC000  }
0x36: {  	[spmem:s15] =	stream.linear.scatter [tilespmem:s21], [sflag:$0x1], $0x4000, $0x38;
	[tilespmem:$0x1F080] =	vst v63  }
0x37: {  	_ =	swait.ge [sflag:s18], $0x4000  }
0x38: {  	[sflag:s18] =	ssyncset.done $0x0  }
0x39: {  	[sflag:s18] =	ssyncadd.s32 $0xFFFFC000  }
0x3a: {  	[spmem:s16] =	stream.linear.scatter [tilespmem:s21], [sflag:$0x1], $0x4000, $0x38;
	[tilespmem:$0x1F080] =	vst v63  }
0x3b: {  	_ =	swait.ge [sflag:s18], $0x4000  }
0x3c: {  	[sflag:s18] =	ssyncset.done $0x0  }
0x3d: {  	[sflag:s18] =	ssyncadd.s32 $0xFFFFC000  }
0x3e: {  	[spmem:s9] =	stream.linear.scatter [tilespmem:s21], [sflag:$0x1], $0x3800, $0x38;
	[tilespmem:$0x1F080] =	vst v63  }
0x3f: {  	_ =	swait.ge [sflag:s18], $0x3800  }
0x40: {  	[sflag:s18] =	ssyncset.done $0x0  }
0x41: {  	s24 =	simm.s32 @!p0 $0x1B080;
	[sflag:s18] =	ssyncadd.s32 $0xFFFFC800  }
0x42: {  	[spmem:s10] =	stream.linear.scatter @!p0 [tilespmem:s24], [sflag:$0x1], $0x800, $0x38;
	[tilespmem:$0x1F080] =	vst v63  }
0x43: {  	s24 =	simm.s32 @!p0 $0x1  }
0x44: {  	_ =	swait.ge @!p0 [sflag:s24], $0x800  }
0x45: {  	[sflag:s24] =	ssyncset.done @!p0 $0x0  }
0x46: {  	[sflag:s24] =	ssyncadd.s32 @!p0 $0xFFFFF800  }
0x47: {  	s24 =	simm.s32 $0x0;
	[bflag:$0x0] =	sbarrier.arrive $0xFFFF  }
.LBB2_4:
0x48: {  	s25 =	sshll.u32 s24, $0x7  }
0x49: {  	s26 =	sadd.s32 $0x18880, s25  }
0x4a: {  	s28 =	sadd.s32 $0x13880, s25;
	v1 =	vmov s26  }
0x4b: {  	[tilespmem:s21], [sflag:$0x1] =	stream.indirect.gather [hbm4b:s0+s22], $0x80, s28, s22, $0xb8;
	[tilespmem:$0x1F080] =	vst v63  }
0x4c: {  	_ =	swait.ge [sflag:s18], $0x4000  }
0x4d: {  	s31 =	simm.s32 $0x0;
	[sflag:s18] =	ssyncset.done $0x0  }
0x4e: {  	s26 =	sand.u32 $0x3FFFFFF0, s31;
	s28 =	simm.s32 $0x0;
	[sflag:s18] =	ssyncadd.s32 $0xFFFFC000  }
0x4f: {  	v2 =	vld.idx.msk [tilespmem:v1+s26+$0x0 ss:$0x1], $0xffff;
	s26 =	sand.u32 $0x3FFFF800, s28  }
0x50: {  	v8 =	vld [tilespmem:s26+$0x1B140]  }
0x51: {  	v4 =	vld [tilespmem:s26+$0x1B0A0]  }
0x52: {  	v5 =	vld [tilespmem:s26+$0x1B0B0]  }
0x53: {  	v11 =	vld [tilespmem:s26+$0x1B0E0]  }
0x54: {  	v12 =	vld [tilespmem:s26+$0x1B0F0];
	v3 =	vbroadcast v2, $0x0  }
0x55: {  	v13 =	vld [tilespmem:s26+$0x1B100]  }
0x56: {  	v14 =	vld [tilespmem:s26+$0x1B110];
	v4 =	vmul.f32 v4, v3  }
0x57: {  	v15 =	vld [tilespmem:s26+$0x1B120];
	v5 =	vmul.f32 v5, v3  }
0x58: {  	v10 =	vld [tilespmem:s26+$0x1B130];
	v21 =	vbroadcast v2, $0x1;
	v20 =	vmul.f32 v11, v3;
	[tilespmem:s26+$0x1B0A0] =	vst v4  }
0x59: {  	v9 =	vld [tilespmem:s26+$0x1B150];
	v12 =	vmul.f32 v12, v3;
	[tilespmem:s26+$0x1B0B0] =	vst v5  }
0x5a: {  	v7 =	vld [tilespmem:s26+$0x1B5F0];
	v13 =	vmul.f32 v13, v21;
	[tilespmem:s26+$0x1B0E0] =	vst v20  }
0x5b: {  	v23 =	vld [tilespmem:s26+$0x1B170];
	v14 =	vmul.f32 v14, v21;
	[tilespmem:s26+$0x1B0F0] =	vst v12  }
0x5c: {  	v24 =	vld [tilespmem:s26+$0x1B180];
	v15 =	vmul.f32 v15, v21;
	[tilespmem:s26+$0x1B100] =	vst v13  }
0x5d: {  	v25 =	vld [tilespmem:s26+$0x1B190];
	v10 =	vmul.f32 v10, v21;
	[tilespmem:s26+$0x1B110] =	vst v14  }
0x5e: {  	v22 =	vld [tilespmem:s26+$0x1B160];
	v8 =	vmul.f32 v8, v21;
	[tilespmem:s26+$0x1B120] =	vst v15  }
0x5f: {  	v26 =	vld [tilespmem:s26+$0x1B1A0];
	v16 =	vbroadcast v2, $0x2;
	v9 =	vmul.f32 v9, v21;
	[tilespmem:s26+$0x1B130] =	vst v10  }
0x60: {  	v27 =	vld [tilespmem:s26+$0x1B1B0];
	v11 =	vmul.f32 v23, v21;
	[tilespmem:s26+$0x1B140] =	vst v8  }
0x61: {  	v28 =	vld [tilespmem:s26+$0x1B1C0];
	v6 =	vbroadcast v2, $0xA;
	v30 =	vmul.f32 v24, v16;
	[tilespmem:s26+$0x1B150] =	vst v9  }
0x62: {  	v29 =	vld [tilespmem:s26+$0x1B1D0];
	v32 =	vmul.f32 v25, v16;
	[tilespmem:s26+$0x1B170] =	vst v11  }
0x63: {  	v31 =	vld [tilespmem:s26+$0x1B1E0];
	v4 =	vmul.f32 v7, v6;
	[tilespmem:s26+$0x1B180] =	vst v30  }
0x64: {  	v33 =	vld [tilespmem:s26+$0x1B1F0];
	v12 =	vmul.f32 v22, v21;
	[tilespmem:s26+$0x1B190] =	vst v32  }
0x65: {  	v34 =	vld [tilespmem:s26+$0x1B200];
	v10 =	vmul.f32 v26, v16;
	[tilespmem:s26+$0x1B5F0] =	vst v4  }
0x66: {  	v35 =	vld [tilespmem:s26+$0x1B210];
	v8 =	vmul.f32 v27, v16;
	[tilespmem:s26+$0x1B160] =	vst v12  }
0x67: {  	v36 =	vld [tilespmem:s26+$0x1B220];
	v9 =	vmul.f32 v28, v16;
	[tilespmem:s26+$0x1B1A0] =	vst v10  }
0x68: {  	v37 =	vld [tilespmem:s26+$0x1B230];
	v39 =	vbroadcast v2, $0x3;
	v11 =	vmul.f32 v31, v16;
	[tilespmem:s26+$0x1B1B0] =	vst v8  }
0x69: {  	v38 =	vld [tilespmem:s26+$0x1B240];
	v13 =	vmul.f32 v33, v16;
	[tilespmem:s26+$0x1B1C0] =	vst v9  }
0x6a: {  	v40 =	vld [tilespmem:s26+$0x1B250];
	v14 =	vmul.f32 v34, v39;
	[tilespmem:s26+$0x1B1E0] =	vst v11  }
0x6b: {  	v41 =	vld [tilespmem:s26+$0x1B260];
	v12 =	vmul.f32 v29, v16;
	[tilespmem:s26+$0x1B1F0] =	vst v13  }
0x6c: {  	v42 =	vld [tilespmem:s26+$0x1B270];
	v10 =	vmul.f32 v35, v39;
	[tilespmem:s26+$0x1B200] =	vst v14  }
0x6d: {  	v43 =	vld [tilespmem:s26+$0x1B280];
	v8 =	vmul.f32 v36, v39;
	[tilespmem:s26+$0x1B1D0] =	vst v12  }
0x6e: {  	v44 =	vld [tilespmem:s26+$0x1B290];
	v9 =	vmul.f32 v37, v39;
	[tilespmem:s26+$0x1B210] =	vst v10  }
0x6f: {  	v45 =	vld [tilespmem:s26+$0x1B2A0];
	v11 =	vmul.f32 v40, v39;
	[tilespmem:s26+$0x1B220] =	vst v8  }
0x70: {  	v46 =	vld [tilespmem:s26+$0x1B2B0];
	v13 =	vmul.f32 v41, v39;
	[tilespmem:s26+$0x1B230] =	vst v9  }
0x71: {  	v47 =	vld [tilespmem:s26+$0x1B2C0];
	v48 =	vbroadcast v2, $0x4;
	v14 =	vmul.f32 v42, v39;
	[tilespmem:s26+$0x1B250] =	vst v11  }
0x72: {  	v49 =	vld [tilespmem:s26+$0x1B2D0];
	v12 =	vmul.f32 v38, v39;
	[tilespmem:s26+$0x1B260] =	vst v13  }
0x73: {  	v50 =	vld [tilespmem:s26+$0x1B2E0];
	v10 =	vmul.f32 v43, v48;
	[tilespmem:s26+$0x1B270] =	vst v14  }
0x74: {  	v51 =	vld [tilespmem:s26+$0x1B2F0];
	v8 =	vmul.f32 v44, v48;
	[tilespmem:s26+$0x1B240] =	vst v12  }
0x75: {  	v52 =	vld [tilespmem:s26+$0x1B300];
	v9 =	vmul.f32 v45, v48;
	[tilespmem:s26+$0x1B280] =	vst v10  }
0x76: {  	v53 =	vld [tilespmem:s26+$0x1B310];
	v11 =	vmul.f32 v47, v48;
	[tilespmem:s26+$0x1B290] =	vst v8  }
0x77: {  	v54 =	vld [tilespmem:s26+$0x1B320];
	v13 =	vmul.f32 v49, v48;
	[tilespmem:s26+$0x1B2A0] =	vst v9  }
0x78: {  	v55 =	vld [tilespmem:s26+$0x1B330];
	v14 =	vmul.f32 v50, v48;
	[tilespmem:s26+$0x1B2C0] =	vst v11  }
0x79: {  	v56 =	vld [tilespmem:s26+$0x1B340];
	v57 =	vbroadcast v2, $0x5;
	v12 =	vmul.f32 v46, v48;
	[tilespmem:s26+$0x1B2D0] =	vst v13  }
0x7a: {  	v58 =	vld [tilespmem:s26+$0x1B350];
	v10 =	vmul.f32 v51, v48;
	[tilespmem:s26+$0x1B2E0] =	vst v14  }
0x7b: {  	v59 =	vld [tilespmem:s26+$0x1B360];
	v8 =	vmul.f32 v52, v57;
	[tilespmem:s26+$0x1B2B0] =	vst v12  }
0x7c: {  	v60 =	vld [tilespmem:s26+$0x1B370];
	v9 =	vmul.f32 v53, v57;
	[tilespmem:s26+$0x1B2F0] =	vst v10  }
0x7d: {  	v61 =	vld [tilespmem:s26+$0x1B380];
	v11 =	vmul.f32 v55, v57;
	[tilespmem:s26+$0x1B300] =	vst v8  }
0x7e: {  	v62 =	vld [tilespmem:s26+$0x1B390];
	v13 =	vmul.f32 v56, v57;
	[tilespmem:s26+$0x1B310] =	vst v9  }
0x7f: {  	v63 =	vld [tilespmem:s26+$0x1B3A0];
	v14 =	vmul.f32 v58, v57;
	[tilespmem:s26+$0x1B330] =	vst v11  }
0x80: {  	v20 =	vld [tilespmem:s26+$0x1B3B0];
	v12 =	vmul.f32 v54, v57;
	[tilespmem:s26+$0x1B340] =	vst v13  }
0x81: {  	v21 =	vld [tilespmem:s26+$0x1B3C0];
	v22 =	vbroadcast v2, $0x6;
	v10 =	vmul.f32 v59, v57;
	[tilespmem:s26+$0x1B350] =	vst v14  }
0x82: {  	v23 =	vld [tilespmem:s26+$0x1B3D0];
	v8 =	vmul.f32 v60, v57;
	[tilespmem:s26+$0x1B320] =	vst v12  }
0x83: {  	v24 =	vld [tilespmem:s26+$0x1B3E0];
	v9 =	vmul.f32 v61, v22;
	[tilespmem:s26+$0x1B360] =	vst v10  }
0x84: {  	v25 =	vld [tilespmem:s26+$0x1B3F0];
	v11 =	vmul.f32 v63, v22;
	[tilespmem:s26+$0x1B370] =	vst v8  }
0x85: {  	v5 =	vld [tilespmem:s26+$0x1B600];
	v13 =	vmul.f32 v20, v22;
	[tilespmem:s26+$0x1B380] =	vst v9  }
0x86: {  	v27 =	vld [tilespmem:s26+$0x1B410];
	v14 =	vmul.f32 v21, v22;
	[tilespmem:s26+$0x1B3A0] =	vst v11  }
0x87: {  	v28 =	vld [tilespmem:s26+$0x1B420];
	v12 =	vmul.f32 v62, v22;
	[tilespmem:s26+$0x1B3B0] =	vst v13  }
0x88: {  	v29 =	vld [tilespmem:s26+$0x1B430];
	v10 =	vmul.f32 v23, v22;
	[tilespmem:s26+$0x1B3C0] =	vst v14  }
0x89: {  	v31 =	vbroadcast v2, $0x7;
	v53 =	vld [tilespmem:s26+$0x1B580];
	v8 =	vmul.f32 v24, v22;
	[tilespmem:s26+$0x1B390] =	vst v12  }
0x8a: {  	v58 =	vld [tilespmem:s26+$0x1B5D0];
	v9 =	vmul.f32 v25, v22;
	[tilespmem:s26+$0x1B3D0] =	vst v10  }
0x8b: {  	v26 =	vld [tilespmem:s26+$0x1B400];
	v11 =	vmul.f32 v27, v31;
	[tilespmem:s26+$0x1B3E0] =	vst v8  }
0x8c: {  	v30 =	vld [tilespmem:s26+$0x1B440];
	v13 =	vmul.f32 v28, v31;
	[tilespmem:s26+$0x1B3F0] =	vst v9  }
0x8d: {  	v32 =	vld [tilespmem:s26+$0x1B450];
	v14 =	vmul.f32 v29, v31;
	[tilespmem:s26+$0x1B410] =	vst v11  }
0x8e: {  	v33 =	vld [tilespmem:s26+$0x1B460];
	v59 =	vmul.f32 v53, v6;
	[tilespmem:s26+$0x1B420] =	vst v13  }
0x8f: {  	v35 =	vld [tilespmem:s26+$0x1B480];
	v21 =	vmul.f32 v58, v6;
	[tilespmem:s26+$0x1B430] =	vst v14  }
0x90: {  	v36 =	vld [tilespmem:s26+$0x1B490];
	v12 =	vmul.f32 v26, v31;
	[tilespmem:s26+$0x1B580] =	vst v59  }
0x91: {  	v37 =	vld [tilespmem:s26+$0x1B4A0];
	v10 =	vmul.f32 v30, v31;
	[tilespmem:s26+$0x1B5D0] =	vst v21  }
0x92: {  	v7 =	vld [tilespmem:s26+$0x1B610];
	v40 =	vbroadcast v2, $0x8;
	v8 =	vmul.f32 v32, v31;
	[tilespmem:s26+$0x1B400] =	vst v12  }
0x93: {  	v34 =	vld [tilespmem:s26+$0x1B470];
	v9 =	vmul.f32 v33, v31;
	[tilespmem:s26+$0x1B440] =	vst v10  }
0x94: {  	v57 =	vld [tilespmem:s26+$0x1B5C0];
	v11 =	vmul.f32 v35, v40;
	[tilespmem:s26+$0x1B450] =	vst v8  }
0x95: {  	v61 =	vld [tilespmem:s26+$0x1B080];
	v24 =	vbroadcast v2, $0xB;
	v13 =	vmul.f32 v36, v40;
	[tilespmem:s26+$0x1B460] =	vst v9  }
0x96: {  	v4 =	vld [tilespmem:s26+$0x1B850];
	v14 =	vmul.f32 v37, v40;
	[tilespmem:s26+$0x1B480] =	vst v11  }
0x97: {  	v38 =	vld [tilespmem:s26+$0x1B4B0];
	v5 =	vmul.f32 v5, v24;
	[tilespmem:s26+$0x1B490] =	vst v13  }
0x98: {  	v39 =	vld [tilespmem:s26+$0x1B4C0];
	v7 =	vmul.f32 v7, v24;
	[tilespmem:s26+$0x1B4A0] =	vst v14  }
0x99: {  	v41 =	vld [tilespmem:s26+$0x1B4D0];
	v19 =	vmul.f32 v57, v6;
	[tilespmem:s26+$0x1B600] =	vst v5  }
0x9a: {  	v43 =	vld [tilespmem:s26+$0x1B4F0];
	v25 =	vmul.f32 v3, v61;
	[tilespmem:s26+$0x1B610] =	vst v7  }
0x9b: {  	v44 =	vld [tilespmem:s26+$0x1B500];
	v12 =	vmul.f32 v34, v31;
	[tilespmem:s26+$0x1B5C0] =	vst v19  }
0x9c: {  	v45 =	vld [tilespmem:s26+$0x1B510];
	v10 =	vmul.f32 v38, v40;
	[tilespmem:s26+$0x1B080] =	vst v25  }
0x9d: {  	v27 =	vld [tilespmem:s26+$0x1B650];
	v8 =	vmul.f32 v39, v40;
	[tilespmem:s26+$0x1B470] =	vst v12  }
0x9e: {  	v49 =	vbroadcast v2, $0x9;
	v29 =	vld [tilespmem:s26+$0x1B670];
	v9 =	vmul.f32 v41, v40;
	[tilespmem:s26+$0x1B4B0] =	vst v10  }
0x9f: {  	v42 =	vld [tilespmem:s26+$0x1B4E0];
	v11 =	vmul.f32 v43, v40;
	[tilespmem:s26+$0x1B4C0] =	vst v8  }
0xa0: {  	v46 =	vld [tilespmem:s26+$0x1B520];
	v13 =	vmul.f32 v44, v49;
	[tilespmem:s26+$0x1B4D0] =	vst v9  }
0xa1: {  	v47 =	vld [tilespmem:s26+$0x1B530];
	v14 =	vmul.f32 v45, v49;
	[tilespmem:s26+$0x1B4F0] =	vst v11  }
0xa2: {  	v48 =	vld [tilespmem:s26+$0x1B540];
	v32 =	vmul.f32 v27, v24;
	[tilespmem:s26+$0x1B500] =	vst v13  }
0xa3: {  	v51 =	vld [tilespmem:s26+$0x1B560];
	v7 =	vmul.f32 v29, v24;
	[tilespmem:s26+$0x1B510] =	vst v14  }
0xa4: {  	v52 =	vld [tilespmem:s26+$0x1B570];
	v12 =	vmul.f32 v42, v40;
	[tilespmem:s26+$0x1B650] =	vst v32  }
0xa5: {  	v10 =	vmul.f32 v46, v49;
	[tilespmem:s26+$0x1B670] =	vst v7  }
0xa6: {  	v28 =	vld [tilespmem:s26+$0x1B660];
	v8 =	vmul.f32 v47, v49;
	[tilespmem:s26+$0x1B4E0] =	vst v12  }
0xa7: {  	v30 =	vld [tilespmem:s26+$0x1B680];
	v9 =	vmul.f32 v48, v49;
	[tilespmem:s26+$0x1B520] =	vst v10  }
0xa8: {  	v50 =	vld [tilespmem:s26+$0x1B550];
	v5 =	vbroadcast v2, $0xF;
	v11 =	vmul.f32 v51, v49;
	[tilespmem:s26+$0x1B530] =	vst v8  }
0xa9: {  	v54 =	vld [tilespmem:s26+$0x1B590];
	v13 =	vmul.f32 v52, v49;
	[tilespmem:s26+$0x1B540] =	vst v9  }
0xaa: {  	v55 =	vld [tilespmem:s26+$0x1B5A0];
	v35 =	vbroadcast v2, $0xC;
	v4 =	vmul.f32 v4, v5;
	[tilespmem:s26+$0x1B560] =	vst v11  }
0xab: {  	v56 =	vld [tilespmem:s26+$0x1B5B0];
	v40 =	vmul.f32 v28, v24;
	[tilespmem:s26+$0x1B570] =	vst v13  }
0xac: {  	v60 =	vld [tilespmem:s26+$0x1B5E0];
	v16 =	vmul.f32 v30, v35;
	[tilespmem:s26+$0x1B850] =	vst v4  }
0xad: {  	v62 =	vld [tilespmem:s26+$0x1B090];
	v12 =	vmul.f32 v50, v49;
	[tilespmem:s26+$0x1B660] =	vst v40  }
0xae: {  	v63 =	vld [tilespmem:s26+$0x1B0C0];
	v10 =	vmul.f32 v54, v6;
	[tilespmem:s26+$0x1B680] =	vst v16  }
0xaf: {  	v20 =	vld [tilespmem:s26+$0x1B0D0];
	v8 =	vmul.f32 v55, v6;
	[tilespmem:s26+$0x1B550] =	vst v12  }
0xb0: {  	v33 =	vld [tilespmem:s26+$0x1B6B0];
	v9 =	vmul.f32 v56, v6;
	[tilespmem:s26+$0x1B590] =	vst v10  }
0xb1: {  	v61 =	vld [tilespmem:s26+$0x1B870];
	v6 =	vmul.f32 v60, v6;
	[tilespmem:s26+$0x1B5A0] =	vst v8  }
0xb2: {  	v38 =	vld [tilespmem:s26+$0x1B6F0];
	v13 =	vmul.f32 v62, v3;
	[tilespmem:s26+$0x1B5B0] =	vst v9  }
0xb3: {  	v22 =	vld [tilespmem:s26+$0x1B620];
	v4 =	vmul.f32 v63, v3;
	[tilespmem:s26+$0x1B5E0] =	vst v6  }
0xb4: {  	v23 =	vld [tilespmem:s26+$0x1B630];
	v3 =	vmul.f32 v20, v3;
	[tilespmem:s26+$0x1B090] =	vst v13  }
0xb5: {  	v26 =	vld [tilespmem:s26+$0x1B640];
	v62 =	vmul.f32 v33, v35;
	[tilespmem:s26+$0x1B0C0] =	vst v4  }
0xb6: {  	v31 =	vld [tilespmem:s26+$0x1B690];
	v63 =	vmul.f32 v61, v5;
	[tilespmem:s26+$0x1B0D0] =	vst v3  }
0xb7: {  	v34 =	vld [tilespmem:s26+$0x1B6C0];
	v16 =	vmul.f32 v38, v35;
	[tilespmem:s26+$0x1B6B0] =	vst v62  }
0xb8: {  	v41 =	vld [tilespmem:s26+$0x1B720];
	v8 =	vmul.f32 v22, v24;
	[tilespmem:s26+$0x1B870] =	vst v63  }
0xb9: {  	v46 =	vld [tilespmem:s26+$0x1B760];
	v9 =	vmul.f32 v23, v24;
	[tilespmem:s26+$0x1B6F0] =	vst v16  }
0xba: {  	v6 =	vmul.f32 v26, v24;
	v3 =	vld [tilespmem:s26+$0x1B710];
	[tilespmem:s26+$0x1B620] =	vst v8  }
0xbb: {  	v36 =	vld [tilespmem:s26+$0x1B6D0];
	v44 =	vbroadcast v2, $0xD;
	v10 =	vmul.f32 v31, v35;
	[tilespmem:s26+$0x1B630] =	vst v9  }
0xbc: {  	v37 =	vld [tilespmem:s26+$0x1B6E0];
	v13 =	vmul.f32 v34, v35;
	[tilespmem:s26+$0x1B640] =	vst v6  }
0xbd: {  	v39 =	vld [tilespmem:s26+$0x1B700];
	v12 =	vmul.f32 v41, v44;
	[tilespmem:s26+$0x1B690] =	vst v10  }
0xbe: {  	v42 =	vld [tilespmem:s26+$0x1B730];
	v51 =	vmul.f32 v46, v44;
	[tilespmem:s26+$0x1B6C0] =	vst v13  }
0xbf: {  	v48 =	vld [tilespmem:s26+$0x1B790];
	[tilespmem:s26+$0x1B720] =	vst v12;
	v3 =	vmul.f32 v3, v44  }
0xc0: {  	v49 =	vld [tilespmem:s26+$0x1B7A0];
	v9 =	vmul.f32 v36, v35;
	[tilespmem:s26+$0x1B760] =	vst v51  }
0xc1: {  	v6 =	vmul.f32 v37, v35;
	[tilespmem:s26+$0x1B710] =	vst v3;
	v3 =	vld [tilespmem:s26+$0x1B780]  }
0xc2: {  	v2 =	vbroadcast v2, $0xE;
	v50 =	vld [tilespmem:s26+$0x1B7B0];
	v10 =	vmul.f32 v39, v44;
	[tilespmem:s26+$0x1B6D0] =	vst v9  }
0xc3: {  	v45 =	vld [tilespmem:s26+$0x1B750];
	v13 =	vmul.f32 v42, v44;
	[tilespmem:s26+$0x1B6E0] =	vst v6  }
0xc4: {  	v47 =	vld [tilespmem:s26+$0x1B770];
	v12 =	vmul.f32 v48, v2;
	[tilespmem:s26+$0x1B700] =	vst v10  }
0xc5: {  	v43 =	vld [tilespmem:s26+$0x1B740];
	v11 =	vmul.f32 v49, v2;
	[tilespmem:s26+$0x1B730] =	vst v13  }
0xc6: {  	v55 =	vld [tilespmem:s26+$0x1B800];
	[tilespmem:s26+$0x1B790] =	vst v12;
	v3 =	vmul.f32 v3, v2  }
0xc7: {  	v57 =	vld [tilespmem:s26+$0x1B820];
	v7 =	vmul.f32 v50, v2;
	[tilespmem:s26+$0x1B7A0] =	vst v11  }
0xc8: {  	v6 =	vmul.f32 v45, v44;
	[tilespmem:s26+$0x1B780] =	vst v3;
	v3 =	vld [tilespmem:s26+$0x1B7F0]  }
0xc9: {  	v52 =	vld [tilespmem:s26+$0x1B7C0];
	v10 =	vmul.f32 v47, v44;
	[tilespmem:s26+$0x1B7B0] =	vst v7  }
0xca: {  	v56 =	vld [tilespmem:s26+$0x1B810];
	v9 =	vmul.f32 v43, v44;
	[tilespmem:s26+$0x1B750] =	vst v6  }
0xcb: {  	v54 =	vld [tilespmem:s26+$0x1B7E0];
	v12 =	vmul.f32 v55, v5;
	[tilespmem:s26+$0x1B770] =	vst v10  }
0xcc: {  	v58 =	vld [tilespmem:s26+$0x1B830];
	v7 =	vmul.f32 v57, v5;
	[tilespmem:s26+$0x1B740] =	vst v9  }
0xcd: {  	v53 =	vld [tilespmem:s26+$0x1B7D0];
	[tilespmem:s26+$0x1B800] =	vst v12;
	v3 =	vmul.f32 v3, v2  }
0xce: {  	v59 =	vld [tilespmem:s26+$0x1B840];
	v6 =	vmul.f32 v52, v2;
	[tilespmem:s26+$0x1B820] =	vst v7  }
0xcf: {  	v60 =	vld [tilespmem:s26+$0x1B860];
	[tilespmem:s26+$0x1B7F0] =	vst v3;
	v3 =	vmul.f32 v56, v5  }
0xd0: {  	v10 =	vmul.f32 v54, v2;
	[tilespmem:s26+$0x1B7C0] =	vst v6  }
0xd1: {  	v4 =	vld [tilespmem:s26+$0x1B6A0];
	[tilespmem:s26+$0x1B810] =	vst v3;
	v3 =	vmul.f32 v58, v5  }
0xd2: {  	[tilespmem:s26+$0x1B7E0] =	vst v10;
	v2 =	vmul.f32 v53, v2  }
0xd3: {  	[tilespmem:s26+$0x1B830] =	vst v3;
	v3 =	vmul.f32 v59, v5  }
0xd4: {  	[tilespmem:s26+$0x1B7D0] =	vst v2;
	v5 =	vmul.f32 v60, v5  }
0xd5: {  	[tilespmem:s26+$0x1B840] =	vst v3  }
0xd6: {  	s28 =	simm.s32 $0x1;
	v3 =	vmul.f32 v4, v35;
	[tilespmem:s26+$0x1B860] =	vst v5  }
.LBB2_5:
0xd7: {  	s29 =	sshll.u32 s28, $0x4  }
0xd8: {  	p1 =	sne.s32 s28, $0x7;
	[tilespmem:s26+$0x1B6A0] =	vst v3;
	s26 =	smov.u32 s28;
	s28 =	sadd.s32 $0x1, s28  }
0xd9: {  	s29 =	sand.u32 $0x3FFFFFF0, s29  }
0xda: {  	v2 =	vld.idx.msk [tilespmem:v1+s29+$0x0 ss:$0x1], $0xffff  }
0xdb: {  	s26 =	sshll.u32 s26, $0xB  }
0xdc: {  	s26 =	sand.u32 $0x3FFFF800, s26  }
0xdd: {  	v9 =	vld [tilespmem:s26+$0x1B140]  }
0xde: {  	v10 =	vld [tilespmem:s26+$0x1B150]  }
0xdf: {  	v11 =	vld [tilespmem:s26+$0x1B130]  }
0xe0: {  	v3 =	vbroadcast v2, $0x0;
	v8 =	vbroadcast v2, $0x4;
	v4 =	vld [tilespmem:s26+$0x1B0A0]  }
0xe1: {  	v6 =	vld [tilespmem:s26+$0x1B0B0]  }
0xe2: {  	v7 =	vld [tilespmem:s26+$0x1B5F0]  }
0xe3: {  	v12 =	vld [tilespmem:s26+$0x1B0E0]  }
0xe4: {  	v13 =	vld [tilespmem:s26+$0x1B0F0]  }
0xe5: {  	v5 =	vbroadcast v2, $0xA;
	v4 =	vmul.f32 v4, v3;
	v14 =	vld [tilespmem:s26+$0x1B100]  }
0xe6: {  	v6 =	vmul.f32 v6, v3;
	v15 =	vld [tilespmem:s26+$0x1B110]  }
0xe7: {  	[tilespmem:s26+$0x1B0A0] =	vst v4;
	v16 =	vld [tilespmem:s26+$0x1B120];
	v4 =	vmul.f32 v7, v5  }
0xe8: {  	[tilespmem:s26+$0x1B0B0] =	vst v6;
	v7 =	vmul.f32 v12, v3;
	v12 =	vbroadcast v2, $0x1;
	v6 =	vld [tilespmem:s26+$0x1B600]  }
0xe9: {  	v13 =	vmul.f32 v13, v3;
	[tilespmem:s26+$0x1B5F0] =	vst v4;
	v4 =	vld [tilespmem:s26+$0x1B850]  }
0xea: {  	[tilespmem:s26+$0x1B0E0] =	vst v7;
	v14 =	vmul.f32 v14, v12;
	v7 =	vld [tilespmem:s26+$0x1B610]  }
0xeb: {  	[tilespmem:s26+$0x1B0F0] =	vst v13;
	v13 =	vmul.f32 v15, v12;
	v15 =	vld [tilespmem:s26+$0x1B160]  }
0xec: {  	[tilespmem:s26+$0x1B100] =	vst v14;
	v14 =	vmul.f32 v16, v12;
	v16 =	vld [tilespmem:s26+$0x1B170]  }
0xed: {  	v11 =	vmul.f32 v11, v12;
	[tilespmem:s26+$0x1B110] =	vst v13;
	v13 =	vld [tilespmem:s26+$0x1B180]  }
0xee: {  	v9 =	vmul.f32 v9, v12;
	[tilespmem:s26+$0x1B120] =	vst v14;
	v14 =	vld [tilespmem:s26+$0x1B190]  }
0xef: {  	v10 =	vmul.f32 v10, v12;
	[tilespmem:s26+$0x1B130] =	vst v11;
	v11 =	vld [tilespmem:s26+$0x1B1A0]  }
0xf0: {  	[tilespmem:s26+$0x1B140] =	vst v9;
	v9 =	vmul.f32 v15, v12;
	v15 =	vbroadcast v2, $0x2;
	v17 =	vld [tilespmem:s26+$0x1B1B0]  }
0xf1: {  	[tilespmem:s26+$0x1B150] =	vst v10;
	v10 =	vmul.f32 v16, v12;
	v12 =	vld [tilespmem:s26+$0x1B1C0]  }
0xf2: {  	[tilespmem:s26+$0x1B160] =	vst v9;
	v9 =	vmul.f32 v13, v15;
	v13 =	vld [tilespmem:s26+$0x1B1D0]  }
0xf3: {  	[tilespmem:s26+$0x1B170] =	vst v10;
	v10 =	vmul.f32 v14, v15;
	v14 =	vld [tilespmem:s26+$0x1B1E0]  }
0xf4: {  	[tilespmem:s26+$0x1B180] =	vst v9;
	v9 =	vmul.f32 v11, v15;
	v11 =	vld [tilespmem:s26+$0x1B1F0]  }
0xf5: {  	[tilespmem:s26+$0x1B190] =	vst v10;
	v10 =	vmul.f32 v17, v15;
	v16 =	vld [tilespmem:s26+$0x1B200]  }
0xf6: {  	[tilespmem:s26+$0x1B1A0] =	vst v9;
	v9 =	vmul.f32 v12, v15;
	v12 =	vld [tilespmem:s26+$0x1B210]  }
0xf7: {  	[tilespmem:s26+$0x1B1B0] =	vst v10;
	v10 =	vmul.f32 v13, v15;
	v13 =	vld [tilespmem:s26+$0x1B220]  }
0xf8: {  	[tilespmem:s26+$0x1B1C0] =	vst v9;
	v9 =	vmul.f32 v14, v15;
	v14 =	vbroadcast v2, $0x3;
	v17 =	vld [tilespmem:s26+$0x1B230]  }
0xf9: {  	[tilespmem:s26+$0x1B1D0] =	vst v10;
	v10 =	vmul.f32 v11, v15;
	v11 =	vld [tilespmem:s26+$0x1B240]  }
0xfa: {  	[tilespmem:s26+$0x1B1E0] =	vst v9;
	v9 =	vmul.f32 v16, v14;
	v15 =	vld [tilespmem:s26+$0x1B250]  }
0xfb: {  	[tilespmem:s26+$0x1B1F0] =	vst v10;
	v10 =	vmul.f32 v12, v14;
	v12 =	vld [tilespmem:s26+$0x1B260]  }
0xfc: {  	[tilespmem:s26+$0x1B200] =	vst v9;
	v9 =	vmul.f32 v13, v14;
	v13 =	vld [tilespmem:s26+$0x1B270]  }
0xfd: {  	[tilespmem:s26+$0x1B210] =	vst v10;
	v10 =	vmul.f32 v17, v14;
	v16 =	vld [tilespmem:s26+$0x1B280]  }
0xfe: {  	[tilespmem:s26+$0x1B220] =	vst v9;
	v9 =	vmul.f32 v11, v14;
	v11 =	vld [tilespmem:s26+$0x1B290]  }
0xff: {  	[tilespmem:s26+$0x1B230] =	vst v10;
	v10 =	vmul.f32 v15, v14;
	v15 =	vld [tilespmem:s26+$0x1B2A0]  }
0x100: {  	[tilespmem:s26+$0x1B240] =	vst v9;
	v9 =	vmul.f32 v12, v14;
	v12 =	vld [tilespmem:s26+$0x1B2B0]  }
0x101: {  	[tilespmem:s26+$0x1B250] =	vst v10;
	v10 =	vmul.f32 v13, v14;
	v13 =	vld [tilespmem:s26+$0x1B2C0]  }
0x102: {  	[tilespmem:s26+$0x1B260] =	vst v9;
	v9 =	vmul.f32 v16, v8;
	v14 =	vld [tilespmem:s26+$0x1B2D0]  }
0x103: {  	[tilespmem:s26+$0x1B270] =	vst v10;
	v10 =	vmul.f32 v11, v8;
	v11 =	vld [tilespmem:s26+$0x1B2E0]  }
0x104: {  	[tilespmem:s26+$0x1B280] =	vst v9;
	v9 =	vmul.f32 v15, v8;
	v15 =	vld [tilespmem:s26+$0x1B2F0]  }
0x105: {  	[tilespmem:s26+$0x1B290] =	vst v10;
	v10 =	vmul.f32 v12, v8;
	v12 =	vld [tilespmem:s26+$0x1B300]  }
0x106: {  	[tilespmem:s26+$0x1B2A0] =	vst v9;
	v9 =	vmul.f32 v13, v8;
	v13 =	vld [tilespmem:s26+$0x1B310]  }
0x107: {  	[tilespmem:s26+$0x1B2B0] =	vst v10;
	v10 =	vmul.f32 v14, v8;
	v14 =	vld [tilespmem:s26+$0x1B320]  }
0x108: {  	[tilespmem:s26+$0x1B2C0] =	vst v9;
	v9 =	vmul.f32 v11, v8;
	v11 =	vbroadcast v2, $0x5;
	v16 =	vld [tilespmem:s26+$0x1B330]  }
0x109: {  	[tilespmem:s26+$0x1B2D0] =	vst v10;
	v8 =	vmul.f32 v15, v8;
	v10 =	vld [tilespmem:s26+$0x1B340]  }
0x10a: {  	[tilespmem:s26+$0x1B2E0] =	vst v9;
	v9 =	vmul.f32 v12, v11;
	v12 =	vld [tilespmem:s26+$0x1B350]  }
0x10b: {  	[tilespmem:s26+$0x1B2F0] =	vst v8;
	v8 =	vmul.f32 v13, v11;
	v13 =	vld [tilespmem:s26+$0x1B360]  }
0x10c: {  	[tilespmem:s26+$0x1B300] =	vst v9;
	v9 =	vmul.f32 v14, v11;
	v14 =	vld [tilespmem:s26+$0x1B370]  }
0x10d: {  	[tilespmem:s26+$0x1B310] =	vst v8;
	v8 =	vmul.f32 v16, v11;
	v15 =	vld [tilespmem:s26+$0x1B380]  }
0x10e: {  	[tilespmem:s26+$0x1B320] =	vst v9;
	v9 =	vmul.f32 v10, v11;
	v10 =	vld [tilespmem:s26+$0x1B390]  }
0x10f: {  	[tilespmem:s26+$0x1B330] =	vst v8;
	v8 =	vmul.f32 v12, v11;
	v12 =	vld [tilespmem:s26+$0x1B3A0]  }
0x110: {  	[tilespmem:s26+$0x1B340] =	vst v9;
	v9 =	vmul.f32 v13, v11;
	v13 =	vbroadcast v2, $0x6;
	v16 =	vld [tilespmem:s26+$0x1B3B0]  }
0x111: {  	[tilespmem:s26+$0x1B350] =	vst v8;
	v8 =	vmul.f32 v14, v11;
	v11 =	vld [tilespmem:s26+$0x1B3C0]  }
0x112: {  	[tilespmem:s26+$0x1B360] =	vst v9;
	v9 =	vmul.f32 v15, v13;
	v14 =	vld [tilespmem:s26+$0x1B3D0]  }
0x113: {  	[tilespmem:s26+$0x1B370] =	vst v8;
	v8 =	vmul.f32 v10, v13;
	v10 =	vld [tilespmem:s26+$0x1B3E0]  }
0x114: {  	[tilespmem:s26+$0x1B380] =	vst v9;
	v9 =	vmul.f32 v12, v13;
	v12 =	vld [tilespmem:s26+$0x1B3F0]  }
0x115: {  	[tilespmem:s26+$0x1B390] =	vst v8;
	v8 =	vmul.f32 v16, v13;
	v15 =	vld [tilespmem:s26+$0x1B400]  }
0x116: {  	[tilespmem:s26+$0x1B3A0] =	vst v9;
	v9 =	vmul.f32 v11, v13;
	v11 =	vld [tilespmem:s26+$0x1B410]  }
0x117: {  	[tilespmem:s26+$0x1B3B0] =	vst v8;
	v8 =	vmul.f32 v14, v13;
	v14 =	vld [tilespmem:s26+$0x1B420]  }
0x118: {  	[tilespmem:s26+$0x1B3C0] =	vst v9;
	v9 =	vmul.f32 v10, v13;
	v10 =	vbroadcast v2, $0x7;
	v16 =	vld [tilespmem:s26+$0x1B430]  }
0x119: {  	[tilespmem:s26+$0x1B3D0] =	vst v8;
	v8 =	vmul.f32 v12, v13;
	v12 =	vld [tilespmem:s26+$0x1B440]  }
0x11a: {  	[tilespmem:s26+$0x1B3E0] =	vst v9;
	v9 =	vmul.f32 v15, v10;
	v13 =	vld [tilespmem:s26+$0x1B450]  }
0x11b: {  	[tilespmem:s26+$0x1B3F0] =	vst v8;
	v8 =	vmul.f32 v11, v10;
	v11 =	vld [tilespmem:s26+$0x1B460]  }
0x11c: {  	[tilespmem:s26+$0x1B400] =	vst v9;
	v9 =	vmul.f32 v14, v10;
	v14 =	vld [tilespmem:s26+$0x1B470]  }
0x11d: {  	[tilespmem:s26+$0x1B410] =	vst v8;
	v8 =	vmul.f32 v16, v10;
	v15 =	vld [tilespmem:s26+$0x1B480]  }
0x11e: {  	[tilespmem:s26+$0x1B420] =	vst v9;
	v9 =	vmul.f32 v12, v10;
	v12 =	vld [tilespmem:s26+$0x1B490]  }
0x11f: {  	[tilespmem:s26+$0x1B430] =	vst v8;
	v8 =	vmul.f32 v13, v10;
	v13 =	vld [tilespmem:s26+$0x1B4A0]  }
0x120: {  	[tilespmem:s26+$0x1B440] =	vst v9;
	v9 =	vmul.f32 v11, v10;
	v11 =	vbroadcast v2, $0x8;
	v16 =	vld [tilespmem:s26+$0x1B4B0]  }
0x121: {  	[tilespmem:s26+$0x1B450] =	vst v8;
	v8 =	vmul.f32 v14, v10;
	v10 =	vld [tilespmem:s26+$0x1B4C0]  }
0x122: {  	[tilespmem:s26+$0x1B460] =	vst v9;
	v9 =	vmul.f32 v15, v11;
	v14 =	vld [tilespmem:s26+$0x1B4D0]  }
0x123: {  	[tilespmem:s26+$0x1B470] =	vst v8;
	v8 =	vmul.f32 v12, v11;
	v12 =	vld [tilespmem:s26+$0x1B4E0]  }
0x124: {  	[tilespmem:s26+$0x1B480] =	vst v9;
	v9 =	vmul.f32 v13, v11;
	v13 =	vld [tilespmem:s26+$0x1B4F0]  }
0x125: {  	[tilespmem:s26+$0x1B490] =	vst v8;
	v8 =	vmul.f32 v16, v11;
	v15 =	vld [tilespmem:s26+$0x1B500]  }
0x126: {  	[tilespmem:s26+$0x1B4A0] =	vst v9;
	v9 =	vmul.f32 v10, v11;
	v10 =	vld [tilespmem:s26+$0x1B510]  }
0x127: {  	[tilespmem:s26+$0x1B4B0] =	vst v8;
	v8 =	vmul.f32 v14, v11;
	v14 =	vld [tilespmem:s26+$0x1B520]  }
0x128: {  	[tilespmem:s26+$0x1B4C0] =	vst v9;
	v9 =	vmul.f32 v12, v11;
	v12 =	vbroadcast v2, $0x9;
	v16 =	vld [tilespmem:s26+$0x1B530]  }
0x129: {  	[tilespmem:s26+$0x1B4D0] =	vst v8;
	v8 =	vmul.f32 v13, v11;
	v11 =	vld [tilespmem:s26+$0x1B540]  }
0x12a: {  	[tilespmem:s26+$0x1B4E0] =	vst v9;
	v9 =	vmul.f32 v15, v12;
	v13 =	vld [tilespmem:s26+$0x1B550]  }
0x12b: {  	[tilespmem:s26+$0x1B4F0] =	vst v8;
	v8 =	vmul.f32 v10, v12;
	v10 =	vld [tilespmem:s26+$0x1B560]  }
0x12c: {  	[tilespmem:s26+$0x1B500] =	vst v9;
	v9 =	vmul.f32 v14, v12;
	v14 =	vld [tilespmem:s26+$0x1B570]  }
0x12d: {  	[tilespmem:s26+$0x1B510] =	vst v8;
	v8 =	vmul.f32 v16, v12;
	v15 =	vld [tilespmem:s26+$0x1B580]  }
0x12e: {  	[tilespmem:s26+$0x1B520] =	vst v9;
	v9 =	vmul.f32 v11, v12;
	v11 =	vld [tilespmem:s26+$0x1B590]  }
0x12f: {  	[tilespmem:s26+$0x1B530] =	vst v8;
	v8 =	vmul.f32 v13, v12;
	v13 =	vld [tilespmem:s26+$0x1B5A0]  }
0x130: {  	[tilespmem:s26+$0x1B540] =	vst v9;
	v9 =	vmul.f32 v10, v12;
	v10 =	vld [tilespmem:s26+$0x1B5B0]  }
0x131: {  	[tilespmem:s26+$0x1B550] =	vst v8;
	v8 =	vmul.f32 v14, v12;
	v12 =	vld [tilespmem:s26+$0x1B5C0]  }
0x132: {  	[tilespmem:s26+$0x1B560] =	vst v9;
	v9 =	vmul.f32 v15, v5;
	v14 =	vld [tilespmem:s26+$0x1B5D0]  }
0x133: {  	[tilespmem:s26+$0x1B570] =	vst v8;
	v8 =	vmul.f32 v11, v5;
	v11 =	vld [tilespmem:s26+$0x1B5E0]  }
0x134: {  	v15 =	vld [tilespmem:s26+$0x1B080];
	[tilespmem:s26+$0x1B580] =	vst v9;
	v9 =	vmul.f32 v13, v5  }
0x135: {  	v13 =	vld [tilespmem:s26+$0x1B090];
	[tilespmem:s26+$0x1B590] =	vst v8;
	v8 =	vmul.f32 v10, v5  }
0x136: {  	v10 =	vld [tilespmem:s26+$0x1B0C0];
	[tilespmem:s26+$0x1B5A0] =	vst v9;
	v9 =	vmul.f32 v12, v5  }
0x137: {  	v12 =	vld [tilespmem:s26+$0x1B0D0];
	[tilespmem:s26+$0x1B5B0] =	vst v8;
	v8 =	vmul.f32 v14, v5  }
0x138: {  	[tilespmem:s26+$0x1B5C0] =	vst v9;
	v9 =	vmul.f32 v11, v5;
	v11 =	vbroadcast v2, $0xB;
	v14 =	vld [tilespmem:s26+$0x1B620]  }
0x139: {  	v5 =	vbroadcast v2, $0xF;
	v15 =	vmul.f32 v3, v15;
	[tilespmem:s26+$0x1B5D0] =	vst v8;
	v8 =	vld [tilespmem:s26+$0x1B630]  }
0x13a: {  	v13 =	vmul.f32 v13, v3;
	[tilespmem:s26+$0x1B5E0] =	vst v9;
	v6 =	vmul.f32 v6, v11;
	v9 =	vld [tilespmem:s26+$0x1B640]  }
0x13b: {  	v7 =	vmul.f32 v7, v11;
	[tilespmem:s26+$0x1B080] =	vst v15;
	v10 =	vmul.f32 v10, v3;
	v15 =	vld [tilespmem:s26+$0x1B650]  }
0x13c: {  	v4 =	vmul.f32 v4, v5;
	v12 =	vmul.f32 v12, v3;
	[tilespmem:s26+$0x1B600] =	vst v6;
	v3 =	vld [tilespmem:s26+$0x1B660]  }
0x13d: {  	[tilespmem:s26+$0x1B610] =	vst v7;
	v6 =	vmul.f32 v14, v11;
	v7 =	vld [tilespmem:s26+$0x1B670]  }
0x13e: {  	v8 =	vmul.f32 v8, v11;
	v14 =	vld [tilespmem:s26+$0x1B680];
	[tilespmem:s26+$0x1B850] =	vst v4  }
0x13f: {  	[tilespmem:s26+$0x1B090] =	vst v13;
	v4 =	vmul.f32 v9, v11;
	v9 =	vld [tilespmem:s26+$0x1B690]  }
0x140: {  	[tilespmem:s26+$0x1B0C0] =	vst v10;
	v10 =	vmul.f32 v15, v11;
	v13 =	vld [tilespmem:s26+$0x1B6A0]  }
0x141: {  	v15 =	vbroadcast v2, $0xC;
	[tilespmem:s26+$0x1B620] =	vst v6;
	v6 =	vmul.f32 v3, v11;
	v16 =	vld [tilespmem:s26+$0x1B6B0]  }
0x142: {  	[tilespmem:s26+$0x1B650] =	vst v10;
	v7 =	vmul.f32 v7, v11;
	v10 =	vld [tilespmem:s26+$0x1B6C0]  }
0x143: {  	[tilespmem:s26+$0x1B630] =	vst v8;
	v3 =	vmul.f32 v14, v15;
	v8 =	vld [tilespmem:s26+$0x1B6D0]  }
0x144: {  	[tilespmem:s26+$0x1B640] =	vst v4;
	v4 =	vmul.f32 v9, v15;
	v9 =	vld [tilespmem:s26+$0x1B6E0]  }
0x145: {  	[tilespmem:s26+$0x1B680] =	vst v3;
	v3 =	vmul.f32 v13, v15;
	v11 =	vld [tilespmem:s26+$0x1B6F0]  }
0x146: {  	[tilespmem:s26+$0x1B690] =	vst v4;
	v4 =	vld [tilespmem:s26+$0x1B700]  }
0x147: {  	[tilespmem:s26+$0x1B0D0] =	vst v12;
	v10 =	vmul.f32 v10, v15;
	v12 =	vld [tilespmem:s26+$0x1B710]  }
0x148: {  	[tilespmem:s26+$0x1B660] =	vst v6;
	v6 =	vmul.f32 v8, v15;
	v8 =	vld [tilespmem:s26+$0x1B720]  }
0x149: {  	[tilespmem:s26+$0x1B6C0] =	vst v10;
	v9 =	vmul.f32 v9, v15;
	v10 =	vbroadcast v2, $0xD;
	v13 =	vld [tilespmem:s26+$0x1B730]  }
0x14a: {  	[tilespmem:s26+$0x1B6D0] =	vst v6;
	v6 =	vmul.f32 v11, v15;
	v11 =	vld [tilespmem:s26+$0x1B740]  }
0x14b: {  	[tilespmem:s26+$0x1B6E0] =	vst v9;
	v4 =	vmul.f32 v4, v10;
	v9 =	vld [tilespmem:s26+$0x1B750]  }
0x14c: {  	[tilespmem:s26+$0x1B6F0] =	vst v6;
	v6 =	vmul.f32 v12, v10;
	v12 =	vld [tilespmem:s26+$0x1B760]  }
0x14d: {  	[tilespmem:s26+$0x1B700] =	vst v4;
	v4 =	vmul.f32 v8, v10;
	v8 =	vld [tilespmem:s26+$0x1B770]  }
0x14e: {  	[tilespmem:s26+$0x1B710] =	vst v6;
	v6 =	vmul.f32 v13, v10;
	v13 =	vld [tilespmem:s26+$0x1B780]  }
0x14f: {  	[tilespmem:s26+$0x1B720] =	vst v4;
	v4 =	vmul.f32 v11, v10;
	v11 =	vld [tilespmem:s26+$0x1B790]  }
0x150: {  	[tilespmem:s26+$0x1B730] =	vst v6;
	v6 =	vmul.f32 v9, v10;
	v9 =	vld [tilespmem:s26+$0x1B7A0]  }
0x151: {  	v2 =	vbroadcast v2, $0xE;
	[tilespmem:s26+$0x1B670] =	vst v7;
	v7 =	vmul.f32 v12, v10;
	v12 =	vld [tilespmem:s26+$0x1B7B0]  }
0x152: {  	[tilespmem:s26+$0x1B750] =	vst v6;
	v6 =	vmul.f32 v8, v10;
	v8 =	vld [tilespmem:s26+$0x1B7C0]  }
0x153: {  	[tilespmem:s26+$0x1B760] =	vst v7;
	v7 =	vmul.f32 v13, v2;
	v10 =	vld [tilespmem:s26+$0x1B7D0]  }
0x154: {  	[tilespmem:s26+$0x1B770] =	vst v6;
	v6 =	vmul.f32 v11, v2;
	v11 =	vld [tilespmem:s26+$0x1B7E0]  }
0x155: {  	[tilespmem:s26+$0x1B780] =	vst v7;
	v7 =	vmul.f32 v9, v2;
	v9 =	vld [tilespmem:s26+$0x1B7F0]  }
0x156: {  	[tilespmem:s26+$0x1B790] =	vst v6;
	v6 =	vmul.f32 v12, v2;
	v12 =	vld [tilespmem:s26+$0x1B800]  }
0x157: {  	[tilespmem:s26+$0x1B7A0] =	vst v7;
	v7 =	vmul.f32 v8, v2;
	v8 =	vld [tilespmem:s26+$0x1B810]  }
0x158: {  	[tilespmem:s26+$0x1B7B0] =	vst v6;
	v6 =	vmul.f32 v10, v2;
	v10 =	vld [tilespmem:s26+$0x1B820]  }
0x159: {  	[tilespmem:s26+$0x1B7C0] =	vst v7;
	v7 =	vmul.f32 v11, v2;
	v11 =	vld [tilespmem:s26+$0x1B830]  }
0x15a: {  	[tilespmem:s26+$0x1B740] =	vst v4;
	v2 =	vmul.f32 v9, v2;
	v4 =	vld [tilespmem:s26+$0x1B840]  }
0x15b: {  	[tilespmem:s26+$0x1B7E0] =	vst v7;
	v7 =	vmul.f32 v12, v5;
	v9 =	vld [tilespmem:s26+$0x1B860]  }
0x15c: {  	[tilespmem:s26+$0x1B7F0] =	vst v2;
	v2 =	vmul.f32 v8, v5;
	v8 =	vld [tilespmem:s26+$0x1B870]  }
0x15d: {  	[tilespmem:s26+$0x1B800] =	vst v7;
	v7 =	vmul.f32 v10, v5  }
0x15e: {  	[tilespmem:s26+$0x1B810] =	vst v2;
	v2 =	vmul.f32 v11, v5  }
0x15f: {  	v10 =	vmul.f32 v16, v15;
	[tilespmem:s26+$0x1B820] =	vst v7  }
0x160: {  	[tilespmem:s26+$0x1B830] =	vst v2;
	v2 =	vmul.f32 v4, v5  }
.Ltmp1:
0x161: {  	[tilespmem:s26+$0x1B6B0] =	vst v10;
	v4 =	vmul.f32 v8, v5;
	(pc) =	sbr.rel @p1 .LBB2_5-.Ltmp1, $4  }
0x162: {  	[tilespmem:s26+$0x1B840] =	vst v2  }
0x163: {  	v2 =	vmul.f32 v9, v5;
	[tilespmem:s26+$0x1B870] =	vst v4  }
0x164: {  	[tilespmem:s26+$0x1B7D0] =	vst v6  }
0x165: {  	[tilespmem:s26+$0x1B860] =	vst v2  }
0x166: {  	s24 =	sadd.s32 $0x1, s24  }
0x167: {  	p1 =	sne.s32 s24, $0x4F  }
.Ltmp2:
0x168: {  	[tilespmem:s26+$0x1B6A0] =	vst v3;
	s25 =	sadd.s32 $0x16080, s25;
	(pc) =	sbr.rel @p1 .LBB2_4-.Ltmp2, $4  }
0x169: {  	[spmem:s2] =	stream.indirect.scatter.add.f32 [tilespmem:s21], [sflag:$0x1], $0x80, s25, s22, $0xb8;
	[tilespmem:$0x1F080] =	vst v63  }
0x16a: {  	_ =	swait.ge [sflag:s18], $0x4000  }
0x16b: {  	[sflag:s18] =	ssyncset.done $0x0  }
0x16c: {  	[sflag:s18] =	ssyncadd.s32 $0xFFFFC000  }
0x16d: {  	s24 =	sshll.u32 s3, $0x6  }
0x16e: {  	[bflag:$0x0] =	sbarrier.arrive $0xFFFF;
	s25 =	sshrl.u32 s8, $0x3;
	s24 =	sor.u32 $0x1C01, s24  }
0x16f: {  	[hbm:s11], [sflag:s24] =	dma.local [spmem:s25], $0x2700  }
0x170: {  	_ =	swait.ge [sflag:s18], $0x2700  }
0x171: {  	s23 =	sadd.s32 $0x1, s23;
	[sflag:s18] =	ssyncset.done $0x0  }
0x172: {  	p1 =	sne.s32 s23, s13;
	s25 =	sshrl.u32 @!p0 s10, $0x3;
	[sflag:s18] =	ssyncadd.s32 $0xFFFFD900  }
0x173: {  	[hbm:s12], [sflag:s24] =	dma.local @!p0 [spmem:s25], $0x100  }
.Ltmp3:
0x174: {  	_ = 	snop;
	(pc) =	sbr.rel @p1 .LBB2_1-.Ltmp3, $4  }
0x175: {  	s24 =	simm.s32 @!p0 $0x1  }
0x176: {  	_ =	swait.ge @!p0 [sflag:s24], $0x100  }
0x177: {  	[sflag:s24] =	ssyncset.done @!p0 $0x0  }
0x178: {  	[sflag:s24] =	ssyncadd.s32 @!p0 $0xFFFFFF00  }
0x179: {  	_ =	sfence.sel $0x180000  }
0x17a: {  	[bflag:$0x0] =	sbarrier.arrive $0xFFFF  }
0x17b: {  	_ =	strace $0x90000047  }
0x17c: {  	s0 =	sadd.s32 @!p0 $0x100000, s1;
	[bflag:$0x2] =	sbarrier.arrive $0xFFFF  }
0x17d: {  	[sflag:s0] =	ssyncadd.tile.s32 @!p0 $0x1;
	_ =	shalt  }
.Lfunc_end2:
_tile_overlayer_lowered:
.L_overlay_start_2:
0x17e: {  	(tag) =	ssettag $0x2  }
0x17f: {  	s0 =	rddreg [dreg:$0x0];
	s2 =	stileid.u32  }
0x180: {  	s1 =	rddreg [dreg:$0x1];
	p0 =	sne.s32 s2, $0x0  }
0x181: {  	s3 =	rddreg [dreg:$0x2];
	[bflag:$0x3] =	sbarrier.arrive $0xFFFF;
	s2 =	simm.s32 @!p0 $0x1C01  }
0x182: {  	[timem:s3], [sflag:s2] =	dma.local @!p0 [hbm:s0], s1  }
0x183: {  	s0 =	simm.s32 @!p0 $0x1  }
0x184: {  	_ =	swait.ge @!p0 [sflag:s0], s1  }
0x185: {  	s1 =	ssub.s32 @!p0 $0x0, s1;
	[sflag:s0] =	ssyncset.done @!p0 $0x0  }
0x186: {  	[sflag:s0] =	ssyncadd.s32 @!p0 s1  }
0x187: {  	[bflag:$0x3] =	sbarrier.arrive $0xFFFF  }
0x188: {  	_ =	shalt  }

</sc_bundles>
